<compile_context>
chip_gen: v7x
topology: tpu7x:2x2x1
jax: 0.10.2.dev20260603
libtpu: 0.0.44.dev20260713+nightly
codegen_flags: <defaults>
</compile_context>

<pallas_src>
import functools

import jax
import jax.numpy as jnp
from jax import lax
from jax.experimental import pallas as pl
from jax.experimental.pallas import tpu as pltpu
from jax.experimental.pallas import tpu_sc as plsc

NC = 2
NS = 16
CHUNK = 128
HD = 16

_mesh = plsc.VectorSubcoreMesh(core_axis_name="c", subcore_axis_name="s")


def _degree_kernel(n_pad, d, ch_per_tile, ib):
    zr = n_pad // NS

    @functools.partial(
        pl.kernel,
        mesh=_mesh,
        out_type=jax.ShapeDtypeStruct((NC, n_pad, d), jnp.float32),
        scratch_types=[
            pltpu.VMEM((2, ib, CHUNK), jnp.int32),
            pltpu.VMEM((2, CHUNK, d), jnp.float32),
            pltpu.VMEM_SHARED((n_pad, d), jnp.float32),
        ],
    )
    def deg(idx_hbm, ones_hbm, zeros_hbm, out_hbm, idx_v, ones_v, acc):
        c = lax.axis_index("c")
        s = lax.axis_index("s")
        wid = c * NS + s
        pltpu.sync_copy(ones_hbm, ones_v)
        pltpu.sync_copy(zeros_hbm, acc.at[pl.ds(s * zr, zr)])
        plsc.subcore_barrier()

        @pl.loop(0, ch_per_tile, step=ib)
        def _(j0):
            for h in range(2):
                pltpu.sync_copy(
                    idx_hbm.at[h].at[pl.ds(wid * ch_per_tile + j0, ib)],
                    idx_v.at[h])

            @pl.loop(0, ib)
            def _(j):
                for h in range(2):
                    pltpu.sync_copy(ones_v.at[h], acc.at[idx_v.at[h].at[j]],
                                    add=True)

        plsc.subcore_barrier()
        pltpu.sync_copy(acc.at[pl.ds(s * zr, zr)],
                        out_hbm.at[c].at[pl.ds(s * zr, zr)])

    return deg


CH = 64
NB = 4


def _gather_scatter_kernel(n_pad, d, nch_tile):
    zr = n_pad // NS
    ib = 8
    assert nch_tile % ib == 0 and ib % NB == 0

    @functools.partial(
        pl.kernel,
        mesh=_mesh,
        out_type=jax.ShapeDtypeStruct((NC, n_pad, d), jnp.float32),
        scratch_types=[
            pltpu.VMEM((ib, CH), jnp.int32),
            pltpu.VMEM((ib, CH), jnp.int32),
            pltpu.VMEM((NB, CH, d), jnp.float32),
            pltpu.VMEM_SHARED((n_pad, d), jnp.float32),
        ] + [pltpu.SemaphoreType.DMA] * (2 * NB),
    )
    def gs(y_hbm, srcv_hbm, dstv_hbm, zeros_hbm, out_hbm,
           src_v, dst_v, rows, acc, *sems):
        sg = sems[:NB]
        ss = sems[NB:]
        c = lax.axis_index("c")
        s = lax.axis_index("s")
        wid = c * NS + s
        base = wid * nch_tile
        pltpu.sync_copy(zeros_hbm, acc.at[pl.ds(s * zr, zr)])
        plsc.subcore_barrier()

        @pl.loop(0, nch_tile, step=ib)
        def _(j0):
            pltpu.sync_copy(srcv_hbm.at[pl.ds(base + j0, ib)], src_v)
            pltpu.sync_copy(dstv_hbm.at[pl.ds(base + j0, ib)], dst_v)

            gh = [pltpu.async_copy(y_hbm.at[src_v.at[b]], rows.at[b], sg[b])
                  for b in range(NB)]
            sh = [None] * NB
            for k in range(ib):
                b = k % NB
                gh[b].wait()
                sh[b] = pltpu.async_copy(rows.at[b], acc.at[dst_v.at[k]],
                                         ss[b], add=True)
                nk = k + NB
                if nk < ib:
                    sh[b].wait()
                    gh[b] = pltpu.async_copy(y_hbm.at[src_v.at[nk]],
                                             rows.at[b], sg[b])
            for b in range(NB):
                sh[b].wait()

        plsc.subcore_barrier()
        pltpu.sync_copy(acc.at[pl.ds(s * zr, zr)],
                        out_hbm.at[c].at[pl.ds(s * zr, zr)])

    return gs


def _scale_rows_kernel(n_pad, d, block):
    def body(x_ref, h_ref, o_ref):
        norm = lax.rsqrt(jnp.maximum(h_ref[:, 0:1], 1.0))
        o_ref[...] = x_ref[...] * norm

    return pl.pallas_call(
        body,
        grid=(n_pad // block,),
        in_specs=[
            pl.BlockSpec((block, d), lambda i: (i, 0)),
            pl.BlockSpec((block, HD), lambda i: (i, 0)),
        ],
        out_specs=pl.BlockSpec((block, d), lambda i: (i, 0)),
        out_shape=jax.ShapeDtypeStruct((n_pad, d), jnp.float32),
    )


def _linear_kernel(n_pad, d_in, d_out, block, with_src_norm):
    def body(p0_ref, p1_ref, hd_ref, hs_ref, w_ref, b_ref, o_ref):
        agg = p0_ref[...] + p1_ref[...]
        nd = lax.rsqrt(jnp.maximum(hd_ref[:, 0:1], 1.0))
        h = jnp.dot(agg * nd, w_ref[...],
                    preferred_element_type=jnp.float32,
                    precision=lax.Precision.HIGHEST)
        h = jnp.maximum(h + b_ref[...], 0.0)
        if with_src_norm:
            h = h * lax.rsqrt(jnp.maximum(hs_ref[:, 0:1], 1.0))
        o_ref[...] = h

    return pl.pallas_call(
        body,
        grid=(n_pad // block,),
        in_specs=[
            pl.BlockSpec((block, d_in), lambda i: (i, 0)),
            pl.BlockSpec((block, d_in), lambda i: (i, 0)),
            pl.BlockSpec((block, HD), lambda i: (i, 0)),
            pl.BlockSpec((block, HD), lambda i: (i, 0)),
            pl.BlockSpec((d_in, d_out), lambda i: (0, 0)),
            pl.BlockSpec((1, d_out), lambda i: (0, 0)),
        ],
        out_specs=pl.BlockSpec((block, d_out), lambda i: (i, 0)),
        out_shape=jax.ShapeDtypeStruct((n_pad, d_out), jnp.float32),
    )


def kernel(x, edge_index1, edge_index2, W1, b1, W2, b2):
    n, d = x.shape
    e = edge_index1.shape[1]

    n_pad = ((n + 16 + 127) // 128) * 128
    ch_per_tile = -(-e // (NC * NS * CHUNK))
    ch_per_tile = ((ch_per_tile + 15) // 16) * 16
    e_pad = NC * NS * ch_per_tile * CHUNK
    nv = e_pad // CHUNK
    ib_deg = 8
    assert ch_per_tile % ib_deg == 0

    def pad_idx(idx):
        p = jnp.full((e_pad - e,), n, dtype=jnp.int32)
        return jnp.concatenate([idx.astype(jnp.int32), p]).reshape(nv, CHUNK)

    src1 = pad_idx(edge_index1[0])
    dst1 = pad_idx(edge_index1[1])
    src2 = pad_idx(edge_index2[0])
    dst2 = pad_idx(edge_index2[1])

    x_pad = jnp.zeros((n_pad, d), jnp.float32).at[:n].set(x)
    zr = n_pad // NS
    zeros_d = jnp.zeros((zr, d), jnp.float32)
    col = jnp.arange(d, dtype=jnp.int32)[None, None, :]
    hsel = jnp.arange(2, dtype=jnp.int32)[:, None, None]
    ones2 = jnp.where((col >= 64 * hsel) & (col < 64 * hsel + 64), 1.0, 0.0
                      ).astype(jnp.float32) * jnp.ones((2, CHUNK, d), jnp.float32)

    degk = _degree_kernel(n_pad, d, ch_per_tile, ib_deg)
    dp1 = degk(jnp.stack([src1, dst1]), ones2, zeros_d)
    dp2 = degk(jnp.stack([src2, dst2]), ones2, zeros_d)
    d1 = dp1[0] + dp1[1]
    d2 = dp2[0] + dp2[1]
    deg = jnp.stack([d1[:, 0:HD], d1[:, 64:64 + HD],
                     d2[:, 0:HD], d2[:, 64:64 + HD]])

    block = n_pad // 4
    y1 = _scale_rows_kernel(n_pad, d, block)(x_pad, deg[0])

    nv2 = e_pad // CH
    nch_tile = nv2 // (NC * NS)
    gs = _gather_scatter_kernel(n_pad, d, nch_tile)
    s1, t1, s2, t2 = (a.reshape(nv2, CH) for a in (src1, dst1, src2, dst2))
    parts1 = gs(y1, s1, t1, zeros_d)

    lin1 = _linear_kernel(n_pad, d, W1.shape[1], block, with_src_norm=True)
    y2 = lin1(parts1[0], parts1[1], deg[1], deg[2], W1, b1.reshape(1, -1))

    parts2 = gs(y2, s2, t2, zeros_d)

    lin2 = _linear_kernel(n_pad, W1.shape[1], W2.shape[1], block, with_src_norm=False)
    out = lin2(parts2[0], parts2[1], deg[3], deg[3], W2, b2.reshape(1, -1))

    return out[:n]

# --- scband reference (transcript-rebuilt; emitter-appended) ---
"""Pipeline reference for scband-stochastic-two-layer-gcn-26809185861707 (READ-ONLY COPY).

The authoritative reference and input builder live on the scoring server;
editing this copy changes nothing except your own understanding.
"""

import jax, jax.numpy as jnp
import numpy as np

N = 10000
E = 320000
D_IN = 128
D_HID = 128
D_OUT = 128


def setup_inputs(seed: int = 0) -> dict:
    key = jax.random.key(seed)
    ks = jax.random.split(key, 8)
    x = jax.random.normal(ks[0], (N, D_IN), dtype=jnp.float32)
    edge_index1 = jax.random.randint(ks[1], (2, E), 0, N, dtype=jnp.int32)
    edge_index2 = jax.random.randint(ks[2], (2, E), 0, N, dtype=jnp.int32)
    W1 = jax.random.normal(ks[3], (D_IN, D_HID), dtype=jnp.float32) * (1.0 / np.sqrt(D_IN))
    b1 = jnp.zeros((D_HID,), dtype=jnp.float32)
    W2 = jax.random.normal(ks[4], (D_HID, D_OUT), dtype=jnp.float32) * (1.0 / np.sqrt(D_HID))
    b2 = jnp.zeros((D_OUT,), dtype=jnp.float32)
    return {"x": x, "edge_index1": edge_index1, "edge_index2": edge_index2,
            "W1": W1, "b1": b1, "W2": W2, "b2": b2}


def _graph_conv(x, edge_index, W, b):
    # DGL GraphConv with norm='both': h = D_dst^{-1/2} A (D_src^{-1/2} x) W + b
    src = edge_index[0]
    dst = edge_index[1]
    ones = jnp.ones((edge_index.shape[1],), dtype=x.dtype)
    out_deg = jnp.zeros((N,), dtype=x.dtype).at[src].add(ones)
    in_deg = jnp.zeros((N,), dtype=x.dtype).at[dst].add(ones)
    norm_src = jax.lax.rsqrt(jnp.clip(out_deg, 1.0, None))
    norm_dst = jax.lax.rsqrt(jnp.clip(in_deg, 1.0, None))
    m = x[src] * norm_src[src][:, None]
    agg = jnp.zeros((N, x.shape[1]), dtype=x.dtype).at[dst].add(m)
    h = agg * norm_dst[:, None]
    return h @ W + b


def reference(x, edge_index1, edge_index2, W1, b1, W2, b2):
    h = jax.nn.relu(_graph_conv(x, edge_index1, W1, b1))
    h = jax.nn.relu(_graph_conv(h, edge_index2, W2, b2))
    return h

if __name__ == "__main__":
    import jax
    _d = setup_inputs()
    print(jax.jit(kernel)(*tuple(_d.values())))

</pallas_src>

<mosaic_0001>
#map = affine_map<(d0, d1) -> (0, 0)>
#map1 = affine_map<(d0, d1) -> (0, 0, 0)>
module attributes {stable_mosaic.version = 14 : i64} {
  func.func @gs(%arg0: i32, %arg1: i32, %arg2: memref<10112x128xf32, #tpu.memory_space<hbm>>, %arg3: memref<5120x64xi32, #tpu.memory_space<hbm>>, %arg4: memref<5120x64xi32, #tpu.memory_space<hbm>>, %arg5: memref<632x128xf32, #tpu.memory_space<hbm>>, %arg6: memref<2x10112x128xf32, #tpu.memory_space<hbm>>, %arg7: memref<8x64xi32, #tpu.memory_space<vmem>>, %arg8: memref<8x64xi32, #tpu.memory_space<vmem>>, %arg9: memref<4x64x128xf32, #tpu.memory_space<vmem>>, %arg10: memref<10112x128xf32, #tpu.memory_space<vmem_shared>>, %arg11: memref<!tpu.dma_semaphore, #tpu.memory_space<semaphore_mem>>, %arg12: memref<!tpu.dma_semaphore, #tpu.memory_space<semaphore_mem>>, %arg13: memref<!tpu.dma_semaphore, #tpu.memory_space<semaphore_mem>>, %arg14: memref<!tpu.dma_semaphore, #tpu.memory_space<semaphore_mem>>, %arg15: memref<!tpu.dma_semaphore, #tpu.memory_space<semaphore_mem>>, %arg16: memref<!tpu.dma_semaphore, #tpu.memory_space<semaphore_mem>>, %arg17: memref<!tpu.dma_semaphore, #tpu.memory_space<semaphore_mem>>, %arg18: memref<!tpu.dma_semaphore, #tpu.memory_space<semaphore_mem>>) attributes {dimension_semantics = [#tpu.dimension_semantics<core_parallel>, #tpu.dimension_semantics<subcore_parallel>], iteration_bounds = array<i64: 2, 16>, scalar_prefetch = 0 : i64, scratch_operands = 12 : i64, tpu.core_type = #tpu.core_type<sc_vector_subcore>, window_params = [{transform_indices = #map}, {transform_indices = #map}, {transform_indices = #map}, {transform_indices = #map}, {transform_indices = #map1}]} {
    %mul3A = arith.constant 16 : i32
    %mul3A_0 = arith.muli %arg0, %mul3A : i32
    %add3A = arith.addi %mul3A_0, %arg1 : i32
    %mul3A_1 = arith.constant 160 : i32
    %mul3A_2 = arith.muli %add3A, %mul3A_1 : i32
    %mul3A_3 = arith.constant 632 : i32
    %mul3A_4 = arith.muli %arg1, %mul3A_3 : i32
    "tpu.region"() ({
      %run_scoped3A = tpu.sem_alloc : memref<!tpu.dma_semaphore, #tpu.memory_space<semaphore_mem>>
      %dma_start3A = arith.constant 0 : i32
      %dma_start3A_14 = tpu.memref_slice %arg10[%mul3A_4, %dma_start3A] : memref<10112x128xf32, #tpu.memory_space<vmem_shared>> -> memref<632x128xf32, #tpu.memory_space<vmem_shared>>
      tpu.enqueue_dma source(%arg5 : memref<632x128xf32, #tpu.memory_space<hbm>>) target(%dma_start3A_14 : memref<632x128xf32, #tpu.memory_space<vmem_shared>>) target_semaphore(%run_scoped3A : memref<!tpu.dma_semaphore, #tpu.memory_space<semaphore_mem>>)
      %dma_wait3A = arith.constant 0 : i32
      %dma_wait3A_15 = tpu.memref_slice %arg10[%mul3A_4, %dma_wait3A] : memref<10112x128xf32, #tpu.memory_space<vmem_shared>> -> memref<632x128xf32, #tpu.memory_space<vmem_shared>>
      tpu.wait_dma2 semaphore(%run_scoped3A : memref<!tpu.dma_semaphore, #tpu.memory_space<semaphore_mem>>) src(%arg5 : memref<632x128xf32, #tpu.memory_space<hbm>>) dst(%dma_wait3A_15 : memref<632x128xf32, #tpu.memory_space<vmem_shared>>)
      tpu.yield
    }) : () -> ()
    %barrier3A = arith.constant 0 : index
    tpu.barrier barrier_id(%barrier3A)
    %scan3A = arith.constant 0 : i32
    %scan3A_5 = arith.constant 20 : i32
    %scan3A_6 = arith.addi %scan3A, %scan3A_5 : i32
    %scan3A_7 = arith.constant 1 : i32
    scf.for %scan3A_14 = %scan3A to %scan3A_6 step %scan3A_7  : i32 {
      %mul3A_15 = arith.constant 8 : i32
      %mul3A_16 = arith.muli %scan3A_14, %mul3A_15 : i32
      %add3A_17 = arith.constant 0 : i32
      %add3A_18 = arith.addi %add3A_17, %mul3A_16 : i32
      %add3A_19 = arith.addi %mul3A_2, %add3A_18 : i32
      "tpu.region"() ({
        %run_scoped3A = tpu.sem_alloc : memref<!tpu.dma_semaphore, #tpu.memory_space<semaphore_mem>>
        %dma_start3A_403 = arith.constant 0 : i32
        %dma_start3A_404 = tpu.memref_slice %arg3[%add3A_19, %dma_start3A_403] : memref<5120x64xi32, #tpu.memory_space<hbm>> -> memref<8x64xi32, #tpu.memory_space<hbm>>
        %dma_start3A_405 = arith.constant 0 : i32
        %dma_start3A_406 = tpu.memref_slice %arg3[%add3A_19, %dma_start3A_405] : memref<5120x64xi32, #tpu.memory_space<hbm>> -> memref<8x64xi32, #tpu.memory_space<hbm>>
        tpu.enqueue_dma source(%dma_start3A_406 : memref<8x64xi32, #tpu.memory_space<hbm>>) target(%arg7 : memref<8x64xi32, #tpu.memory_space<vmem>>) target_semaphore(%run_scoped3A : memref<!tpu.dma_semaphore, #tpu.memory_space<semaphore_mem>>)
        %dma_wait3A_407 = arith.constant 0 : i32
        %dma_wait3A_408 = tpu.memref_slice %arg3[%add3A_19, %dma_wait3A_407] : memref<5120x64xi32, #tpu.memory_space<hbm>> -> memref<8x64xi32, #tpu.memory_space<hbm>>
        %dma_wait3A_409 = arith.constant 0 : i32
        %dma_wait3A_410 = tpu.memref_slice %arg3[%add3A_19, %dma_wait3A_409] : memref<5120x64xi32, #tpu.memory_space<hbm>> -> memref<8x64xi32, #tpu.memory_space<hbm>>
        tpu.wait_dma2 semaphore(%run_scoped3A : memref<!tpu.dma_semaphore, #tpu.memory_space<semaphore_mem>>) src(%dma_wait3A_410 : memref<8x64xi32, #tpu.memory_space<hbm>>) dst(%arg7 : memref<8x64xi32, #tpu.memory_space<vmem>>)
        tpu.yield
      }) : () -> ()
      %add3A_20 = arith.addi %mul3A_2, %add3A_18 : i32
      "tpu.region"() ({
        %run_scoped3A = tpu.sem_alloc : memref<!tpu.dma_semaphore, #tpu.memory_space<semaphore_mem>>
        %dma_start3A_403 = arith.constant 0 : i32
        %dma_start3A_404 = tpu.memref_slice %arg4[%add3A_20, %dma_start3A_403] : memref<5120x64xi32, #tpu.memory_space<hbm>> -> memref<8x64xi32, #tpu.memory_space<hbm>>
        %dma_start3A_405 = arith.constant 0 : i32
        %dma_start3A_406 = tpu.memref_slice %arg4[%add3A_20, %dma_start3A_405] : memref<5120x64xi32, #tpu.memory_space<hbm>> -> memref<8x64xi32, #tpu.memory_space<hbm>>
        tpu.enqueue_dma source(%dma_start3A_406 : memref<8x64xi32, #tpu.memory_space<hbm>>) target(%arg8 : memref<8x64xi32, #tpu.memory_space<vmem>>) target_semaphore(%run_scoped3A : memref<!tpu.dma_semaphore, #tpu.memory_space<semaphore_mem>>)
        %dma_wait3A_407 = arith.constant 0 : i32
        %dma_wait3A_408 = tpu.memref_slice %arg4[%add3A_20, %dma_wait3A_407] : memref<5120x64xi32, #tpu.memory_space<hbm>> -> memref<8x64xi32, #tpu.memory_space<hbm>>
        %dma_wait3A_409 = arith.constant 0 : i32
        %dma_wait3A_410 = tpu.memref_slice %arg4[%add3A_20, %dma_wait3A_409] : memref<5120x64xi32, #tpu.memory_space<hbm>> -> memref<8x64xi32, #tpu.memory_space<hbm>>
        tpu.wait_dma2 semaphore(%run_scoped3A : memref<!tpu.dma_semaphore, #tpu.memory_space<semaphore_mem>>) src(%dma_wait3A_410 : memref<8x64xi32, #tpu.memory_space<hbm>>) dst(%arg8 : memref<8x64xi32, #tpu.memory_space<vmem>>)
        tpu.yield
      }) : () -> ()
      %dma_start3A = arith.constant 0 : i32
      %dma_start3A_21 = arith.constant 0 : i32
      %dma_start3A_22 = arith.constant 0 : i32
      %dma_start3A_23 = arith.constant 0 : i32
      %dma_start3A_24 = tpu.memref_slice %arg9[%dma_start3A_21, %dma_start3A_22, %dma_start3A_23] : memref<4x64x128xf32, #tpu.memory_space<vmem>> -> memref<1x64x128xf32, #tpu.memory_space<vmem>>
      %dma_start3A_25 = tpu.memref_squeeze %dma_start3A_24 : memref<1x64x128xf32, #tpu.memory_space<vmem>> -> memref<64x128xf32, #tpu.memory_space<vmem>>
      %dma_start3A_26 = arith.constant 0 : i32
      %dma_start3A_27 = tpu.memref_slice %arg7[%dma_start3A, %dma_start3A_26] : memref<8x64xi32, #tpu.memory_space<vmem>> -> memref<1x64xi32, #tpu.memory_space<vmem>>
      %dma_start3A_28 = tpu.memref_squeeze %dma_start3A_27 : memref<1x64xi32, #tpu.memory_space<vmem>> -> memref<64xi32, #tpu.memory_space<vmem>>
      %dma_start3A_29 = arith.constant 0 : i32
      %dma_start3A_30 = arith.constant 0 : i32
      %dma_start3A_31 = tpu.memref_slice %arg2[%dma_start3A_29, %dma_start3A_30] : memref<10112x128xf32, #tpu.memory_space<hbm>> -> memref<10112x128xf32, #tpu.memory_space<hbm>>
      tpu.enqueue_indirect_dma source(%dma_start3A_31 : memref<10112x128xf32, #tpu.memory_space<hbm>>) target(%dma_start3A_25 : memref<64x128xf32, #tpu.memory_space<vmem>>) offsets(%dma_start3A_28 : memref<64xi32, #tpu.memory_space<vmem>>) semaphore(%arg11 : memref<!tpu.dma_semaphore, #tpu.memory_space<semaphore_mem>>)
      %dma_start3A_32 = arith.constant 1 : i32
      %dma_start3A_33 = arith.constant 1 : i32
      %dma_start3A_34 = arith.constant 0 : i32
      %dma_start3A_35 = arith.constant 0 : i32
      %dma_start3A_36 = tpu.memref_slice %arg9[%dma_start3A_33, %dma_start3A_34, %dma_start3A_35] : memref<4x64x128xf32, #tpu.memory_space<vmem>> -> memref<1x64x128xf32, #tpu.memory_space<vmem>>
      %dma_start3A_37 = tpu.memref_squeeze %dma_start3A_36 : memref<1x64x128xf32, #tpu.memory_space<vmem>> -> memref<64x128xf32, #tpu.memory_space<vmem>>
      %dma_start3A_38 = arith.constant 0 : i32
      %dma_start3A_39 = tpu.memref_slice %arg7[%dma_start3A_32, %dma_start3A_38] : memref<8x64xi32, #tpu.memory_space<vmem>> -> memref<1x64xi32, #tpu.memory_space<vmem>>
      %dma_start3A_40 = tpu.memref_squeeze %dma_start3A_39 : memref<1x64xi32, #tpu.memory_space<vmem>> -> memref<64xi32, #tpu.memory_space<vmem>>
      %dma_start3A_41 = arith.constant 0 : i32
      %dma_start3A_42 = arith.constant 0 : i32
      %dma_start3A_43 = tpu.memref_slice %arg2[%dma_start3A_41, %dma_start3A_42] : memref<10112x128xf32, #tpu.memory_space<hbm>> -> memref<10112x128xf32, #tpu.memory_space<hbm>>
      tpu.enqueue_indirect_dma source(%dma_start3A_43 : memref<10112x128xf32, #tpu.memory_space<hbm>>) target(%dma_start3A_37 : memref<64x128xf32, #tpu.memory_space<vmem>>) offsets(%dma_start3A_40 : memref<64xi32, #tpu.memory_space<vmem>>) semaphore(%arg12 : memref<!tpu.dma_semaphore, #tpu.memory_space<semaphore_mem>>)
      %dma_start3A_44 = arith.constant 2 : i32
      %dma_start3A_45 = arith.constant 2 : i32
      %dma_start3A_46 = arith.constant 0 : i32
      %dma_start3A_47 = arith.constant 0 : i32
      %dma_start3A_48 = tpu.memref_slice %arg9[%dma_start3A_45, %dma_start3A_46, %dma_start3A_47] : memref<4x64x128xf32, #tpu.memory_space<vmem>> -> memref<1x64x128xf32, #tpu.memory_space<vmem>>
      %dma_start3A_49 = tpu.memref_squeeze %dma_start3A_48 : memref<1x64x128xf32, #tpu.memory_space<vmem>> -> memref<64x128xf32, #tpu.memory_space<vmem>>
      %dma_start3A_50 = arith.constant 0 : i32
      %dma_start3A_51 = tpu.memref_slice %arg7[%dma_start3A_44, %dma_start3A_50] : memref<8x64xi32, #tpu.memory_space<vmem>> -> memref<1x64xi32, #tpu.memory_space<vmem>>
      %dma_start3A_52 = tpu.memref_squeeze %dma_start3A_51 : memref<1x64xi32, #tpu.memory_space<vmem>> -> memref<64xi32, #tpu.memory_space<vmem>>
      %dma_start3A_53 = arith.constant 0 : i32
      %dma_start3A_54 = arith.constant 0 : i32
      %dma_start3A_55 = tpu.memref_slice %arg2[%dma_start3A_53, %dma_start3A_54] : memref<10112x128xf32, #tpu.memory_space<hbm>> -> memref<10112x128xf32, #tpu.memory_space<hbm>>
      tpu.enqueue_indirect_dma source(%dma_start3A_55 : memref<10112x128xf32, #tpu.memory_space<hbm>>) target(%dma_start3A_49 : memref<64x128xf32, #tpu.memory_space<vmem>>) offsets(%dma_start3A_52 : memref<64xi32, #tpu.memory_space<vmem>>) semaphore(%arg13 : memref<!tpu.dma_semaphore, #tpu.memory_space<semaphore_mem>>)
      %dma_start3A_56 = arith.constant 3 : i32
      %dma_start3A_57 = arith.constant 3 : i32
      %dma_start3A_58 = arith.constant 0 : i32
      %dma_start3A_59 = arith.constant 0 : i32
      %dma_start3A_60 = tpu.memref_slice %arg9[%dma_start3A_57, %dma_start3A_58, %dma_start3A_59] : memref<4x64x128xf32, #tpu.memory_space<vmem>> -> memref<1x64x128xf32, #tpu.memory_space<vmem>>
      %dma_start3A_61 = tpu.memref_squeeze %dma_start3A_60 : memref<1x64x128xf32, #tpu.memory_space<vmem>> -> memref<64x128xf32, #tpu.memory_space<vmem>>
      %dma_start3A_62 = arith.constant 0 : i32
      %dma_start3A_63 = tpu.memref_slice %arg7[%dma_start3A_56, %dma_start3A_62] : memref<8x64xi32, #tpu.memory_space<vmem>> -> memref<1x64xi32, #tpu.memory_space<vmem>>
      %dma_start3A_64 = tpu.memref_squeeze %dma_start3A_63 : memref<1x64xi32, #tpu.memory_space<vmem>> -> memref<64xi32, #tpu.memory_space<vmem>>
      %dma_start3A_65 = arith.constant 0 : i32
      %dma_start3A_66 = arith.constant 0 : i32
      %dma_start3A_67 = tpu.memref_slice %arg2[%dma_start3A_65, %dma_start3A_66] : memref<10112x128xf32, #tpu.memory_space<hbm>> -> memref<10112x128xf32, #tpu.memory_space<hbm>>
      tpu.enqueue_indirect_dma source(%dma_start3A_67 : memref<10112x128xf32, #tpu.memory_space<hbm>>) target(%dma_start3A_61 : memref<64x128xf32, #tpu.memory_space<vmem>>) offsets(%dma_start3A_64 : memref<64xi32, #tpu.memory_space<vmem>>) semaphore(%arg14 : memref<!tpu.dma_semaphore, #tpu.memory_space<semaphore_mem>>)
      %dma_wait3A = arith.constant 0 : i32
      %dma_wait3A_68 = arith.constant 0 : i32
      %dma_wait3A_69 = arith.constant 0 : i32
      %dma_wait3A_70 = arith.constant 0 : i32
      %dma_wait3A_71 = tpu.memref_slice %arg9[%dma_wait3A_68, %dma_wait3A_69, %dma_wait3A_70] : memref<4x64x128xf32, #tpu.memory_space<vmem>> -> memref<1x64x128xf32, #tpu.memory_space<vmem>>
      %dma_wait3A_72 = tpu.memref_squeeze %dma_wait3A_71 : memref<1x64x128xf32, #tpu.memory_space<vmem>> -> memref<64x128xf32, #tpu.memory_space<vmem>>
      %dma_wait3A_73 = arith.constant 0 : i32
      %dma_wait3A_74 = tpu.memref_slice %arg7[%dma_wait3A, %dma_wait3A_73] : memref<8x64xi32, #tpu.memory_space<vmem>> -> memref<1x64xi32, #tpu.memory_space<vmem>>
      %dma_wait3A_75 = tpu.memref_squeeze %dma_wait3A_74 : memref<1x64xi32, #tpu.memory_space<vmem>> -> memref<64xi32, #tpu.memory_space<vmem>>
      %dma_wait3A_76 = arith.constant 0 : i32
      %dma_wait3A_77 = arith.constant 0 : i32
      %dma_wait3A_78 = tpu.memref_slice %arg2[%dma_wait3A_76, %dma_wait3A_77] : memref<10112x128xf32, #tpu.memory_space<hbm>> -> memref<10112x128xf32, #tpu.memory_space<hbm>>
      tpu.wait_indirect_dma semaphore(%arg11 : memref<!tpu.dma_semaphore, #tpu.memory_space<semaphore_mem>>) src(%dma_wait3A_78 : memref<10112x128xf32, #tpu.memory_space<hbm>>) dst(%dma_wait3A_72 : memref<64x128xf32, #tpu.memory_space<vmem>>)
      %dma_start3A_79 = arith.constant 0 : i32
      %dma_start3A_80 = arith.constant 0 : i32
      %dma_start3A_81 = arith.constant 0 : i32
      %dma_start3A_82 = arith.constant 0 : i32
      %dma_start3A_83 = tpu.memref_slice %arg9[%dma_start3A_79, %dma_start3A_81, %dma_start3A_82] : memref<4x64x128xf32, #tpu.memory_space<vmem>> -> memref<1x64x128xf32, #tpu.memory_space<vmem>>
      %dma_start3A_84 = tpu.memref_squeeze %dma_start3A_83 : memref<1x64x128xf32, #tpu.memory_space<vmem>> -> memref<64x128xf32, #tpu.memory_space<vmem>>
      %dma_start3A_85 = arith.constant 0 : i32
      %dma_start3A_86 = tpu.memref_slice %arg8[%dma_start3A_80, %dma_start3A_85] : memref<8x64xi32, #tpu.memory_space<vmem>> -> memref<1x64xi32, #tpu.memory_space<vmem>>
      %dma_start3A_87 = tpu.memref_squeeze %dma_start3A_86 : memref<1x64xi32, #tpu.memory_space<vmem>> -> memref<64xi32, #tpu.memory_space<vmem>>
      %dma_start3A_88 = arith.constant 0 : i32
      %dma_start3A_89 = arith.constant 0 : i32
      %dma_start3A_90 = tpu.memref_slice %arg10[%dma_start3A_88, %dma_start3A_89] : memref<10112x128xf32, #tpu.memory_space<vmem_shared>> -> memref<10112x128xf32, #tpu.memory_space<vmem_shared>>
      tpu.enqueue_indirect_dma source(%dma_start3A_84 : memref<64x128xf32, #tpu.memory_space<vmem>>) target(%dma_start3A_90 : memref<10112x128xf32, #tpu.memory_space<vmem_shared>>) offsets(%dma_start3A_87 : memref<64xi32, #tpu.memory_space<vmem>>) semaphore(%arg15 : memref<!tpu.dma_semaphore, #tpu.memory_space<semaphore_mem>>) {add = true}
      %dma_wait3A_91 = arith.constant 0 : i32
      %dma_wait3A_92 = arith.constant 0 : i32
      %dma_wait3A_93 = arith.constant 0 : i32
      %dma_wait3A_94 = arith.constant 0 : i32
      %dma_wait3A_95 = tpu.memref_slice %arg9[%dma_wait3A_91, %dma_wait3A_93, %dma_wait3A_94] : memref<4x64x128xf32, #tpu.memory_space<vmem>> -> memref<1x64x128xf32, #tpu.memory_space<vmem>>
      %dma_wait3A_96 = tpu.memref_squeeze %dma_wait3A_95 : memref<1x64x128xf32, #tpu.memory_space<vmem>> -> memref<64x128xf32, #tpu.memory_space<vmem>>
      %dma_wait3A_97 = arith.constant 0 : i32
      %dma_wait3A_98 = tpu.memref_slice %arg8[%dma_wait3A_92, %dma_wait3A_97] : memref<8x64xi32, #tpu.memory_space<vmem>> -> memref<1x64xi32, #tpu.memory_space<vmem>>
      %dma_wait3A_99 = tpu.memref_squeeze %dma_wait3A_98 : memref<1x64xi32, #tpu.memory_space<vmem>> -> memref<64xi32, #tpu.memory_space<vmem>>
      %dma_wait3A_100 = arith.constant 0 : i32
      %dma_wait3A_101 = arith.constant 0 : i32
      %dma_wait3A_102 = tpu.memref_slice %arg10[%dma_wait3A_100, %dma_wait3A_101] : memref<10112x128xf32, #tpu.memory_space<vmem_shared>> -> memref<10112x128xf32, #tpu.memory_space<vmem_shared>>
      tpu.wait_indirect_dma semaphore(%arg15 : memref<!tpu.dma_semaphore, #tpu.memory_space<semaphore_mem>>) src(%dma_wait3A_96 : memref<64x128xf32, #tpu.memory_space<vmem>>) dst(%dma_wait3A_102 : memref<10112x128xf32, #tpu.memory_space<vmem_shared>>)
      %dma_start3A_103 = arith.constant 4 : i32
      %dma_start3A_104 = arith.constant 0 : i32
      %dma_start3A_105 = arith.constant 0 : i32
      %dma_start3A_106 = arith.constant 0 : i32
      %dma_start3A_107 = tpu.memref_slice %arg9[%dma_start3A_104, %dma_start3A_105, %dma_start3A_106] : memref<4x64x128xf32, #tpu.memory_space<vmem>> -> memref<1x64x128xf32, #tpu.memory_space<vmem>>
      %dma_start3A_108 = tpu.memref_squeeze %dma_start3A_107 : memref<1x64x128xf32, #tpu.memory_space<vmem>> -> memref<64x128xf32, #tpu.memory_space<vmem>>
      %dma_start3A_109 = arith.constant 0 : i32
      %dma_start3A_110 = tpu.memref_slice %arg7[%dma_start3A_103, %dma_start3A_109] : memref<8x64xi32, #tpu.memory_space<vmem>> -> memref<1x64xi32, #tpu.memory_space<vmem>>
      %dma_start3A_111 = tpu.memref_squeeze %dma_start3A_110 : memref<1x64xi32, #tpu.memory_space<vmem>> -> memref<64xi32, #tpu.memory_space<vmem>>
      %dma_start3A_112 = arith.constant 0 : i32
      %dma_start3A_113 = arith.constant 0 : i32
      %dma_start3A_114 = tpu.memref_slice %arg2[%dma_start3A_112, %dma_start3A_113] : memref<10112x128xf32, #tpu.memory_space<hbm>> -> memref<10112x128xf32, #tpu.memory_space<hbm>>
      tpu.enqueue_indirect_dma source(%dma_start3A_114 : memref<10112x128xf32, #tpu.memory_space<hbm>>) target(%dma_start3A_108 : memref<64x128xf32, #tpu.memory_space<vmem>>) offsets(%dma_start3A_111 : memref<64xi32, #tpu.memory_space<vmem>>) semaphore(%arg11 : memref<!tpu.dma_semaphore, #tpu.memory_space<semaphore_mem>>)
      %dma_wait3A_115 = arith.constant 1 : i32
      %dma_wait3A_116 = arith.constant 1 : i32
      %dma_wait3A_117 = arith.constant 0 : i32
      %dma_wait3A_118 = arith.constant 0 : i32
      %dma_wait3A_119 = tpu.memref_slice %arg9[%dma_wait3A_116, %dma_wait3A_117, %dma_wait3A_118] : memref<4x64x128xf32, #tpu.memory_space<vmem>> -> memref<1x64x128xf32, #tpu.memory_space<vmem>>
      %dma_wait3A_120 = tpu.memref_squeeze %dma_wait3A_119 : memref<1x64x128xf32, #tpu.memory_space<vmem>> -> memref<64x128xf32, #tpu.memory_space<vmem>>
      %dma_wait3A_121 = arith.constant 0 : i32
      %dma_wait3A_122 = tpu.memref_slice %arg7[%dma_wait3A_115, %dma_wait3A_121] : memref<8x64xi32, #tpu.memory_space<vmem>> -> memref<1x64xi32, #tpu.memory_space<vmem>>
      %dma_wait3A_123 = tpu.memref_squeeze %dma_wait3A_122 : memref<1x64xi32, #tpu.memory_space<vmem>> -> memref<64xi32, #tpu.memory_space<vmem>>
      %dma_wait3A_124 = arith.constant 0 : i32
      %dma_wait3A_125 = arith.constant 0 : i32
      %dma_wait3A_126 = tpu.memref_slice %arg2[%dma_wait3A_124, %dma_wait3A_125] : memref<10112x128xf32, #tpu.memory_space<hbm>> -> memref<10112x128xf32, #tpu.memory_space<hbm>>
      tpu.wait_indirect_dma semaphore(%arg12 : memref<!tpu.dma_semaphore, #tpu.memory_space<semaphore_mem>>) src(%dma_wait3A_126 : memref<10112x128xf32, #tpu.memory_space<hbm>>) dst(%dma_wait3A_120 : memref<64x128xf32, #tpu.memory_space<vmem>>)
      %dma_start3A_127 = arith.constant 1 : i32
      %dma_start3A_128 = arith.constant 1 : i32
      %dma_start3A_129 = arith.constant 0 : i32
      %dma_start3A_130 = arith.constant 0 : i32
      %dma_start3A_131 = tpu.memref_slice %arg9[%dma_start3A_127, %dma_start3A_129, %dma_start3A_130] : memref<4x64x128xf32, #tpu.memory_space<vmem>> -> memref<1x64x128xf32, #tpu.memory_space<vmem>>
      %dma_start3A_132 = tpu.memref_squeeze %dma_start3A_131 : memref<1x64x128xf32, #tpu.memory_space<vmem>> -> memref<64x128xf32, #tpu.memory_space<vmem>>
      %dma_start3A_133 = arith.constant 0 : i32
      %dma_start3A_134 = tpu.memref_slice %arg8[%dma_start3A_128, %dma_start3A_133] : memref<8x64xi32, #tpu.memory_space<vmem>> -> memref<1x64xi32, #tpu.memory_space<vmem>>
      %dma_start3A_135 = tpu.memref_squeeze %dma_start3A_134 : memref<1x64xi32, #tpu.memory_space<vmem>> -> memref<64xi32, #tpu.memory_space<vmem>>
      %dma_start3A_136 = arith.constant 0 : i32
      %dma_start3A_137 = arith.constant 0 : i32
      %dma_start3A_138 = tpu.memref_slice %arg10[%dma_start3A_136, %dma_start3A_137] : memref<10112x128xf32, #tpu.memory_space<vmem_shared>> -> memref<10112x128xf32, #tpu.memory_space<vmem_shared>>
      tpu.enqueue_indirect_dma source(%dma_start3A_132 : memref<64x128xf32, #tpu.memory_space<vmem>>) target(%dma_start3A_138 : memref<10112x128xf32, #tpu.memory_space<vmem_shared>>) offsets(%dma_start3A_135 : memref<64xi32, #tpu.memory_space<vmem>>) semaphore(%arg16 : memref<!tpu.dma_semaphore, #tpu.memory_space<semaphore_mem>>) {add = true}
      %dma_wait3A_139 = arith.constant 1 : i32
      %dma_wait3A_140 = arith.constant 1 : i32
      %dma_wait3A_141 = arith.constant 0 : i32
      %dma_wait3A_142 = arith.constant 0 : i32
      %dma_wait3A_143 = tpu.memref_slice %arg9[%dma_wait3A_139, %dma_wait3A_141, %dma_wait3A_142] : memref<4x64x128xf32, #tpu.memory_space<vmem>> -> memref<1x64x128xf32, #tpu.memory_space<vmem>>
      %dma_wait3A_144 = tpu.memref_squeeze %dma_wait3A_143 : memref<1x64x128xf32, #tpu.memory_space<vmem>> -> memref<64x128xf32, #tpu.memory_space<vmem>>
      %dma_wait3A_145 = arith.constant 0 : i32
      %dma_wait3A_146 = tpu.memref_slice %arg8[%dma_wait3A_140, %dma_wait3A_145] : memref<8x64xi32, #tpu.memory_space<vmem>> -> memref<1x64xi32, #tpu.memory_space<vmem>>
      %dma_wait3A_147 = tpu.memref_squeeze %dma_wait3A_146 : memref<1x64xi32, #tpu.memory_space<vmem>> -> memref<64xi32, #tpu.memory_space<vmem>>
      %dma_wait3A_148 = arith.constant 0 : i32
      %dma_wait3A_149 = arith.constant 0 : i32
      %dma_wait3A_150 = tpu.memref_slice %arg10[%dma_wait3A_148, %dma_wait3A_149] : memref<10112x128xf32, #tpu.memory_space<vmem_shared>> -> memref<10112x128xf32, #tpu.memory_space<vmem_shared>>
      tpu.wait_indirect_dma semaphore(%arg16 : memref<!tpu.dma_semaphore, #tpu.memory_space<semaphore_mem>>) src(%dma_wait3A_144 : memref<64x128xf32, #tpu.memory_space<vmem>>) dst(%dma_wait3A_150 : memref<10112x128xf32, #tpu.memory_space<vmem_shared>>)
      %dma_start3A_151 = arith.constant 5 : i32
      %dma_start3A_152 = arith.constant 1 : i32
      %dma_start3A_153 = arith.constant 0 : i32
      %dma_start3A_154 = arith.constant 0 : i32
      %dma_start3A_155 = tpu.memref_slice %arg9[%dma_start3A_152, %dma_start3A_153, %dma_start3A_154] : memref<4x64x128xf32, #tpu.memory_space<vmem>> -> memref<1x64x128xf32, #tpu.memory_space<vmem>>
      %dma_start3A_156 = tpu.memref_squeeze %dma_start3A_155 : memref<1x64x128xf32, #tpu.memory_space<vmem>> -> memref<64x128xf32, #tpu.memory_space<vmem>>
      %dma_start3A_157 = arith.constant 0 : i32
      %dma_start3A_158 = tpu.memref_slice %arg7[%dma_start3A_151, %dma_start3A_157] : memref<8x64xi32, #tpu.memory_space<vmem>> -> memref<1x64xi32, #tpu.memory_space<vmem>>
      %dma_start3A_159 = tpu.memref_squeeze %dma_start3A_158 : memref<1x64xi32, #tpu.memory_space<vmem>> -> memref<64xi32, #tpu.memory_space<vmem>>
      %dma_start3A_160 = arith.constant 0 : i32
      %dma_start3A_161 = arith.constant 0 : i32
      %dma_start3A_162 = tpu.memref_slice %arg2[%dma_start3A_160, %dma_start3A_161] : memref<10112x128xf32, #tpu.memory_space<hbm>> -> memref<10112x128xf32, #tpu.memory_space<hbm>>
      tpu.enqueue_indirect_dma source(%dma_start3A_162 : memref<10112x128xf32, #tpu.memory_space<hbm>>) target(%dma_start3A_156 : memref<64x128xf32, #tpu.memory_space<vmem>>) offsets(%dma_start3A_159 : memref<64xi32, #tpu.memory_space<vmem>>) semaphore(%arg12 : memref<!tpu.dma_semaphore, #tpu.memory_space<semaphore_mem>>)
      %dma_wait3A_163 = arith.constant 2 : i32
      %dma_wait3A_164 = arith.constant 2 : i32
      %dma_wait3A_165 = arith.constant 0 : i32
      %dma_wait3A_166 = arith.constant 0 : i32
      %dma_wait3A_167 = tpu.memref_slice %arg9[%dma_wait3A_164, %dma_wait3A_165, %dma_wait3A_166] : memref<4x64x128xf32, #tpu.memory_space<vmem>> -> memref<1x64x128xf32, #tpu.memory_space<vmem>>
      %dma_wait3A_168 = tpu.memref_squeeze %dma_wait3A_167 : memref<1x64x128xf32, #tpu.memory_space<vmem>> -> memref<64x128xf32, #tpu.memory_space<vmem>>
      %dma_wait3A_169 = arith.constant 0 : i32
      %dma_wait3A_170 = tpu.memref_slice %arg7[%dma_wait3A_163, %dma_wait3A_169] : memref<8x64xi32, #tpu.memory_space<vmem>> -> memref<1x64xi32, #tpu.memory_space<vmem>>
      %dma_wait3A_171 = tpu.memref_squeeze %dma_wait3A_170 : memref<1x64xi32, #tpu.memory_space<vmem>> -> memref<64xi32, #tpu.memory_space<vmem>>
      %dma_wait3A_172 = arith.constant 0 : i32
      %dma_wait3A_173 = arith.constant 0 : i32
      %dma_wait3A_174 = tpu.memref_slice %arg2[%dma_wait3A_172, %dma_wait3A_173] : memref<10112x128xf32, #tpu.memory_space<hbm>> -> memref<10112x128xf32, #tpu.memory_space<hbm>>
      tpu.wait_indirect_dma semaphore(%arg13 : memref<!tpu.dma_semaphore, #tpu.memory_space<semaphore_mem>>) src(%dma_wait3A_174 : memref<10112x128xf32, #tpu.memory_space<hbm>>) dst(%dma_wait3A_168 : memref<64x128xf32, #tpu.memory_space<vmem>>)
      %dma_start3A_175 = arith.constant 2 : i32
      %dma_start3A_176 = arith.constant 2 : i32
      %dma_start3A_177 = arith.constant 0 : i32
      %dma_start3A_178 = arith.constant 0 : i32
      %dma_start3A_179 = tpu.memref_slice %arg9[%dma_start3A_175, %dma_start3A_177, %dma_start3A_178] : memref<4x64x128xf32, #tpu.memory_space<vmem>> -> memref<1x64x128xf32, #tpu.memory_space<vmem>>
      %dma_start3A_180 = tpu.memref_squeeze %dma_start3A_179 : memref<1x64x128xf32, #tpu.memory_space<vmem>> -> memref<64x128xf32, #tpu.memory_space<vmem>>
      %dma_start3A_181 = arith.constant 0 : i32
      %dma_start3A_182 = tpu.memref_slice %arg8[%dma_start3A_176, %dma_start3A_181] : memref<8x64xi32, #tpu.memory_space<vmem>> -> memref<1x64xi32, #tpu.memory_space<vmem>>
      %dma_start3A_183 = tpu.memref_squeeze %dma_start3A_182 : memref<1x64xi32, #tpu.memory_space<vmem>> -> memref<64xi32, #tpu.memory_space<vmem>>
      %dma_start3A_184 = arith.constant 0 : i32
      %dma_start3A_185 = arith.constant 0 : i32
      %dma_start3A_186 = tpu.memref_slice %arg10[%dma_start3A_184, %dma_start3A_185] : memref<10112x128xf32, #tpu.memory_space<vmem_shared>> -> memref<10112x128xf32, #tpu.memory_space<vmem_shared>>
      tpu.enqueue_indirect_dma source(%dma_start3A_180 : memref<64x128xf32, #tpu.memory_space<vmem>>) target(%dma_start3A_186 : memref<10112x128xf32, #tpu.memory_space<vmem_shared>>) offsets(%dma_start3A_183 : memref<64xi32, #tpu.memory_space<vmem>>) semaphore(%arg17 : memref<!tpu.dma_semaphore, #tpu.memory_space<semaphore_mem>>) {add = true}
      %dma_wait3A_187 = arith.constant 2 : i32
      %dma_wait3A_188 = arith.constant 2 : i32
      %dma_wait3A_189 = arith.constant 0 : i32
      %dma_wait3A_190 = arith.constant 0 : i32
      %dma_wait3A_191 = tpu.memref_slice %arg9[%dma_wait3A_187, %dma_wait3A_189, %dma_wait3A_190] : memref<4x64x128xf32, #tpu.memory_space<vmem>> -> memref<1x64x128xf32, #tpu.memory_space<vmem>>
      %dma_wait3A_192 = tpu.memref_squeeze %dma_wait3A_191 : memref<1x64x128xf32, #tpu.memory_space<vmem>> -> memref<64x128xf32, #tpu.memory_space<vmem>>
      %dma_wait3A_193 = arith.constant 0 : i32
      %dma_wait3A_194 = tpu.memref_slice %arg8[%dma_wait3A_188, %dma_wait3A_193] : memref<8x64xi32, #tpu.memory_space<vmem>> -> memref<1x64xi32, #tpu.memory_space<vmem>>
      %dma_wait3A_195 = tpu.memref_squeeze %dma_wait3A_194 : memref<1x64xi32, #tpu.memory_space<vmem>> -> memref<64xi32, #tpu.memory_space<vmem>>
      %dma_wait3A_196 = arith.constant 0 : i32
      %dma_wait3A_197 = arith.constant 0 : i32
      %dma_wait3A_198 = tpu.memref_slice %arg10[%dma_wait3A_196, %dma_wait3A_197] : memref<10112x128xf32, #tpu.memory_space<vmem_shared>> -> memref<10112x128xf32, #tpu.memory_space<vmem_shared>>
      tpu.wait_indirect_dma semaphore(%arg17 : memref<!tpu.dma_semaphore, #tpu.memory_space<semaphore_mem>>) src(%dma_wait3A_192 : memref<64x128xf32, #tpu.memory_space<vmem>>) dst(%dma_wait3A_198 : memref<10112x128xf32, #tpu.memory_space<vmem_shared>>)
      %dma_start3A_199 = arith.constant 6 : i32
      %dma_start3A_200 = arith.constant 2 : i32
      %dma_start3A_201 = arith.constant 0 : i32
      %dma_start3A_202 = arith.constant 0 : i32
      %dma_start3A_203 = tpu.memref_slice %arg9[%dma_start3A_200, %dma_start3A_201, %dma_start3A_202] : memref<4x64x128xf32, #tpu.memory_space<vmem>> -> memref<1x64x128xf32, #tpu.memory_space<vmem>>
      %dma_start3A_204 = tpu.memref_squeeze %dma_start3A_203 : memref<1x64x128xf32, #tpu.memory_space<vmem>> -> memref<64x128xf32, #tpu.memory_space<vmem>>
      %dma_start3A_205 = arith.constant 0 : i32
      %dma_start3A_206 = tpu.memref_slice %arg7[%dma_start3A_199, %dma_start3A_205] : memref<8x64xi32, #tpu.memory_space<vmem>> -> memref<1x64xi32, #tpu.memory_space<vmem>>
      %dma_start3A_207 = tpu.memref_squeeze %dma_start3A_206 : memref<1x64xi32, #tpu.memory_space<vmem>> -> memref<64xi32, #tpu.memory_space<vmem>>
      %dma_start3A_208 = arith.constant 0 : i32
      %dma_start3A_209 = arith.constant 0 : i32
      %dma_start3A_210 = tpu.memref_slice %arg2[%dma_start3A_208, %dma_start3A_209] : memref<10112x128xf32, #tpu.memory_space<hbm>> -> memref<10112x128xf32, #tpu.memory_space<hbm>>
      tpu.enqueue_indirect_dma source(%dma_start3A_210 : memref<10112x128xf32, #tpu.memory_space<hbm>>) target(%dma_start3A_204 : memref<64x128xf32, #tpu.memory_space<vmem>>) offsets(%dma_start3A_207 : memref<64xi32, #tpu.memory_space<vmem>>) semaphore(%arg13 : memref<!tpu.dma_semaphore, #tpu.memory_space<semaphore_mem>>)
      %dma_wait3A_211 = arith.constant 3 : i32
      %dma_wait3A_212 = arith.constant 3 : i32
      %dma_wait3A_213 = arith.constant 0 : i32
      %dma_wait3A_214 = arith.constant 0 : i32
      %dma_wait3A_215 = tpu.memref_slice %arg9[%dma_wait3A_212, %dma_wait3A_213, %dma_wait3A_214] : memref<4x64x128xf32, #tpu.memory_space<vmem>> -> memref<1x64x128xf32, #tpu.memory_space<vmem>>
      %dma_wait3A_216 = tpu.memref_squeeze %dma_wait3A_215 : memref<1x64x128xf32, #tpu.memory_space<vmem>> -> memref<64x128xf32, #tpu.memory_space<vmem>>
      %dma_wait3A_217 = arith.constant 0 : i32
      %dma_wait3A_218 = tpu.memref_slice %arg7[%dma_wait3A_211, %dma_wait3A_217] : memref<8x64xi32, #tpu.memory_space<vmem>> -> memref<1x64xi32, #tpu.memory_space<vmem>>
      %dma_wait3A_219 = tpu.memref_squeeze %dma_wait3A_218 : memref<1x64xi32, #tpu.memory_space<vmem>> -> memref<64xi32, #tpu.memory_space<vmem>>
      %dma_wait3A_220 = arith.constant 0 : i32
      %dma_wait3A_221 = arith.constant 0 : i32
      %dma_wait3A_222 = tpu.memref_slice %arg2[%dma_wait3A_220, %dma_wait3A_221] : memref<10112x128xf32, #tpu.memory_space<hbm>> -> memref<10112x128xf32, #tpu.memory_space<hbm>>
      tpu.wait_indirect_dma semaphore(%arg14 : memref<!tpu.dma_semaphore, #tpu.memory_space<semaphore_mem>>) src(%dma_wait3A_222 : memref<10112x128xf32, #tpu.memory_space<hbm>>) dst(%dma_wait3A_216 : memref<64x128xf32, #tpu.memory_space<vmem>>)
      %dma_start3A_223 = arith.constant 3 : i32
      %dma_start3A_224 = arith.constant 3 : i32
      %dma_start3A_225 = arith.constant 0 : i32
      %dma_start3A_226 = arith.constant 0 : i32
      %dma_start3A_227 = tpu.memref_slice %arg9[%dma_start3A_223, %dma_start3A_225, %dma_start3A_226] : memref<4x64x128xf32, #tpu.memory_space<vmem>> -> memref<1x64x128xf32, #tpu.memory_space<vmem>>
      %dma_start3A_228 = tpu.memref_squeeze %dma_start3A_227 : memref<1x64x128xf32, #tpu.memory_space<vmem>> -> memref<64x128xf32, #tpu.memory_space<vmem>>
      %dma_start3A_229 = arith.constant 0 : i32
      %dma_start3A_230 = tpu.memref_slice %arg8[%dma_start3A_224, %dma_start3A_229] : memref<8x64xi32, #tpu.memory_space<vmem>> -> memref<1x64xi32, #tpu.memory_space<vmem>>
      %dma_start3A_231 = tpu.memref_squeeze %dma_start3A_230 : memref<1x64xi32, #tpu.memory_space<vmem>> -> memref<64xi32, #tpu.memory_space<vmem>>
      %dma_start3A_232 = arith.constant 0 : i32
      %dma_start3A_233 = arith.constant 0 : i32
      %dma_start3A_234 = tpu.memref_slice %arg10[%dma_start3A_232, %dma_start3A_233] : memref<10112x128xf32, #tpu.memory_space<vmem_shared>> -> memref<10112x128xf32, #tpu.memory_space<vmem_shared>>
      tpu.enqueue_indirect_dma source(%dma_start3A_228 : memref<64x128xf32, #tpu.memory_space<vmem>>) target(%dma_start3A_234 : memref<10112x128xf32, #tpu.memory_space<vmem_shared>>) offsets(%dma_start3A_231 : memref<64xi32, #tpu.memory_space<vmem>>) semaphore(%arg18 : memref<!tpu.dma_semaphore, #tpu.memory_space<semaphore_mem>>) {add = true}
      %dma_wait3A_235 = arith.constant 3 : i32
      %dma_wait3A_236 = arith.constant 3 : i32
      %dma_wait3A_237 = arith.constant 0 : i32
      %dma_wait3A_238 = arith.constant 0 : i32
      %dma_wait3A_239 = tpu.memref_slice %arg9[%dma_wait3A_235, %dma_wait3A_237, %dma_wait3A_238] : memref<4x64x128xf32, #tpu.memory_space<vmem>> -> memref<1x64x128xf32, #tpu.memory_space<vmem>>
      %dma_wait3A_240 = tpu.memref_squeeze %dma_wait3A_239 : memref<1x64x128xf32, #tpu.memory_space<vmem>> -> memref<64x128xf32, #tpu.memory_space<vmem>>
      %dma_wait3A_241 = arith.constant 0 : i32
      %dma_wait3A_242 = tpu.memref_slice %arg8[%dma_wait3A_236, %dma_wait3A_241] : memref<8x64xi32, #tpu.memory_space<vmem>> -> memref<1x64xi32, #tpu.memory_space<vmem>>
      %dma_wait3A_243 = tpu.memref_squeeze %dma_wait3A_242 : memref<1x64xi32, #tpu.memory_space<vmem>> -> memref<64xi32, #tpu.memory_space<vmem>>
      %dma_wait3A_244 = arith.constant 0 : i32
      %dma_wait3A_245 = arith.constant 0 : i32
      %dma_wait3A_246 = tpu.memref_slice %arg10[%dma_wait3A_244, %dma_wait3A_245] : memref<10112x128xf32, #tpu.memory_space<vmem_shared>> -> memref<10112x128xf32, #tpu.memory_space<vmem_shared>>
      tpu.wait_indirect_dma semaphore(%arg18 : memref<!tpu.dma_semaphore, #tpu.memory_space<semaphore_mem>>) src(%dma_wait3A_240 : memref<64x128xf32, #tpu.memory_space<vmem>>) dst(%dma_wait3A_246 : memref<10112x128xf32, #tpu.memory_space<vmem_shared>>)
      %dma_start3A_247 = arith.constant 7 : i32
      %dma_start3A_248 = arith.constant 3 : i32
      %dma_start3A_249 = arith.constant 0 : i32
      %dma_start3A_250 = arith.constant 0 : i32
      %dma_start3A_251 = tpu.memref_slice %arg9[%dma_start3A_248, %dma_start3A_249, %dma_start3A_250] : memref<4x64x128xf32, #tpu.memory_space<vmem>> -> memref<1x64x128xf32, #tpu.memory_space<vmem>>
      %dma_start3A_252 = tpu.memref_squeeze %dma_start3A_251 : memref<1x64x128xf32, #tpu.memory_space<vmem>> -> memref<64x128xf32, #tpu.memory_space<vmem>>
      %dma_start3A_253 = arith.constant 0 : i32
      %dma_start3A_254 = tpu.memref_slice %arg7[%dma_start3A_247, %dma_start3A_253] : memref<8x64xi32, #tpu.memory_space<vmem>> -> memref<1x64xi32, #tpu.memory_space<vmem>>
      %dma_start3A_255 = tpu.memref_squeeze %dma_start3A_254 : memref<1x64xi32, #tpu.memory_space<vmem>> -> memref<64xi32, #tpu.memory_space<vmem>>
      %dma_start3A_256 = arith.constant 0 : i32
      %dma_start3A_257 = arith.constant 0 : i32
      %dma_start3A_258 = tpu.memref_slice %arg2[%dma_start3A_256, %dma_start3A_257] : memref<10112x128xf32, #tpu.memory_space<hbm>> -> memref<10112x128xf32, #tpu.memory_space<hbm>>
      tpu.enqueue_indirect_dma source(%dma_start3A_258 : memref<10112x128xf32, #tpu.memory_space<hbm>>) target(%dma_start3A_252 : memref<64x128xf32, #tpu.memory_space<vmem>>) offsets(%dma_start3A_255 : memref<64xi32, #tpu.memory_space<vmem>>) semaphore(%arg14 : memref<!tpu.dma_semaphore, #tpu.memory_space<semaphore_mem>>)
      %dma_wait3A_259 = arith.constant 4 : i32
      %dma_wait3A_260 = arith.constant 0 : i32
      %dma_wait3A_261 = arith.constant 0 : i32
      %dma_wait3A_262 = arith.constant 0 : i32
      %dma_wait3A_263 = tpu.memref_slice %arg9[%dma_wait3A_260, %dma_wait3A_261, %dma_wait3A_262] : memref<4x64x128xf32, #tpu.memory_space<vmem>> -> memref<1x64x128xf32, #tpu.memory_space<vmem>>
      %dma_wait3A_264 = tpu.memref_squeeze %dma_wait3A_263 : memref<1x64x128xf32, #tpu.memory_space<vmem>> -> memref<64x128xf32, #tpu.memory_space<vmem>>
      %dma_wait3A_265 = arith.constant 0 : i32
      %dma_wait3A_266 = tpu.memref_slice %arg7[%dma_wait3A_259, %dma_wait3A_265] : memref<8x64xi32, #tpu.memory_space<vmem>> -> memref<1x64xi32, #tpu.memory_space<vmem>>
      %dma_wait3A_267 = tpu.memref_squeeze %dma_wait3A_266 : memref<1x64xi32, #tpu.memory_space<vmem>> -> memref<64xi32, #tpu.memory_space<vmem>>
      %dma_wait3A_268 = arith.constant 0 : i32
      %dma_wait3A_269 = arith.constant 0 : i32
      %dma_wait3A_270 = tpu.memref_slice %arg2[%dma_wait3A_268, %dma_wait3A_269] : memref<10112x128xf32, #tpu.memory_space<hbm>> -> memref<10112x128xf32, #tpu.memory_space<hbm>>
      tpu.wait_indirect_dma semaphore(%arg11 : memref<!tpu.dma_semaphore, #tpu.memory_space<semaphore_mem>>) src(%dma_wait3A_270 : memref<10112x128xf32, #tpu.memory_space<hbm>>) dst(%dma_wait3A_264 : memref<64x128xf32, #tpu.memory_space<vmem>>)
      %dma_start3A_271 = arith.constant 0 : i32
      %dma_start3A_272 = arith.constant 4 : i32
      %dma_start3A_273 = arith.constant 0 : i32
      %dma_start3A_274 = arith.constant 0 : i32
      %dma_start3A_275 = tpu.memref_slice %arg9[%dma_start3A_271, %dma_start3A_273, %dma_start3A_274] : memref<4x64x128xf32, #tpu.memory_space<vmem>> -> memref<1x64x128xf32, #tpu.memory_space<vmem>>
      %dma_start3A_276 = tpu.memref_squeeze %dma_start3A_275 : memref<1x64x128xf32, #tpu.memory_space<vmem>> -> memref<64x128xf32, #tpu.memory_space<vmem>>
      %dma_start3A_277 = arith.constant 0 : i32
      %dma_start3A_278 = tpu.memref_slice %arg8[%dma_start3A_272, %dma_start3A_277] : memref<8x64xi32, #tpu.memory_space<vmem>> -> memref<1x64xi32, #tpu.memory_space<vmem>>
      %dma_start3A_279 = tpu.memref_squeeze %dma_start3A_278 : memref<1x64xi32, #tpu.memory_space<vmem>> -> memref<64xi32, #tpu.memory_space<vmem>>
      %dma_start3A_280 = arith.constant 0 : i32
      %dma_start3A_281 = arith.constant 0 : i32
      %dma_start3A_282 = tpu.memref_slice %arg10[%dma_start3A_280, %dma_start3A_281] : memref<10112x128xf32, #tpu.memory_space<vmem_shared>> -> memref<10112x128xf32, #tpu.memory_space<vmem_shared>>
      tpu.enqueue_indirect_dma source(%dma_start3A_276 : memref<64x128xf32, #tpu.memory_space<vmem>>) target(%dma_start3A_282 : memref<10112x128xf32, #tpu.memory_space<vmem_shared>>) offsets(%dma_start3A_279 : memref<64xi32, #tpu.memory_space<vmem>>) semaphore(%arg15 : memref<!tpu.dma_semaphore, #tpu.memory_space<semaphore_mem>>) {add = true}
      %dma_wait3A_283 = arith.constant 5 : i32
      %dma_wait3A_284 = arith.constant 1 : i32
      %dma_wait3A_285 = arith.constant 0 : i32
      %dma_wait3A_286 = arith.constant 0 : i32
      %dma_wait3A_287 = tpu.memref_slice %arg9[%dma_wait3A_284, %dma_wait3A_285, %dma_wait3A_286] : memref<4x64x128xf32, #tpu.memory_space<vmem>> -> memref<1x64x128xf32, #tpu.memory_space<vmem>>
      %dma_wait3A_288 = tpu.memref_squeeze %dma_wait3A_287 : memref<1x64x128xf32, #tpu.memory_space<vmem>> -> memref<64x128xf32, #tpu.memory_space<vmem>>
      %dma_wait3A_289 = arith.constant 0 : i32
      %dma_wait3A_290 = tpu.memref_slice %arg7[%dma_wait3A_283, %dma_wait3A_289] : memref<8x64xi32, #tpu.memory_space<vmem>> -> memref<1x64xi32, #tpu.memory_space<vmem>>
      %dma_wait3A_291 = tpu.memref_squeeze %dma_wait3A_290 : memref<1x64xi32, #tpu.memory_space<vmem>> -> memref<64xi32, #tpu.memory_space<vmem>>
      %dma_wait3A_292 = arith.constant 0 : i32
      %dma_wait3A_293 = arith.constant 0 : i32
      %dma_wait3A_294 = tpu.memref_slice %arg2[%dma_wait3A_292, %dma_wait3A_293] : memref<10112x128xf32, #tpu.memory_space<hbm>> -> memref<10112x128xf32, #tpu.memory_space<hbm>>
      tpu.wait_indirect_dma semaphore(%arg12 : memref<!tpu.dma_semaphore, #tpu.memory_space<semaphore_mem>>) src(%dma_wait3A_294 : memref<10112x128xf32, #tpu.memory_space<hbm>>) dst(%dma_wait3A_288 : memref<64x128xf32, #tpu.memory_space<vmem>>)
      %dma_start3A_295 = arith.constant 1 : i32
      %dma_start3A_296 = arith.constant 5 : i32
      %dma_start3A_297 = arith.constant 0 : i32
      %dma_start3A_298 = arith.constant 0 : i32
      %dma_start3A_299 = tpu.memref_slice %arg9[%dma_start3A_295, %dma_start3A_297, %dma_start3A_298] : memref<4x64x128xf32, #tpu.memory_space<vmem>> -> memref<1x64x128xf32, #tpu.memory_space<vmem>>
      %dma_start3A_300 = tpu.memref_squeeze %dma_start3A_299 : memref<1x64x128xf32, #tpu.memory_space<vmem>> -> memref<64x128xf32, #tpu.memory_space<vmem>>
      %dma_start3A_301 = arith.constant 0 : i32
      %dma_start3A_302 = tpu.memref_slice %arg8[%dma_start3A_296, %dma_start3A_301] : memref<8x64xi32, #tpu.memory_space<vmem>> -> memref<1x64xi32, #tpu.memory_space<vmem>>
      %dma_start3A_303 = tpu.memref_squeeze %dma_start3A_302 : memref<1x64xi32, #tpu.memory_space<vmem>> -> memref<64xi32, #tpu.memory_space<vmem>>
      %dma_start3A_304 = arith.constant 0 : i32
      %dma_start3A_305 = arith.constant 0 : i32
      %dma_start3A_306 = tpu.memref_slice %arg10[%dma_start3A_304, %dma_start3A_305] : memref<10112x128xf32, #tpu.memory_space<vmem_shared>> -> memref<10112x128xf32, #tpu.memory_space<vmem_shared>>
      tpu.enqueue_indirect_dma source(%dma_start3A_300 : memref<64x128xf32, #tpu.memory_space<vmem>>) target(%dma_start3A_306 : memref<10112x128xf32, #tpu.memory_space<vmem_shared>>) offsets(%dma_start3A_303 : memref<64xi32, #tpu.memory_space<vmem>>) semaphore(%arg16 : memref<!tpu.dma_semaphore, #tpu.memory_space<semaphore_mem>>) {add = true}
      %dma_wait3A_307 = arith.constant 6 : i32
      %dma_wait3A_308 = arith.constant 2 : i32
      %dma_wait3A_309 = arith.constant 0 : i32
      %dma_wait3A_310 = arith.constant 0 : i32
      %dma_wait3A_311 = tpu.memref_slice %arg9[%dma_wait3A_308, %dma_wait3A_309, %dma_wait3A_310] : memref<4x64x128xf32, #tpu.memory_space<vmem>> -> memref<1x64x128xf32, #tpu.memory_space<vmem>>
      %dma_wait3A_312 = tpu.memref_squeeze %dma_wait3A_311 : memref<1x64x128xf32, #tpu.memory_space<vmem>> -> memref<64x128xf32, #tpu.memory_space<vmem>>
      %dma_wait3A_313 = arith.constant 0 : i32
      %dma_wait3A_314 = tpu.memref_slice %arg7[%dma_wait3A_307, %dma_wait3A_313] : memref<8x64xi32, #tpu.memory_space<vmem>> -> memref<1x64xi32, #tpu.memory_space<vmem>>
      %dma_wait3A_315 = tpu.memref_squeeze %dma_wait3A_314 : memref<1x64xi32, #tpu.memory_space<vmem>> -> memref<64xi32, #tpu.memory_space<vmem>>
      %dma_wait3A_316 = arith.constant 0 : i32
      %dma_wait3A_317 = arith.constant 0 : i32
      %dma_wait3A_318 = tpu.memref_slice %arg2[%dma_wait3A_316, %dma_wait3A_317] : memref<10112x128xf32, #tpu.memory_space<hbm>> -> memref<10112x128xf32, #tpu.memory_space<hbm>>
      tpu.wait_indirect_dma semaphore(%arg13 : memref<!tpu.dma_semaphore, #tpu.memory_space<semaphore_mem>>) src(%dma_wait3A_318 : memref<10112x128xf32, #tpu.memory_space<hbm>>) dst(%dma_wait3A_312 : memref<64x128xf32, #tpu.memory_space<vmem>>)
      %dma_start3A_319 = arith.constant 2 : i32
      %dma_start3A_320 = arith.constant 6 : i32
      %dma_start3A_321 = arith.constant 0 : i32
      %dma_start3A_322 = arith.constant 0 : i32
      %dma_start3A_323 = tpu.memref_slice %arg9[%dma_start3A_319, %dma_start3A_321, %dma_start3A_322] : memref<4x64x128xf32, #tpu.memory_space<vmem>> -> memref<1x64x128xf32, #tpu.memory_space<vmem>>
      %dma_start3A_324 = tpu.memref_squeeze %dma_start3A_323 : memref<1x64x128xf32, #tpu.memory_space<vmem>> -> memref<64x128xf32, #tpu.memory_space<vmem>>
      %dma_start3A_325 = arith.constant 0 : i32
      %dma_start3A_326 = tpu.memref_slice %arg8[%dma_start3A_320, %dma_start3A_325] : memref<8x64xi32, #tpu.memory_space<vmem>> -> memref<1x64xi32, #tpu.memory_space<vmem>>
      %dma_start3A_327 = tpu.memref_squeeze %dma_start3A_326 : memref<1x64xi32, #tpu.memory_space<vmem>> -> memref<64xi32, #tpu.memory_space<vmem>>
      %dma_start3A_328 = arith.constant 0 : i32
      %dma_start3A_329 = arith.constant 0 : i32
      %dma_start3A_330 = tpu.memref_slice %arg10[%dma_start3A_328, %dma_start3A_329] : memref<10112x128xf32, #tpu.memory_space<vmem_shared>> -> memref<10112x128xf32, #tpu.memory_space<vmem_shared>>
      tpu.enqueue_indirect_dma source(%dma_start3A_324 : memref<64x128xf32, #tpu.memory_space<vmem>>) target(%dma_start3A_330 : memref<10112x128xf32, #tpu.memory_space<vmem_shared>>) offsets(%dma_start3A_327 : memref<64xi32, #tpu.memory_space<vmem>>) semaphore(%arg17 : memref<!tpu.dma_semaphore, #tpu.memory_space<semaphore_mem>>) {add = true}
      %dma_wait3A_331 = arith.constant 7 : i32
      %dma_wait3A_332 = arith.constant 3 : i32
      %dma_wait3A_333 = arith.constant 0 : i32
      %dma_wait3A_334 = arith.constant 0 : i32
      %dma_wait3A_335 = tpu.memref_slice %arg9[%dma_wait3A_332, %dma_wait3A_333, %dma_wait3A_334] : memref<4x64x128xf32, #tpu.memory_space<vmem>> -> memref<1x64x128xf32, #tpu.memory_space<vmem>>
      %dma_wait3A_336 = tpu.memref_squeeze %dma_wait3A_335 : memref<1x64x128xf32, #tpu.memory_space<vmem>> -> memref<64x128xf32, #tpu.memory_space<vmem>>
      %dma_wait3A_337 = arith.constant 0 : i32
      %dma_wait3A_338 = tpu.memref_slice %arg7[%dma_wait3A_331, %dma_wait3A_337] : memref<8x64xi32, #tpu.memory_space<vmem>> -> memref<1x64xi32, #tpu.memory_space<vmem>>
      %dma_wait3A_339 = tpu.memref_squeeze %dma_wait3A_338 : memref<1x64xi32, #tpu.memory_space<vmem>> -> memref<64xi32, #tpu.memory_space<vmem>>
      %dma_wait3A_340 = arith.constant 0 : i32
      %dma_wait3A_341 = arith.constant 0 : i32
      %dma_wait3A_342 = tpu.memref_slice %arg2[%dma_wait3A_340, %dma_wait3A_341] : memref<10112x128xf32, #tpu.memory_space<hbm>> -> memref<10112x128xf32, #tpu.memory_space<hbm>>
      tpu.wait_indirect_dma semaphore(%arg14 : memref<!tpu.dma_semaphore, #tpu.memory_space<semaphore_mem>>) src(%dma_wait3A_342 : memref<10112x128xf32, #tpu.memory_space<hbm>>) dst(%dma_wait3A_336 : memref<64x128xf32, #tpu.memory_space<vmem>>)
      %dma_start3A_343 = arith.constant 3 : i32
      %dma_start3A_344 = arith.constant 7 : i32
      %dma_start3A_345 = arith.constant 0 : i32
      %dma_start3A_346 = arith.constant 0 : i32
      %dma_start3A_347 = tpu.memref_slice %arg9[%dma_start3A_343, %dma_start3A_345, %dma_start3A_346] : memref<4x64x128xf32, #tpu.memory_space<vmem>> -> memref<1x64x128xf32, #tpu.memory_space<vmem>>
      %dma_start3A_348 = tpu.memref_squeeze %dma_start3A_347 : memref<1x64x128xf32, #tpu.memory_space<vmem>> -> memref<64x128xf32, #tpu.memory_space<vmem>>
      %dma_start3A_349 = arith.constant 0 : i32
      %dma_start3A_350 = tpu.memref_slice %arg8[%dma_start3A_344, %dma_start3A_349] : memref<8x64xi32, #tpu.memory_space<vmem>> -> memref<1x64xi32, #tpu.memory_space<vmem>>
      %dma_start3A_351 = tpu.memref_squeeze %dma_start3A_350 : memref<1x64xi32, #tpu.memory_space<vmem>> -> memref<64xi32, #tpu.memory_space<vmem>>
      %dma_start3A_352 = arith.constant 0 : i32
      %dma_start3A_353 = arith.constant 0 : i32
      %dma_start3A_354 = tpu.memref_slice %arg10[%dma_start3A_352, %dma_start3A_353] : memref<10112x128xf32, #tpu.memory_space<vmem_shared>> -> memref<10112x128xf32, #tpu.memory_space<vmem_shared>>
      tpu.enqueue_indirect_dma source(%dma_start3A_348 : memref<64x128xf32, #tpu.memory_space<vmem>>) target(%dma_start3A_354 : memref<10112x128xf32, #tpu.memory_space<vmem_shared>>) offsets(%dma_start3A_351 : memref<64xi32, #tpu.memory_space<vmem>>) semaphore(%arg18 : memref<!tpu.dma_semaphore, #tpu.memory_space<semaphore_mem>>) {add = true}
      %dma_wait3A_355 = arith.constant 0 : i32
      %dma_wait3A_356 = arith.constant 4 : i32
      %dma_wait3A_357 = arith.constant 0 : i32
      %dma_wait3A_358 = arith.constant 0 : i32
      %dma_wait3A_359 = tpu.memref_slice %arg9[%dma_wait3A_355, %dma_wait3A_357, %dma_wait3A_358] : memref<4x64x128xf32, #tpu.memory_space<vmem>> -> memref<1x64x128xf32, #tpu.memory_space<vmem>>
      %dma_wait3A_360 = tpu.memref_squeeze %dma_wait3A_359 : memref<1x64x128xf32, #tpu.memory_space<vmem>> -> memref<64x128xf32, #tpu.memory_space<vmem>>
      %dma_wait3A_361 = arith.constant 0 : i32
      %dma_wait3A_362 = tpu.memref_slice %arg8[%dma_wait3A_356, %dma_wait3A_361] : memref<8x64xi32, #tpu.memory_space<vmem>> -> memref<1x64xi32, #tpu.memory_space<vmem>>
      %dma_wait3A_363 = tpu.memref_squeeze %dma_wait3A_362 : memref<1x64xi32, #tpu.memory_space<vmem>> -> memref<64xi32, #tpu.memory_space<vmem>>
      %dma_wait3A_364 = arith.constant 0 : i32
      %dma_wait3A_365 = arith.constant 0 : i32
      %dma_wait3A_366 = tpu.memref_slice %arg10[%dma_wait3A_364, %dma_wait3A_365] : memref<10112x128xf32, #tpu.memory_space<vmem_shared>> -> memref<10112x128xf32, #tpu.memory_space<vmem_shared>>
      tpu.wait_indirect_dma semaphore(%arg15 : memref<!tpu.dma_semaphore, #tpu.memory_space<semaphore_mem>>) src(%dma_wait3A_360 : memref<64x128xf32, #tpu.memory_space<vmem>>) dst(%dma_wait3A_366 : memref<10112x128xf32, #tpu.memory_space<vmem_shared>>)
      %dma_wait3A_367 = arith.constant 1 : i32
      %dma_wait3A_368 = arith.constant 5 : i32
      %dma_wait3A_369 = arith.constant 0 : i32
      %dma_wait3A_370 = arith.constant 0 : i32
      %dma_wait3A_371 = tpu.memref_slice %arg9[%dma_wait3A_367, %dma_wait3A_369, %dma_wait3A_370] : memref<4x64x128xf32, #tpu.memory_space<vmem>> -> memref<1x64x128xf32, #tpu.memory_space<vmem>>
      %dma_wait3A_372 = tpu.memref_squeeze %dma_wait3A_371 : memref<1x64x128xf32, #tpu.memory_space<vmem>> -> memref<64x128xf32, #tpu.memory_space<vmem>>
      %dma_wait3A_373 = arith.constant 0 : i32
      %dma_wait3A_374 = tpu.memref_slice %arg8[%dma_wait3A_368, %dma_wait3A_373] : memref<8x64xi32, #tpu.memory_space<vmem>> -> memref<1x64xi32, #tpu.memory_space<vmem>>
      %dma_wait3A_375 = tpu.memref_squeeze %dma_wait3A_374 : memref<1x64xi32, #tpu.memory_space<vmem>> -> memref<64xi32, #tpu.memory_space<vmem>>
      %dma_wait3A_376 = arith.constant 0 : i32
      %dma_wait3A_377 = arith.constant 0 : i32
      %dma_wait3A_378 = tpu.memref_slice %arg10[%dma_wait3A_376, %dma_wait3A_377] : memref<10112x128xf32, #tpu.memory_space<vmem_shared>> -> memref<10112x128xf32, #tpu.memory_space<vmem_shared>>
      tpu.wait_indirect_dma semaphore(%arg16 : memref<!tpu.dma_semaphore, #tpu.memory_space<semaphore_mem>>) src(%dma_wait3A_372 : memref<64x128xf32, #tpu.memory_space<vmem>>) dst(%dma_wait3A_378 : memref<10112x128xf32, #tpu.memory_space<vmem_shared>>)
      %dma_wait3A_379 = arith.constant 2 : i32
      %dma_wait3A_380 = arith.constant 6 : i32
      %dma_wait3A_381 = arith.constant 0 : i32
      %dma_wait3A_382 = arith.constant 0 : i32
      %dma_wait3A_383 = tpu.memref_slice %arg9[%dma_wait3A_379, %dma_wait3A_381, %dma_wait3A_382] : memref<4x64x128xf32, #tpu.memory_space<vmem>> -> memref<1x64x128xf32, #tpu.memory_space<vmem>>
      %dma_wait3A_384 = tpu.memref_squeeze %dma_wait3A_383 : memref<1x64x128xf32, #tpu.memory_space<vmem>> -> memref<64x128xf32, #tpu.memory_space<vmem>>
      %dma_wait3A_385 = arith.constant 0 : i32
      %dma_wait3A_386 = tpu.memref_slice %arg8[%dma_wait3A_380, %dma_wait3A_385] : memref<8x64xi32, #tpu.memory_space<vmem>> -> memref<1x64xi32, #tpu.memory_space<vmem>>
      %dma_wait3A_387 = tpu.memref_squeeze %dma_wait3A_386 : memref<1x64xi32, #tpu.memory_space<vmem>> -> memref<64xi32, #tpu.memory_space<vmem>>
      %dma_wait3A_388 = arith.constant 0 : i32
      %dma_wait3A_389 = arith.constant 0 : i32
      %dma_wait3A_390 = tpu.memref_slice %arg10[%dma_wait3A_388, %dma_wait3A_389] : memref<10112x128xf32, #tpu.memory_space<vmem_shared>> -> memref<10112x128xf32, #tpu.memory_space<vmem_shared>>
      tpu.wait_indirect_dma semaphore(%arg17 : memref<!tpu.dma_semaphore, #tpu.memory_space<semaphore_mem>>) src(%dma_wait3A_384 : memref<64x128xf32, #tpu.memory_space<vmem>>) dst(%dma_wait3A_390 : memref<10112x128xf32, #tpu.memory_space<vmem_shared>>)
      %dma_wait3A_391 = arith.constant 3 : i32
      %dma_wait3A_392 = arith.constant 7 : i32
      %dma_wait3A_393 = arith.constant 0 : i32
      %dma_wait3A_394 = arith.constant 0 : i32
      %dma_wait3A_395 = tpu.memref_slice %arg9[%dma_wait3A_391, %dma_wait3A_393, %dma_wait3A_394] : memref<4x64x128xf32, #tpu.memory_space<vmem>> -> memref<1x64x128xf32, #tpu.memory_space<vmem>>
      %dma_wait3A_396 = tpu.memref_squeeze %dma_wait3A_395 : memref<1x64x128xf32, #tpu.memory_space<vmem>> -> memref<64x128xf32, #tpu.memory_space<vmem>>
      %dma_wait3A_397 = arith.constant 0 : i32
      %dma_wait3A_398 = tpu.memref_slice %arg8[%dma_wait3A_392, %dma_wait3A_397] : memref<8x64xi32, #tpu.memory_space<vmem>> -> memref<1x64xi32, #tpu.memory_space<vmem>>
      %dma_wait3A_399 = tpu.memref_squeeze %dma_wait3A_398 : memref<1x64xi32, #tpu.memory_space<vmem>> -> memref<64xi32, #tpu.memory_space<vmem>>
      %dma_wait3A_400 = arith.constant 0 : i32
      %dma_wait3A_401 = arith.constant 0 : i32
      %dma_wait3A_402 = tpu.memref_slice %arg10[%dma_wait3A_400, %dma_wait3A_401] : memref<10112x128xf32, #tpu.memory_space<vmem_shared>> -> memref<10112x128xf32, #tpu.memory_space<vmem_shared>>
      tpu.wait_indirect_dma semaphore(%arg18 : memref<!tpu.dma_semaphore, #tpu.memory_space<semaphore_mem>>) src(%dma_wait3A_396 : memref<64x128xf32, #tpu.memory_space<vmem>>) dst(%dma_wait3A_402 : memref<10112x128xf32, #tpu.memory_space<vmem_shared>>)
    }
    %scan3A_8 = arith.constant 20 : i32
    %barrier3A_9 = arith.constant 0 : index
    tpu.barrier barrier_id(%barrier3A_9)
    %mul3A_10 = arith.constant 632 : i32
    %mul3A_11 = arith.muli %arg1, %mul3A_10 : i32
    %mul3A_12 = arith.constant 632 : i32
    %mul3A_13 = arith.muli %arg1, %mul3A_12 : i32
    "tpu.region"() ({
      %run_scoped3A = tpu.sem_alloc : memref<!tpu.dma_semaphore, #tpu.memory_space<semaphore_mem>>
      %dma_start3A = arith.constant 0 : i32
      %dma_start3A_14 = arith.constant 0 : i32
      %dma_start3A_15 = tpu.memref_slice %arg6[%arg0, %dma_start3A, %dma_start3A_14] : memref<2x10112x128xf32, #tpu.memory_space<hbm>> -> memref<1x10112x128xf32, #tpu.memory_space<hbm>>
      %dma_start3A_16 = tpu.memref_squeeze %dma_start3A_15 : memref<1x10112x128xf32, #tpu.memory_space<hbm>> -> memref<10112x128xf32, #tpu.memory_space<hbm>>
      %dma_start3A_17 = arith.constant 0 : i32
      %dma_start3A_18 = tpu.memref_slice %dma_start3A_16[%mul3A_13, %dma_start3A_17] : memref<10112x128xf32, #tpu.memory_space<hbm>> -> memref<632x128xf32, #tpu.memory_space<hbm>>
      %dma_start3A_19 = arith.constant 0 : i32
      %dma_start3A_20 = tpu.memref_slice %arg10[%mul3A_11, %dma_start3A_19] : memref<10112x128xf32, #tpu.memory_space<vmem_shared>> -> memref<632x128xf32, #tpu.memory_space<vmem_shared>>
      tpu.enqueue_dma source(%dma_start3A_20 : memref<632x128xf32, #tpu.memory_space<vmem_shared>>) target(%dma_start3A_18 : memref<632x128xf32, #tpu.memory_space<hbm>>) target_semaphore(%run_scoped3A : memref<!tpu.dma_semaphore, #tpu.memory_space<semaphore_mem>>)
      %dma_wait3A = arith.constant 0 : i32
      %dma_wait3A_21 = arith.constant 0 : i32
      %dma_wait3A_22 = tpu.memref_slice %arg6[%arg0, %dma_wait3A, %dma_wait3A_21] : memref<2x10112x128xf32, #tpu.memory_space<hbm>> -> memref<1x10112x128xf32, #tpu.memory_space<hbm>>
      %dma_wait3A_23 = tpu.memref_squeeze %dma_wait3A_22 : memref<1x10112x128xf32, #tpu.memory_space<hbm>> -> memref<10112x128xf32, #tpu.memory_space<hbm>>
      %dma_wait3A_24 = arith.constant 0 : i32
      %dma_wait3A_25 = tpu.memref_slice %dma_wait3A_23[%mul3A_13, %dma_wait3A_24] : memref<10112x128xf32, #tpu.memory_space<hbm>> -> memref<632x128xf32, #tpu.memory_space<hbm>>
      %dma_wait3A_26 = arith.constant 0 : i32
      %dma_wait3A_27 = tpu.memref_slice %arg10[%mul3A_11, %dma_wait3A_26] : memref<10112x128xf32, #tpu.memory_space<vmem_shared>> -> memref<632x128xf32, #tpu.memory_space<vmem_shared>>
      tpu.wait_dma2 semaphore(%run_scoped3A : memref<!tpu.dma_semaphore, #tpu.memory_space<semaphore_mem>>) src(%dma_wait3A_27 : memref<632x128xf32, #tpu.memory_space<vmem_shared>>) dst(%dma_wait3A_25 : memref<632x128xf32, #tpu.memory_space<hbm>>)
      tpu.yield
    }) : () -> ()
    return
  }
}

#map = affine_map<(d0, d1) -> (0, 0, 0)>
#map1 = affine_map<(d0, d1) -> (0, 0)>
module attributes {stable_mosaic.version = 14 : i64} {
  func.func @deg(%arg0: i32, %arg1: i32, %arg2: memref<2x2560x128xi32, #tpu.memory_space<hbm>>, %arg3: memref<2x128x128xf32, #tpu.memory_space<hbm>>, %arg4: memref<632x128xf32, #tpu.memory_space<hbm>>, %arg5: memref<2x10112x128xf32, #tpu.memory_space<hbm>>, %arg6: memref<2x8x128xi32, #tpu.memory_space<vmem>>, %arg7: memref<2x128x128xf32, #tpu.memory_space<vmem>>, %arg8: memref<10112x128xf32, #tpu.memory_space<vmem_shared>>) attributes {dimension_semantics = [#tpu.dimension_semantics<core_parallel>, #tpu.dimension_semantics<subcore_parallel>], iteration_bounds = array<i64: 2, 16>, scalar_prefetch = 0 : i64, scratch_operands = 3 : i64, tpu.core_type = #tpu.core_type<sc_vector_subcore>, window_params = [{transform_indices = #map}, {transform_indices = #map}, {transform_indices = #map1}, {transform_indices = #map}]} {
    %mul3A = arith.constant 16 : i32
    %mul3A_0 = arith.muli %arg0, %mul3A : i32
    %add3A = arith.addi %mul3A_0, %arg1 : i32
    "tpu.region"() ({
      %run_scoped3A = tpu.sem_alloc : memref<!tpu.dma_semaphore, #tpu.memory_space<semaphore_mem>>
      tpu.enqueue_dma source(%arg3 : memref<2x128x128xf32, #tpu.memory_space<hbm>>) target(%arg7 : memref<2x128x128xf32, #tpu.memory_space<vmem>>) target_semaphore(%run_scoped3A : memref<!tpu.dma_semaphore, #tpu.memory_space<semaphore_mem>>)
      tpu.wait_dma2 semaphore(%run_scoped3A : memref<!tpu.dma_semaphore, #tpu.memory_space<semaphore_mem>>) src(%arg3 : memref<2x128x128xf32, #tpu.memory_space<hbm>>) dst(%arg7 : memref<2x128x128xf32, #tpu.memory_space<vmem>>)
      tpu.yield
    }) : () -> ()
    %mul3A_1 = arith.constant 632 : i32
    %mul3A_2 = arith.muli %arg1, %mul3A_1 : i32
    "tpu.region"() ({
      %run_scoped3A = tpu.sem_alloc : memref<!tpu.dma_semaphore, #tpu.memory_space<semaphore_mem>>
      %dma_start3A = arith.constant 0 : i32
      %dma_start3A_12 = tpu.memref_slice %arg8[%mul3A_2, %dma_start3A] : memref<10112x128xf32, #tpu.memory_space<vmem_shared>> -> memref<632x128xf32, #tpu.memory_space<vmem_shared>>
      tpu.enqueue_dma source(%arg4 : memref<632x128xf32, #tpu.memory_space<hbm>>) target(%dma_start3A_12 : memref<632x128xf32, #tpu.memory_space<vmem_shared>>) target_semaphore(%run_scoped3A : memref<!tpu.dma_semaphore, #tpu.memory_space<semaphore_mem>>)
      %dma_wait3A = arith.constant 0 : i32
      %dma_wait3A_13 = tpu.memref_slice %arg8[%mul3A_2, %dma_wait3A] : memref<10112x128xf32, #tpu.memory_space<vmem_shared>> -> memref<632x128xf32, #tpu.memory_space<vmem_shared>>
      tpu.wait_dma2 semaphore(%run_scoped3A : memref<!tpu.dma_semaphore, #tpu.memory_space<semaphore_mem>>) src(%arg4 : memref<632x128xf32, #tpu.memory_space<hbm>>) dst(%dma_wait3A_13 : memref<632x128xf32, #tpu.memory_space<vmem_shared>>)
      tpu.yield
    }) : () -> ()
    %barrier3A = arith.constant 0 : index
    tpu.barrier barrier_id(%barrier3A)
    %scan3A = arith.constant 0 : i32
    %scan3A_3 = arith.constant 10 : i32
    %scan3A_4 = arith.addi %scan3A, %scan3A_3 : i32
    %scan3A_5 = arith.constant 1 : i32
    scf.for %scan3A_12 = %scan3A to %scan3A_4 step %scan3A_5  : i32 {
      %mul3A_13 = arith.constant 8 : i32
      %mul3A_14 = arith.muli %scan3A_12, %mul3A_13 : i32
      %add3A_15 = arith.constant 0 : i32
      %add3A_16 = arith.addi %add3A_15, %mul3A_14 : i32
      %mul3A_17 = arith.constant 80 : i32
      %mul3A_18 = arith.muli %add3A, %mul3A_17 : i32
      %add3A_19 = arith.addi %mul3A_18, %add3A_16 : i32
      %run_scoped3A = arith.constant 0 : i32
      %run_scoped3A_20 = arith.constant 0 : i32
      "tpu.region"() ({
        %run_scoped3A_31 = tpu.sem_alloc : memref<!tpu.dma_semaphore, #tpu.memory_space<semaphore_mem>>
        %dma_start3A = arith.constant 0 : i32
        %dma_start3A_32 = arith.constant 0 : i32
        %dma_start3A_33 = tpu.memref_slice %arg6[%run_scoped3A_20, %dma_start3A, %dma_start3A_32] : memref<2x8x128xi32, #tpu.memory_space<vmem>> -> memref<1x8x128xi32, #tpu.memory_space<vmem>>
        %dma_start3A_34 = tpu.memref_squeeze %dma_start3A_33 : memref<1x8x128xi32, #tpu.memory_space<vmem>> -> memref<8x128xi32, #tpu.memory_space<vmem>>
        %dma_start3A_35 = arith.constant 0 : i32
        %dma_start3A_36 = arith.constant 0 : i32
        %dma_start3A_37 = tpu.memref_slice %arg2[%run_scoped3A, %dma_start3A_35, %dma_start3A_36] : memref<2x2560x128xi32, #tpu.memory_space<hbm>> -> memref<1x2560x128xi32, #tpu.memory_space<hbm>>
        %dma_start3A_38 = tpu.memref_squeeze %dma_start3A_37 : memref<1x2560x128xi32, #tpu.memory_space<hbm>> -> memref<2560x128xi32, #tpu.memory_space<hbm>>
        %dma_start3A_39 = arith.constant 0 : i32
        %dma_start3A_40 = tpu.memref_slice %dma_start3A_38[%add3A_19, %dma_start3A_39] : memref<2560x128xi32, #tpu.memory_space<hbm>> -> memref<8x128xi32, #tpu.memory_space<hbm>>
        %dma_start3A_41 = arith.constant 0 : i32
        %dma_start3A_42 = arith.constant 0 : i32
        %dma_start3A_43 = tpu.memref_slice %arg6[%run_scoped3A_20, %dma_start3A_41, %dma_start3A_42] : memref<2x8x128xi32, #tpu.memory_space<vmem>> -> memref<1x8x128xi32, #tpu.memory_space<vmem>>
        %dma_start3A_44 = tpu.memref_squeeze %dma_start3A_43 : memref<1x8x128xi32, #tpu.memory_space<vmem>> -> memref<8x128xi32, #tpu.memory_space<vmem>>
        %dma_start3A_45 = arith.constant 0 : i32
        %dma_start3A_46 = arith.constant 0 : i32
        %dma_start3A_47 = tpu.memref_slice %arg2[%run_scoped3A, %dma_start3A_45, %dma_start3A_46] : memref<2x2560x128xi32, #tpu.memory_space<hbm>> -> memref<1x2560x128xi32, #tpu.memory_space<hbm>>
        %dma_start3A_48 = tpu.memref_squeeze %dma_start3A_47 : memref<1x2560x128xi32, #tpu.memory_space<hbm>> -> memref<2560x128xi32, #tpu.memory_space<hbm>>
        %dma_start3A_49 = arith.constant 0 : i32
        %dma_start3A_50 = tpu.memref_slice %dma_start3A_48[%add3A_19, %dma_start3A_49] : memref<2560x128xi32, #tpu.memory_space<hbm>> -> memref<8x128xi32, #tpu.memory_space<hbm>>
        tpu.enqueue_dma source(%dma_start3A_50 : memref<8x128xi32, #tpu.memory_space<hbm>>) target(%dma_start3A_44 : memref<8x128xi32, #tpu.memory_space<vmem>>) target_semaphore(%run_scoped3A_31 : memref<!tpu.dma_semaphore, #tpu.memory_space<semaphore_mem>>)
        %dma_wait3A = arith.constant 0 : i32
        %dma_wait3A_51 = arith.constant 0 : i32
        %dma_wait3A_52 = tpu.memref_slice %arg6[%run_scoped3A_20, %dma_wait3A, %dma_wait3A_51] : memref<2x8x128xi32, #tpu.memory_space<vmem>> -> memref<1x8x128xi32, #tpu.memory_space<vmem>>
        %dma_wait3A_53 = tpu.memref_squeeze %dma_wait3A_52 : memref<1x8x128xi32, #tpu.memory_space<vmem>> -> memref<8x128xi32, #tpu.memory_space<vmem>>
        %dma_wait3A_54 = arith.constant 0 : i32
        %dma_wait3A_55 = arith.constant 0 : i32
        %dma_wait3A_56 = tpu.memref_slice %arg2[%run_scoped3A, %dma_wait3A_54, %dma_wait3A_55] : memref<2x2560x128xi32, #tpu.memory_space<hbm>> -> memref<1x2560x128xi32, #tpu.memory_space<hbm>>
        %dma_wait3A_57 = tpu.memref_squeeze %dma_wait3A_56 : memref<1x2560x128xi32, #tpu.memory_space<hbm>> -> memref<2560x128xi32, #tpu.memory_space<hbm>>
        %dma_wait3A_58 = arith.constant 0 : i32
        %dma_wait3A_59 = tpu.memref_slice %dma_wait3A_57[%add3A_19, %dma_wait3A_58] : memref<2560x128xi32, #tpu.memory_space<hbm>> -> memref<8x128xi32, #tpu.memory_space<hbm>>
        %dma_wait3A_60 = arith.constant 0 : i32
        %dma_wait3A_61 = arith.constant 0 : i32
        %dma_wait3A_62 = tpu.memref_slice %arg6[%run_scoped3A_20, %dma_wait3A_60, %dma_wait3A_61] : memref<2x8x128xi32, #tpu.memory_space<vmem>> -> memref<1x8x128xi32, #tpu.memory_space<vmem>>
        %dma_wait3A_63 = tpu.memref_squeeze %dma_wait3A_62 : memref<1x8x128xi32, #tpu.memory_space<vmem>> -> memref<8x128xi32, #tpu.memory_space<vmem>>
        %dma_wait3A_64 = arith.constant 0 : i32
        %dma_wait3A_65 = arith.constant 0 : i32
        %dma_wait3A_66 = tpu.memref_slice %arg2[%run_scoped3A, %dma_wait3A_64, %dma_wait3A_65] : memref<2x2560x128xi32, #tpu.memory_space<hbm>> -> memref<1x2560x128xi32, #tpu.memory_space<hbm>>
        %dma_wait3A_67 = tpu.memref_squeeze %dma_wait3A_66 : memref<1x2560x128xi32, #tpu.memory_space<hbm>> -> memref<2560x128xi32, #tpu.memory_space<hbm>>
        %dma_wait3A_68 = arith.constant 0 : i32
        %dma_wait3A_69 = tpu.memref_slice %dma_wait3A_67[%add3A_19, %dma_wait3A_68] : memref<2560x128xi32, #tpu.memory_space<hbm>> -> memref<8x128xi32, #tpu.memory_space<hbm>>
        tpu.wait_dma2 semaphore(%run_scoped3A_31 : memref<!tpu.dma_semaphore, #tpu.memory_space<semaphore_mem>>) src(%dma_wait3A_69 : memref<8x128xi32, #tpu.memory_space<hbm>>) dst(%dma_wait3A_63 : memref<8x128xi32, #tpu.memory_space<vmem>>)
        tpu.yield
      }) : () -> ()
      %mul3A_21 = arith.constant 80 : i32
      %mul3A_22 = arith.muli %add3A, %mul3A_21 : i32
      %add3A_23 = arith.addi %mul3A_22, %add3A_16 : i32
      %run_scoped3A_24 = arith.constant 1 : i32
      %run_scoped3A_25 = arith.constant 1 : i32
      "tpu.region"() ({
        %run_scoped3A_31 = tpu.sem_alloc : memref<!tpu.dma_semaphore, #tpu.memory_space<semaphore_mem>>
        %dma_start3A = arith.constant 0 : i32
        %dma_start3A_32 = arith.constant 0 : i32
        %dma_start3A_33 = tpu.memref_slice %arg6[%run_scoped3A_25, %dma_start3A, %dma_start3A_32] : memref<2x8x128xi32, #tpu.memory_space<vmem>> -> memref<1x8x128xi32, #tpu.memory_space<vmem>>
        %dma_start3A_34 = tpu.memref_squeeze %dma_start3A_33 : memref<1x8x128xi32, #tpu.memory_space<vmem>> -> memref<8x128xi32, #tpu.memory_space<vmem>>
        %dma_start3A_35 = arith.constant 0 : i32
        %dma_start3A_36 = arith.constant 0 : i32
        %dma_start3A_37 = tpu.memref_slice %arg2[%run_scoped3A_24, %dma_start3A_35, %dma_start3A_36] : memref<2x2560x128xi32, #tpu.memory_space<hbm>> -> memref<1x2560x128xi32, #tpu.memory_space<hbm>>
        %dma_start3A_38 = tpu.memref_squeeze %dma_start3A_37 : memref<1x2560x128xi32, #tpu.memory_space<hbm>> -> memref<2560x128xi32, #tpu.memory_space<hbm>>
        %dma_start3A_39 = arith.constant 0 : i32
        %dma_start3A_40 = tpu.memref_slice %dma_start3A_38[%add3A_23, %dma_start3A_39] : memref<2560x128xi32, #tpu.memory_space<hbm>> -> memref<8x128xi32, #tpu.memory_space<hbm>>
        %dma_start3A_41 = arith.constant 0 : i32
        %dma_start3A_42 = arith.constant 0 : i32
        %dma_start3A_43 = tpu.memref_slice %arg6[%run_scoped3A_25, %dma_start3A_41, %dma_start3A_42] : memref<2x8x128xi32, #tpu.memory_space<vmem>> -> memref<1x8x128xi32, #tpu.memory_space<vmem>>
        %dma_start3A_44 = tpu.memref_squeeze %dma_start3A_43 : memref<1x8x128xi32, #tpu.memory_space<vmem>> -> memref<8x128xi32, #tpu.memory_space<vmem>>
        %dma_start3A_45 = arith.constant 0 : i32
        %dma_start3A_46 = arith.constant 0 : i32
        %dma_start3A_47 = tpu.memref_slice %arg2[%run_scoped3A_24, %dma_start3A_45, %dma_start3A_46] : memref<2x2560x128xi32, #tpu.memory_space<hbm>> -> memref<1x2560x128xi32, #tpu.memory_space<hbm>>
        %dma_start3A_48 = tpu.memref_squeeze %dma_start3A_47 : memref<1x2560x128xi32, #tpu.memory_space<hbm>> -> memref<2560x128xi32, #tpu.memory_space<hbm>>
        %dma_start3A_49 = arith.constant 0 : i32
        %dma_start3A_50 = tpu.memref_slice %dma_start3A_48[%add3A_23, %dma_start3A_49] : memref<2560x128xi32, #tpu.memory_space<hbm>> -> memref<8x128xi32, #tpu.memory_space<hbm>>
        tpu.enqueue_dma source(%dma_start3A_50 : memref<8x128xi32, #tpu.memory_space<hbm>>) target(%dma_start3A_44 : memref<8x128xi32, #tpu.memory_space<vmem>>) target_semaphore(%run_scoped3A_31 : memref<!tpu.dma_semaphore, #tpu.memory_space<semaphore_mem>>)
        %dma_wait3A = arith.constant 0 : i32
        %dma_wait3A_51 = arith.constant 0 : i32
        %dma_wait3A_52 = tpu.memref_slice %arg6[%run_scoped3A_25, %dma_wait3A, %dma_wait3A_51] : memref<2x8x128xi32, #tpu.memory_space<vmem>> -> memref<1x8x128xi32, #tpu.memory_space<vmem>>
        %dma_wait3A_53 = tpu.memref_squeeze %dma_wait3A_52 : memref<1x8x128xi32, #tpu.memory_space<vmem>> -> memref<8x128xi32, #tpu.memory_space<vmem>>
        %dma_wait3A_54 = arith.constant 0 : i32
        %dma_wait3A_55 = arith.constant 0 : i32
        %dma_wait3A_56 = tpu.memref_slice %arg2[%run_scoped3A_24, %dma_wait3A_54, %dma_wait3A_55] : memref<2x2560x128xi32, #tpu.memory_space<hbm>> -> memref<1x2560x128xi32, #tpu.memory_space<hbm>>
        %dma_wait3A_57 = tpu.memref_squeeze %dma_wait3A_56 : memref<1x2560x128xi32, #tpu.memory_space<hbm>> -> memref<2560x128xi32, #tpu.memory_space<hbm>>
        %dma_wait3A_58 = arith.constant 0 : i32
        %dma_wait3A_59 = tpu.memref_slice %dma_wait3A_57[%add3A_23, %dma_wait3A_58] : memref<2560x128xi32, #tpu.memory_space<hbm>> -> memref<8x128xi32, #tpu.memory_space<hbm>>
        %dma_wait3A_60 = arith.constant 0 : i32
        %dma_wait3A_61 = arith.constant 0 : i32
        %dma_wait3A_62 = tpu.memref_slice %arg6[%run_scoped3A_25, %dma_wait3A_60, %dma_wait3A_61] : memref<2x8x128xi32, #tpu.memory_space<vmem>> -> memref<1x8x128xi32, #tpu.memory_space<vmem>>
        %dma_wait3A_63 = tpu.memref_squeeze %dma_wait3A_62 : memref<1x8x128xi32, #tpu.memory_space<vmem>> -> memref<8x128xi32, #tpu.memory_space<vmem>>
        %dma_wait3A_64 = arith.constant 0 : i32
        %dma_wait3A_65 = arith.constant 0 : i32
        %dma_wait3A_66 = tpu.memref_slice %arg2[%run_scoped3A_24, %dma_wait3A_64, %dma_wait3A_65] : memref<2x2560x128xi32, #tpu.memory_space<hbm>> -> memref<1x2560x128xi32, #tpu.memory_space<hbm>>
        %dma_wait3A_67 = tpu.memref_squeeze %dma_wait3A_66 : memref<1x2560x128xi32, #tpu.memory_space<hbm>> -> memref<2560x128xi32, #tpu.memory_space<hbm>>
        %dma_wait3A_68 = arith.constant 0 : i32
        %dma_wait3A_69 = tpu.memref_slice %dma_wait3A_67[%add3A_23, %dma_wait3A_68] : memref<2560x128xi32, #tpu.memory_space<hbm>> -> memref<8x128xi32, #tpu.memory_space<hbm>>
        tpu.wait_dma2 semaphore(%run_scoped3A_31 : memref<!tpu.dma_semaphore, #tpu.memory_space<semaphore_mem>>) src(%dma_wait3A_69 : memref<8x128xi32, #tpu.memory_space<hbm>>) dst(%dma_wait3A_63 : memref<8x128xi32, #tpu.memory_space<vmem>>)
        tpu.yield
      }) : () -> ()
      %scan3A_26 = arith.constant 0 : i32
      %scan3A_27 = arith.constant 8 : i32
      %scan3A_28 = arith.addi %scan3A_26, %scan3A_27 : i32
      %scan3A_29 = arith.constant 1 : i32
      scf.for %scan3A_31 = %scan3A_26 to %scan3A_28 step %scan3A_29  : i32 {
        %mul3A_32 = arith.constant 1 : i32
        %mul3A_33 = arith.muli %scan3A_31, %mul3A_32 : i32
        %add3A_34 = arith.constant 0 : i32
        %add3A_35 = arith.addi %add3A_34, %mul3A_33 : i32
        %run_scoped3A_36 = arith.constant 0 : i32
        %run_scoped3A_37 = arith.constant 0 : i32
        "tpu.region"() ({
          %run_scoped3A_40 = tpu.sem_alloc : memref<!tpu.dma_semaphore, #tpu.memory_space<semaphore_mem>>
          %dma_start3A = arith.constant 0 : i32
          %dma_start3A_41 = arith.constant 0 : i32
          %dma_start3A_42 = tpu.memref_slice %arg7[%run_scoped3A_36, %dma_start3A, %dma_start3A_41] : memref<2x128x128xf32, #tpu.memory_space<vmem>> -> memref<1x128x128xf32, #tpu.memory_space<vmem>>
          %dma_start3A_43 = tpu.memref_squeeze %dma_start3A_42 : memref<1x128x128xf32, #tpu.memory_space<vmem>> -> memref<128x128xf32, #tpu.memory_space<vmem>>
          %dma_start3A_44 = arith.constant 0 : i32
          %dma_start3A_45 = arith.constant 0 : i32
          %dma_start3A_46 = tpu.memref_slice %arg6[%run_scoped3A_37, %dma_start3A_44, %dma_start3A_45] : memref<2x8x128xi32, #tpu.memory_space<vmem>> -> memref<1x8x128xi32, #tpu.memory_space<vmem>>
          %dma_start3A_47 = tpu.memref_squeeze %dma_start3A_46 : memref<1x8x128xi32, #tpu.memory_space<vmem>> -> memref<8x128xi32, #tpu.memory_space<vmem>>
          %dma_start3A_48 = arith.constant 0 : i32
          %dma_start3A_49 = tpu.memref_slice %dma_start3A_47[%add3A_35, %dma_start3A_48] : memref<8x128xi32, #tpu.memory_space<vmem>> -> memref<1x128xi32, #tpu.memory_space<vmem>>
          %dma_start3A_50 = tpu.memref_squeeze %dma_start3A_49 : memref<1x128xi32, #tpu.memory_space<vmem>> -> memref<128xi32, #tpu.memory_space<vmem>>
          %dma_start3A_51 = arith.constant 0 : i32
          %dma_start3A_52 = arith.constant 0 : i32
          %dma_start3A_53 = tpu.memref_slice %arg8[%dma_start3A_51, %dma_start3A_52] : memref<10112x128xf32, #tpu.memory_space<vmem_shared>> -> memref<10112x128xf32, #tpu.memory_space<vmem_shared>>
          tpu.enqueue_indirect_dma source(%dma_start3A_43 : memref<128x128xf32, #tpu.memory_space<vmem>>) target(%dma_start3A_53 : memref<10112x128xf32, #tpu.memory_space<vmem_shared>>) offsets(%dma_start3A_50 : memref<128xi32, #tpu.memory_space<vmem>>) semaphore(%run_scoped3A_40 : memref<!tpu.dma_semaphore, #tpu.memory_space<semaphore_mem>>) {add = true}
          %dma_wait3A = arith.constant 0 : i32
          %dma_wait3A_54 = arith.constant 0 : i32
          %dma_wait3A_55 = tpu.memref_slice %arg7[%run_scoped3A_36, %dma_wait3A, %dma_wait3A_54] : memref<2x128x128xf32, #tpu.memory_space<vmem>> -> memref<1x128x128xf32, #tpu.memory_space<vmem>>
          %dma_wait3A_56 = tpu.memref_squeeze %dma_wait3A_55 : memref<1x128x128xf32, #tpu.memory_space<vmem>> -> memref<128x128xf32, #tpu.memory_space<vmem>>
          %dma_wait3A_57 = arith.constant 0 : i32
          %dma_wait3A_58 = arith.constant 0 : i32
          %dma_wait3A_59 = tpu.memref_slice %arg6[%run_scoped3A_37, %dma_wait3A_57, %dma_wait3A_58] : memref<2x8x128xi32, #tpu.memory_space<vmem>> -> memref<1x8x128xi32, #tpu.memory_space<vmem>>
          %dma_wait3A_60 = tpu.memref_squeeze %dma_wait3A_59 : memref<1x8x128xi32, #tpu.memory_space<vmem>> -> memref<8x128xi32, #tpu.memory_space<vmem>>
          %dma_wait3A_61 = arith.constant 0 : i32
          %dma_wait3A_62 = tpu.memref_slice %dma_wait3A_60[%add3A_35, %dma_wait3A_61] : memref<8x128xi32, #tpu.memory_space<vmem>> -> memref<1x128xi32, #tpu.memory_space<vmem>>
          %dma_wait3A_63 = tpu.memref_squeeze %dma_wait3A_62 : memref<1x128xi32, #tpu.memory_space<vmem>> -> memref<128xi32, #tpu.memory_space<vmem>>
          %dma_wait3A_64 = arith.constant 0 : i32
          %dma_wait3A_65 = arith.constant 0 : i32
          %dma_wait3A_66 = tpu.memref_slice %arg8[%dma_wait3A_64, %dma_wait3A_65] : memref<10112x128xf32, #tpu.memory_space<vmem_shared>> -> memref<10112x128xf32, #tpu.memory_space<vmem_shared>>
          tpu.wait_indirect_dma semaphore(%run_scoped3A_40 : memref<!tpu.dma_semaphore, #tpu.memory_space<semaphore_mem>>) src(%dma_wait3A_56 : memref<128x128xf32, #tpu.memory_space<vmem>>) dst(%dma_wait3A_66 : memref<10112x128xf32, #tpu.memory_space<vmem_shared>>)
          tpu.yield
        }) : () -> ()
        %run_scoped3A_38 = arith.constant 1 : i32
        %run_scoped3A_39 = arith.constant 1 : i32
        "tpu.region"() ({
          %run_scoped3A_40 = tpu.sem_alloc : memref<!tpu.dma_semaphore, #tpu.memory_space<semaphore_mem>>
          %dma_start3A = arith.constant 0 : i32
          %dma_start3A_41 = arith.constant 0 : i32
          %dma_start3A_42 = tpu.memref_slice %arg7[%run_scoped3A_38, %dma_start3A, %dma_start3A_41] : memref<2x128x128xf32, #tpu.memory_space<vmem>> -> memref<1x128x128xf32, #tpu.memory_space<vmem>>
          %dma_start3A_43 = tpu.memref_squeeze %dma_start3A_42 : memref<1x128x128xf32, #tpu.memory_space<vmem>> -> memref<128x128xf32, #tpu.memory_space<vmem>>
          %dma_start3A_44 = arith.constant 0 : i32
          %dma_start3A_45 = arith.constant 0 : i32
          %dma_start3A_46 = tpu.memref_slice %arg6[%run_scoped3A_39, %dma_start3A_44, %dma_start3A_45] : memref<2x8x128xi32, #tpu.memory_space<vmem>> -> memref<1x8x128xi32, #tpu.memory_space<vmem>>
          %dma_start3A_47 = tpu.memref_squeeze %dma_start3A_46 : memref<1x8x128xi32, #tpu.memory_space<vmem>> -> memref<8x128xi32, #tpu.memory_space<vmem>>
          %dma_start3A_48 = arith.constant 0 : i32
          %dma_start3A_49 = tpu.memref_slice %dma_start3A_47[%add3A_35, %dma_start3A_48] : memref<8x128xi32, #tpu.memory_space<vmem>> -> memref<1x128xi32, #tpu.memory_space<vmem>>
          %dma_start3A_50 = tpu.memref_squeeze %dma_start3A_49 : memref<1x128xi32, #tpu.memory_space<vmem>> -> memref<128xi32, #tpu.memory_space<vmem>>
          %dma_start3A_51 = arith.constant 0 : i32
          %dma_start3A_52 = arith.constant 0 : i32
          %dma_start3A_53 = tpu.memref_slice %arg8[%dma_start3A_51, %dma_start3A_52] : memref<10112x128xf32, #tpu.memory_space<vmem_shared>> -> memref<10112x128xf32, #tpu.memory_space<vmem_shared>>
          tpu.enqueue_indirect_dma source(%dma_start3A_43 : memref<128x128xf32, #tpu.memory_space<vmem>>) target(%dma_start3A_53 : memref<10112x128xf32, #tpu.memory_space<vmem_shared>>) offsets(%dma_start3A_50 : memref<128xi32, #tpu.memory_space<vmem>>) semaphore(%run_scoped3A_40 : memref<!tpu.dma_semaphore, #tpu.memory_space<semaphore_mem>>) {add = true}
          %dma_wait3A = arith.constant 0 : i32
          %dma_wait3A_54 = arith.constant 0 : i32
          %dma_wait3A_55 = tpu.memref_slice %arg7[%run_scoped3A_38, %dma_wait3A, %dma_wait3A_54] : memref<2x128x128xf32, #tpu.memory_space<vmem>> -> memref<1x128x128xf32, #tpu.memory_space<vmem>>
          %dma_wait3A_56 = tpu.memref_squeeze %dma_wait3A_55 : memref<1x128x128xf32, #tpu.memory_space<vmem>> -> memref<128x128xf32, #tpu.memory_space<vmem>>
          %dma_wait3A_57 = arith.constant 0 : i32
          %dma_wait3A_58 = arith.constant 0 : i32
          %dma_wait3A_59 = tpu.memref_slice %arg6[%run_scoped3A_39, %dma_wait3A_57, %dma_wait3A_58] : memref<2x8x128xi32, #tpu.memory_space<vmem>> -> memref<1x8x128xi32, #tpu.memory_space<vmem>>
          %dma_wait3A_60 = tpu.memref_squeeze %dma_wait3A_59 : memref<1x8x128xi32, #tpu.memory_space<vmem>> -> memref<8x128xi32, #tpu.memory_space<vmem>>
          %dma_wait3A_61 = arith.constant 0 : i32
          %dma_wait3A_62 = tpu.memref_slice %dma_wait3A_60[%add3A_35, %dma_wait3A_61] : memref<8x128xi32, #tpu.memory_space<vmem>> -> memref<1x128xi32, #tpu.memory_space<vmem>>
          %dma_wait3A_63 = tpu.memref_squeeze %dma_wait3A_62 : memref<1x128xi32, #tpu.memory_space<vmem>> -> memref<128xi32, #tpu.memory_space<vmem>>
          %dma_wait3A_64 = arith.constant 0 : i32
          %dma_wait3A_65 = arith.constant 0 : i32
          %dma_wait3A_66 = tpu.memref_slice %arg8[%dma_wait3A_64, %dma_wait3A_65] : memref<10112x128xf32, #tpu.memory_space<vmem_shared>> -> memref<10112x128xf32, #tpu.memory_space<vmem_shared>>
          tpu.wait_indirect_dma semaphore(%run_scoped3A_40 : memref<!tpu.dma_semaphore, #tpu.memory_space<semaphore_mem>>) src(%dma_wait3A_56 : memref<128x128xf32, #tpu.memory_space<vmem>>) dst(%dma_wait3A_66 : memref<10112x128xf32, #tpu.memory_space<vmem_shared>>)
          tpu.yield
        }) : () -> ()
      }
      %scan3A_30 = arith.constant 8 : i32
    }
    %scan3A_6 = arith.constant 10 : i32
    %barrier3A_7 = arith.constant 0 : index
    tpu.barrier barrier_id(%barrier3A_7)
    %mul3A_8 = arith.constant 632 : i32
    %mul3A_9 = arith.muli %arg1, %mul3A_8 : i32
    %mul3A_10 = arith.constant 632 : i32
    %mul3A_11 = arith.muli %arg1, %mul3A_10 : i32
    "tpu.region"() ({
      %run_scoped3A = tpu.sem_alloc : memref<!tpu.dma_semaphore, #tpu.memory_space<semaphore_mem>>
      %dma_start3A = arith.constant 0 : i32
      %dma_start3A_12 = arith.constant 0 : i32
      %dma_start3A_13 = tpu.memref_slice %arg5[%arg0, %dma_start3A, %dma_start3A_12] : memref<2x10112x128xf32, #tpu.memory_space<hbm>> -> memref<1x10112x128xf32, #tpu.memory_space<hbm>>
      %dma_start3A_14 = tpu.memref_squeeze %dma_start3A_13 : memref<1x10112x128xf32, #tpu.memory_space<hbm>> -> memref<10112x128xf32, #tpu.memory_space<hbm>>
      %dma_start3A_15 = arith.constant 0 : i32
      %dma_start3A_16 = tpu.memref_slice %dma_start3A_14[%mul3A_11, %dma_start3A_15] : memref<10112x128xf32, #tpu.memory_space<hbm>> -> memref<632x128xf32, #tpu.memory_space<hbm>>
      %dma_start3A_17 = arith.constant 0 : i32
      %dma_start3A_18 = tpu.memref_slice %arg8[%mul3A_9, %dma_start3A_17] : memref<10112x128xf32, #tpu.memory_space<vmem_shared>> -> memref<632x128xf32, #tpu.memory_space<vmem_shared>>
      tpu.enqueue_dma source(%dma_start3A_18 : memref<632x128xf32, #tpu.memory_space<vmem_shared>>) target(%dma_start3A_16 : memref<632x128xf32, #tpu.memory_space<hbm>>) target_semaphore(%run_scoped3A : memref<!tpu.dma_semaphore, #tpu.memory_space<semaphore_mem>>)
      %dma_wait3A = arith.constant 0 : i32
      %dma_wait3A_19 = arith.constant 0 : i32
      %dma_wait3A_20 = tpu.memref_slice %arg5[%arg0, %dma_wait3A, %dma_wait3A_19] : memref<2x10112x128xf32, #tpu.memory_space<hbm>> -> memref<1x10112x128xf32, #tpu.memory_space<hbm>>
      %dma_wait3A_21 = tpu.memref_squeeze %dma_wait3A_20 : memref<1x10112x128xf32, #tpu.memory_space<hbm>> -> memref<10112x128xf32, #tpu.memory_space<hbm>>
      %dma_wait3A_22 = arith.constant 0 : i32
      %dma_wait3A_23 = tpu.memref_slice %dma_wait3A_21[%mul3A_11, %dma_wait3A_22] : memref<10112x128xf32, #tpu.memory_space<hbm>> -> memref<632x128xf32, #tpu.memory_space<hbm>>
      %dma_wait3A_24 = arith.constant 0 : i32
      %dma_wait3A_25 = tpu.memref_slice %arg8[%mul3A_9, %dma_wait3A_24] : memref<10112x128xf32, #tpu.memory_space<vmem_shared>> -> memref<632x128xf32, #tpu.memory_space<vmem_shared>>
      tpu.wait_dma2 semaphore(%run_scoped3A : memref<!tpu.dma_semaphore, #tpu.memory_space<semaphore_mem>>) src(%dma_wait3A_25 : memref<632x128xf32, #tpu.memory_space<vmem_shared>>) dst(%dma_wait3A_23 : memref<632x128xf32, #tpu.memory_space<hbm>>)
      tpu.yield
    }) : () -> ()
    return
  }
}

#map = affine_map<(d0, d1) -> (0, 0, 0)>
#map1 = affine_map<(d0, d1) -> (0, 0)>
module attributes {stable_mosaic.version = 14 : i64} {
  func.func @deg(%arg0: i32, %arg1: i32, %arg2: memref<2x2560x128xi32, #tpu.memory_space<hbm>>, %arg3: memref<2x128x128xf32, #tpu.memory_space<hbm>>, %arg4: memref<632x128xf32, #tpu.memory_space<hbm>>, %arg5: memref<2x10112x128xf32, #tpu.memory_space<hbm>>, %arg6: memref<2x8x128xi32, #tpu.memory_space<vmem>>, %arg7: memref<2x128x128xf32, #tpu.memory_space<vmem>>, %arg8: memref<10112x128xf32, #tpu.memory_space<vmem_shared>>) attributes {dimension_semantics = [#tpu.dimension_semantics<core_parallel>, #tpu.dimension_semantics<subcore_parallel>], iteration_bounds = array<i64: 2, 16>, scalar_prefetch = 0 : i64, scratch_operands = 3 : i64, tpu.core_type = #tpu.core_type<sc_vector_subcore>, window_params = [{transform_indices = #map}, {transform_indices = #map}, {transform_indices = #map1}, {transform_indices = #map}]} {
    %mul3A = arith.constant 16 : i32
    %mul3A_0 = arith.muli %arg0, %mul3A : i32
    %add3A = arith.addi %mul3A_0, %arg1 : i32
    "tpu.region"() ({
      %run_scoped3A = tpu.sem_alloc : memref<!tpu.dma_semaphore, #tpu.memory_space<semaphore_mem>>
      tpu.enqueue_dma source(%arg3 : memref<2x128x128xf32, #tpu.memory_space<hbm>>) target(%arg7 : memref<2x128x128xf32, #tpu.memory_space<vmem>>) target_semaphore(%run_scoped3A : memref<!tpu.dma_semaphore, #tpu.memory_space<semaphore_mem>>)
      tpu.wait_dma2 semaphore(%run_scoped3A : memref<!tpu.dma_semaphore, #tpu.memory_space<semaphore_mem>>) src(%arg3 : memref<2x128x128xf32, #tpu.memory_space<hbm>>) dst(%arg7 : memref<2x128x128xf32, #tpu.memory_space<vmem>>)
      tpu.yield
    }) : () -> ()
    %mul3A_1 = arith.constant 632 : i32
    %mul3A_2 = arith.muli %arg1, %mul3A_1 : i32
    "tpu.region"() ({
      %run_scoped3A = tpu.sem_alloc : memref<!tpu.dma_semaphore, #tpu.memory_space<semaphore_mem>>
      %dma_start3A = arith.constant 0 : i32
      %dma_start3A_12 = tpu.memref_slice %arg8[%mul3A_2, %dma_start3A] : memref<10112x128xf32, #tpu.memory_space<vmem_shared>> -> memref<632x128xf32, #tpu.memory_space<vmem_shared>>
      tpu.enqueue_dma source(%arg4 : memref<632x128xf32, #tpu.memory_space<hbm>>) target(%dma_start3A_12 : memref<632x128xf32, #tpu.memory_space<vmem_shared>>) target_semaphore(%run_scoped3A : memref<!tpu.dma_semaphore, #tpu.memory_space<semaphore_mem>>)
      %dma_wait3A = arith.constant 0 : i32
      %dma_wait3A_13 = tpu.memref_slice %arg8[%mul3A_2, %dma_wait3A] : memref<10112x128xf32, #tpu.memory_space<vmem_shared>> -> memref<632x128xf32, #tpu.memory_space<vmem_shared>>
      tpu.wait_dma2 semaphore(%run_scoped3A : memref<!tpu.dma_semaphore, #tpu.memory_space<semaphore_mem>>) src(%arg4 : memref<632x128xf32, #tpu.memory_space<hbm>>) dst(%dma_wait3A_13 : memref<632x128xf32, #tpu.memory_space<vmem_shared>>)
      tpu.yield
    }) : () -> ()
    %barrier3A = arith.constant 0 : index
    tpu.barrier barrier_id(%barrier3A)
    %scan3A = arith.constant 0 : i32
    %scan3A_3 = arith.constant 10 : i32
    %scan3A_4 = arith.addi %scan3A, %scan3A_3 : i32
    %scan3A_5 = arith.constant 1 : i32
    scf.for %scan3A_12 = %scan3A to %scan3A_4 step %scan3A_5  : i32 {
      %mul3A_13 = arith.constant 8 : i32
      %mul3A_14 = arith.muli %scan3A_12, %mul3A_13 : i32
      %add3A_15 = arith.constant 0 : i32
      %add3A_16 = arith.addi %add3A_15, %mul3A_14 : i32
      %mul3A_17 = arith.constant 80 : i32
      %mul3A_18 = arith.muli %add3A, %mul3A_17 : i32
      %add3A_19 = arith.addi %mul3A_18, %add3A_16 : i32
      %run_scoped3A = arith.constant 0 : i32
      %run_scoped3A_20 = arith.constant 0 : i32
      "tpu.region"() ({
        %run_scoped3A_31 = tpu.sem_alloc : memref<!tpu.dma_semaphore, #tpu.memory_space<semaphore_mem>>
        %dma_start3A = arith.constant 0 : i32
        %dma_start3A_32 = arith.constant 0 : i32
        %dma_start3A_33 = tpu.memref_slice %arg6[%run_scoped3A_20, %dma_start3A, %dma_start3A_32] : memref<2x8x128xi32, #tpu.memory_space<vmem>> -> memref<1x8x128xi32, #tpu.memory_space<vmem>>
        %dma_start3A_34 = tpu.memref_squeeze %dma_start3A_33 : memref<1x8x128xi32, #tpu.memory_space<vmem>> -> memref<8x128xi32, #tpu.memory_space<vmem>>
        %dma_start3A_35 = arith.constant 0 : i32
        %dma_start3A_36 = arith.constant 0 : i32
        %dma_start3A_37 = tpu.memref_slice %arg2[%run_scoped3A, %dma_start3A_35, %dma_start3A_36] : memref<2x2560x128xi32, #tpu.memory_space<hbm>> -> memref<1x2560x128xi32, #tpu.memory_space<hbm>>
        %dma_start3A_38 = tpu.memref_squeeze %dma_start3A_37 : memref<1x2560x128xi32, #tpu.memory_space<hbm>> -> memref<2560x128xi32, #tpu.memory_space<hbm>>
        %dma_start3A_39 = arith.constant 0 : i32
        %dma_start3A_40 = tpu.memref_slice %dma_start3A_38[%add3A_19, %dma_start3A_39] : memref<2560x128xi32, #tpu.memory_space<hbm>> -> memref<8x128xi32, #tpu.memory_space<hbm>>
        %dma_start3A_41 = arith.constant 0 : i32
        %dma_start3A_42 = arith.constant 0 : i32
        %dma_start3A_43 = tpu.memref_slice %arg6[%run_scoped3A_20, %dma_start3A_41, %dma_start3A_42] : memref<2x8x128xi32, #tpu.memory_space<vmem>> -> memref<1x8x128xi32, #tpu.memory_space<vmem>>
        %dma_start3A_44 = tpu.memref_squeeze %dma_start3A_43 : memref<1x8x128xi32, #tpu.memory_space<vmem>> -> memref<8x128xi32, #tpu.memory_space<vmem>>
        %dma_start3A_45 = arith.constant 0 : i32
        %dma_start3A_46 = arith.constant 0 : i32
        %dma_start3A_47 = tpu.memref_slice %arg2[%run_scoped3A, %dma_start3A_45, %dma_start3A_46] : memref<2x2560x128xi32, #tpu.memory_space<hbm>> -> memref<1x2560x128xi32, #tpu.memory_space<hbm>>
        %dma_start3A_48 = tpu.memref_squeeze %dma_start3A_47 : memref<1x2560x128xi32, #tpu.memory_space<hbm>> -> memref<2560x128xi32, #tpu.memory_space<hbm>>
        %dma_start3A_49 = arith.constant 0 : i32
        %dma_start3A_50 = tpu.memref_slice %dma_start3A_48[%add3A_19, %dma_start3A_49] : memref<2560x128xi32, #tpu.memory_space<hbm>> -> memref<8x128xi32, #tpu.memory_space<hbm>>
        tpu.enqueue_dma source(%dma_start3A_50 : memref<8x128xi32, #tpu.memory_space<hbm>>) target(%dma_start3A_44 : memref<8x128xi32, #tpu.memory_space<vmem>>) target_semaphore(%run_scoped3A_31 : memref<!tpu.dma_semaphore, #tpu.memory_space<semaphore_mem>>)
        %dma_wait3A = arith.constant 0 : i32
        %dma_wait3A_51 = arith.constant 0 : i32
        %dma_wait3A_52 = tpu.memref_slice %arg6[%run_scoped3A_20, %dma_wait3A, %dma_wait3A_51] : memref<2x8x128xi32, #tpu.memory_space<vmem>> -> memref<1x8x128xi32, #tpu.memory_space<vmem>>
        %dma_wait3A_53 = tpu.memref_squeeze %dma_wait3A_52 : memref<1x8x128xi32, #tpu.memory_space<vmem>> -> memref<8x128xi32, #tpu.memory_space<vmem>>
        %dma_wait3A_54 = arith.constant 0 : i32
        %dma_wait3A_55 = arith.constant 0 : i32
        %dma_wait3A_56 = tpu.memref_slice %arg2[%run_scoped3A, %dma_wait3A_54, %dma_wait3A_55] : memref<2x2560x128xi32, #tpu.memory_space<hbm>> -> memref<1x2560x128xi32, #tpu.memory_space<hbm>>
        %dma_wait3A_57 = tpu.memref_squeeze %dma_wait3A_56 : memref<1x2560x128xi32, #tpu.memory_space<hbm>> -> memref<2560x128xi32, #tpu.memory_space<hbm>>
        %dma_wait3A_58 = arith.constant 0 : i32
        %dma_wait3A_59 = tpu.memref_slice %dma_wait3A_57[%add3A_19, %dma_wait3A_58] : memref<2560x128xi32, #tpu.memory_space<hbm>> -> memref<8x128xi32, #tpu.memory_space<hbm>>
        %dma_wait3A_60 = arith.constant 0 : i32
        %dma_wait3A_61 = arith.constant 0 : i32
        %dma_wait3A_62 = tpu.memref_slice %arg6[%run_scoped3A_20, %dma_wait3A_60, %dma_wait3A_61] : memref<2x8x128xi32, #tpu.memory_space<vmem>> -> memref<1x8x128xi32, #tpu.memory_space<vmem>>
        %dma_wait3A_63 = tpu.memref_squeeze %dma_wait3A_62 : memref<1x8x128xi32, #tpu.memory_space<vmem>> -> memref<8x128xi32, #tpu.memory_space<vmem>>
        %dma_wait3A_64 = arith.constant 0 : i32
        %dma_wait3A_65 = arith.constant 0 : i32
        %dma_wait3A_66 = tpu.memref_slice %arg2[%run_scoped3A, %dma_wait3A_64, %dma_wait3A_65] : memref<2x2560x128xi32, #tpu.memory_space<hbm>> -> memref<1x2560x128xi32, #tpu.memory_space<hbm>>
        %dma_wait3A_67 = tpu.memref_squeeze %dma_wait3A_66 : memref<1x2560x128xi32, #tpu.memory_space<hbm>> -> memref<2560x128xi32, #tpu.memory_space<hbm>>
        %dma_wait3A_68 = arith.constant 0 : i32
        %dma_wait3A_69 = tpu.memref_slice %dma_wait3A_67[%add3A_19, %dma_wait3A_68] : memref<2560x128xi32, #tpu.memory_space<hbm>> -> memref<8x128xi32, #tpu.memory_space<hbm>>
        tpu.wait_dma2 semaphore(%run_scoped3A_31 : memref<!tpu.dma_semaphore, #tpu.memory_space<semaphore_mem>>) src(%dma_wait3A_69 : memref<8x128xi32, #tpu.memory_space<hbm>>) dst(%dma_wait3A_63 : memref<8x128xi32, #tpu.memory_space<vmem>>)
        tpu.yield
      }) : () -> ()
      %mul3A_21 = arith.constant 80 : i32
      %mul3A_22 = arith.muli %add3A, %mul3A_21 : i32
      %add3A_23 = arith.addi %mul3A_22, %add3A_16 : i32
      %run_scoped3A_24 = arith.constant 1 : i32
      %run_scoped3A_25 = arith.constant 1 : i32
      "tpu.region"() ({
        %run_scoped3A_31 = tpu.sem_alloc : memref<!tpu.dma_semaphore, #tpu.memory_space<semaphore_mem>>
        %dma_start3A = arith.constant 0 : i32
        %dma_start3A_32 = arith.constant 0 : i32
        %dma_start3A_33 = tpu.memref_slice %arg6[%run_scoped3A_25, %dma_start3A, %dma_start3A_32] : memref<2x8x128xi32, #tpu.memory_space<vmem>> -> memref<1x8x128xi32, #tpu.memory_space<vmem>>
        %dma_start3A_34 = tpu.memref_squeeze %dma_start3A_33 : memref<1x8x128xi32, #tpu.memory_space<vmem>> -> memref<8x128xi32, #tpu.memory_space<vmem>>
        %dma_start3A_35 = arith.constant 0 : i32
        %dma_start3A_36 = arith.constant 0 : i32
        %dma_start3A_37 = tpu.memref_slice %arg2[%run_scoped3A_24, %dma_start3A_35, %dma_start3A_36] : memref<2x2560x128xi32, #tpu.memory_space<hbm>> -> memref<1x2560x128xi32, #tpu.memory_space<hbm>>
        %dma_start3A_38 = tpu.memref_squeeze %dma_start3A_37 : memref<1x2560x128xi32, #tpu.memory_space<hbm>> -> memref<2560x128xi32, #tpu.memory_space<hbm>>
        %dma_start3A_39 = arith.constant 0 : i32
        %dma_start3A_40 = tpu.memref_slice %dma_start3A_38[%add3A_23, %dma_start3A_39] : memref<2560x128xi32, #tpu.memory_space<hbm>> -> memref<8x128xi32, #tpu.memory_space<hbm>>
        %dma_start3A_41 = arith.constant 0 : i32
        %dma_start3A_42 = arith.constant 0 : i32
        %dma_start3A_43 = tpu.memref_slice %arg6[%run_scoped3A_25, %dma_start3A_41, %dma_start3A_42] : memref<2x8x128xi32, #tpu.memory_space<vmem>> -> memref<1x8x128xi32, #tpu.memory_space<vmem>>
        %dma_start3A_44 = tpu.memref_squeeze %dma_start3A_43 : memref<1x8x128xi32, #tpu.memory_space<vmem>> -> memref<8x128xi32, #tpu.memory_space<vmem>>
        %dma_start3A_45 = arith.constant 0 : i32
        %dma_start3A_46 = arith.constant 0 : i32
        %dma_start3A_47 = tpu.memref_slice %arg2[%run_scoped3A_24, %dma_start3A_45, %dma_start3A_46] : memref<2x2560x128xi32, #tpu.memory_space<hbm>> -> memref<1x2560x128xi32, #tpu.memory_space<hbm>>
        %dma_start3A_48 = tpu.memref_squeeze %dma_start3A_47 : memref<1x2560x128xi32, #tpu.memory_space<hbm>> -> memref<2560x128xi32, #tpu.memory_space<hbm>>
        %dma_start3A_49 = arith.constant 0 : i32
        %dma_start3A_50 = tpu.memref_slice %dma_start3A_48[%add3A_23, %dma_start3A_49] : memref<2560x128xi32, #tpu.memory_space<hbm>> -> memref<8x128xi32, #tpu.memory_space<hbm>>
        tpu.enqueue_dma source(%dma_start3A_50 : memref<8x128xi32, #tpu.memory_space<hbm>>) target(%dma_start3A_44 : memref<8x128xi32, #tpu.memory_space<vmem>>) target_semaphore(%run_scoped3A_31 : memref<!tpu.dma_semaphore, #tpu.memory_space<semaphore_mem>>)
        %dma_wait3A = arith.constant 0 : i32
        %dma_wait3A_51 = arith.constant 0 : i32
        %dma_wait3A_52 = tpu.memref_slice %arg6[%run_scoped3A_25, %dma_wait3A, %dma_wait3A_51] : memref<2x8x128xi32, #tpu.memory_space<vmem>> -> memref<1x8x128xi32, #tpu.memory_space<vmem>>
        %dma_wait3A_53 = tpu.memref_squeeze %dma_wait3A_52 : memref<1x8x128xi32, #tpu.memory_space<vmem>> -> memref<8x128xi32, #tpu.memory_space<vmem>>
        %dma_wait3A_54 = arith.constant 0 : i32
        %dma_wait3A_55 = arith.constant 0 : i32
        %dma_wait3A_56 = tpu.memref_slice %arg2[%run_scoped3A_24, %dma_wait3A_54, %dma_wait3A_55] : memref<2x2560x128xi32, #tpu.memory_space<hbm>> -> memref<1x2560x128xi32, #tpu.memory_space<hbm>>
        %dma_wait3A_57 = tpu.memref_squeeze %dma_wait3A_56 : memref<1x2560x128xi32, #tpu.memory_space<hbm>> -> memref<2560x128xi32, #tpu.memory_space<hbm>>
        %dma_wait3A_58 = arith.constant 0 : i32
        %dma_wait3A_59 = tpu.memref_slice %dma_wait3A_57[%add3A_23, %dma_wait3A_58] : memref<2560x128xi32, #tpu.memory_space<hbm>> -> memref<8x128xi32, #tpu.memory_space<hbm>>
        %dma_wait3A_60 = arith.constant 0 : i32
        %dma_wait3A_61 = arith.constant 0 : i32
        %dma_wait3A_62 = tpu.memref_slice %arg6[%run_scoped3A_25, %dma_wait3A_60, %dma_wait3A_61] : memref<2x8x128xi32, #tpu.memory_space<vmem>> -> memref<1x8x128xi32, #tpu.memory_space<vmem>>
        %dma_wait3A_63 = tpu.memref_squeeze %dma_wait3A_62 : memref<1x8x128xi32, #tpu.memory_space<vmem>> -> memref<8x128xi32, #tpu.memory_space<vmem>>
        %dma_wait3A_64 = arith.constant 0 : i32
        %dma_wait3A_65 = arith.constant 0 : i32
        %dma_wait3A_66 = tpu.memref_slice %arg2[%run_scoped3A_24, %dma_wait3A_64, %dma_wait3A_65] : memref<2x2560x128xi32, #tpu.memory_space<hbm>> -> memref<1x2560x128xi32, #tpu.memory_space<hbm>>
        %dma_wait3A_67 = tpu.memref_squeeze %dma_wait3A_66 : memref<1x2560x128xi32, #tpu.memory_space<hbm>> -> memref<2560x128xi32, #tpu.memory_space<hbm>>
        %dma_wait3A_68 = arith.constant 0 : i32
        %dma_wait3A_69 = tpu.memref_slice %dma_wait3A_67[%add3A_23, %dma_wait3A_68] : memref<2560x128xi32, #tpu.memory_space<hbm>> -> memref<8x128xi32, #tpu.memory_space<hbm>>
        tpu.wait_dma2 semaphore(%run_scoped3A_31 : memref<!tpu.dma_semaphore, #tpu.memory_space<semaphore_mem>>) src(%dma_wait3A_69 : memref<8x128xi32, #tpu.memory_space<hbm>>) dst(%dma_wait3A_63 : memref<8x128xi32, #tpu.memory_space<vmem>>)
        tpu.yield
      }) : () -> ()
      %scan3A_26 = arith.constant 0 : i32
      %scan3A_27 = arith.constant 8 : i32
      %scan3A_28 = arith.addi %scan3A_26, %scan3A_27 : i32
      %scan3A_29 = arith.constant 1 : i32
      scf.for %scan3A_31 = %scan3A_26 to %scan3A_28 step %scan3A_29  : i32 {
        %mul3A_32 = arith.constant 1 : i32
        %mul3A_33 = arith.muli %scan3A_31, %mul3A_32 : i32
        %add3A_34 = arith.constant 0 : i32
        %add3A_35 = arith.addi %add3A_34, %mul3A_33 : i32
        %run_scoped3A_36 = arith.constant 0 : i32
        %run_scoped3A_37 = arith.constant 0 : i32
        "tpu.region"() ({
          %run_scoped3A_40 = tpu.sem_alloc : memref<!tpu.dma_semaphore, #tpu.memory_space<semaphore_mem>>
          %dma_start3A = arith.constant 0 : i32
          %dma_start3A_41 = arith.constant 0 : i32
          %dma_start3A_42 = tpu.memref_slice %arg7[%run_scoped3A_36, %dma_start3A, %dma_start3A_41] : memref<2x128x128xf32, #tpu.memory_space<vmem>> -> memref<1x128x128xf32, #tpu.memory_space<vmem>>
          %dma_start3A_43 = tpu.memref_squeeze %dma_start3A_42 : memref<1x128x128xf32, #tpu.memory_space<vmem>> -> memref<128x128xf32, #tpu.memory_space<vmem>>
          %dma_start3A_44 = arith.constant 0 : i32
          %dma_start3A_45 = arith.constant 0 : i32
          %dma_start3A_46 = tpu.memref_slice %arg6[%run_scoped3A_37, %dma_start3A_44, %dma_start3A_45] : memref<2x8x128xi32, #tpu.memory_space<vmem>> -> memref<1x8x128xi32, #tpu.memory_space<vmem>>
          %dma_start3A_47 = tpu.memref_squeeze %dma_start3A_46 : memref<1x8x128xi32, #tpu.memory_space<vmem>> -> memref<8x128xi32, #tpu.memory_space<vmem>>
          %dma_start3A_48 = arith.constant 0 : i32
          %dma_start3A_49 = tpu.memref_slice %dma_start3A_47[%add3A_35, %dma_start3A_48] : memref<8x128xi32, #tpu.memory_space<vmem>> -> memref<1x128xi32, #tpu.memory_space<vmem>>
          %dma_start3A_50 = tpu.memref_squeeze %dma_start3A_49 : memref<1x128xi32, #tpu.memory_space<vmem>> -> memref<128xi32, #tpu.memory_space<vmem>>
          %dma_start3A_51 = arith.constant 0 : i32
          %dma_start3A_52 = arith.constant 0 : i32
          %dma_start3A_53 = tpu.memref_slice %arg8[%dma_start3A_51, %dma_start3A_52] : memref<10112x128xf32, #tpu.memory_space<vmem_shared>> -> memref<10112x128xf32, #tpu.memory_space<vmem_shared>>
          tpu.enqueue_indirect_dma source(%dma_start3A_43 : memref<128x128xf32, #tpu.memory_space<vmem>>) target(%dma_start3A_53 : memref<10112x128xf32, #tpu.memory_space<vmem_shared>>) offsets(%dma_start3A_50 : memref<128xi32, #tpu.memory_space<vmem>>) semaphore(%run_scoped3A_40 : memref<!tpu.dma_semaphore, #tpu.memory_space<semaphore_mem>>) {add = true}
          %dma_wait3A = arith.constant 0 : i32
          %dma_wait3A_54 = arith.constant 0 : i32
          %dma_wait3A_55 = tpu.memref_slice %arg7[%run_scoped3A_36, %dma_wait3A, %dma_wait3A_54] : memref<2x128x128xf32, #tpu.memory_space<vmem>> -> memref<1x128x128xf32, #tpu.memory_space<vmem>>
          %dma_wait3A_56 = tpu.memref_squeeze %dma_wait3A_55 : memref<1x128x128xf32, #tpu.memory_space<vmem>> -> memref<128x128xf32, #tpu.memory_space<vmem>>
          %dma_wait3A_57 = arith.constant 0 : i32
          %dma_wait3A_58 = arith.constant 0 : i32
          %dma_wait3A_59 = tpu.memref_slice %arg6[%run_scoped3A_37, %dma_wait3A_57, %dma_wait3A_58] : memref<2x8x128xi32, #tpu.memory_space<vmem>> -> memref<1x8x128xi32, #tpu.memory_space<vmem>>
          %dma_wait3A_60 = tpu.memref_squeeze %dma_wait3A_59 : memref<1x8x128xi32, #tpu.memory_space<vmem>> -> memref<8x128xi32, #tpu.memory_space<vmem>>
          %dma_wait3A_61 = arith.constant 0 : i32
          %dma_wait3A_62 = tpu.memref_slice %dma_wait3A_60[%add3A_35, %dma_wait3A_61] : memref<8x128xi32, #tpu.memory_space<vmem>> -> memref<1x128xi32, #tpu.memory_space<vmem>>
          %dma_wait3A_63 = tpu.memref_squeeze %dma_wait3A_62 : memref<1x128xi32, #tpu.memory_space<vmem>> -> memref<128xi32, #tpu.memory_space<vmem>>
          %dma_wait3A_64 = arith.constant 0 : i32
          %dma_wait3A_65 = arith.constant 0 : i32
          %dma_wait3A_66 = tpu.memref_slice %arg8[%dma_wait3A_64, %dma_wait3A_65] : memref<10112x128xf32, #tpu.memory_space<vmem_shared>> -> memref<10112x128xf32, #tpu.memory_space<vmem_shared>>
          tpu.wait_indirect_dma semaphore(%run_scoped3A_40 : memref<!tpu.dma_semaphore, #tpu.memory_space<semaphore_mem>>) src(%dma_wait3A_56 : memref<128x128xf32, #tpu.memory_space<vmem>>) dst(%dma_wait3A_66 : memref<10112x128xf32, #tpu.memory_space<vmem_shared>>)
          tpu.yield
        }) : () -> ()
        %run_scoped3A_38 = arith.constant 1 : i32
        %run_scoped3A_39 = arith.constant 1 : i32
        "tpu.region"() ({
          %run_scoped3A_40 = tpu.sem_alloc : memref<!tpu.dma_semaphore, #tpu.memory_space<semaphore_mem>>
          %dma_start3A = arith.constant 0 : i32
          %dma_start3A_41 = arith.constant 0 : i32
          %dma_start3A_42 = tpu.memref_slice %arg7[%run_scoped3A_38, %dma_start3A, %dma_start3A_41] : memref<2x128x128xf32, #tpu.memory_space<vmem>> -> memref<1x128x128xf32, #tpu.memory_space<vmem>>
          %dma_start3A_43 = tpu.memref_squeeze %dma_start3A_42 : memref<1x128x128xf32, #tpu.memory_space<vmem>> -> memref<128x128xf32, #tpu.memory_space<vmem>>
          %dma_start3A_44 = arith.constant 0 : i32
          %dma_start3A_45 = arith.constant 0 : i32
          %dma_start3A_46 = tpu.memref_slice %arg6[%run_scoped3A_39, %dma_start3A_44, %dma_start3A_45] : memref<2x8x128xi32, #tpu.memory_space<vmem>> -> memref<1x8x128xi32, #tpu.memory_space<vmem>>
          %dma_start3A_47 = tpu.memref_squeeze %dma_start3A_46 : memref<1x8x128xi32, #tpu.memory_space<vmem>> -> memref<8x128xi32, #tpu.memory_space<vmem>>
          %dma_start3A_48 = arith.constant 0 : i32
          %dma_start3A_49 = tpu.memref_slice %dma_start3A_47[%add3A_35, %dma_start3A_48] : memref<8x128xi32, #tpu.memory_space<vmem>> -> memref<1x128xi32, #tpu.memory_space<vmem>>
          %dma_start3A_50 = tpu.memref_squeeze %dma_start3A_49 : memref<1x128xi32, #tpu.memory_space<vmem>> -> memref<128xi32, #tpu.memory_space<vmem>>
          %dma_start3A_51 = arith.constant 0 : i32
          %dma_start3A_52 = arith.constant 0 : i32
          %dma_start3A_53 = tpu.memref_slice %arg8[%dma_start3A_51, %dma_start3A_52] : memref<10112x128xf32, #tpu.memory_space<vmem_shared>> -> memref<10112x128xf32, #tpu.memory_space<vmem_shared>>
          tpu.enqueue_indirect_dma source(%dma_start3A_43 : memref<128x128xf32, #tpu.memory_space<vmem>>) target(%dma_start3A_53 : memref<10112x128xf32, #tpu.memory_space<vmem_shared>>) offsets(%dma_start3A_50 : memref<128xi32, #tpu.memory_space<vmem>>) semaphore(%run_scoped3A_40 : memref<!tpu.dma_semaphore, #tpu.memory_space<semaphore_mem>>) {add = true}
          %dma_wait3A = arith.constant 0 : i32
          %dma_wait3A_54 = arith.constant 0 : i32
          %dma_wait3A_55 = tpu.memref_slice %arg7[%run_scoped3A_38, %dma_wait3A, %dma_wait3A_54] : memref<2x128x128xf32, #tpu.memory_space<vmem>> -> memref<1x128x128xf32, #tpu.memory_space<vmem>>
          %dma_wait3A_56 = tpu.memref_squeeze %dma_wait3A_55 : memref<1x128x128xf32, #tpu.memory_space<vmem>> -> memref<128x128xf32, #tpu.memory_space<vmem>>
          %dma_wait3A_57 = arith.constant 0 : i32
          %dma_wait3A_58 = arith.constant 0 : i32
          %dma_wait3A_59 = tpu.memref_slice %arg6[%run_scoped3A_39, %dma_wait3A_57, %dma_wait3A_58] : memref<2x8x128xi32, #tpu.memory_space<vmem>> -> memref<1x8x128xi32, #tpu.memory_space<vmem>>
          %dma_wait3A_60 = tpu.memref_squeeze %dma_wait3A_59 : memref<1x8x128xi32, #tpu.memory_space<vmem>> -> memref<8x128xi32, #tpu.memory_space<vmem>>
          %dma_wait3A_61 = arith.constant 0 : i32
          %dma_wait3A_62 = tpu.memref_slice %dma_wait3A_60[%add3A_35, %dma_wait3A_61] : memref<8x128xi32, #tpu.memory_space<vmem>> -> memref<1x128xi32, #tpu.memory_space<vmem>>
          %dma_wait3A_63 = tpu.memref_squeeze %dma_wait3A_62 : memref<1x128xi32, #tpu.memory_space<vmem>> -> memref<128xi32, #tpu.memory_space<vmem>>
          %dma_wait3A_64 = arith.constant 0 : i32
          %dma_wait3A_65 = arith.constant 0 : i32
          %dma_wait3A_66 = tpu.memref_slice %arg8[%dma_wait3A_64, %dma_wait3A_65] : memref<10112x128xf32, #tpu.memory_space<vmem_shared>> -> memref<10112x128xf32, #tpu.memory_space<vmem_shared>>
          tpu.wait_indirect_dma semaphore(%run_scoped3A_40 : memref<!tpu.dma_semaphore, #tpu.memory_space<semaphore_mem>>) src(%dma_wait3A_56 : memref<128x128xf32, #tpu.memory_space<vmem>>) dst(%dma_wait3A_66 : memref<10112x128xf32, #tpu.memory_space<vmem_shared>>)
          tpu.yield
        }) : () -> ()
      }
      %scan3A_30 = arith.constant 8 : i32
    }
    %scan3A_6 = arith.constant 10 : i32
    %barrier3A_7 = arith.constant 0 : index
    tpu.barrier barrier_id(%barrier3A_7)
    %mul3A_8 = arith.constant 632 : i32
    %mul3A_9 = arith.muli %arg1, %mul3A_8 : i32
    %mul3A_10 = arith.constant 632 : i32
    %mul3A_11 = arith.muli %arg1, %mul3A_10 : i32
    "tpu.region"() ({
      %run_scoped3A = tpu.sem_alloc : memref<!tpu.dma_semaphore, #tpu.memory_space<semaphore_mem>>
      %dma_start3A = arith.constant 0 : i32
      %dma_start3A_12 = arith.constant 0 : i32
      %dma_start3A_13 = tpu.memref_slice %arg5[%arg0, %dma_start3A, %dma_start3A_12] : memref<2x10112x128xf32, #tpu.memory_space<hbm>> -> memref<1x10112x128xf32, #tpu.memory_space<hbm>>
      %dma_start3A_14 = tpu.memref_squeeze %dma_start3A_13 : memref<1x10112x128xf32, #tpu.memory_space<hbm>> -> memref<10112x128xf32, #tpu.memory_space<hbm>>
      %dma_start3A_15 = arith.constant 0 : i32
      %dma_start3A_16 = tpu.memref_slice %dma_start3A_14[%mul3A_11, %dma_start3A_15] : memref<10112x128xf32, #tpu.memory_space<hbm>> -> memref<632x128xf32, #tpu.memory_space<hbm>>
      %dma_start3A_17 = arith.constant 0 : i32
      %dma_start3A_18 = tpu.memref_slice %arg8[%mul3A_9, %dma_start3A_17] : memref<10112x128xf32, #tpu.memory_space<vmem_shared>> -> memref<632x128xf32, #tpu.memory_space<vmem_shared>>
      tpu.enqueue_dma source(%dma_start3A_18 : memref<632x128xf32, #tpu.memory_space<vmem_shared>>) target(%dma_start3A_16 : memref<632x128xf32, #tpu.memory_space<hbm>>) target_semaphore(%run_scoped3A : memref<!tpu.dma_semaphore, #tpu.memory_space<semaphore_mem>>)
      %dma_wait3A = arith.constant 0 : i32
      %dma_wait3A_19 = arith.constant 0 : i32
      %dma_wait3A_20 = tpu.memref_slice %arg5[%arg0, %dma_wait3A, %dma_wait3A_19] : memref<2x10112x128xf32, #tpu.memory_space<hbm>> -> memref<1x10112x128xf32, #tpu.memory_space<hbm>>
      %dma_wait3A_21 = tpu.memref_squeeze %dma_wait3A_20 : memref<1x10112x128xf32, #tpu.memory_space<hbm>> -> memref<10112x128xf32, #tpu.memory_space<hbm>>
      %dma_wait3A_22 = arith.constant 0 : i32
      %dma_wait3A_23 = tpu.memref_slice %dma_wait3A_21[%mul3A_11, %dma_wait3A_22] : memref<10112x128xf32, #tpu.memory_space<hbm>> -> memref<632x128xf32, #tpu.memory_space<hbm>>
      %dma_wait3A_24 = arith.constant 0 : i32
      %dma_wait3A_25 = tpu.memref_slice %arg8[%mul3A_9, %dma_wait3A_24] : memref<10112x128xf32, #tpu.memory_space<vmem_shared>> -> memref<632x128xf32, #tpu.memory_space<vmem_shared>>
      tpu.wait_dma2 semaphore(%run_scoped3A : memref<!tpu.dma_semaphore, #tpu.memory_space<semaphore_mem>>) src(%dma_wait3A_25 : memref<632x128xf32, #tpu.memory_space<vmem_shared>>) dst(%dma_wait3A_23 : memref<632x128xf32, #tpu.memory_space<hbm>>)
      tpu.yield
    }) : () -> ()
    return
  }
}

#map = affine_map<(d0, d1) -> (0, 0)>
#map1 = affine_map<(d0, d1) -> (0, 0, 0)>
module attributes {stable_mosaic.version = 14 : i64} {
  func.func @gs(%arg0: i32, %arg1: i32, %arg2: memref<10112x128xf32, #tpu.memory_space<hbm>>, %arg3: memref<5120x64xi32, #tpu.memory_space<hbm>>, %arg4: memref<5120x64xi32, #tpu.memory_space<hbm>>, %arg5: memref<632x128xf32, #tpu.memory_space<hbm>>, %arg6: memref<2x10112x128xf32, #tpu.memory_space<hbm>>, %arg7: memref<8x64xi32, #tpu.memory_space<vmem>>, %arg8: memref<8x64xi32, #tpu.memory_space<vmem>>, %arg9: memref<4x64x128xf32, #tpu.memory_space<vmem>>, %arg10: memref<10112x128xf32, #tpu.memory_space<vmem_shared>>, %arg11: memref<!tpu.dma_semaphore, #tpu.memory_space<semaphore_mem>>, %arg12: memref<!tpu.dma_semaphore, #tpu.memory_space<semaphore_mem>>, %arg13: memref<!tpu.dma_semaphore, #tpu.memory_space<semaphore_mem>>, %arg14: memref<!tpu.dma_semaphore, #tpu.memory_space<semaphore_mem>>, %arg15: memref<!tpu.dma_semaphore, #tpu.memory_space<semaphore_mem>>, %arg16: memref<!tpu.dma_semaphore, #tpu.memory_space<semaphore_mem>>, %arg17: memref<!tpu.dma_semaphore, #tpu.memory_space<semaphore_mem>>, %arg18: memref<!tpu.dma_semaphore, #tpu.memory_space<semaphore_mem>>) attributes {dimension_semantics = [#tpu.dimension_semantics<core_parallel>, #tpu.dimension_semantics<subcore_parallel>], iteration_bounds = array<i64: 2, 16>, scalar_prefetch = 0 : i64, scratch_operands = 12 : i64, tpu.core_type = #tpu.core_type<sc_vector_subcore>, window_params = [{transform_indices = #map}, {transform_indices = #map}, {transform_indices = #map}, {transform_indices = #map}, {transform_indices = #map1}]} {
    %mul3A = arith.constant 16 : i32
    %mul3A_0 = arith.muli %arg0, %mul3A : i32
    %add3A = arith.addi %mul3A_0, %arg1 : i32
    %mul3A_1 = arith.constant 160 : i32
    %mul3A_2 = arith.muli %add3A, %mul3A_1 : i32
    %mul3A_3 = arith.constant 632 : i32
    %mul3A_4 = arith.muli %arg1, %mul3A_3 : i32
    "tpu.region"() ({
      %run_scoped3A = tpu.sem_alloc : memref<!tpu.dma_semaphore, #tpu.memory_space<semaphore_mem>>
      %dma_start3A = arith.constant 0 : i32
      %dma_start3A_14 = tpu.memref_slice %arg10[%mul3A_4, %dma_start3A] : memref<10112x128xf32, #tpu.memory_space<vmem_shared>> -> memref<632x128xf32, #tpu.memory_space<vmem_shared>>
      tpu.enqueue_dma source(%arg5 : memref<632x128xf32, #tpu.memory_space<hbm>>) target(%dma_start3A_14 : memref<632x128xf32, #tpu.memory_space<vmem_shared>>) target_semaphore(%run_scoped3A : memref<!tpu.dma_semaphore, #tpu.memory_space<semaphore_mem>>)
      %dma_wait3A = arith.constant 0 : i32
      %dma_wait3A_15 = tpu.memref_slice %arg10[%mul3A_4, %dma_wait3A] : memref<10112x128xf32, #tpu.memory_space<vmem_shared>> -> memref<632x128xf32, #tpu.memory_space<vmem_shared>>
      tpu.wait_dma2 semaphore(%run_scoped3A : memref<!tpu.dma_semaphore, #tpu.memory_space<semaphore_mem>>) src(%arg5 : memref<632x128xf32, #tpu.memory_space<hbm>>) dst(%dma_wait3A_15 : memref<632x128xf32, #tpu.memory_space<vmem_shared>>)
      tpu.yield
    }) : () -> ()
    %barrier3A = arith.constant 0 : index
    tpu.barrier barrier_id(%barrier3A)
    %scan3A = arith.constant 0 : i32
    %scan3A_5 = arith.constant 20 : i32
    %scan3A_6 = arith.addi %scan3A, %scan3A_5 : i32
    %scan3A_7 = arith.constant 1 : i32
    scf.for %scan3A_14 = %scan3A to %scan3A_6 step %scan3A_7  : i32 {
      %mul3A_15 = arith.constant 8 : i32
      %mul3A_16 = arith.muli %scan3A_14, %mul3A_15 : i32
      %add3A_17 = arith.constant 0 : i32
      %add3A_18 = arith.addi %add3A_17, %mul3A_16 : i32
      %add3A_19 = arith.addi %mul3A_2, %add3A_18 : i32
      "tpu.region"() ({
        %run_scoped3A = tpu.sem_alloc : memref<!tpu.dma_semaphore, #tpu.memory_space<semaphore_mem>>
        %dma_start3A_403 = arith.constant 0 : i32
        %dma_start3A_404 = tpu.memref_slice %arg3[%add3A_19, %dma_start3A_403] : memref<5120x64xi32, #tpu.memory_space<hbm>> -> memref<8x64xi32, #tpu.memory_space<hbm>>
        %dma_start3A_405 = arith.constant 0 : i32
        %dma_start3A_406 = tpu.memref_slice %arg3[%add3A_19, %dma_start3A_405] : memref<5120x64xi32, #tpu.memory_space<hbm>> -> memref<8x64xi32, #tpu.memory_space<hbm>>
        tpu.enqueue_dma source(%dma_start3A_406 : memref<8x64xi32, #tpu.memory_space<hbm>>) target(%arg7 : memref<8x64xi32, #tpu.memory_space<vmem>>) target_semaphore(%run_scoped3A : memref<!tpu.dma_semaphore, #tpu.memory_space<semaphore_mem>>)
        %dma_wait3A_407 = arith.constant 0 : i32
        %dma_wait3A_408 = tpu.memref_slice %arg3[%add3A_19, %dma_wait3A_407] : memref<5120x64xi32, #tpu.memory_space<hbm>> -> memref<8x64xi32, #tpu.memory_space<hbm>>
        %dma_wait3A_409 = arith.constant 0 : i32
        %dma_wait3A_410 = tpu.memref_slice %arg3[%add3A_19, %dma_wait3A_409] : memref<5120x64xi32, #tpu.memory_space<hbm>> -> memref<8x64xi32, #tpu.memory_space<hbm>>
        tpu.wait_dma2 semaphore(%run_scoped3A : memref<!tpu.dma_semaphore, #tpu.memory_space<semaphore_mem>>) src(%dma_wait3A_410 : memref<8x64xi32, #tpu.memory_space<hbm>>) dst(%arg7 : memref<8x64xi32, #tpu.memory_space<vmem>>)
        tpu.yield
      }) : () -> ()
      %add3A_20 = arith.addi %mul3A_2, %add3A_18 : i32
      "tpu.region"() ({
        %run_scoped3A = tpu.sem_alloc : memref<!tpu.dma_semaphore, #tpu.memory_space<semaphore_mem>>
        %dma_start3A_403 = arith.constant 0 : i32
        %dma_start3A_404 = tpu.memref_slice %arg4[%add3A_20, %dma_start3A_403] : memref<5120x64xi32, #tpu.memory_space<hbm>> -> memref<8x64xi32, #tpu.memory_space<hbm>>
        %dma_start3A_405 = arith.constant 0 : i32
        %dma_start3A_406 = tpu.memref_slice %arg4[%add3A_20, %dma_start3A_405] : memref<5120x64xi32, #tpu.memory_space<hbm>> -> memref<8x64xi32, #tpu.memory_space<hbm>>
        tpu.enqueue_dma source(%dma_start3A_406 : memref<8x64xi32, #tpu.memory_space<hbm>>) target(%arg8 : memref<8x64xi32, #tpu.memory_space<vmem>>) target_semaphore(%run_scoped3A : memref<!tpu.dma_semaphore, #tpu.memory_space<semaphore_mem>>)
        %dma_wait3A_407 = arith.constant 0 : i32
        %dma_wait3A_408 = tpu.memref_slice %arg4[%add3A_20, %dma_wait3A_407] : memref<5120x64xi32, #tpu.memory_space<hbm>> -> memref<8x64xi32, #tpu.memory_space<hbm>>
        %dma_wait3A_409 = arith.constant 0 : i32
        %dma_wait3A_410 = tpu.memref_slice %arg4[%add3A_20, %dma_wait3A_409] : memref<5120x64xi32, #tpu.memory_space<hbm>> -> memref<8x64xi32, #tpu.memory_space<hbm>>
        tpu.wait_dma2 semaphore(%run_scoped3A : memref<!tpu.dma_semaphore, #tpu.memory_space<semaphore_mem>>) src(%dma_wait3A_410 : memref<8x64xi32, #tpu.memory_space<hbm>>) dst(%arg8 : memref<8x64xi32, #tpu.memory_space<vmem>>)
        tpu.yield
      }) : () -> ()
      %dma_start3A = arith.constant 0 : i32
      %dma_start3A_21 = arith.constant 0 : i32
      %dma_start3A_22 = arith.constant 0 : i32
      %dma_start3A_23 = arith.constant 0 : i32
      %dma_start3A_24 = tpu.memref_slice %arg9[%dma_start3A_21, %dma_start3A_22, %dma_start3A_23] : memref<4x64x128xf32, #tpu.memory_space<vmem>> -> memref<1x64x128xf32, #tpu.memory_space<vmem>>
      %dma_start3A_25 = tpu.memref_squeeze %dma_start3A_24 : memref<1x64x128xf32, #tpu.memory_space<vmem>> -> memref<64x128xf32, #tpu.memory_space<vmem>>
      %dma_start3A_26 = arith.constant 0 : i32
      %dma_start3A_27 = tpu.memref_slice %arg7[%dma_start3A, %dma_start3A_26] : memref<8x64xi32, #tpu.memory_space<vmem>> -> memref<1x64xi32, #tpu.memory_space<vmem>>
      %dma_start3A_28 = tpu.memref_squeeze %dma_start3A_27 : memref<1x64xi32, #tpu.memory_space<vmem>> -> memref<64xi32, #tpu.memory_space<vmem>>
      %dma_start3A_29 = arith.constant 0 : i32
      %dma_start3A_30 = arith.constant 0 : i32
      %dma_start3A_31 = tpu.memref_slice %arg2[%dma_start3A_29, %dma_start3A_30] : memref<10112x128xf32, #tpu.memory_space<hbm>> -> memref<10112x128xf32, #tpu.memory_space<hbm>>
      tpu.enqueue_indirect_dma source(%dma_start3A_31 : memref<10112x128xf32, #tpu.memory_space<hbm>>) target(%dma_start3A_25 : memref<64x128xf32, #tpu.memory_space<vmem>>) offsets(%dma_start3A_28 : memref<64xi32, #tpu.memory_space<vmem>>) semaphore(%arg11 : memref<!tpu.dma_semaphore, #tpu.memory_space<semaphore_mem>>)
      %dma_start3A_32 = arith.constant 1 : i32
      %dma_start3A_33 = arith.constant 1 : i32
      %dma_start3A_34 = arith.constant 0 : i32
      %dma_start3A_35 = arith.constant 0 : i32
      %dma_start3A_36 = tpu.memref_slice %arg9[%dma_start3A_33, %dma_start3A_34, %dma_start3A_35] : memref<4x64x128xf32, #tpu.memory_space<vmem>> -> memref<1x64x128xf32, #tpu.memory_space<vmem>>
      %dma_start3A_37 = tpu.memref_squeeze %dma_start3A_36 : memref<1x64x128xf32, #tpu.memory_space<vmem>> -> memref<64x128xf32, #tpu.memory_space<vmem>>
      %dma_start3A_38 = arith.constant 0 : i32
      %dma_start3A_39 = tpu.memref_slice %arg7[%dma_start3A_32, %dma_start3A_38] : memref<8x64xi32, #tpu.memory_space<vmem>> -> memref<1x64xi32, #tpu.memory_space<vmem>>
      %dma_start3A_40 = tpu.memref_squeeze %dma_start3A_39 : memref<1x64xi32, #tpu.memory_space<vmem>> -> memref<64xi32, #tpu.memory_space<vmem>>
      %dma_start3A_41 = arith.constant 0 : i32
      %dma_start3A_42 = arith.constant 0 : i32
      %dma_start3A_43 = tpu.memref_slice %arg2[%dma_start3A_41, %dma_start3A_42] : memref<10112x128xf32, #tpu.memory_space<hbm>> -> memref<10112x128xf32, #tpu.memory_space<hbm>>
      tpu.enqueue_indirect_dma source(%dma_start3A_43 : memref<10112x128xf32, #tpu.memory_space<hbm>>) target(%dma_start3A_37 : memref<64x128xf32, #tpu.memory_space<vmem>>) offsets(%dma_start3A_40 : memref<64xi32, #tpu.memory_space<vmem>>) semaphore(%arg12 : memref<!tpu.dma_semaphore, #tpu.memory_space<semaphore_mem>>)
      %dma_start3A_44 = arith.constant 2 : i32
      %dma_start3A_45 = arith.constant 2 : i32
      %dma_start3A_46 = arith.constant 0 : i32
      %dma_start3A_47 = arith.constant 0 : i32
      %dma_start3A_48 = tpu.memref_slice %arg9[%dma_start3A_45, %dma_start3A_46, %dma_start3A_47] : memref<4x64x128xf32, #tpu.memory_space<vmem>> -> memref<1x64x128xf32, #tpu.memory_space<vmem>>
      %dma_start3A_49 = tpu.memref_squeeze %dma_start3A_48 : memref<1x64x128xf32, #tpu.memory_space<vmem>> -> memref<64x128xf32, #tpu.memory_space<vmem>>
      %dma_start3A_50 = arith.constant 0 : i32
      %dma_start3A_51 = tpu.memref_slice %arg7[%dma_start3A_44, %dma_start3A_50] : memref<8x64xi32, #tpu.memory_space<vmem>> -> memref<1x64xi32, #tpu.memory_space<vmem>>
      %dma_start3A_52 = tpu.memref_squeeze %dma_start3A_51 : memref<1x64xi32, #tpu.memory_space<vmem>> -> memref<64xi32, #tpu.memory_space<vmem>>
      %dma_start3A_53 = arith.constant 0 : i32
      %dma_start3A_54 = arith.constant 0 : i32
      %dma_start3A_55 = tpu.memref_slice %arg2[%dma_start3A_53, %dma_start3A_54] : memref<10112x128xf32, #tpu.memory_space<hbm>> -> memref<10112x128xf32, #tpu.memory_space<hbm>>
      tpu.enqueue_indirect_dma source(%dma_start3A_55 : memref<10112x128xf32, #tpu.memory_space<hbm>>) target(%dma_start3A_49 : memref<64x128xf32, #tpu.memory_space<vmem>>) offsets(%dma_start3A_52 : memref<64xi32, #tpu.memory_space<vmem>>) semaphore(%arg13 : memref<!tpu.dma_semaphore, #tpu.memory_space<semaphore_mem>>)
      %dma_start3A_56 = arith.constant 3 : i32
      %dma_start3A_57 = arith.constant 3 : i32
      %dma_start3A_58 = arith.constant 0 : i32
      %dma_start3A_59 = arith.constant 0 : i32
      %dma_start3A_60 = tpu.memref_slice %arg9[%dma_start3A_57, %dma_start3A_58, %dma_start3A_59] : memref<4x64x128xf32, #tpu.memory_space<vmem>> -> memref<1x64x128xf32, #tpu.memory_space<vmem>>
      %dma_start3A_61 = tpu.memref_squeeze %dma_start3A_60 : memref<1x64x128xf32, #tpu.memory_space<vmem>> -> memref<64x128xf32, #tpu.memory_space<vmem>>
      %dma_start3A_62 = arith.constant 0 : i32
      %dma_start3A_63 = tpu.memref_slice %arg7[%dma_start3A_56, %dma_start3A_62] : memref<8x64xi32, #tpu.memory_space<vmem>> -> memref<1x64xi32, #tpu.memory_space<vmem>>
      %dma_start3A_64 = tpu.memref_squeeze %dma_start3A_63 : memref<1x64xi32, #tpu.memory_space<vmem>> -> memref<64xi32, #tpu.memory_space<vmem>>
      %dma_start3A_65 = arith.constant 0 : i32
      %dma_start3A_66 = arith.constant 0 : i32
      %dma_start3A_67 = tpu.memref_slice %arg2[%dma_start3A_65, %dma_start3A_66] : memref<10112x128xf32, #tpu.memory_space<hbm>> -> memref<10112x128xf32, #tpu.memory_space<hbm>>
      tpu.enqueue_indirect_dma source(%dma_start3A_67 : memref<10112x128xf32, #tpu.memory_space<hbm>>) target(%dma_start3A_61 : memref<64x128xf32, #tpu.memory_space<vmem>>) offsets(%dma_start3A_64 : memref<64xi32, #tpu.memory_space<vmem>>) semaphore(%arg14 : memref<!tpu.dma_semaphore, #tpu.memory_space<semaphore_mem>>)
      %dma_wait3A = arith.constant 0 : i32
      %dma_wait3A_68 = arith.constant 0 : i32
      %dma_wait3A_69 = arith.constant 0 : i32
      %dma_wait3A_70 = arith.constant 0 : i32
      %dma_wait3A_71 = tpu.memref_slice %arg9[%dma_wait3A_68, %dma_wait3A_69, %dma_wait3A_70] : memref<4x64x128xf32, #tpu.memory_space<vmem>> -> memref<1x64x128xf32, #tpu.memory_space<vmem>>
      %dma_wait3A_72 = tpu.memref_squeeze %dma_wait3A_71 : memref<1x64x128xf32, #tpu.memory_space<vmem>> -> memref<64x128xf32, #tpu.memory_space<vmem>>
      %dma_wait3A_73 = arith.constant 0 : i32
      %dma_wait3A_74 = tpu.memref_slice %arg7[%dma_wait3A, %dma_wait3A_73] : memref<8x64xi32, #tpu.memory_space<vmem>> -> memref<1x64xi32, #tpu.memory_space<vmem>>
      %dma_wait3A_75 = tpu.memref_squeeze %dma_wait3A_74 : memref<1x64xi32, #tpu.memory_space<vmem>> -> memref<64xi32, #tpu.memory_space<vmem>>
      %dma_wait3A_76 = arith.constant 0 : i32
      %dma_wait3A_77 = arith.constant 0 : i32
      %dma_wait3A_78 = tpu.memref_slice %arg2[%dma_wait3A_76, %dma_wait3A_77] : memref<10112x128xf32, #tpu.memory_space<hbm>> -> memref<10112x128xf32, #tpu.memory_space<hbm>>
      tpu.wait_indirect_dma semaphore(%arg11 : memref<!tpu.dma_semaphore, #tpu.memory_space<semaphore_mem>>) src(%dma_wait3A_78 : memref<10112x128xf32, #tpu.memory_space<hbm>>) dst(%dma_wait3A_72 : memref<64x128xf32, #tpu.memory_space<vmem>>)
      %dma_start3A_79 = arith.constant 0 : i32
      %dma_start3A_80 = arith.constant 0 : i32
      %dma_start3A_81 = arith.constant 0 : i32
      %dma_start3A_82 = arith.constant 0 : i32
      %dma_start3A_83 = tpu.memref_slice %arg9[%dma_start3A_79, %dma_start3A_81, %dma_start3A_82] : memref<4x64x128xf32, #tpu.memory_space<vmem>> -> memref<1x64x128xf32, #tpu.memory_space<vmem>>
      %dma_start3A_84 = tpu.memref_squeeze %dma_start3A_83 : memref<1x64x128xf32, #tpu.memory_space<vmem>> -> memref<64x128xf32, #tpu.memory_space<vmem>>
      %dma_start3A_85 = arith.constant 0 : i32
      %dma_start3A_86 = tpu.memref_slice %arg8[%dma_start3A_80, %dma_start3A_85] : memref<8x64xi32, #tpu.memory_space<vmem>> -> memref<1x64xi32, #tpu.memory_space<vmem>>
      %dma_start3A_87 = tpu.memref_squeeze %dma_start3A_86 : memref<1x64xi32, #tpu.memory_space<vmem>> -> memref<64xi32, #tpu.memory_space<vmem>>
      %dma_start3A_88 = arith.constant 0 : i32
      %dma_start3A_89 = arith.constant 0 : i32
      %dma_start3A_90 = tpu.memref_slice %arg10[%dma_start3A_88, %dma_start3A_89] : memref<10112x128xf32, #tpu.memory_space<vmem_shared>> -> memref<10112x128xf32, #tpu.memory_space<vmem_shared>>
      tpu.enqueue_indirect_dma source(%dma_start3A_84 : memref<64x128xf32, #tpu.memory_space<vmem>>) target(%dma_start3A_90 : memref<10112x128xf32, #tpu.memory_space<vmem_shared>>) offsets(%dma_start3A_87 : memref<64xi32, #tpu.memory_space<vmem>>) semaphore(%arg15 : memref<!tpu.dma_semaphore, #tpu.memory_space<semaphore_mem>>) {add = true}
      %dma_wait3A_91 = arith.constant 0 : i32
      %dma_wait3A_92 = arith.constant 0 : i32
      %dma_wait3A_93 = arith.constant 0 : i32
      %dma_wait3A_94 = arith.constant 0 : i32
      %dma_wait3A_95 = tpu.memref_slice %arg9[%dma_wait3A_91, %dma_wait3A_93, %dma_wait3A_94] : memref<4x64x128xf32, #tpu.memory_space<vmem>> -> memref<1x64x128xf32, #tpu.memory_space<vmem>>
      %dma_wait3A_96 = tpu.memref_squeeze %dma_wait3A_95 : memref<1x64x128xf32, #tpu.memory_space<vmem>> -> memref<64x128xf32, #tpu.memory_space<vmem>>
      %dma_wait3A_97 = arith.constant 0 : i32
      %dma_wait3A_98 = tpu.memref_slice %arg8[%dma_wait3A_92, %dma_wait3A_97] : memref<8x64xi32, #tpu.memory_space<vmem>> -> memref<1x64xi32, #tpu.memory_space<vmem>>
      %dma_wait3A_99 = tpu.memref_squeeze %dma_wait3A_98 : memref<1x64xi32, #tpu.memory_space<vmem>> -> memref<64xi32, #tpu.memory_space<vmem>>
      %dma_wait3A_100 = arith.constant 0 : i32
      %dma_wait3A_101 = arith.constant 0 : i32
      %dma_wait3A_102 = tpu.memref_slice %arg10[%dma_wait3A_100, %dma_wait3A_101] : memref<10112x128xf32, #tpu.memory_space<vmem_shared>> -> memref<10112x128xf32, #tpu.memory_space<vmem_shared>>
      tpu.wait_indirect_dma semaphore(%arg15 : memref<!tpu.dma_semaphore, #tpu.memory_space<semaphore_mem>>) src(%dma_wait3A_96 : memref<64x128xf32, #tpu.memory_space<vmem>>) dst(%dma_wait3A_102 : memref<10112x128xf32, #tpu.memory_space<vmem_shared>>)
      %dma_start3A_103 = arith.constant 4 : i32
      %dma_start3A_104 = arith.constant 0 : i32
      %dma_start3A_105 = arith.constant 0 : i32
      %dma_start3A_106 = arith.constant 0 : i32
      %dma_start3A_107 = tpu.memref_slice %arg9[%dma_start3A_104, %dma_start3A_105, %dma_start3A_106] : memref<4x64x128xf32, #tpu.memory_space<vmem>> -> memref<1x64x128xf32, #tpu.memory_space<vmem>>
      %dma_start3A_108 = tpu.memref_squeeze %dma_start3A_107 : memref<1x64x128xf32, #tpu.memory_space<vmem>> -> memref<64x128xf32, #tpu.memory_space<vmem>>
      %dma_start3A_109 = arith.constant 0 : i32
      %dma_start3A_110 = tpu.memref_slice %arg7[%dma_start3A_103, %dma_start3A_109] : memref<8x64xi32, #tpu.memory_space<vmem>> -> memref<1x64xi32, #tpu.memory_space<vmem>>
      %dma_start3A_111 = tpu.memref_squeeze %dma_start3A_110 : memref<1x64xi32, #tpu.memory_space<vmem>> -> memref<64xi32, #tpu.memory_space<vmem>>
      %dma_start3A_112 = arith.constant 0 : i32
      %dma_start3A_113 = arith.constant 0 : i32
      %dma_start3A_114 = tpu.memref_slice %arg2[%dma_start3A_112, %dma_start3A_113] : memref<10112x128xf32, #tpu.memory_space<hbm>> -> memref<10112x128xf32, #tpu.memory_space<hbm>>
      tpu.enqueue_indirect_dma source(%dma_start3A_114 : memref<10112x128xf32, #tpu.memory_space<hbm>>) target(%dma_start3A_108 : memref<64x128xf32, #tpu.memory_space<vmem>>) offsets(%dma_start3A_111 : memref<64xi32, #tpu.memory_space<vmem>>) semaphore(%arg11 : memref<!tpu.dma_semaphore, #tpu.memory_space<semaphore_mem>>)
      %dma_wait3A_115 = arith.constant 1 : i32
      %dma_wait3A_116 = arith.constant 1 : i32
      %dma_wait3A_117 = arith.constant 0 : i32
      %dma_wait3A_118 = arith.constant 0 : i32
      %dma_wait3A_119 = tpu.memref_slice %arg9[%dma_wait3A_116, %dma_wait3A_117, %dma_wait3A_118] : memref<4x64x128xf32, #tpu.memory_space<vmem>> -> memref<1x64x128xf32, #tpu.memory_space<vmem>>
      %dma_wait3A_120 = tpu.memref_squeeze %dma_wait3A_119 : memref<1x64x128xf32, #tpu.memory_space<vmem>> -> memref<64x128xf32, #tpu.memory_space<vmem>>
      %dma_wait3A_121 = arith.constant 0 : i32
      %dma_wait3A_122 = tpu.memref_slice %arg7[%dma_wait3A_115, %dma_wait3A_121] : memref<8x64xi32, #tpu.memory_space<vmem>> -> memref<1x64xi32, #tpu.memory_space<vmem>>
      %dma_wait3A_123 = tpu.memref_squeeze %dma_wait3A_122 : memref<1x64xi32, #tpu.memory_space<vmem>> -> memref<64xi32, #tpu.memory_space<vmem>>
      %dma_wait3A_124 = arith.constant 0 : i32
      %dma_wait3A_125 = arith.constant 0 : i32
      %dma_wait3A_126 = tpu.memref_slice %arg2[%dma_wait3A_124, %dma_wait3A_125] : memref<10112x128xf32, #tpu.memory_space<hbm>> -> memref<10112x128xf32, #tpu.memory_space<hbm>>
      tpu.wait_indirect_dma semaphore(%arg12 : memref<!tpu.dma_semaphore, #tpu.memory_space<semaphore_mem>>) src(%dma_wait3A_126 : memref<10112x128xf32, #tpu.memory_space<hbm>>) dst(%dma_wait3A_120 : memref<64x128xf32, #tpu.memory_space<vmem>>)
      %dma_start3A_127 = arith.constant 1 : i32
      %dma_start3A_128 = arith.constant 1 : i32
      %dma_start3A_129 = arith.constant 0 : i32
      %dma_start3A_130 = arith.constant 0 : i32
      %dma_start3A_131 = tpu.memref_slice %arg9[%dma_start3A_127, %dma_start3A_129, %dma_start3A_130] : memref<4x64x128xf32, #tpu.memory_space<vmem>> -> memref<1x64x128xf32, #tpu.memory_space<vmem>>
      %dma_start3A_132 = tpu.memref_squeeze %dma_start3A_131 : memref<1x64x128xf32, #tpu.memory_space<vmem>> -> memref<64x128xf32, #tpu.memory_space<vmem>>
      %dma_start3A_133 = arith.constant 0 : i32
      %dma_start3A_134 = tpu.memref_slice %arg8[%dma_start3A_128, %dma_start3A_133] : memref<8x64xi32, #tpu.memory_space<vmem>> -> memref<1x64xi32, #tpu.memory_space<vmem>>
      %dma_start3A_135 = tpu.memref_squeeze %dma_start3A_134 : memref<1x64xi32, #tpu.memory_space<vmem>> -> memref<64xi32, #tpu.memory_space<vmem>>
      %dma_start3A_136 = arith.constant 0 : i32
      %dma_start3A_137 = arith.constant 0 : i32
      %dma_start3A_138 = tpu.memref_slice %arg10[%dma_start3A_136, %dma_start3A_137] : memref<10112x128xf32, #tpu.memory_space<vmem_shared>> -> memref<10112x128xf32, #tpu.memory_space<vmem_shared>>
      tpu.enqueue_indirect_dma source(%dma_start3A_132 : memref<64x128xf32, #tpu.memory_space<vmem>>) target(%dma_start3A_138 : memref<10112x128xf32, #tpu.memory_space<vmem_shared>>) offsets(%dma_start3A_135 : memref<64xi32, #tpu.memory_space<vmem>>) semaphore(%arg16 : memref<!tpu.dma_semaphore, #tpu.memory_space<semaphore_mem>>) {add = true}
      %dma_wait3A_139 = arith.constant 1 : i32
      %dma_wait3A_140 = arith.constant 1 : i32
      %dma_wait3A_141 = arith.constant 0 : i32
      %dma_wait3A_142 = arith.constant 0 : i32
      %dma_wait3A_143 = tpu.memref_slice %arg9[%dma_wait3A_139, %dma_wait3A_141, %dma_wait3A_142] : memref<4x64x128xf32, #tpu.memory_space<vmem>> -> memref<1x64x128xf32, #tpu.memory_space<vmem>>
      %dma_wait3A_144 = tpu.memref_squeeze %dma_wait3A_143 : memref<1x64x128xf32, #tpu.memory_space<vmem>> -> memref<64x128xf32, #tpu.memory_space<vmem>>
      %dma_wait3A_145 = arith.constant 0 : i32
      %dma_wait3A_146 = tpu.memref_slice %arg8[%dma_wait3A_140, %dma_wait3A_145] : memref<8x64xi32, #tpu.memory_space<vmem>> -> memref<1x64xi32, #tpu.memory_space<vmem>>
      %dma_wait3A_147 = tpu.memref_squeeze %dma_wait3A_146 : memref<1x64xi32, #tpu.memory_space<vmem>> -> memref<64xi32, #tpu.memory_space<vmem>>
      %dma_wait3A_148 = arith.constant 0 : i32
      %dma_wait3A_149 = arith.constant 0 : i32
      %dma_wait3A_150 = tpu.memref_slice %arg10[%dma_wait3A_148, %dma_wait3A_149] : memref<10112x128xf32, #tpu.memory_space<vmem_shared>> -> memref<10112x128xf32, #tpu.memory_space<vmem_shared>>
      tpu.wait_indirect_dma semaphore(%arg16 : memref<!tpu.dma_semaphore, #tpu.memory_space<semaphore_mem>>) src(%dma_wait3A_144 : memref<64x128xf32, #tpu.memory_space<vmem>>) dst(%dma_wait3A_150 : memref<10112x128xf32, #tpu.memory_space<vmem_shared>>)
      %dma_start3A_151 = arith.constant 5 : i32
      %dma_start3A_152 = arith.constant 1 : i32
      %dma_start3A_153 = arith.constant 0 : i32
      %dma_start3A_154 = arith.constant 0 : i32
      %dma_start3A_155 = tpu.memref_slice %arg9[%dma_start3A_152, %dma_start3A_153, %dma_start3A_154] : memref<4x64x128xf32, #tpu.memory_space<vmem>> -> memref<1x64x128xf32, #tpu.memory_space<vmem>>
      %dma_start3A_156 = tpu.memref_squeeze %dma_start3A_155 : memref<1x64x128xf32, #tpu.memory_space<vmem>> -> memref<64x128xf32, #tpu.memory_space<vmem>>
      %dma_start3A_157 = arith.constant 0 : i32
      %dma_start3A_158 = tpu.memref_slice %arg7[%dma_start3A_151, %dma_start3A_157] : memref<8x64xi32, #tpu.memory_space<vmem>> -> memref<1x64xi32, #tpu.memory_space<vmem>>
      %dma_start3A_159 = tpu.memref_squeeze %dma_start3A_158 : memref<1x64xi32, #tpu.memory_space<vmem>> -> memref<64xi32, #tpu.memory_space<vmem>>
      %dma_start3A_160 = arith.constant 0 : i32
      %dma_start3A_161 = arith.constant 0 : i32
      %dma_start3A_162 = tpu.memref_slice %arg2[%dma_start3A_160, %dma_start3A_161] : memref<10112x128xf32, #tpu.memory_space<hbm>> -> memref<10112x128xf32, #tpu.memory_space<hbm>>
      tpu.enqueue_indirect_dma source(%dma_start3A_162 : memref<10112x128xf32, #tpu.memory_space<hbm>>) target(%dma_start3A_156 : memref<64x128xf32, #tpu.memory_space<vmem>>) offsets(%dma_start3A_159 : memref<64xi32, #tpu.memory_space<vmem>>) semaphore(%arg12 : memref<!tpu.dma_semaphore, #tpu.memory_space<semaphore_mem>>)
      %dma_wait3A_163 = arith.constant 2 : i32
      %dma_wait3A_164 = arith.constant 2 : i32
      %dma_wait3A_165 = arith.constant 0 : i32
      %dma_wait3A_166 = arith.constant 0 : i32
      %dma_wait3A_167 = tpu.memref_slice %arg9[%dma_wait3A_164, %dma_wait3A_165, %dma_wait3A_166] : memref<4x64x128xf32, #tpu.memory_space<vmem>> -> memref<1x64x128xf32, #tpu.memory_space<vmem>>
      %dma_wait3A_168 = tpu.memref_squeeze %dma_wait3A_167 : memref<1x64x128xf32, #tpu.memory_space<vmem>> -> memref<64x128xf32, #tpu.memory_space<vmem>>
      %dma_wait3A_169 = arith.constant 0 : i32
      %dma_wait3A_170 = tpu.memref_slice %arg7[%dma_wait3A_163, %dma_wait3A_169] : memref<8x64xi32, #tpu.memory_space<vmem>> -> memref<1x64xi32, #tpu.memory_space<vmem>>
      %dma_wait3A_171 = tpu.memref_squeeze %dma_wait3A_170 : memref<1x64xi32, #tpu.memory_space<vmem>> -> memref<64xi32, #tpu.memory_space<vmem>>
      %dma_wait3A_172 = arith.constant 0 : i32
      %dma_wait3A_173 = arith.constant 0 : i32
      %dma_wait3A_174 = tpu.memref_slice %arg2[%dma_wait3A_172, %dma_wait3A_173] : memref<10112x128xf32, #tpu.memory_space<hbm>> -> memref<10112x128xf32, #tpu.memory_space<hbm>>
      tpu.wait_indirect_dma semaphore(%arg13 : memref<!tpu.dma_semaphore, #tpu.memory_space<semaphore_mem>>) src(%dma_wait3A_174 : memref<10112x128xf32, #tpu.memory_space<hbm>>) dst(%dma_wait3A_168 : memref<64x128xf32, #tpu.memory_space<vmem>>)
      %dma_start3A_175 = arith.constant 2 : i32
      %dma_start3A_176 = arith.constant 2 : i32
      %dma_start3A_177 = arith.constant 0 : i32
      %dma_start3A_178 = arith.constant 0 : i32
      %dma_start3A_179 = tpu.memref_slice %arg9[%dma_start3A_175, %dma_start3A_177, %dma_start3A_178] : memref<4x64x128xf32, #tpu.memory_space<vmem>> -> memref<1x64x128xf32, #tpu.memory_space<vmem>>
      %dma_start3A_180 = tpu.memref_squeeze %dma_start3A_179 : memref<1x64x128xf32, #tpu.memory_space<vmem>> -> memref<64x128xf32, #tpu.memory_space<vmem>>
      %dma_start3A_181 = arith.constant 0 : i32
      %dma_start3A_182 = tpu.memref_slice %arg8[%dma_start3A_176, %dma_start3A_181] : memref<8x64xi32, #tpu.memory_space<vmem>> -> memref<1x64xi32, #tpu.memory_space<vmem>>
      %dma_start3A_183 = tpu.memref_squeeze %dma_start3A_182 : memref<1x64xi32, #tpu.memory_space<vmem>> -> memref<64xi32, #tpu.memory_space<vmem>>
      %dma_start3A_184 = arith.constant 0 : i32
      %dma_start3A_185 = arith.constant 0 : i32
      %dma_start3A_186 = tpu.memref_slice %arg10[%dma_start3A_184, %dma_start3A_185] : memref<10112x128xf32, #tpu.memory_space<vmem_shared>> -> memref<10112x128xf32, #tpu.memory_space<vmem_shared>>
      tpu.enqueue_indirect_dma source(%dma_start3A_180 : memref<64x128xf32, #tpu.memory_space<vmem>>) target(%dma_start3A_186 : memref<10112x128xf32, #tpu.memory_space<vmem_shared>>) offsets(%dma_start3A_183 : memref<64xi32, #tpu.memory_space<vmem>>) semaphore(%arg17 : memref<!tpu.dma_semaphore, #tpu.memory_space<semaphore_mem>>) {add = true}
      %dma_wait3A_187 = arith.constant 2 : i32
      %dma_wait3A_188 = arith.constant 2 : i32
      %dma_wait3A_189 = arith.constant 0 : i32
      %dma_wait3A_190 = arith.constant 0 : i32
      %dma_wait3A_191 = tpu.memref_slice %arg9[%dma_wait3A_187, %dma_wait3A_189, %dma_wait3A_190] : memref<4x64x128xf32, #tpu.memory_space<vmem>> -> memref<1x64x128xf32, #tpu.memory_space<vmem>>
      %dma_wait3A_192 = tpu.memref_squeeze %dma_wait3A_191 : memref<1x64x128xf32, #tpu.memory_space<vmem>> -> memref<64x128xf32, #tpu.memory_space<vmem>>
      %dma_wait3A_193 = arith.constant 0 : i32
      %dma_wait3A_194 = tpu.memref_slice %arg8[%dma_wait3A_188, %dma_wait3A_193] : memref<8x64xi32, #tpu.memory_space<vmem>> -> memref<1x64xi32, #tpu.memory_space<vmem>>
      %dma_wait3A_195 = tpu.memref_squeeze %dma_wait3A_194 : memref<1x64xi32, #tpu.memory_space<vmem>> -> memref<64xi32, #tpu.memory_space<vmem>>
      %dma_wait3A_196 = arith.constant 0 : i32
      %dma_wait3A_197 = arith.constant 0 : i32
      %dma_wait3A_198 = tpu.memref_slice %arg10[%dma_wait3A_196, %dma_wait3A_197] : memref<10112x128xf32, #tpu.memory_space<vmem_shared>> -> memref<10112x128xf32, #tpu.memory_space<vmem_shared>>
      tpu.wait_indirect_dma semaphore(%arg17 : memref<!tpu.dma_semaphore, #tpu.memory_space<semaphore_mem>>) src(%dma_wait3A_192 : memref<64x128xf32, #tpu.memory_space<vmem>>) dst(%dma_wait3A_198 : memref<10112x128xf32, #tpu.memory_space<vmem_shared>>)
      %dma_start3A_199 = arith.constant 6 : i32
      %dma_start3A_200 = arith.constant 2 : i32
      %dma_start3A_201 = arith.constant 0 : i32
      %dma_start3A_202 = arith.constant 0 : i32
      %dma_start3A_203 = tpu.memref_slice %arg9[%dma_start3A_200, %dma_start3A_201, %dma_start3A_202] : memref<4x64x128xf32, #tpu.memory_space<vmem>> -> memref<1x64x128xf32, #tpu.memory_space<vmem>>
      %dma_start3A_204 = tpu.memref_squeeze %dma_start3A_203 : memref<1x64x128xf32, #tpu.memory_space<vmem>> -> memref<64x128xf32, #tpu.memory_space<vmem>>
      %dma_start3A_205 = arith.constant 0 : i32
      %dma_start3A_206 = tpu.memref_slice %arg7[%dma_start3A_199, %dma_start3A_205] : memref<8x64xi32, #tpu.memory_space<vmem>> -> memref<1x64xi32, #tpu.memory_space<vmem>>
      %dma_start3A_207 = tpu.memref_squeeze %dma_start3A_206 : memref<1x64xi32, #tpu.memory_space<vmem>> -> memref<64xi32, #tpu.memory_space<vmem>>
      %dma_start3A_208 = arith.constant 0 : i32
      %dma_start3A_209 = arith.constant 0 : i32
      %dma_start3A_210 = tpu.memref_slice %arg2[%dma_start3A_208, %dma_start3A_209] : memref<10112x128xf32, #tpu.memory_space<hbm>> -> memref<10112x128xf32, #tpu.memory_space<hbm>>
      tpu.enqueue_indirect_dma source(%dma_start3A_210 : memref<10112x128xf32, #tpu.memory_space<hbm>>) target(%dma_start3A_204 : memref<64x128xf32, #tpu.memory_space<vmem>>) offsets(%dma_start3A_207 : memref<64xi32, #tpu.memory_space<vmem>>) semaphore(%arg13 : memref<!tpu.dma_semaphore, #tpu.memory_space<semaphore_mem>>)
      %dma_wait3A_211 = arith.constant 3 : i32
      %dma_wait3A_212 = arith.constant 3 : i32
      %dma_wait3A_213 = arith.constant 0 : i32
      %dma_wait3A_214 = arith.constant 0 : i32
      %dma_wait3A_215 = tpu.memref_slice %arg9[%dma_wait3A_212, %dma_wait3A_213, %dma_wait3A_214] : memref<4x64x128xf32, #tpu.memory_space<vmem>> -> memref<1x64x128xf32, #tpu.memory_space<vmem>>
      %dma_wait3A_216 = tpu.memref_squeeze %dma_wait3A_215 : memref<1x64x128xf32, #tpu.memory_space<vmem>> -> memref<64x128xf32, #tpu.memory_space<vmem>>
      %dma_wait3A_217 = arith.constant 0 : i32
      %dma_wait3A_218 = tpu.memref_slice %arg7[%dma_wait3A_211, %dma_wait3A_217] : memref<8x64xi32, #tpu.memory_space<vmem>> -> memref<1x64xi32, #tpu.memory_space<vmem>>
      %dma_wait3A_219 = tpu.memref_squeeze %dma_wait3A_218 : memref<1x64xi32, #tpu.memory_space<vmem>> -> memref<64xi32, #tpu.memory_space<vmem>>
      %dma_wait3A_220 = arith.constant 0 : i32
      %dma_wait3A_221 = arith.constant 0 : i32
      %dma_wait3A_222 = tpu.memref_slice %arg2[%dma_wait3A_220, %dma_wait3A_221] : memref<10112x128xf32, #tpu.memory_space<hbm>> -> memref<10112x128xf32, #tpu.memory_space<hbm>>
      tpu.wait_indirect_dma semaphore(%arg14 : memref<!tpu.dma_semaphore, #tpu.memory_space<semaphore_mem>>) src(%dma_wait3A_222 : memref<10112x128xf32, #tpu.memory_space<hbm>>) dst(%dma_wait3A_216 : memref<64x128xf32, #tpu.memory_space<vmem>>)
      %dma_start3A_223 = arith.constant 3 : i32
      %dma_start3A_224 = arith.constant 3 : i32
      %dma_start3A_225 = arith.constant 0 : i32
      %dma_start3A_226 = arith.constant 0 : i32
      %dma_start3A_227 = tpu.memref_slice %arg9[%dma_start3A_223, %dma_start3A_225, %dma_start3A_226] : memref<4x64x128xf32, #tpu.memory_space<vmem>> -> memref<1x64x128xf32, #tpu.memory_space<vmem>>
      %dma_start3A_228 = tpu.memref_squeeze %dma_start3A_227 : memref<1x64x128xf32, #tpu.memory_space<vmem>> -> memref<64x128xf32, #tpu.memory_space<vmem>>
      %dma_start3A_229 = arith.constant 0 : i32
      %dma_start3A_230 = tpu.memref_slice %arg8[%dma_start3A_224, %dma_start3A_229] : memref<8x64xi32, #tpu.memory_space<vmem>> -> memref<1x64xi32, #tpu.memory_space<vmem>>
      %dma_start3A_231 = tpu.memref_squeeze %dma_start3A_230 : memref<1x64xi32, #tpu.memory_space<vmem>> -> memref<64xi32, #tpu.memory_space<vmem>>
      %dma_start3A_232 = arith.constant 0 : i32
      %dma_start3A_233 = arith.constant 0 : i32
      %dma_start3A_234 = tpu.memref_slice %arg10[%dma_start3A_232, %dma_start3A_233] : memref<10112x128xf32, #tpu.memory_space<vmem_shared>> -> memref<10112x128xf32, #tpu.memory_space<vmem_shared>>
      tpu.enqueue_indirect_dma source(%dma_start3A_228 : memref<64x128xf32, #tpu.memory_space<vmem>>) target(%dma_start3A_234 : memref<10112x128xf32, #tpu.memory_space<vmem_shared>>) offsets(%dma_start3A_231 : memref<64xi32, #tpu.memory_space<vmem>>) semaphore(%arg18 : memref<!tpu.dma_semaphore, #tpu.memory_space<semaphore_mem>>) {add = true}
      %dma_wait3A_235 = arith.constant 3 : i32
      %dma_wait3A_236 = arith.constant 3 : i32
      %dma_wait3A_237 = arith.constant 0 : i32
      %dma_wait3A_238 = arith.constant 0 : i32
      %dma_wait3A_239 = tpu.memref_slice %arg9[%dma_wait3A_235, %dma_wait3A_237, %dma_wait3A_238] : memref<4x64x128xf32, #tpu.memory_space<vmem>> -> memref<1x64x128xf32, #tpu.memory_space<vmem>>
      %dma_wait3A_240 = tpu.memref_squeeze %dma_wait3A_239 : memref<1x64x128xf32, #tpu.memory_space<vmem>> -> memref<64x128xf32, #tpu.memory_space<vmem>>
      %dma_wait3A_241 = arith.constant 0 : i32
      %dma_wait3A_242 = tpu.memref_slice %arg8[%dma_wait3A_236, %dma_wait3A_241] : memref<8x64xi32, #tpu.memory_space<vmem>> -> memref<1x64xi32, #tpu.memory_space<vmem>>
      %dma_wait3A_243 = tpu.memref_squeeze %dma_wait3A_242 : memref<1x64xi32, #tpu.memory_space<vmem>> -> memref<64xi32, #tpu.memory_space<vmem>>
      %dma_wait3A_244 = arith.constant 0 : i32
      %dma_wait3A_245 = arith.constant 0 : i32
      %dma_wait3A_246 = tpu.memref_slice %arg10[%dma_wait3A_244, %dma_wait3A_245] : memref<10112x128xf32, #tpu.memory_space<vmem_shared>> -> memref<10112x128xf32, #tpu.memory_space<vmem_shared>>
      tpu.wait_indirect_dma semaphore(%arg18 : memref<!tpu.dma_semaphore, #tpu.memory_space<semaphore_mem>>) src(%dma_wait3A_240 : memref<64x128xf32, #tpu.memory_space<vmem>>) dst(%dma_wait3A_246 : memref<10112x128xf32, #tpu.memory_space<vmem_shared>>)
      %dma_start3A_247 = arith.constant 7 : i32
      %dma_start3A_248 = arith.constant 3 : i32
      %dma_start3A_249 = arith.constant 0 : i32
      %dma_start3A_250 = arith.constant 0 : i32
      %dma_start3A_251 = tpu.memref_slice %arg9[%dma_start3A_248, %dma_start3A_249, %dma_start3A_250] : memref<4x64x128xf32, #tpu.memory_space<vmem>> -> memref<1x64x128xf32, #tpu.memory_space<vmem>>
      %dma_start3A_252 = tpu.memref_squeeze %dma_start3A_251 : memref<1x64x128xf32, #tpu.memory_space<vmem>> -> memref<64x128xf32, #tpu.memory_space<vmem>>
      %dma_start3A_253 = arith.constant 0 : i32
      %dma_start3A_254 = tpu.memref_slice %arg7[%dma_start3A_247, %dma_start3A_253] : memref<8x64xi32, #tpu.memory_space<vmem>> -> memref<1x64xi32, #tpu.memory_space<vmem>>
      %dma_start3A_255 = tpu.memref_squeeze %dma_start3A_254 : memref<1x64xi32, #tpu.memory_space<vmem>> -> memref<64xi32, #tpu.memory_space<vmem>>
      %dma_start3A_256 = arith.constant 0 : i32
      %dma_start3A_257 = arith.constant 0 : i32
      %dma_start3A_258 = tpu.memref_slice %arg2[%dma_start3A_256, %dma_start3A_257] : memref<10112x128xf32, #tpu.memory_space<hbm>> -> memref<10112x128xf32, #tpu.memory_space<hbm>>
      tpu.enqueue_indirect_dma source(%dma_start3A_258 : memref<10112x128xf32, #tpu.memory_space<hbm>>) target(%dma_start3A_252 : memref<64x128xf32, #tpu.memory_space<vmem>>) offsets(%dma_start3A_255 : memref<64xi32, #tpu.memory_space<vmem>>) semaphore(%arg14 : memref<!tpu.dma_semaphore, #tpu.memory_space<semaphore_mem>>)
      %dma_wait3A_259 = arith.constant 4 : i32
      %dma_wait3A_260 = arith.constant 0 : i32
      %dma_wait3A_261 = arith.constant 0 : i32
      %dma_wait3A_262 = arith.constant 0 : i32
      %dma_wait3A_263 = tpu.memref_slice %arg9[%dma_wait3A_260, %dma_wait3A_261, %dma_wait3A_262] : memref<4x64x128xf32, #tpu.memory_space<vmem>> -> memref<1x64x128xf32, #tpu.memory_space<vmem>>
      %dma_wait3A_264 = tpu.memref_squeeze %dma_wait3A_263 : memref<1x64x128xf32, #tpu.memory_space<vmem>> -> memref<64x128xf32, #tpu.memory_space<vmem>>
      %dma_wait3A_265 = arith.constant 0 : i32
      %dma_wait3A_266 = tpu.memref_slice %arg7[%dma_wait3A_259, %dma_wait3A_265] : memref<8x64xi32, #tpu.memory_space<vmem>> -> memref<1x64xi32, #tpu.memory_space<vmem>>
      %dma_wait3A_267 = tpu.memref_squeeze %dma_wait3A_266 : memref<1x64xi32, #tpu.memory_space<vmem>> -> memref<64xi32, #tpu.memory_space<vmem>>
      %dma_wait3A_268 = arith.constant 0 : i32
      %dma_wait3A_269 = arith.constant 0 : i32
      %dma_wait3A_270 = tpu.memref_slice %arg2[%dma_wait3A_268, %dma_wait3A_269] : memref<10112x128xf32, #tpu.memory_space<hbm>> -> memref<10112x128xf32, #tpu.memory_space<hbm>>
      tpu.wait_indirect_dma semaphore(%arg11 : memref<!tpu.dma_semaphore, #tpu.memory_space<semaphore_mem>>) src(%dma_wait3A_270 : memref<10112x128xf32, #tpu.memory_space<hbm>>) dst(%dma_wait3A_264 : memref<64x128xf32, #tpu.memory_space<vmem>>)
      %dma_start3A_271 = arith.constant 0 : i32
      %dma_start3A_272 = arith.constant 4 : i32
      %dma_start3A_273 = arith.constant 0 : i32
      %dma_start3A_274 = arith.constant 0 : i32
      %dma_start3A_275 = tpu.memref_slice %arg9[%dma_start3A_271, %dma_start3A_273, %dma_start3A_274] : memref<4x64x128xf32, #tpu.memory_space<vmem>> -> memref<1x64x128xf32, #tpu.memory_space<vmem>>
      %dma_start3A_276 = tpu.memref_squeeze %dma_start3A_275 : memref<1x64x128xf32, #tpu.memory_space<vmem>> -> memref<64x128xf32, #tpu.memory_space<vmem>>
      %dma_start3A_277 = arith.constant 0 : i32
      %dma_start3A_278 = tpu.memref_slice %arg8[%dma_start3A_272, %dma_start3A_277] : memref<8x64xi32, #tpu.memory_space<vmem>> -> memref<1x64xi32, #tpu.memory_space<vmem>>
      %dma_start3A_279 = tpu.memref_squeeze %dma_start3A_278 : memref<1x64xi32, #tpu.memory_space<vmem>> -> memref<64xi32, #tpu.memory_space<vmem>>
      %dma_start3A_280 = arith.constant 0 : i32
      %dma_start3A_281 = arith.constant 0 : i32
      %dma_start3A_282 = tpu.memref_slice %arg10[%dma_start3A_280, %dma_start3A_281] : memref<10112x128xf32, #tpu.memory_space<vmem_shared>> -> memref<10112x128xf32, #tpu.memory_space<vmem_shared>>
      tpu.enqueue_indirect_dma source(%dma_start3A_276 : memref<64x128xf32, #tpu.memory_space<vmem>>) target(%dma_start3A_282 : memref<10112x128xf32, #tpu.memory_space<vmem_shared>>) offsets(%dma_start3A_279 : memref<64xi32, #tpu.memory_space<vmem>>) semaphore(%arg15 : memref<!tpu.dma_semaphore, #tpu.memory_space<semaphore_mem>>) {add = true}
      %dma_wait3A_283 = arith.constant 5 : i32
      %dma_wait3A_284 = arith.constant 1 : i32
      %dma_wait3A_285 = arith.constant 0 : i32
      %dma_wait3A_286 = arith.constant 0 : i32
      %dma_wait3A_287 = tpu.memref_slice %arg9[%dma_wait3A_284, %dma_wait3A_285, %dma_wait3A_286] : memref<4x64x128xf32, #tpu.memory_space<vmem>> -> memref<1x64x128xf32, #tpu.memory_space<vmem>>
      %dma_wait3A_288 = tpu.memref_squeeze %dma_wait3A_287 : memref<1x64x128xf32, #tpu.memory_space<vmem>> -> memref<64x128xf32, #tpu.memory_space<vmem>>
      %dma_wait3A_289 = arith.constant 0 : i32
      %dma_wait3A_290 = tpu.memref_slice %arg7[%dma_wait3A_283, %dma_wait3A_289] : memref<8x64xi32, #tpu.memory_space<vmem>> -> memref<1x64xi32, #tpu.memory_space<vmem>>
      %dma_wait3A_291 = tpu.memref_squeeze %dma_wait3A_290 : memref<1x64xi32, #tpu.memory_space<vmem>> -> memref<64xi32, #tpu.memory_space<vmem>>
      %dma_wait3A_292 = arith.constant 0 : i32
      %dma_wait3A_293 = arith.constant 0 : i32
      %dma_wait3A_294 = tpu.memref_slice %arg2[%dma_wait3A_292, %dma_wait3A_293] : memref<10112x128xf32, #tpu.memory_space<hbm>> -> memref<10112x128xf32, #tpu.memory_space<hbm>>
      tpu.wait_indirect_dma semaphore(%arg12 : memref<!tpu.dma_semaphore, #tpu.memory_space<semaphore_mem>>) src(%dma_wait3A_294 : memref<10112x128xf32, #tpu.memory_space<hbm>>) dst(%dma_wait3A_288 : memref<64x128xf32, #tpu.memory_space<vmem>>)
      %dma_start3A_295 = arith.constant 1 : i32
      %dma_start3A_296 = arith.constant 5 : i32
      %dma_start3A_297 = arith.constant 0 : i32
      %dma_start3A_298 = arith.constant 0 : i32
      %dma_start3A_299 = tpu.memref_slice %arg9[%dma_start3A_295, %dma_start3A_297, %dma_start3A_298] : memref<4x64x128xf32, #tpu.memory_space<vmem>> -> memref<1x64x128xf32, #tpu.memory_space<vmem>>
      %dma_start3A_300 = tpu.memref_squeeze %dma_start3A_299 : memref<1x64x128xf32, #tpu.memory_space<vmem>> -> memref<64x128xf32, #tpu.memory_space<vmem>>
      %dma_start3A_301 = arith.constant 0 : i32
      %dma_start3A_302 = tpu.memref_slice %arg8[%dma_start3A_296, %dma_start3A_301] : memref<8x64xi32, #tpu.memory_space<vmem>> -> memref<1x64xi32, #tpu.memory_space<vmem>>
      %dma_start3A_303 = tpu.memref_squeeze %dma_start3A_302 : memref<1x64xi32, #tpu.memory_space<vmem>> -> memref<64xi32, #tpu.memory_space<vmem>>
      %dma_start3A_304 = arith.constant 0 : i32
      %dma_start3A_305 = arith.constant 0 : i32
      %dma_start3A_306 = tpu.memref_slice %arg10[%dma_start3A_304, %dma_start3A_305] : memref<10112x128xf32, #tpu.memory_space<vmem_shared>> -> memref<10112x128xf32, #tpu.memory_space<vmem_shared>>
      tpu.enqueue_indirect_dma source(%dma_start3A_300 : memref<64x128xf32, #tpu.memory_space<vmem>>) target(%dma_start3A_306 : memref<10112x128xf32, #tpu.memory_space<vmem_shared>>) offsets(%dma_start3A_303 : memref<64xi32, #tpu.memory_space<vmem>>) semaphore(%arg16 : memref<!tpu.dma_semaphore, #tpu.memory_space<semaphore_mem>>) {add = true}
      %dma_wait3A_307 = arith.constant 6 : i32
      %dma_wait3A_308 = arith.constant 2 : i32
      %dma_wait3A_309 = arith.constant 0 : i32
      %dma_wait3A_310 = arith.constant 0 : i32
      %dma_wait3A_311 = tpu.memref_slice %arg9[%dma_wait3A_308, %dma_wait3A_309, %dma_wait3A_310] : memref<4x64x128xf32, #tpu.memory_space<vmem>> -> memref<1x64x128xf32, #tpu.memory_space<vmem>>
      %dma_wait3A_312 = tpu.memref_squeeze %dma_wait3A_311 : memref<1x64x128xf32, #tpu.memory_space<vmem>> -> memref<64x128xf32, #tpu.memory_space<vmem>>
      %dma_wait3A_313 = arith.constant 0 : i32
      %dma_wait3A_314 = tpu.memref_slice %arg7[%dma_wait3A_307, %dma_wait3A_313] : memref<8x64xi32, #tpu.memory_space<vmem>> -> memref<1x64xi32, #tpu.memory_space<vmem>>
      %dma_wait3A_315 = tpu.memref_squeeze %dma_wait3A_314 : memref<1x64xi32, #tpu.memory_space<vmem>> -> memref<64xi32, #tpu.memory_space<vmem>>
      %dma_wait3A_316 = arith.constant 0 : i32
      %dma_wait3A_317 = arith.constant 0 : i32
      %dma_wait3A_318 = tpu.memref_slice %arg2[%dma_wait3A_316, %dma_wait3A_317] : memref<10112x128xf32, #tpu.memory_space<hbm>> -> memref<10112x128xf32, #tpu.memory_space<hbm>>
      tpu.wait_indirect_dma semaphore(%arg13 : memref<!tpu.dma_semaphore, #tpu.memory_space<semaphore_mem>>) src(%dma_wait3A_318 : memref<10112x128xf32, #tpu.memory_space<hbm>>) dst(%dma_wait3A_312 : memref<64x128xf32, #tpu.memory_space<vmem>>)
      %dma_start3A_319 = arith.constant 2 : i32
      %dma_start3A_320 = arith.constant 6 : i32
      %dma_start3A_321 = arith.constant 0 : i32
      %dma_start3A_322 = arith.constant 0 : i32
      %dma_start3A_323 = tpu.memref_slice %arg9[%dma_start3A_319, %dma_start3A_321, %dma_start3A_322] : memref<4x64x128xf32, #tpu.memory_space<vmem>> -> memref<1x64x128xf32, #tpu.memory_space<vmem>>
      %dma_start3A_324 = tpu.memref_squeeze %dma_start3A_323 : memref<1x64x128xf32, #tpu.memory_space<vmem>> -> memref<64x128xf32, #tpu.memory_space<vmem>>
      %dma_start3A_325 = arith.constant 0 : i32
      %dma_start3A_326 = tpu.memref_slice %arg8[%dma_start3A_320, %dma_start3A_325] : memref<8x64xi32, #tpu.memory_space<vmem>> -> memref<1x64xi32, #tpu.memory_space<vmem>>
      %dma_start3A_327 = tpu.memref_squeeze %dma_start3A_326 : memref<1x64xi32, #tpu.memory_space<vmem>> -> memref<64xi32, #tpu.memory_space<vmem>>
      %dma_start3A_328 = arith.constant 0 : i32
      %dma_start3A_329 = arith.constant 0 : i32
      %dma_start3A_330 = tpu.memref_slice %arg10[%dma_start3A_328, %dma_start3A_329] : memref<10112x128xf32, #tpu.memory_space<vmem_shared>> -> memref<10112x128xf32, #tpu.memory_space<vmem_shared>>
      tpu.enqueue_indirect_dma source(%dma_start3A_324 : memref<64x128xf32, #tpu.memory_space<vmem>>) target(%dma_start3A_330 : memref<10112x128xf32, #tpu.memory_space<vmem_shared>>) offsets(%dma_start3A_327 : memref<64xi32, #tpu.memory_space<vmem>>) semaphore(%arg17 : memref<!tpu.dma_semaphore, #tpu.memory_space<semaphore_mem>>) {add = true}
      %dma_wait3A_331 = arith.constant 7 : i32
      %dma_wait3A_332 = arith.constant 3 : i32
      %dma_wait3A_333 = arith.constant 0 : i32
      %dma_wait3A_334 = arith.constant 0 : i32
      %dma_wait3A_335 = tpu.memref_slice %arg9[%dma_wait3A_332, %dma_wait3A_333, %dma_wait3A_334] : memref<4x64x128xf32, #tpu.memory_space<vmem>> -> memref<1x64x128xf32, #tpu.memory_space<vmem>>
      %dma_wait3A_336 = tpu.memref_squeeze %dma_wait3A_335 : memref<1x64x128xf32, #tpu.memory_space<vmem>> -> memref<64x128xf32, #tpu.memory_space<vmem>>
      %dma_wait3A_337 = arith.constant 0 : i32
      %dma_wait3A_338 = tpu.memref_slice %arg7[%dma_wait3A_331, %dma_wait3A_337] : memref<8x64xi32, #tpu.memory_space<vmem>> -> memref<1x64xi32, #tpu.memory_space<vmem>>
      %dma_wait3A_339 = tpu.memref_squeeze %dma_wait3A_338 : memref<1x64xi32, #tpu.memory_space<vmem>> -> memref<64xi32, #tpu.memory_space<vmem>>
      %dma_wait3A_340 = arith.constant 0 : i32
      %dma_wait3A_341 = arith.constant 0 : i32
      %dma_wait3A_342 = tpu.memref_slice %arg2[%dma_wait3A_340, %dma_wait3A_341] : memref<10112x128xf32, #tpu.memory_space<hbm>> -> memref<10112x128xf32, #tpu.memory_space<hbm>>
      tpu.wait_indirect_dma semaphore(%arg14 : memref<!tpu.dma_semaphore, #tpu.memory_space<semaphore_mem>>) src(%dma_wait3A_342 : memref<10112x128xf32, #tpu.memory_space<hbm>>) dst(%dma_wait3A_336 : memref<64x128xf32, #tpu.memory_space<vmem>>)
      %dma_start3A_343 = arith.constant 3 : i32
      %dma_start3A_344 = arith.constant 7 : i32
      %dma_start3A_345 = arith.constant 0 : i32
      %dma_start3A_346 = arith.constant 0 : i32
      %dma_start3A_347 = tpu.memref_slice %arg9[%dma_start3A_343, %dma_start3A_345, %dma_start3A_346] : memref<4x64x128xf32, #tpu.memory_space<vmem>> -> memref<1x64x128xf32, #tpu.memory_space<vmem>>
      %dma_start3A_348 = tpu.memref_squeeze %dma_start3A_347 : memref<1x64x128xf32, #tpu.memory_space<vmem>> -> memref<64x128xf32, #tpu.memory_space<vmem>>
      %dma_start3A_349 = arith.constant 0 : i32
      %dma_start3A_350 = tpu.memref_slice %arg8[%dma_start3A_344, %dma_start3A_349] : memref<8x64xi32, #tpu.memory_space<vmem>> -> memref<1x64xi32, #tpu.memory_space<vmem>>
      %dma_start3A_351 = tpu.memref_squeeze %dma_start3A_350 : memref<1x64xi32, #tpu.memory_space<vmem>> -> memref<64xi32, #tpu.memory_space<vmem>>
      %dma_start3A_352 = arith.constant 0 : i32
      %dma_start3A_353 = arith.constant 0 : i32
      %dma_start3A_354 = tpu.memref_slice %arg10[%dma_start3A_352, %dma_start3A_353] : memref<10112x128xf32, #tpu.memory_space<vmem_shared>> -> memref<10112x128xf32, #tpu.memory_space<vmem_shared>>
      tpu.enqueue_indirect_dma source(%dma_start3A_348 : memref<64x128xf32, #tpu.memory_space<vmem>>) target(%dma_start3A_354 : memref<10112x128xf32, #tpu.memory_space<vmem_shared>>) offsets(%dma_start3A_351 : memref<64xi32, #tpu.memory_space<vmem>>) semaphore(%arg18 : memref<!tpu.dma_semaphore, #tpu.memory_space<semaphore_mem>>) {add = true}
      %dma_wait3A_355 = arith.constant 0 : i32
      %dma_wait3A_356 = arith.constant 4 : i32
      %dma_wait3A_357 = arith.constant 0 : i32
      %dma_wait3A_358 = arith.constant 0 : i32
      %dma_wait3A_359 = tpu.memref_slice %arg9[%dma_wait3A_355, %dma_wait3A_357, %dma_wait3A_358] : memref<4x64x128xf32, #tpu.memory_space<vmem>> -> memref<1x64x128xf32, #tpu.memory_space<vmem>>
      %dma_wait3A_360 = tpu.memref_squeeze %dma_wait3A_359 : memref<1x64x128xf32, #tpu.memory_space<vmem>> -> memref<64x128xf32, #tpu.memory_space<vmem>>
      %dma_wait3A_361 = arith.constant 0 : i32
      %dma_wait3A_362 = tpu.memref_slice %arg8[%dma_wait3A_356, %dma_wait3A_361] : memref<8x64xi32, #tpu.memory_space<vmem>> -> memref<1x64xi32, #tpu.memory_space<vmem>>
      %dma_wait3A_363 = tpu.memref_squeeze %dma_wait3A_362 : memref<1x64xi32, #tpu.memory_space<vmem>> -> memref<64xi32, #tpu.memory_space<vmem>>
      %dma_wait3A_364 = arith.constant 0 : i32
      %dma_wait3A_365 = arith.constant 0 : i32
      %dma_wait3A_366 = tpu.memref_slice %arg10[%dma_wait3A_364, %dma_wait3A_365] : memref<10112x128xf32, #tpu.memory_space<vmem_shared>> -> memref<10112x128xf32, #tpu.memory_space<vmem_shared>>
      tpu.wait_indirect_dma semaphore(%arg15 : memref<!tpu.dma_semaphore, #tpu.memory_space<semaphore_mem>>) src(%dma_wait3A_360 : memref<64x128xf32, #tpu.memory_space<vmem>>) dst(%dma_wait3A_366 : memref<10112x128xf32, #tpu.memory_space<vmem_shared>>)
      %dma_wait3A_367 = arith.constant 1 : i32
      %dma_wait3A_368 = arith.constant 5 : i32
      %dma_wait3A_369 = arith.constant 0 : i32
      %dma_wait3A_370 = arith.constant 0 : i32
      %dma_wait3A_371 = tpu.memref_slice %arg9[%dma_wait3A_367, %dma_wait3A_369, %dma_wait3A_370] : memref<4x64x128xf32, #tpu.memory_space<vmem>> -> memref<1x64x128xf32, #tpu.memory_space<vmem>>
      %dma_wait3A_372 = tpu.memref_squeeze %dma_wait3A_371 : memref<1x64x128xf32, #tpu.memory_space<vmem>> -> memref<64x128xf32, #tpu.memory_space<vmem>>
      %dma_wait3A_373 = arith.constant 0 : i32
      %dma_wait3A_374 = tpu.memref_slice %arg8[%dma_wait3A_368, %dma_wait3A_373] : memref<8x64xi32, #tpu.memory_space<vmem>> -> memref<1x64xi32, #tpu.memory_space<vmem>>
      %dma_wait3A_375 = tpu.memref_squeeze %dma_wait3A_374 : memref<1x64xi32, #tpu.memory_space<vmem>> -> memref<64xi32, #tpu.memory_space<vmem>>
      %dma_wait3A_376 = arith.constant 0 : i32
      %dma_wait3A_377 = arith.constant 0 : i32
      %dma_wait3A_378 = tpu.memref_slice %arg10[%dma_wait3A_376, %dma_wait3A_377] : memref<10112x128xf32, #tpu.memory_space<vmem_shared>> -> memref<10112x128xf32, #tpu.memory_space<vmem_shared>>
      tpu.wait_indirect_dma semaphore(%arg16 : memref<!tpu.dma_semaphore, #tpu.memory_space<semaphore_mem>>) src(%dma_wait3A_372 : memref<64x128xf32, #tpu.memory_space<vmem>>) dst(%dma_wait3A_378 : memref<10112x128xf32, #tpu.memory_space<vmem_shared>>)
      %dma_wait3A_379 = arith.constant 2 : i32
      %dma_wait3A_380 = arith.constant 6 : i32
      %dma_wait3A_381 = arith.constant 0 : i32
      %dma_wait3A_382 = arith.constant 0 : i32
      %dma_wait3A_383 = tpu.memref_slice %arg9[%dma_wait3A_379, %dma_wait3A_381, %dma_wait3A_382] : memref<4x64x128xf32, #tpu.memory_space<vmem>> -> memref<1x64x128xf32, #tpu.memory_space<vmem>>
      %dma_wait3A_384 = tpu.memref_squeeze %dma_wait3A_383 : memref<1x64x128xf32, #tpu.memory_space<vmem>> -> memref<64x128xf32, #tpu.memory_space<vmem>>
      %dma_wait3A_385 = arith.constant 0 : i32
      %dma_wait3A_386 = tpu.memref_slice %arg8[%dma_wait3A_380, %dma_wait3A_385] : memref<8x64xi32, #tpu.memory_space<vmem>> -> memref<1x64xi32, #tpu.memory_space<vmem>>
      %dma_wait3A_387 = tpu.memref_squeeze %dma_wait3A_386 : memref<1x64xi32, #tpu.memory_space<vmem>> -> memref<64xi32, #tpu.memory_space<vmem>>
      %dma_wait3A_388 = arith.constant 0 : i32
      %dma_wait3A_389 = arith.constant 0 : i32
      %dma_wait3A_390 = tpu.memref_slice %arg10[%dma_wait3A_388, %dma_wait3A_389] : memref<10112x128xf32, #tpu.memory_space<vmem_shared>> -> memref<10112x128xf32, #tpu.memory_space<vmem_shared>>
      tpu.wait_indirect_dma semaphore(%arg17 : memref<!tpu.dma_semaphore, #tpu.memory_space<semaphore_mem>>) src(%dma_wait3A_384 : memref<64x128xf32, #tpu.memory_space<vmem>>) dst(%dma_wait3A_390 : memref<10112x128xf32, #tpu.memory_space<vmem_shared>>)
      %dma_wait3A_391 = arith.constant 3 : i32
      %dma_wait3A_392 = arith.constant 7 : i32
      %dma_wait3A_393 = arith.constant 0 : i32
      %dma_wait3A_394 = arith.constant 0 : i32
      %dma_wait3A_395 = tpu.memref_slice %arg9[%dma_wait3A_391, %dma_wait3A_393, %dma_wait3A_394] : memref<4x64x128xf32, #tpu.memory_space<vmem>> -> memref<1x64x128xf32, #tpu.memory_space<vmem>>
      %dma_wait3A_396 = tpu.memref_squeeze %dma_wait3A_395 : memref<1x64x128xf32, #tpu.memory_space<vmem>> -> memref<64x128xf32, #tpu.memory_space<vmem>>
      %dma_wait3A_397 = arith.constant 0 : i32
      %dma_wait3A_398 = tpu.memref_slice %arg8[%dma_wait3A_392, %dma_wait3A_397] : memref<8x64xi32, #tpu.memory_space<vmem>> -> memref<1x64xi32, #tpu.memory_space<vmem>>
      %dma_wait3A_399 = tpu.memref_squeeze %dma_wait3A_398 : memref<1x64xi32, #tpu.memory_space<vmem>> -> memref<64xi32, #tpu.memory_space<vmem>>
      %dma_wait3A_400 = arith.constant 0 : i32
      %dma_wait3A_401 = arith.constant 0 : i32
      %dma_wait3A_402 = tpu.memref_slice %arg10[%dma_wait3A_400, %dma_wait3A_401] : memref<10112x128xf32, #tpu.memory_space<vmem_shared>> -> memref<10112x128xf32, #tpu.memory_space<vmem_shared>>
      tpu.wait_indirect_dma semaphore(%arg18 : memref<!tpu.dma_semaphore, #tpu.memory_space<semaphore_mem>>) src(%dma_wait3A_396 : memref<64x128xf32, #tpu.memory_space<vmem>>) dst(%dma_wait3A_402 : memref<10112x128xf32, #tpu.memory_space<vmem_shared>>)
    }
    %scan3A_8 = arith.constant 20 : i32
    %barrier3A_9 = arith.constant 0 : index
    tpu.barrier barrier_id(%barrier3A_9)
    %mul3A_10 = arith.constant 632 : i32
    %mul3A_11 = arith.muli %arg1, %mul3A_10 : i32
    %mul3A_12 = arith.constant 632 : i32
    %mul3A_13 = arith.muli %arg1, %mul3A_12 : i32
    "tpu.region"() ({
      %run_scoped3A = tpu.sem_alloc : memref<!tpu.dma_semaphore, #tpu.memory_space<semaphore_mem>>
      %dma_start3A = arith.constant 0 : i32
      %dma_start3A_14 = arith.constant 0 : i32
      %dma_start3A_15 = tpu.memref_slice %arg6[%arg0, %dma_start3A, %dma_start3A_14] : memref<2x10112x128xf32, #tpu.memory_space<hbm>> -> memref<1x10112x128xf32, #tpu.memory_space<hbm>>
      %dma_start3A_16 = tpu.memref_squeeze %dma_start3A_15 : memref<1x10112x128xf32, #tpu.memory_space<hbm>> -> memref<10112x128xf32, #tpu.memory_space<hbm>>
      %dma_start3A_17 = arith.constant 0 : i32
      %dma_start3A_18 = tpu.memref_slice %dma_start3A_16[%mul3A_13, %dma_start3A_17] : memref<10112x128xf32, #tpu.memory_space<hbm>> -> memref<632x128xf32, #tpu.memory_space<hbm>>
      %dma_start3A_19 = arith.constant 0 : i32
      %dma_start3A_20 = tpu.memref_slice %arg10[%mul3A_11, %dma_start3A_19] : memref<10112x128xf32, #tpu.memory_space<vmem_shared>> -> memref<632x128xf32, #tpu.memory_space<vmem_shared>>
      tpu.enqueue_dma source(%dma_start3A_20 : memref<632x128xf32, #tpu.memory_space<vmem_shared>>) target(%dma_start3A_18 : memref<632x128xf32, #tpu.memory_space<hbm>>) target_semaphore(%run_scoped3A : memref<!tpu.dma_semaphore, #tpu.memory_space<semaphore_mem>>)
      %dma_wait3A = arith.constant 0 : i32
      %dma_wait3A_21 = arith.constant 0 : i32
      %dma_wait3A_22 = tpu.memref_slice %arg6[%arg0, %dma_wait3A, %dma_wait3A_21] : memref<2x10112x128xf32, #tpu.memory_space<hbm>> -> memref<1x10112x128xf32, #tpu.memory_space<hbm>>
      %dma_wait3A_23 = tpu.memref_squeeze %dma_wait3A_22 : memref<1x10112x128xf32, #tpu.memory_space<hbm>> -> memref<10112x128xf32, #tpu.memory_space<hbm>>
      %dma_wait3A_24 = arith.constant 0 : i32
      %dma_wait3A_25 = tpu.memref_slice %dma_wait3A_23[%mul3A_13, %dma_wait3A_24] : memref<10112x128xf32, #tpu.memory_space<hbm>> -> memref<632x128xf32, #tpu.memory_space<hbm>>
      %dma_wait3A_26 = arith.constant 0 : i32
      %dma_wait3A_27 = tpu.memref_slice %arg10[%mul3A_11, %dma_wait3A_26] : memref<10112x128xf32, #tpu.memory_space<vmem_shared>> -> memref<632x128xf32, #tpu.memory_space<vmem_shared>>
      tpu.wait_dma2 semaphore(%run_scoped3A : memref<!tpu.dma_semaphore, #tpu.memory_space<semaphore_mem>>) src(%dma_wait3A_27 : memref<632x128xf32, #tpu.memory_space<vmem_shared>>) dst(%dma_wait3A_25 : memref<632x128xf32, #tpu.memory_space<hbm>>)
      tpu.yield
    }) : () -> ()
    return
  }
}

module attributes {stable_mosaic.version = 14 : i64} {
  func.func @body(%arg0: i32, %arg1: memref<2528x128xf32, #tpu.memory_space<vmem>>, %arg2: memref<2528x16xf32, #tpu.memory_space<vmem>>, %arg3: memref<2528x128xf32, #tpu.memory_space<vmem>>) attributes {dimension_semantics = [#tpu.dimension_semantics<arbitrary>], iteration_bounds = array<i64: 4>, scalar_prefetch = 0 : i64, scratch_operands = 0 : i64, tpu.core_type = #tpu.core_type<tc>, window_params = [{transform_indices = @transform_0, window_bounds = array<i64: 2528, 128>}, {transform_indices = @transform_1, window_bounds = array<i64: 2528, 16>}, {transform_indices = @transform_2, window_bounds = array<i64: 2528, 128>}]} {
    %get3A = arith.constant 0 : index
    %get3A_0 = arith.constant 0 : index
    %get3A_1 = vector.load %arg2[%get3A, %get3A_0] : memref<2528x16xf32, #tpu.memory_space<vmem>>, vector<2528x1xf32>
    %max3A = arith.constant 1.000000e+00 : f32
    %max3A_2 = vector.broadcast %max3A : f32 to vector<2528x1xf32>
    %max3A_3 = arith.maximumf %get3A_1, %max3A_2 : vector<2528x1xf32>
    %rsqrt3A = math.rsqrt %max3A_3 : vector<2528x1xf32>
    %get3A_4 = arith.constant 0 : index
    %get3A_5 = arith.constant 0 : index
    %get3A_6 = vector.load %arg1[%get3A_4, %get3A_5] : memref<2528x128xf32, #tpu.memory_space<vmem>>, vector<2528x128xf32>
    %mul3A = vector.broadcast %rsqrt3A : vector<2528x1xf32> to vector<2528x128xf32>
    %mul3A_7 = arith.mulf %get3A_6, %mul3A : vector<2528x128xf32>
    %swap3A = arith.constant 0 : index
    %swap3A_8 = arith.constant 0 : index
    %swap3A_9 = vector.load %arg3[%swap3A, %swap3A_8] : memref<2528x128xf32, #tpu.memory_space<vmem>>, vector<2528x128xf32>
    tpu.vector_store %arg3[%swap3A, %swap3A_8], %mul3A_7 {strides = array<i32>} : memref<2528x128xf32, #tpu.memory_space<vmem>>, vector<2528x128xf32>,
    return
  }
  func.func @transform_0(%arg0: i32) -> (i32, i32) {
    %c0_i32 = arith.constant 0 : i32
    %c0_i32_0 = arith.constant 0 : i32
    return %arg0, %c0_i32 : i32, i32
  }
  func.func @transform_1(%arg0: i32) -> (i32, i32) {
    %c0_i32 = arith.constant 0 : i32
    %c0_i32_0 = arith.constant 0 : i32
    return %arg0, %c0_i32 : i32, i32
  }
  func.func @transform_2(%arg0: i32) -> (i32, i32) {
    %c0_i32 = arith.constant 0 : i32
    %c0_i32_0 = arith.constant 0 : i32
    return %arg0, %c0_i32 : i32, i32
  }
}

module attributes {stable_mosaic.version = 14 : i64} {
  func.func @body(%arg0: i32, %arg1: memref<2528x128xf32, #tpu.memory_space<vmem>>, %arg2: memref<2528x128xf32, #tpu.memory_space<vmem>>, %arg3: memref<2528x16xf32, #tpu.memory_space<vmem>>, %arg4: memref<2528x16xf32, #tpu.memory_space<vmem>>, %arg5: memref<128x128xf32, #tpu.memory_space<vmem>>, %arg6: memref<1x128xf32, #tpu.memory_space<vmem>>, %arg7: memref<2528x128xf32, #tpu.memory_space<vmem>>) attributes {dimension_semantics = [#tpu.dimension_semantics<arbitrary>], iteration_bounds = array<i64: 4>, scalar_prefetch = 0 : i64, scratch_operands = 0 : i64, tpu.core_type = #tpu.core_type<tc>, window_params = [{transform_indices = @transform_0, window_bounds = array<i64: 2528, 128>}, {transform_indices = @transform_1, window_bounds = array<i64: 2528, 128>}, {transform_indices = @transform_2, window_bounds = array<i64: 2528, 16>}, {transform_indices = @transform_3, window_bounds = array<i64: 2528, 16>}, {pipeline_mode = #tpu.pipeline_mode<synchronous>, transform_indices = @transform_4, window_bounds = array<i64: 128, 128>}, {pipeline_mode = #tpu.pipeline_mode<synchronous>, transform_indices = @transform_5, window_bounds = array<i64: 1, 128>}, {transform_indices = @transform_6, window_bounds = array<i64: 2528, 128>}]} {
    %get3A = arith.constant 0 : index
    %get3A_0 = arith.constant 0 : index
    %get3A_1 = vector.load %arg1[%get3A, %get3A_0] : memref<2528x128xf32, #tpu.memory_space<vmem>>, vector<2528x128xf32>
    %get3A_2 = arith.constant 0 : index
    %get3A_3 = arith.constant 0 : index
    %get3A_4 = vector.load %arg2[%get3A_2, %get3A_3] : memref<2528x128xf32, #tpu.memory_space<vmem>>, vector<2528x128xf32>
    %add3A = arith.addf %get3A_1, %get3A_4 : vector<2528x128xf32>
    %get3A_5 = arith.constant 0 : index
    %get3A_6 = arith.constant 0 : index
    %get3A_7 = vector.load %arg3[%get3A_5, %get3A_6] : memref<2528x16xf32, #tpu.memory_space<vmem>>, vector<2528x1xf32>
    %max3A = arith.constant 1.000000e+00 : f32
    %max3A_8 = vector.broadcast %max3A : f32 to vector<2528x1xf32>
    %max3A_9 = arith.maximumf %get3A_7, %max3A_8 : vector<2528x1xf32>
    %rsqrt3A = math.rsqrt %max3A_9 : vector<2528x1xf32>
    %mul3A = vector.broadcast %rsqrt3A : vector<2528x1xf32> to vector<2528x128xf32>
    %mul3A_10 = arith.mulf %add3A, %mul3A : vector<2528x128xf32>
    %get3A_11 = arith.constant 0 : index
    %get3A_12 = arith.constant 0 : index
    %get3A_13 = vector.load %arg5[%get3A_11, %get3A_12] : memref<128x128xf32, #tpu.memory_space<vmem>>, vector<128x128xf32>
    %dot_general3A = arith.constant dense<0.000000e+00> : vector<2528x128xf32>
    %dot_general3A_14 = tpu.matmul %mul3A_10, %get3A_13, %dot_general3A {dimension_numbers = #tpu.dot_dimension_numbers<[1], [0], [0], [1], [0, 0, 1, 1], [], []>, precision = #tpu.contract_precision<fp32>, transpose_lhs_hint = false} : vector<2528x128xf32>, vector<128x128xf32>, vector<2528x128xf32> -> vector<2528x128xf32>
    %get3A_15 = arith.constant 0 : index
    %get3A_16 = arith.constant 0 : index
    %get3A_17 = vector.load %arg6[%get3A_15, %get3A_16] : memref<1x128xf32, #tpu.memory_space<vmem>>, vector<1x128xf32>
    %add3A_18 = vector.broadcast %get3A_17 : vector<1x128xf32> to vector<2528x128xf32>
    %add3A_19 = arith.addf %dot_general3A_14, %add3A_18 : vector<2528x128xf32>
    %max3A_20 = arith.constant 0.000000e+00 : f32
    %max3A_21 = vector.broadcast %max3A_20 : f32 to vector<2528x128xf32>
    %max3A_22 = arith.maximumf %add3A_19, %max3A_21 : vector<2528x128xf32>
    %get3A_23 = arith.constant 0 : index
    %get3A_24 = arith.constant 0 : index
    %get3A_25 = vector.load %arg4[%get3A_23, %get3A_24] : memref<2528x16xf32, #tpu.memory_space<vmem>>, vector<2528x1xf32>
    %max3A_26 = arith.constant 1.000000e+00 : f32
    %max3A_27 = vector.broadcast %max3A_26 : f32 to vector<2528x1xf32>
    %max3A_28 = arith.maximumf %get3A_25, %max3A_27 : vector<2528x1xf32>
    %rsqrt3A_29 = math.rsqrt %max3A_28 : vector<2528x1xf32>
    %mul3A_30 = vector.broadcast %rsqrt3A_29 : vector<2528x1xf32> to vector<2528x128xf32>
    %mul3A_31 = arith.mulf %max3A_22, %mul3A_30 : vector<2528x128xf32>
    %swap3A = arith.constant 0 : index
    %swap3A_32 = arith.constant 0 : index
    %swap3A_33 = vector.load %arg7[%swap3A, %swap3A_32] : memref<2528x128xf32, #tpu.memory_space<vmem>>, vector<2528x128xf32>
    tpu.vector_store %arg7[%swap3A, %swap3A_32], %mul3A_31 {strides = array<i32>} : memref<2528x128xf32, #tpu.memory_space<vmem>>, vector<2528x128xf32>,
    return
  }
  func.func @transform_0(%arg0: i32) -> (i32, i32) {
    %c0_i32 = arith.constant 0 : i32
    %c0_i32_0 = arith.constant 0 : i32
    return %arg0, %c0_i32 : i32, i32
  }
  func.func @transform_1(%arg0: i32) -> (i32, i32) {
    %c0_i32 = arith.constant 0 : i32
    %c0_i32_0 = arith.constant 0 : i32
    return %arg0, %c0_i32 : i32, i32
  }
  func.func @transform_2(%arg0: i32) -> (i32, i32) {
    %c0_i32 = arith.constant 0 : i32
    %c0_i32_0 = arith.constant 0 : i32
    return %arg0, %c0_i32 : i32, i32
  }
  func.func @transform_3(%arg0: i32) -> (i32, i32) {
    %c0_i32 = arith.constant 0 : i32
    %c0_i32_0 = arith.constant 0 : i32
    return %arg0, %c0_i32 : i32, i32
  }
  func.func @transform_4(%arg0: i32) -> (i32, i32) {
    %c0_i32 = arith.constant 0 : i32
    %c0_i32_0 = arith.constant 0 : i32
    %c0_i32_1 = arith.constant 0 : i32
    return %c0_i32, %c0_i32_0 : i32, i32
  }
  func.func @transform_5(%arg0: i32) -> (i32, i32) {
    %c0_i32 = arith.constant 0 : i32
    %c0_i32_0 = arith.constant 0 : i32
    %c0_i32_1 = arith.constant 0 : i32
    return %c0_i32, %c0_i32_0 : i32, i32
  }
  func.func @transform_6(%arg0: i32) -> (i32, i32) {
    %c0_i32 = arith.constant 0 : i32
    %c0_i32_0 = arith.constant 0 : i32
    return %arg0, %c0_i32 : i32, i32
  }
}

module attributes {stable_mosaic.version = 14 : i64} {
  func.func @body(%arg0: i32, %arg1: memref<2528x128xf32, #tpu.memory_space<vmem>>, %arg2: memref<2528x128xf32, #tpu.memory_space<vmem>>, %arg3: memref<2528x16xf32, #tpu.memory_space<vmem>>, %arg4: memref<2528x16xf32, #tpu.memory_space<vmem>>, %arg5: memref<128x128xf32, #tpu.memory_space<vmem>>, %arg6: memref<1x128xf32, #tpu.memory_space<vmem>>, %arg7: memref<2528x128xf32, #tpu.memory_space<vmem>>) attributes {dimension_semantics = [#tpu.dimension_semantics<arbitrary>], iteration_bounds = array<i64: 4>, scalar_prefetch = 0 : i64, scratch_operands = 0 : i64, tpu.core_type = #tpu.core_type<tc>, window_params = [{transform_indices = @transform_0, window_bounds = array<i64: 2528, 128>}, {transform_indices = @transform_1, window_bounds = array<i64: 2528, 128>}, {transform_indices = @transform_2, window_bounds = array<i64: 2528, 16>}, {transform_indices = @transform_3, window_bounds = array<i64: 2528, 16>}, {pipeline_mode = #tpu.pipeline_mode<synchronous>, transform_indices = @transform_4, window_bounds = array<i64: 128, 128>}, {pipeline_mode = #tpu.pipeline_mode<synchronous>, transform_indices = @transform_5, window_bounds = array<i64: 1, 128>}, {transform_indices = @transform_6, window_bounds = array<i64: 2528, 128>}]} {
    %get3A = arith.constant 0 : index
    %get3A_0 = arith.constant 0 : index
    %get3A_1 = vector.load %arg1[%get3A, %get3A_0] : memref<2528x128xf32, #tpu.memory_space<vmem>>, vector<2528x128xf32>
    %get3A_2 = arith.constant 0 : index
    %get3A_3 = arith.constant 0 : index
    %get3A_4 = vector.load %arg2[%get3A_2, %get3A_3] : memref<2528x128xf32, #tpu.memory_space<vmem>>, vector<2528x128xf32>
    %add3A = arith.addf %get3A_1, %get3A_4 : vector<2528x128xf32>
    %get3A_5 = arith.constant 0 : index
    %get3A_6 = arith.constant 0 : index
    %get3A_7 = vector.load %arg3[%get3A_5, %get3A_6] : memref<2528x16xf32, #tpu.memory_space<vmem>>, vector<2528x1xf32>
    %max3A = arith.constant 1.000000e+00 : f32
    %max3A_8 = vector.broadcast %max3A : f32 to vector<2528x1xf32>
    %max3A_9 = arith.maximumf %get3A_7, %max3A_8 : vector<2528x1xf32>
    %rsqrt3A = math.rsqrt %max3A_9 : vector<2528x1xf32>
    %mul3A = vector.broadcast %rsqrt3A : vector<2528x1xf32> to vector<2528x128xf32>
    %mul3A_10 = arith.mulf %add3A, %mul3A : vector<2528x128xf32>
    %get3A_11 = arith.constant 0 : index
    %get3A_12 = arith.constant 0 : index
    %get3A_13 = vector.load %arg5[%get3A_11, %get3A_12] : memref<128x128xf32, #tpu.memory_space<vmem>>, vector<128x128xf32>
    %dot_general3A = arith.constant dense<0.000000e+00> : vector<2528x128xf32>
    %dot_general3A_14 = tpu.matmul %mul3A_10, %get3A_13, %dot_general3A {dimension_numbers = #tpu.dot_dimension_numbers<[1], [0], [0], [1], [0, 0, 1, 1], [], []>, precision = #tpu.contract_precision<fp32>, transpose_lhs_hint = false} : vector<2528x128xf32>, vector<128x128xf32>, vector<2528x128xf32> -> vector<2528x128xf32>
    %get3A_15 = arith.constant 0 : index
    %get3A_16 = arith.constant 0 : index
    %get3A_17 = vector.load %arg6[%get3A_15, %get3A_16] : memref<1x128xf32, #tpu.memory_space<vmem>>, vector<1x128xf32>
    %add3A_18 = vector.broadcast %get3A_17 : vector<1x128xf32> to vector<2528x128xf32>
    %add3A_19 = arith.addf %dot_general3A_14, %add3A_18 : vector<2528x128xf32>
    %max3A_20 = arith.constant 0.000000e+00 : f32
    %max3A_21 = vector.broadcast %max3A_20 : f32 to vector<2528x128xf32>
    %max3A_22 = arith.maximumf %add3A_19, %max3A_21 : vector<2528x128xf32>
    %swap3A = arith.constant 0 : index
    %swap3A_23 = arith.constant 0 : index
    %swap3A_24 = vector.load %arg7[%swap3A, %swap3A_23] : memref<2528x128xf32, #tpu.memory_space<vmem>>, vector<2528x128xf32>
    tpu.vector_store %arg7[%swap3A, %swap3A_23], %max3A_22 {strides = array<i32>} : memref<2528x128xf32, #tpu.memory_space<vmem>>, vector<2528x128xf32>,
    return
  }
  func.func @transform_0(%arg0: i32) -> (i32, i32) {
    %c0_i32 = arith.constant 0 : i32
    %c0_i32_0 = arith.constant 0 : i32
    return %arg0, %c0_i32 : i32, i32
  }
  func.func @transform_1(%arg0: i32) -> (i32, i32) {
    %c0_i32 = arith.constant 0 : i32
    %c0_i32_0 = arith.constant 0 : i32
    return %arg0, %c0_i32 : i32, i32
  }
  func.func @transform_2(%arg0: i32) -> (i32, i32) {
    %c0_i32 = arith.constant 0 : i32
    %c0_i32_0 = arith.constant 0 : i32
    return %arg0, %c0_i32 : i32, i32
  }
  func.func @transform_3(%arg0: i32) -> (i32, i32) {
    %c0_i32 = arith.constant 0 : i32
    %c0_i32_0 = arith.constant 0 : i32
    return %arg0, %c0_i32 : i32, i32
  }
  func.func @transform_4(%arg0: i32) -> (i32, i32) {
    %c0_i32 = arith.constant 0 : i32
    %c0_i32_0 = arith.constant 0 : i32
    %c0_i32_1 = arith.constant 0 : i32
    return %c0_i32, %c0_i32_0 : i32, i32
  }
  func.func @transform_5(%arg0: i32) -> (i32, i32) {
    %c0_i32 = arith.constant 0 : i32
    %c0_i32_0 = arith.constant 0 : i32
    %c0_i32_1 = arith.constant 0 : i32
    return %c0_i32, %c0_i32_0 : i32, i32
  }
  func.func @transform_6(%arg0: i32) -> (i32, i32) {
    %c0_i32 = arith.constant 0 : i32
    %c0_i32_0 = arith.constant 0 : i32
    return %arg0, %c0_i32 : i32, i32
  }
}

</mosaic_0001>

<sc_bundles>
// kernel: kernel.12.cloned.1.call-start
scs
__scs_entry_jumppad:
0x0: {  	(pc) =	sbr.rel $0x88, $3  }
0x1: {  	(tag) =	ssettag $0x0;
	lr =	simm.s32 $0x1  }
0x2: {  	[smem:$0x3F9A] =	sst lr;
	_ =	strace $0xD0000000  }
0x3: {  	_ = 	snop  }
0x4: {  	_ = 	snop  }
0x5: {  	_ = 	snop  }
0x6: {  	_ = 	snop  }
0x7: {  	_ = 	snop  }
__scs_overlays_trampoline_lowered:
0x8: {  	[smem:$0x3FA9] =	sst s0  }
0x9: {  	[smem:$0x3FAA] =	sst s1  }
0xa: {  	[smem:$0x3FAB] =	sst s2  }
0xb: {  	[smem:$0x3FAC] =	sst s3  }
0xc: {  	[smem:$0x3FAD] =	sst s4  }
0xd: {  	[smem:$0x3FAE] =	sst s5  }
0xe: {  	[smem:$0x3FAF] =	sst s6  }
0xf: {  	[smem:$0x3FB0] =	sst s7  }
0x10: {  	[smem:$0x3FB1] =	sst s8  }
0x11: {  	[smem:$0x3FB2] =	sst s9;
	s0 =	simm.s32 @!p0 $0x0  }
0x12: {  	s1 =	sld [smem:$0x3F98];
	s0 =	simm.s32 @p0 $0x1  }
0x13: {  	[smem:$0x3FB3] =	sst s0;
	s0 =	simm.s32 @!p1 $0x0  }
0x14: {  	s2 =	sld [smem:$0x3F97];
	s0 =	simm.s32 @p1 $0x1  }
0x15: {  	[smem:$0x3FB4] =	sst s0;
	s0 =	simm.s32 @!p2 $0x0  }
0x16: {  	s3 =	sld [smem:$0x3FDB];
	s0 =	simm.s32 @p2 $0x1  }
0x17: {  	s4 =	simm.s32 $0x1BF5;
	[smem:$0x3FB6] =	sst s0  }
0x18: {  	s0 =	sld [smem:$0x3F99];
	_ =	swait.ge [sflag:s4], $0x0  }
0x19: {  	s7 =	sld [smem:$0x3F9A]  }
0x1a: {  	s8 =	sadd.s32 $0xFFFFE003, lr  }
0x1b: {  	s9 =	sadd.s32 $0xFFFFFEF7, lr;
	s5 =	simm.s32 $0xFFFFFFFF;
	p2 =	slt.u32 s8, $0xFFFFF086  }
0x1c: {  	p1 =	slt.u32 s9, $0xF7A;
	s5 =	simm.s32 @!p2 $0x0  }
0x1d: {  	s5 =	simm.s32 @p1 $0x1;
	p0 =	seq.s32 s7, s2  }
0x1e: {  	s7 =	smul.u32 @!p0 $0xF7A, s2;
	p2 =	seq.s32 @!p0 s5, $0x0  }
0x1f: {  	s9 =	smul.u32 $0xF7A, s1;
	s8 =	simm.s32 @!p0 $0x1BF5;
	p2 =	por !p2, p0  }
0x20: {  	[sflag:s8] =	ssyncset.s32 @!p0 $0xFFFFF086;
	s6 =	sadd.s32 @!p0 s3, s7;
	s7 =	simm.s32 @!p0 $0x108  }
0x21: {  	s3 =	sadd.s32 s3, s9;
	s6 =	sadd.s32 @!p0 $0x88, s6;
	s7 =	simm.s32 @p2 $0x1082  }
0x22: {  	[simem:s7], [sflag:s8] =	dma.local @!p0 [hbm:s6], $0xF7A  }
0x23: {  	s9 =	sor.u32 $0xD0000000, s2;
	s6 =	simm.s32 $0x108;
	_ =	swait.ge @!p0 [sflag:s8], $0x0  }
0x24: {  	s3 =	sadd.s32 $0x88, s3;
	s6 =	simm.s32 @!p1 $0x1082;
	[sflag:s4] =	ssyncset.s32 $0xFFFFF086  }
0x25: {  	[simem:s6], [sflag:s4] =	dma.local [hbm:s3], $0xF7A  }
0x26: {  	[smem:$0x3F9A] =	sst s1;
	(tag) =	ssettag s2;
	_ =	strace s9  }
0x27: {  	s1 =	sld [smem:$0x3FAA]  }
0x28: {  	s2 =	sld [smem:$0x3FAB]  }
0x29: {  	s4 =	sld [smem:$0x3FAD]  }
0x2a: {  	p0 =	seq.s32 s5, $0x0;
	s5 =	sld [smem:$0x3FAE]  }
0x2b: {  	s6 =	sld [smem:$0x3FAF]  }
0x2c: {  	s7 =	sld [smem:$0x3FB0]  }
0x2d: {  	s3 =	simm.s32 $0x108;
	s8 =	sld [smem:$0x3FB1]  }
0x2e: {  	s3 =	simm.s32 @!p0 $0x1082;
	s9 =	sld [smem:$0x3FB2]  }
0x2f: {  	lr =	sadd.s32 s0, s3;
	s0 =	sld [smem:$0x3FA9]  }
0x30: {  	s3 =	sld [smem:$0x3FAC]  }
0x31: {  	[smem:$0x3FB5] =	sst s10  }
0x32: {  	s10 =	sld [smem:$0x3FB3];
	_ =	sdelay $0x3  }
0x33: {  	p0 =	seq.s32 s10, $0x1;
	s10 =	sld [smem:$0x3FB5];
	_ =	sdelay $0x3  }
0x34: {  	[smem:$0x3FB5] =	sst s10  }
0x35: {  	s10 =	sld [smem:$0x3FB4];
	_ =	sdelay $0x3  }
0x36: {  	p1 =	seq.s32 s10, $0x1;
	s10 =	sld [smem:$0x3FB5];
	_ =	sdelay $0x3  }
0x37: {  	[smem:$0x3FB5] =	sst s10  }
0x38: {  	s10 =	sld [smem:$0x3FB6]  }
0x39: {  	_ = 	snop;
	(pc) =	sbr.ind lr, $3  }
0x3a: {  	_ = 	snop  }
0x3b: {  	_ = 	snop  }
0x3c: {  	p2 =	seq.s32 s10, $0x1;
	s10 =	sld [smem:$0x3FB5]  }
0x3d: {  	_ =	shalt  }
0x3e: {  	_ =	shalt  }
0x3f: {  	_ =	shalt  }
0x40: {  	_ =	shalt  }
0x41: {  	_ =	shalt  }
0x42: {  	_ =	shalt  }
0x43: {  	_ =	shalt  }
0x44: {  	_ =	shalt  }
0x45: {  	_ =	shalt  }
0x46: {  	_ =	shalt  }
0x47: {  	_ =	shalt  }
0x48: {  	_ =	shalt  }
0x49: {  	_ =	shalt  }
0x4a: {  	_ =	shalt  }
0x4b: {  	_ =	shalt  }
0x4c: {  	_ =	shalt  }
0x4d: {  	_ =	shalt  }
0x4e: {  	_ =	shalt  }
0x4f: {  	_ =	shalt  }
0x50: {  	_ =	shalt  }
0x51: {  	_ =	shalt  }
0x52: {  	_ =	shalt  }
0x53: {  	_ =	shalt  }
0x54: {  	_ =	shalt  }
0x55: {  	_ =	shalt  }
0x56: {  	_ =	shalt  }
0x57: {  	_ =	shalt  }
0x58: {  	_ =	shalt  }
0x59: {  	_ =	shalt  }
0x5a: {  	_ =	shalt  }
0x5b: {  	_ =	shalt  }
0x5c: {  	_ =	shalt  }
0x5d: {  	_ =	shalt  }
0x5e: {  	_ =	shalt  }
0x5f: {  	_ =	shalt  }
0x60: {  	_ =	shalt  }
0x61: {  	_ =	shalt  }
0x62: {  	_ =	shalt  }
0x63: {  	_ =	shalt  }
0x64: {  	_ =	shalt  }
0x65: {  	_ =	shalt  }
0x66: {  	_ =	shalt  }
0x67: {  	_ =	shalt  }
0x68: {  	_ =	shalt  }
0x69: {  	_ =	shalt  }
0x6a: {  	_ =	shalt  }
0x6b: {  	_ =	shalt  }
0x6c: {  	_ =	shalt  }
0x6d: {  	_ =	shalt  }
0x6e: {  	_ =	shalt  }
0x6f: {  	_ =	shalt  }
0x70: {  	_ =	shalt  }
0x71: {  	_ =	shalt  }
0x72: {  	_ =	shalt  }
0x73: {  	_ =	shalt  }
0x74: {  	_ =	shalt  }
0x75: {  	_ =	shalt  }
0x76: {  	_ =	shalt  }
0x77: {  	_ =	shalt  }
0x78: {  	_ =	shalt  }
0x79: {  	_ =	shalt  }
0x7a: {  	_ =	shalt  }
0x7b: {  	_ =	shalt  }
0x7c: {  	_ =	shalt  }
0x7d: {  	_ =	shalt  }
0x7e: {  	_ =	shalt  }
0x7f: {  	_ =	shalt  }
0x80: {  	_ =	shalt  }
0x81: {  	_ =	shalt  }
0x82: {  	_ =	shalt  }
0x83: {  	_ =	shalt  }
0x84: {  	_ =	shalt  }
0x85: {  	_ =	shalt  }
0x86: {  	_ =	shalt  }
0x87: {  	_ =	shalt  }
.Lfunc_end0:
.L_simem_size_0:
called_computation.1_lowered:
.L_overlay_start_0:
0x88: {  	s2 =	sld [smem:$0x3FD9]  }
0x89: {  	s3 =	sld [smem:$0x3FFE];
	_ =	sdelay $0x1  }
0x8a: {  	s1 =	srdreg.scid  }
0x8b: {  	s0 =	sand.u32 $0x1, s1  }
0x8c: {  	s17 =	sshll.u32 s0, $0xA;
	s2 =	sadd.s32 s3, s2  }
0x8d: {  	s2 =	sadd.s32 s2, s17  }
0x8e: {  	[smem:$0x3FC1] =	sst s2  }
0x8f: {  	_ = 	snop  }
0x90: {  	(tm) =	ssettm $0x1  }
0x91: {  	s18 =	sld [smem:$0x3FFB];
	_ =	sdelay $0x3  }
0x92: {  	_ =	strace s18  }
0x93: {  	s2 =	sld [smem:$0x3FFC];
	_ =	sdelay $0x3  }
0x94: {  	_ =	strace s2  }
0x95: {  	s2 =	sld [smem:$0x3FFD];
	_ =	sdelay $0x3  }
0x96: {  	_ =	strace s2  }
0x97: {  	_ =	strace $0x8FFFFFFF  }
0x98: {  	s19 =	sld [smem:$0x3FDB];
	_ =	sdelay $0x1  }
0x99: {  	s20 =	simm.s32 $_scs_section_size  }
0x9a: {  	s4 =	simm.s32 $_size__tile_overlayer_lowered;
	s5 =	simm.s32 $_tile_overlayer_lowered  }
0x9b: {  	s6 =	simm.s32 $0x1BFF;
	s21 =	sshll.u32 s5, $0x1;
	s3 =	sadd.s32 s20, s19  }
0x9c: {  	s22 =	simm.s32 $0x0;
	s4 =	sshll.u32 s4, $0x1;
	s5 =	sadd.s32 s21, s3  }
0x9d: {  	[timem:s22], [sflag:s6] =	dma.local [hbm:s5], s4  }
0x9e: {  	_ =	swait.ge [sflag:s6], s4  }
0x9f: {  	s4 =	ssub.s32 $0x0, s4;
	[sflag:s6] =	ssyncset.done $0x0  }
0xa0: {  	[sflag:s6] =	ssyncadd.s32 s4;
	_ =	sdelay $0x1  }
0xa1: {  	s23 =	simm.s32 $0x1B8B  }
0xa2: {  	_ =	swait.ge [sflag:s23], $0x1  }
0xa3: {  	[sflag:s23] =	ssyncset.done $0x0  }
0xa4: {  	[sflag:s23] =	ssyncadd.s32 $0xFFFFFFFF  }
0xa5: {  	s4 =	sld [smem:$0x0]  }
0xa6: {  	s5 =	sand.u32 $0xFFFFFFFE, s1  }
0xa7: {  	p0 =	sne.s32 s1, s5  }
0xa8: {  	s5 =	sshll.u32 @p0 s5, $0xE  }
0xa9: {  	s5 =	sadd.s32 @p0 $0x11B8D, s5;
	s6 =	sshll.u32 @p0 s4, $0x11  }
0xaa: {  	s5 =	sor.u32 @p0 s6, s5  }
0xab: {  	[sflag:s5] =	ssyncadd.remote.s32 @p0 $0x1;
	_ =	sdelay $0x1  }
0xac: {  	s5 =	simm.s32 @p0 $0x1B8D  }
0xad: {  	_ =	swait.eq @p0 [sflag:s5], $0x1  }
0xae: {  	[sflag:s5] =	ssyncadd.s32 @p0 $0xFFFFFFFF  }
0xaf: {  	s6 =	sshll.u32 @!p0 s1, $0xE  }
0xb0: {  	s6 =	sor.u32 @!p0 $0x4000, s6;
	s5 =	simm.s32 @!p0 $0x1B8D  }
0xb1: {  	s4 =	sshll.u32 @!p0 s4, $0x11;
	s6 =	sadd.s32 @!p0 $0x11B8D, s6;
	_ =	swait.eq @!p0 [sflag:s5], $0x1  }
0xb2: {  	s4 =	sor.u32 @!p0 s4, s6;
	[sflag:s5] =	ssyncadd.s32 @!p0 $0xFFFFFFFF  }
0xb3: {  	s25 =	simm.s32 $0x1B8E;
	s24 =	sld [smem:$0x3FFE];
	[sflag:s4] =	ssyncadd.remote.s32 @!p0 $0x1  }
0xb4: {  	s26 =	simm.s32 $execute0_lowered;
	[smem:$0x3FD2] =	sst s25  }
0xb5: {  	s5 =	sshll.u32 s26, $0x1;
	_ =	strace $0x80000049;
	[dreg:$0x1] =	wrdreg $0xFFFFFFFF  }
0xb6: {  	s28 =	simm.s32 $_size_execute0_lowered;
	s3 =	sadd.s32 s3, s5;
	[dreg:$0x0] =	wrdreg $0x0  }
0xb7: {  	s5 =	sshll.u32 s28, $0x1;
	[dreg:$0x2] =	wrdreg s3  }
0xb8: {  	[dreg:$0x3] =	wrdreg s5  }
0xb9: {  	[dreg:$0x4] =	wrdreg $0xC0  }
0xba: {  	_ =	task [dreg:s22], $0x5FFFF  }
0xbb: {  	[dreg:$0x1] =	wrdreg $0xFFFFFFFF  }
0xbc: {  	[dreg:$0x0] =	wrdreg $0x60  }
0xbd: {  	[dreg:$0x2] =	wrdreg s24  }
0xbe: {  	[dreg:$0x3] =	wrdreg $0x88000  }
0xbf: {  	[dreg:$0x4] =	wrdreg $0x9  }
0xc0: {  	_ =	task.clear_ibuf [dreg:s22], $0x5FFFF;
	_ =	strace $0x90000049  }
0xc1: {  	s29 =	simm.s32 $0x9;
	_ =	strace $0x8000004B  }
0xc2: {  	_ =	swait.ge [sflag:s29], $0x1  }
0xc3: {  	[sflag:s29] =	ssyncadd.s32 $0xFFFFFFFF  }
0xc4: {  	_ =	strace $0x9000004B  }
0xc5: {  	_ =	sfence  }
0xc6: {  	s30 =	sld [smem:$0x0];
	_ =	sdelay $0x2  }
0xc7: {  	s31 =	sshll.u32 s1, $0xD;
	s1 =	sshrl.u32 s1, $0x2  }
0xc8: {  	s4 =	sand.u32 $0x4000, s31;
	s1 =	sadd.s32 s1, s30  }
0xc9: {  	s0 =	sor.u32 s4, s0;
	s1 =	sshll.u32 s1, $0x11  }
0xca: {  	s0 =	sor.u32 s1, s0  }
0xcb: {  	s0 =	sadd.s32 $0x8F2B, s0  }
0xcc: {  	[sflag:s0] =	ssyncadd.remote.s32 $0x1  }
0xcd: {  	_ =	sfence.sel $0xFFFF  }
0xce: {  	[dreg:$0x0] =	wrdreg $0xFFFFFFFF;
	(pc) =	sbr.abs _section_cstart, $3  }
0xcf: {  	[dreg:$0x1] =	wrdreg $0xFFFFFFFF  }
0xd0: {  	_ =	task.clear_ibuf [dreg:s22], $0x2FFFF;
	_ =	strace $0x9FFFFFFF  }
0xd1: {  	(tm) =	ssettm $0x7FFFFFFF  }
tec
execute0_lowered:
.L_overlay_start_1:
0x0: {  	(tag) =	ssettag $0x1  }
0x1: {  	s0 =	rddreg [dreg:$0x0]  }
0x2: {  	s1 =	srdreg.scid;
	s2 =	rddreg [dreg:$0x1]  }
0x3: {  	s10 =	stileid.u32;
	s3 =	simm.s32 $0x0;
	s13 =	simm.s32 $0x400  }
0x4: {  	s14 =	simm.s32 $0x80;
	s15 =	simm.s32 $0x4800;
	s16 =	simm.s32 $0x480  }
0x5: {  	s17 =	simm.s32 $0x100;
	s18 =	simm.s32 $0x500;
	s19 =	simm.s32 $0x180  }
0x6: {  	s20 =	simm.s32 $0x580;
	s21 =	simm.s32 $0x200;
	s22 =	simm.s32 $0x600  }
0x7: {  	s23 =	simm.s32 $0x280;
	s28 =	simm.s32 $0x700;
	s29 =	simm.s32 $0x380  }
0x8: {  	s30 =	simm.s32 $0x780;
	s31 =	simm.s32 $0x0;
	s5 =	smul.u32 $0x500, s10  }
0x9: {  	s1 =	sand.u32 $0x1, s1;
	[smem:$0x7FF] =	sst s3;
	s8 =	smul.u32 $0x4F000, s10  }
0xa: {  	s24 =	sadd.s32 $0x2200, s0;
	s25 =	sadd.s32 $0x3200, s0;
	s26 =	sshll.u32 s10, $0x6  }
0xb: {  	s4 =	smul.u32 $0x5000, s1;
	_ =	strace $0x8000004A;
	[dreg:$0x3] =	wrdreg s24  }
0xc: {  	s6 =	smul.u32 $0x27800, s1;
	s1 =	ssub.s32 $0x2, s1;
	[dreg:$0x4] =	wrdreg s25  }
0xd: {  	s25 =	smul.u32 $0x2780, s10;
	s10 =	sor.u32 $0x1C01, s26;
	s26 =	simm.s32 $0x300  }
0xe: {  	s9 =	sshrl.u32 s1, $0x1;
	s8 =	sshrl.u32 s8, $0x2;
	s4 =	sadd.s32 s5, s4  }
0xf: {  	s6 =	sadd.s32 s6, s0;
	s1 =	ssub.s32 s1, s9;
	s11 =	sadd.s32 s8, s2  }
0x10: {  	s8 =	simm.s32 $0x800;
	s9 =	simm.s32 $0x1;
	s7 =	sadd.s32 s4, s0  }
0x11: {  	s0 =	sadd.s32 $0x5EA00, s0;
	s24 =	sadd.s32 $0x68A00, s6;
	s1 =	smax.u32 s1, $0x1  }
0x12: {  	s11 =	sshrl.u32 s11, $0x3;
	[dreg:$0x5] =	wrdreg s1;
	s7 =	sadd.s32 $0x54A00, s7  }
0x13: {  	s12 =	sadd.s32 s0, s4;
	s24 =	sadd.s32 s25, s24;
	s25 =	simm.s32 $0x680  }
.LBB2_1:
0x14: {  	s0 =	rddreg [dreg:$0x3]  }
0x15: {  	[tilespmem:s8], [sflag:$0x1] =	stream.linear.gather [hbm4b:s0+s3], $0x8000, $0x38;
	[tilespmem:$0x1C400] =	vst v63  }
0x16: {  	_ =	swait.ge [sflag:s9], $0x8000  }
0x17: {  	[sflag:s9] =	ssyncset.done $0x0  }
0x18: {  	s4 =	rddreg [dreg:$0x4];
	[sflag:s9] =	ssyncadd.s32 $0xFFFF8000  }
0x19: {  	[spmem:s11], [sflag:s10] =	dma.local [hbm:s4], $0x2780  }
0x1a: {  	_ =	swait.ge [sflag:s9], $0x2780  }
0x1b: {  	[sflag:s9] =	ssyncset.done $0x0  }
0x1c: {  	[sflag:s9] =	ssyncadd.s32 $0xFFFFD880  }
0x1d: {  	s5 =	sadd.s32 $0x0, s7;
	[bflag:$0x0] =	sbarrier.arrive $0xFFFF  }
0x1e: {  	[tilespmem:s3], [sflag:$0x1] =	stream.linear.gather [hbm4b:s5+s3], $0x400, $0x38;
	[tilespmem:$0x1C400] =	vst v63  }
0x1f: {  	_ =	swait.ge [sflag:s9], $0x400  }
0x20: {  	[sflag:s9] =	ssyncset.done $0x0  }
0x21: {  	s6 =	sadd.s32 $0x0, s12;
	[sflag:s9] =	ssyncadd.s32 $0xFFFFFC00  }
0x22: {  	[tilespmem:s13], [sflag:$0x1] =	stream.linear.gather [hbm4b:s6+s3], $0x400, $0x38;
	[tilespmem:$0x1C400] =	vst v63  }
0x23: {  	_ =	swait.ge [sflag:s9], $0x400  }
0x24: {  	[sflag:s9] =	ssyncset.done $0x0  }
0x25: {  	[sflag:s9] =	ssyncadd.s32 $0xFFFFFC00  }
0x26: {  	[spmem:s2] =	stream.indirect.scatter.add.f32 [tilespmem:s8], [sflag:$0x1], $0x80, s3, s14, $0xb8;
	[tilespmem:$0x1C400] =	vst v63  }
0x27: {  	_ =	swait.ge [sflag:s9], $0x4000  }
0x28: {  	[sflag:s9] =	ssyncset.done $0x0  }
0x29: {  	[sflag:s9] =	ssyncadd.s32 $0xFFFFC000  }
0x2a: {  	[spmem:s2] =	stream.indirect.scatter.add.f32 [tilespmem:s15], [sflag:$0x1], $0x80, s13, s14, $0xb8;
	[tilespmem:$0x1C400] =	vst v63  }
0x2b: {  	_ =	swait.ge [sflag:s9], $0x4000  }
0x2c: {  	[sflag:s9] =	ssyncset.done $0x0  }
0x2d: {  	[sflag:s9] =	ssyncadd.s32 $0xFFFFC000  }
0x2e: {  	[spmem:s2] =	stream.indirect.scatter.add.f32 [tilespmem:s8], [sflag:$0x1], $0x80, s14, s14, $0xb8;
	[tilespmem:$0x1C400] =	vst v63  }
0x2f: {  	_ =	swait.ge [sflag:s9], $0x4000  }
0x30: {  	[sflag:s9] =	ssyncset.done $0x0  }
0x31: {  	[sflag:s9] =	ssyncadd.s32 $0xFFFFC000  }
0x32: {  	[spmem:s2] =	stream.indirect.scatter.add.f32 [tilespmem:s15], [sflag:$0x1], $0x80, s16, s14, $0xb8;
	[tilespmem:$0x1C400] =	vst v63  }
0x33: {  	_ =	swait.ge [sflag:s9], $0x4000  }
0x34: {  	[sflag:s9] =	ssyncset.done $0x0  }
0x35: {  	[sflag:s9] =	ssyncadd.s32 $0xFFFFC000  }
0x36: {  	[spmem:s2] =	stream.indirect.scatter.add.f32 [tilespmem:s8], [sflag:$0x1], $0x80, s17, s14, $0xb8;
	[tilespmem:$0x1C400] =	vst v63  }
0x37: {  	_ =	swait.ge [sflag:s9], $0x4000  }
0x38: {  	[sflag:s9] =	ssyncset.done $0x0  }
0x39: {  	[sflag:s9] =	ssyncadd.s32 $0xFFFFC000  }
0x3a: {  	[spmem:s2] =	stream.indirect.scatter.add.f32 [tilespmem:s15], [sflag:$0x1], $0x80, s18, s14, $0xb8;
	[tilespmem:$0x1C400] =	vst v63  }
0x3b: {  	_ =	swait.ge [sflag:s9], $0x4000  }
0x3c: {  	[sflag:s9] =	ssyncset.done $0x0  }
0x3d: {  	[sflag:s9] =	ssyncadd.s32 $0xFFFFC000  }
0x3e: {  	[spmem:s2] =	stream.indirect.scatter.add.f32 [tilespmem:s8], [sflag:$0x1], $0x80, s19, s14, $0xb8;
	[tilespmem:$0x1C400] =	vst v63  }
0x3f: {  	_ =	swait.ge [sflag:s9], $0x4000  }
0x40: {  	[sflag:s9] =	ssyncset.done $0x0  }
0x41: {  	[sflag:s9] =	ssyncadd.s32 $0xFFFFC000  }
0x42: {  	[spmem:s2] =	stream.indirect.scatter.add.f32 [tilespmem:s15], [sflag:$0x1], $0x80, s20, s14, $0xb8;
	[tilespmem:$0x1C400] =	vst v63  }
0x43: {  	_ =	swait.ge [sflag:s9], $0x4000  }
0x44: {  	[sflag:s9] =	ssyncset.done $0x0  }
0x45: {  	[sflag:s9] =	ssyncadd.s32 $0xFFFFC000  }
0x46: {  	[spmem:s2] =	stream.indirect.scatter.add.f32 [tilespmem:s8], [sflag:$0x1], $0x80, s21, s14, $0xb8;
	[tilespmem:$0x1C400] =	vst v63  }
0x47: {  	_ =	swait.ge [sflag:s9], $0x4000  }
0x48: {  	[sflag:s9] =	ssyncset.done $0x0  }
0x49: {  	[sflag:s9] =	ssyncadd.s32 $0xFFFFC000  }
0x4a: {  	[spmem:s2] =	stream.indirect.scatter.add.f32 [tilespmem:s15], [sflag:$0x1], $0x80, s22, s14, $0xb8;
	[tilespmem:$0x1C400] =	vst v63  }
0x4b: {  	_ =	swait.ge [sflag:s9], $0x4000  }
0x4c: {  	[sflag:s9] =	ssyncset.done $0x0  }
0x4d: {  	[sflag:s9] =	ssyncadd.s32 $0xFFFFC000  }
0x4e: {  	[spmem:s2] =	stream.indirect.scatter.add.f32 [tilespmem:s8], [sflag:$0x1], $0x80, s23, s14, $0xb8;
	[tilespmem:$0x1C400] =	vst v63  }
0x4f: {  	_ =	swait.ge [sflag:s9], $0x4000  }
0x50: {  	[sflag:s9] =	ssyncset.done $0x0  }
0x51: {  	[sflag:s9] =	ssyncadd.s32 $0xFFFFC000  }
0x52: {  	[spmem:s2] =	stream.indirect.scatter.add.f32 [tilespmem:s15], [sflag:$0x1], $0x80, s25, s14, $0xb8;
	[tilespmem:$0x1C400] =	vst v63  }
0x53: {  	_ =	swait.ge [sflag:s9], $0x4000  }
0x54: {  	[sflag:s9] =	ssyncset.done $0x0  }
0x55: {  	[sflag:s9] =	ssyncadd.s32 $0xFFFFC000  }
0x56: {  	[spmem:s2] =	stream.indirect.scatter.add.f32 [tilespmem:s8], [sflag:$0x1], $0x80, s26, s14, $0xb8;
	[tilespmem:$0x1C400] =	vst v63  }
0x57: {  	_ =	swait.ge [sflag:s9], $0x4000  }
0x58: {  	[sflag:s9] =	ssyncset.done $0x0  }
0x59: {  	[sflag:s9] =	ssyncadd.s32 $0xFFFFC000  }
0x5a: {  	[spmem:s2] =	stream.indirect.scatter.add.f32 [tilespmem:s15], [sflag:$0x1], $0x80, s28, s14, $0xb8;
	[tilespmem:$0x1C400] =	vst v63  }
0x5b: {  	_ =	swait.ge [sflag:s9], $0x4000  }
0x5c: {  	[sflag:s9] =	ssyncset.done $0x0  }
0x5d: {  	[sflag:s9] =	ssyncadd.s32 $0xFFFFC000  }
0x5e: {  	[spmem:s2] =	stream.indirect.scatter.add.f32 [tilespmem:s8], [sflag:$0x1], $0x80, s29, s14, $0xb8;
	[tilespmem:$0x1C400] =	vst v63  }
0x5f: {  	_ =	swait.ge [sflag:s9], $0x4000  }
0x60: {  	[sflag:s9] =	ssyncset.done $0x0  }
0x61: {  	[sflag:s9] =	ssyncadd.s32 $0xFFFFC000  }
0x62: {  	[spmem:s2] =	stream.indirect.scatter.add.f32 [tilespmem:s15], [sflag:$0x1], $0x80, s30, s14, $0xb8;
	[tilespmem:$0x1C400] =	vst v63  }
0x63: {  	_ =	swait.ge [sflag:s9], $0x4000  }
0x64: {  	s1 =	simm.s32 $0x100;
	s0 =	simm.s32 $0x80;
	[sflag:s9] =	ssyncset.done $0x0  }
.LBB2_2:
0x65: {  	s5 =	sadd.s32 s0, s7  }
0x66: {  	[sflag:s9] =	ssyncadd.s32 $0xFFFFC000;
	s6 =	smov.u32 s1;
	s4 =	sadd.s32 $0x80, s1  }
0x67: {  	[tilespmem:s3], [sflag:$0x1] =	stream.linear.gather [hbm4b:s5+s3], $0x400, $0x38;
	[tilespmem:$0x1C400] =	vst v63  }
0x68: {  	p0 =	sne.s32 s1, $0x480;
	_ =	swait.ge [sflag:s9], $0x400  }
0x69: {  	[sflag:s9] =	ssyncset.done $0x0  }
0x6a: {  	s1 =	sadd.s32 s0, s12;
	s0 =	smov.u32 s6;
	[sflag:s9] =	ssyncadd.s32 $0xFFFFFC00  }
0x6b: {  	[tilespmem:s13], [sflag:$0x1] =	stream.linear.gather [hbm4b:s1+s3], $0x400, $0x38;
	[tilespmem:$0x1C400] =	vst v63  }
0x6c: {  	_ =	swait.ge [sflag:s9], $0x400  }
0x6d: {  	[sflag:s9] =	ssyncset.done $0x0  }
0x6e: {  	[sflag:s9] =	ssyncadd.s32 $0xFFFFFC00  }
0x6f: {  	[spmem:s2] =	stream.indirect.scatter.add.f32 [tilespmem:s8], [sflag:$0x1], $0x80, s3, s14, $0xb8;
	[tilespmem:$0x1C400] =	vst v63  }
0x70: {  	_ =	swait.ge [sflag:s9], $0x4000  }
0x71: {  	[sflag:s9] =	ssyncset.done $0x0  }
0x72: {  	[sflag:s9] =	ssyncadd.s32 $0xFFFFC000  }
0x73: {  	[spmem:s2] =	stream.indirect.scatter.add.f32 [tilespmem:s15], [sflag:$0x1], $0x80, s13, s14, $0xb8;
	[tilespmem:$0x1C400] =	vst v63  }
0x74: {  	_ =	swait.ge [sflag:s9], $0x4000  }
0x75: {  	[sflag:s9] =	ssyncset.done $0x0  }
0x76: {  	[sflag:s9] =	ssyncadd.s32 $0xFFFFC000  }
0x77: {  	[spmem:s2] =	stream.indirect.scatter.add.f32 [tilespmem:s8], [sflag:$0x1], $0x80, s14, s14, $0xb8;
	[tilespmem:$0x1C400] =	vst v63  }
0x78: {  	_ =	swait.ge [sflag:s9], $0x4000  }
0x79: {  	[sflag:s9] =	ssyncset.done $0x0  }
0x7a: {  	[sflag:s9] =	ssyncadd.s32 $0xFFFFC000  }
0x7b: {  	[spmem:s2] =	stream.indirect.scatter.add.f32 [tilespmem:s15], [sflag:$0x1], $0x80, s16, s14, $0xb8;
	[tilespmem:$0x1C400] =	vst v63  }
0x7c: {  	_ =	swait.ge [sflag:s9], $0x4000  }
0x7d: {  	[sflag:s9] =	ssyncset.done $0x0  }
0x7e: {  	[sflag:s9] =	ssyncadd.s32 $0xFFFFC000  }
0x7f: {  	[spmem:s2] =	stream.indirect.scatter.add.f32 [tilespmem:s8], [sflag:$0x1], $0x80, s17, s14, $0xb8;
	[tilespmem:$0x1C400] =	vst v63  }
0x80: {  	_ =	swait.ge [sflag:s9], $0x4000  }
0x81: {  	[sflag:s9] =	ssyncset.done $0x0  }
0x82: {  	[sflag:s9] =	ssyncadd.s32 $0xFFFFC000  }
0x83: {  	[spmem:s2] =	stream.indirect.scatter.add.f32 [tilespmem:s15], [sflag:$0x1], $0x80, s18, s14, $0xb8;
	[tilespmem:$0x1C400] =	vst v63  }
0x84: {  	_ =	swait.ge [sflag:s9], $0x4000  }
0x85: {  	[sflag:s9] =	ssyncset.done $0x0  }
0x86: {  	[sflag:s9] =	ssyncadd.s32 $0xFFFFC000  }
0x87: {  	[spmem:s2] =	stream.indirect.scatter.add.f32 [tilespmem:s8], [sflag:$0x1], $0x80, s19, s14, $0xb8;
	[tilespmem:$0x1C400] =	vst v63  }
0x88: {  	_ =	swait.ge [sflag:s9], $0x4000  }
0x89: {  	[sflag:s9] =	ssyncset.done $0x0  }
0x8a: {  	[sflag:s9] =	ssyncadd.s32 $0xFFFFC000  }
0x8b: {  	[spmem:s2] =	stream.indirect.scatter.add.f32 [tilespmem:s15], [sflag:$0x1], $0x80, s20, s14, $0xb8;
	[tilespmem:$0x1C400] =	vst v63  }
0x8c: {  	_ =	swait.ge [sflag:s9], $0x4000  }
0x8d: {  	[sflag:s9] =	ssyncset.done $0x0  }
0x8e: {  	[sflag:s9] =	ssyncadd.s32 $0xFFFFC000  }
0x8f: {  	[spmem:s2] =	stream.indirect.scatter.add.f32 [tilespmem:s8], [sflag:$0x1], $0x80, s21, s14, $0xb8;
	[tilespmem:$0x1C400] =	vst v63  }
0x90: {  	_ =	swait.ge [sflag:s9], $0x4000  }
0x91: {  	[sflag:s9] =	ssyncset.done $0x0  }
0x92: {  	[sflag:s9] =	ssyncadd.s32 $0xFFFFC000  }
0x93: {  	[spmem:s2] =	stream.indirect.scatter.add.f32 [tilespmem:s15], [sflag:$0x1], $0x80, s22, s14, $0xb8;
	[tilespmem:$0x1C400] =	vst v63  }
0x94: {  	_ =	swait.ge [sflag:s9], $0x4000  }
0x95: {  	[sflag:s9] =	ssyncset.done $0x0  }
0x96: {  	[sflag:s9] =	ssyncadd.s32 $0xFFFFC000  }
0x97: {  	[spmem:s2] =	stream.indirect.scatter.add.f32 [tilespmem:s8], [sflag:$0x1], $0x80, s23, s14, $0xb8;
	[tilespmem:$0x1C400] =	vst v63  }
0x98: {  	_ =	swait.ge [sflag:s9], $0x4000  }
0x99: {  	[sflag:s9] =	ssyncset.done $0x0  }
0x9a: {  	[sflag:s9] =	ssyncadd.s32 $0xFFFFC000  }
0x9b: {  	[spmem:s2] =	stream.indirect.scatter.add.f32 [tilespmem:s15], [sflag:$0x1], $0x80, s25, s14, $0xb8;
	[tilespmem:$0x1C400] =	vst v63  }
0x9c: {  	_ =	swait.ge [sflag:s9], $0x4000  }
0x9d: {  	[sflag:s9] =	ssyncset.done $0x0  }
0x9e: {  	[sflag:s9] =	ssyncadd.s32 $0xFFFFC000  }
0x9f: {  	[spmem:s2] =	stream.indirect.scatter.add.f32 [tilespmem:s8], [sflag:$0x1], $0x80, s26, s14, $0xb8;
	[tilespmem:$0x1C400] =	vst v63  }
0xa0: {  	_ =	swait.ge [sflag:s9], $0x4000  }
0xa1: {  	[sflag:s9] =	ssyncset.done $0x0  }
0xa2: {  	[sflag:s9] =	ssyncadd.s32 $0xFFFFC000  }
0xa3: {  	[spmem:s2] =	stream.indirect.scatter.add.f32 [tilespmem:s15], [sflag:$0x1], $0x80, s28, s14, $0xb8;
	[tilespmem:$0x1C400] =	vst v63  }
0xa4: {  	_ =	swait.ge [sflag:s9], $0x4000  }
0xa5: {  	[sflag:s9] =	ssyncset.done $0x0  }
0xa6: {  	[sflag:s9] =	ssyncadd.s32 $0xFFFFC000  }
0xa7: {  	[spmem:s2] =	stream.indirect.scatter.add.f32 [tilespmem:s8], [sflag:$0x1], $0x80, s29, s14, $0xb8;
	[tilespmem:$0x1C400] =	vst v63  }
0xa8: {  	_ =	swait.ge [sflag:s9], $0x4000  }
.Ltmp0:
0xa9: {  	[sflag:s9] =	ssyncset.done $0x0;
	(pc) =	sbr.rel @p0 .LBB2_2-.Ltmp0, $4  }
0xaa: {  	[sflag:s9] =	ssyncadd.s32 $0xFFFFC000  }
0xab: {  	[spmem:s2] =	stream.indirect.scatter.add.f32 [tilespmem:s15], [sflag:$0x1], $0x80, s30, s14, $0xb8;
	[tilespmem:$0x1C400] =	vst v63  }
0xac: {  	_ =	swait.ge [sflag:s9], $0x4000  }
0xad: {  	s1 =	smov.u32 s4;
	[sflag:s9] =	ssyncset.done $0x0  }
0xae: {  	s1 =	sadd.s32 s0, s7;
	[sflag:s9] =	ssyncadd.s32 $0xFFFFC000  }
0xaf: {  	[tilespmem:s3], [sflag:$0x1] =	stream.linear.gather [hbm4b:s1+s3], $0x400, $0x38;
	[tilespmem:$0x1C400] =	vst v63  }
0xb0: {  	_ =	swait.ge [sflag:s9], $0x400  }
0xb1: {  	[sflag:s9] =	ssyncset.done $0x0  }
0xb2: {  	s5 =	sadd.s32 s0, s12;
	[sflag:s9] =	ssyncadd.s32 $0xFFFFFC00  }
0xb3: {  	[tilespmem:s13], [sflag:$0x1] =	stream.linear.gather [hbm4b:s5+s3], $0x400, $0x38;
	[tilespmem:$0x1C400] =	vst v63  }
0xb4: {  	_ =	swait.ge [sflag:s9], $0x400  }
0xb5: {  	[sflag:s9] =	ssyncset.done $0x0  }
0xb6: {  	[sflag:s9] =	ssyncadd.s32 $0xFFFFFC00  }
0xb7: {  	[spmem:s2] =	stream.indirect.scatter.add.f32 [tilespmem:s8], [sflag:$0x1], $0x80, s3, s14, $0xb8;
	[tilespmem:$0x1C400] =	vst v63  }
0xb8: {  	_ =	swait.ge [sflag:s9], $0x4000  }
0xb9: {  	[sflag:s9] =	ssyncset.done $0x0  }
0xba: {  	[sflag:s9] =	ssyncadd.s32 $0xFFFFC000  }
0xbb: {  	[spmem:s2] =	stream.indirect.scatter.add.f32 [tilespmem:s15], [sflag:$0x1], $0x80, s13, s14, $0xb8;
	[tilespmem:$0x1C400] =	vst v63  }
0xbc: {  	_ =	swait.ge [sflag:s9], $0x4000  }
0xbd: {  	[sflag:s9] =	ssyncset.done $0x0  }
0xbe: {  	[sflag:s9] =	ssyncadd.s32 $0xFFFFC000  }
0xbf: {  	[spmem:s2] =	stream.indirect.scatter.add.f32 [tilespmem:s8], [sflag:$0x1], $0x80, s14, s14, $0xb8;
	[tilespmem:$0x1C400] =	vst v63  }
0xc0: {  	_ =	swait.ge [sflag:s9], $0x4000  }
0xc1: {  	[sflag:s9] =	ssyncset.done $0x0  }
0xc2: {  	[sflag:s9] =	ssyncadd.s32 $0xFFFFC000  }
0xc3: {  	[spmem:s2] =	stream.indirect.scatter.add.f32 [tilespmem:s15], [sflag:$0x1], $0x80, s16, s14, $0xb8;
	[tilespmem:$0x1C400] =	vst v63  }
0xc4: {  	_ =	swait.ge [sflag:s9], $0x4000  }
0xc5: {  	[sflag:s9] =	ssyncset.done $0x0  }
0xc6: {  	[sflag:s9] =	ssyncadd.s32 $0xFFFFC000  }
0xc7: {  	[spmem:s2] =	stream.indirect.scatter.add.f32 [tilespmem:s8], [sflag:$0x1], $0x80, s17, s14, $0xb8;
	[tilespmem:$0x1C400] =	vst v63  }
0xc8: {  	_ =	swait.ge [sflag:s9], $0x4000  }
0xc9: {  	[sflag:s9] =	ssyncset.done $0x0  }
0xca: {  	[sflag:s9] =	ssyncadd.s32 $0xFFFFC000  }
0xcb: {  	[spmem:s2] =	stream.indirect.scatter.add.f32 [tilespmem:s15], [sflag:$0x1], $0x80, s18, s14, $0xb8;
	[tilespmem:$0x1C400] =	vst v63  }
0xcc: {  	_ =	swait.ge [sflag:s9], $0x4000  }
0xcd: {  	[sflag:s9] =	ssyncset.done $0x0  }
0xce: {  	[sflag:s9] =	ssyncadd.s32 $0xFFFFC000  }
0xcf: {  	[spmem:s2] =	stream.indirect.scatter.add.f32 [tilespmem:s8], [sflag:$0x1], $0x80, s19, s14, $0xb8;
	[tilespmem:$0x1C400] =	vst v63  }
0xd0: {  	_ =	swait.ge [sflag:s9], $0x4000  }
0xd1: {  	[sflag:s9] =	ssyncset.done $0x0  }
0xd2: {  	[sflag:s9] =	ssyncadd.s32 $0xFFFFC000  }
0xd3: {  	[spmem:s2] =	stream.indirect.scatter.add.f32 [tilespmem:s15], [sflag:$0x1], $0x80, s20, s14, $0xb8;
	[tilespmem:$0x1C400] =	vst v63  }
0xd4: {  	_ =	swait.ge [sflag:s9], $0x4000  }
0xd5: {  	[sflag:s9] =	ssyncset.done $0x0  }
0xd6: {  	[sflag:s9] =	ssyncadd.s32 $0xFFFFC000  }
0xd7: {  	[spmem:s2] =	stream.indirect.scatter.add.f32 [tilespmem:s8], [sflag:$0x1], $0x80, s21, s14, $0xb8;
	[tilespmem:$0x1C400] =	vst v63  }
0xd8: {  	_ =	swait.ge [sflag:s9], $0x4000  }
0xd9: {  	[sflag:s9] =	ssyncset.done $0x0  }
0xda: {  	[sflag:s9] =	ssyncadd.s32 $0xFFFFC000  }
0xdb: {  	[spmem:s2] =	stream.indirect.scatter.add.f32 [tilespmem:s15], [sflag:$0x1], $0x80, s22, s14, $0xb8;
	[tilespmem:$0x1C400] =	vst v63  }
0xdc: {  	_ =	swait.ge [sflag:s9], $0x4000  }
0xdd: {  	[sflag:s9] =	ssyncset.done $0x0  }
0xde: {  	[sflag:s9] =	ssyncadd.s32 $0xFFFFC000  }
0xdf: {  	[spmem:s2] =	stream.indirect.scatter.add.f32 [tilespmem:s8], [sflag:$0x1], $0x80, s23, s14, $0xb8;
	[tilespmem:$0x1C400] =	vst v63  }
0xe0: {  	_ =	swait.ge [sflag:s9], $0x4000  }
0xe1: {  	[sflag:s9] =	ssyncset.done $0x0  }
0xe2: {  	[sflag:s9] =	ssyncadd.s32 $0xFFFFC000  }
0xe3: {  	[spmem:s2] =	stream.indirect.scatter.add.f32 [tilespmem:s15], [sflag:$0x1], $0x80, s25, s14, $0xb8;
	[tilespmem:$0x1C400] =	vst v63  }
0xe4: {  	_ =	swait.ge [sflag:s9], $0x4000  }
0xe5: {  	[sflag:s9] =	ssyncset.done $0x0  }
0xe6: {  	[sflag:s9] =	ssyncadd.s32 $0xFFFFC000  }
0xe7: {  	[spmem:s2] =	stream.indirect.scatter.add.f32 [tilespmem:s8], [sflag:$0x1], $0x80, s26, s14, $0xb8;
	[tilespmem:$0x1C400] =	vst v63  }
0xe8: {  	_ =	swait.ge [sflag:s9], $0x4000  }
0xe9: {  	[sflag:s9] =	ssyncset.done $0x0  }
0xea: {  	[sflag:s9] =	ssyncadd.s32 $0xFFFFC000  }
0xeb: {  	[spmem:s2] =	stream.indirect.scatter.add.f32 [tilespmem:s15], [sflag:$0x1], $0x80, s28, s14, $0xb8;
	[tilespmem:$0x1C400] =	vst v63  }
0xec: {  	_ =	swait.ge [sflag:s9], $0x4000  }
0xed: {  	[sflag:s9] =	ssyncset.done $0x0  }
0xee: {  	[sflag:s9] =	ssyncadd.s32 $0xFFFFC000  }
0xef: {  	[spmem:s2] =	stream.indirect.scatter.add.f32 [tilespmem:s8], [sflag:$0x1], $0x80, s29, s14, $0xb8;
	[tilespmem:$0x1C400] =	vst v63  }
0xf0: {  	_ =	swait.ge [sflag:s9], $0x4000  }
0xf1: {  	[sflag:s9] =	ssyncset.done $0x0  }
0xf2: {  	[sflag:s9] =	ssyncadd.s32 $0xFFFFC000  }
0xf3: {  	[spmem:s2] =	stream.indirect.scatter.add.f32 [tilespmem:s15], [sflag:$0x1], $0x80, s30, s14, $0xb8;
	[tilespmem:$0x1C400] =	vst v63  }
0xf4: {  	_ =	swait.ge [sflag:s9], $0x4000  }
0xf5: {  	[sflag:s9] =	ssyncset.done $0x0  }
0xf6: {  	[sflag:s9] =	ssyncadd.s32 $0xFFFFC000  }
0xf7: {  	[bflag:$0x0] =	sbarrier.arrive $0xFFFF  }
0xf8: {  	[hbm:s24], [sflag:s10] =	dma.local [spmem:s11], $0x2780  }
0xf9: {  	_ =	swait.ge [sflag:s9], $0x2780  }
0xfa: {  	s31 =	sadd.s32 $0x1, s31;
	s6 =	rddreg [dreg:$0x5]  }
0xfb: {  	p0 =	sne.s32 s31, s6  }
.Ltmp1:
0xfc: {  	_ = 	snop;
	(pc) =	sbr.rel @p0 .LBB2_1-.Ltmp1, $3  }
0xfd: {  	_ =	sdelay $0x1  }
0xfe: {  	[sflag:s9] =	ssyncset.done $0x0  }
0xff: {  	[sflag:s9] =	ssyncadd.s32 $0xFFFFD880  }
0x100: {  	_ =	sfence.sel $0x180000  }
0x101: {  	[bflag:$0x0] =	sbarrier.arrive $0xFFFF  }
0x102: {  	_ =	strace $0x9000004A  }
0x103: {  	s0 =	stileid.u32;
	[bflag:$0x2] =	sbarrier.arrive $0xFFFF  }
0x104: {  	p0 =	sne.s32 s0, $0x0;
	s0 =	rddreg [dreg:$0x2]  }
0x105: {  	s0 =	sadd.s32 @!p0 $0x100000, s0  }
0x106: {  	[sflag:s0] =	ssyncadd.tile.s32 @!p0 $0x1;
	_ =	shalt  }
.Lfunc_end2:
_tile_overlayer_lowered:
.L_overlay_start_2:
0x107: {  	(tag) =	ssettag $0x2  }
0x108: {  	s0 =	rddreg [dreg:$0x0];
	s2 =	stileid.u32  }
0x109: {  	s1 =	rddreg [dreg:$0x1];
	p0 =	sne.s32 s2, $0x0  }
0x10a: {  	s3 =	rddreg [dreg:$0x2];
	[bflag:$0x3] =	sbarrier.arrive $0xFFFF;
	s2 =	simm.s32 @!p0 $0x1C01  }
0x10b: {  	[timem:s3], [sflag:s2] =	dma.local @!p0 [hbm:s0], s1  }
0x10c: {  	s0 =	simm.s32 @!p0 $0x1  }
0x10d: {  	_ =	swait.ge @!p0 [sflag:s0], s1  }
0x10e: {  	s1 =	ssub.s32 @!p0 $0x0, s1;
	[sflag:s0] =	ssyncset.done @!p0 $0x0  }
0x10f: {  	[sflag:s0] =	ssyncadd.s32 @!p0 s1  }
0x110: {  	[bflag:$0x3] =	sbarrier.arrive $0xFFFF  }
0x111: {  	_ =	shalt  }

// kernel: kernel.15.cloned.1.call-start
scs
__scs_entry_jumppad:
0x0: {  	(pc) =	sbr.rel $0x88, $3  }
0x1: {  	(tag) =	ssettag $0x0;
	lr =	simm.s32 $0x1  }
0x2: {  	[smem:$0x3F9A] =	sst lr;
	_ =	strace $0xD0000000  }
0x3: {  	_ = 	snop  }
0x4: {  	_ = 	snop  }
0x5: {  	_ = 	snop  }
0x6: {  	_ = 	snop  }
0x7: {  	_ = 	snop  }
__scs_overlays_trampoline_lowered:
0x8: {  	[smem:$0x3FA9] =	sst s0  }
0x9: {  	[smem:$0x3FAA] =	sst s1  }
0xa: {  	[smem:$0x3FAB] =	sst s2  }
0xb: {  	[smem:$0x3FAC] =	sst s3  }
0xc: {  	[smem:$0x3FAD] =	sst s4  }
0xd: {  	[smem:$0x3FAE] =	sst s5  }
0xe: {  	[smem:$0x3FAF] =	sst s6  }
0xf: {  	[smem:$0x3FB0] =	sst s7  }
0x10: {  	[smem:$0x3FB1] =	sst s8  }
0x11: {  	[smem:$0x3FB2] =	sst s9;
	s0 =	simm.s32 @!p0 $0x0  }
0x12: {  	s1 =	sld [smem:$0x3F98];
	s0 =	simm.s32 @p0 $0x1  }
0x13: {  	[smem:$0x3FB3] =	sst s0;
	s0 =	simm.s32 @!p1 $0x0  }
0x14: {  	s2 =	sld [smem:$0x3F97];
	s0 =	simm.s32 @p1 $0x1  }
0x15: {  	[smem:$0x3FB4] =	sst s0;
	s0 =	simm.s32 @!p2 $0x0  }
0x16: {  	s3 =	sld [smem:$0x3FDB];
	s0 =	simm.s32 @p2 $0x1  }
0x17: {  	s4 =	simm.s32 $0x1BF5;
	[smem:$0x3FB6] =	sst s0  }
0x18: {  	s0 =	sld [smem:$0x3F99];
	_ =	swait.ge [sflag:s4], $0x0  }
0x19: {  	s7 =	sld [smem:$0x3F9A]  }
0x1a: {  	s8 =	sadd.s32 $0xFFFFE003, lr  }
0x1b: {  	s9 =	sadd.s32 $0xFFFFFEF7, lr;
	s5 =	simm.s32 $0xFFFFFFFF;
	p2 =	slt.u32 s8, $0xFFFFF086  }
0x1c: {  	p1 =	slt.u32 s9, $0xF7A;
	s5 =	simm.s32 @!p2 $0x0  }
0x1d: {  	s5 =	simm.s32 @p1 $0x1;
	p0 =	seq.s32 s7, s2  }
0x1e: {  	s7 =	smul.u32 @!p0 $0xF7A, s2;
	p2 =	seq.s32 @!p0 s5, $0x0  }
0x1f: {  	s9 =	smul.u32 $0xF7A, s1;
	s8 =	simm.s32 @!p0 $0x1BF5;
	p2 =	por !p2, p0  }
0x20: {  	[sflag:s8] =	ssyncset.s32 @!p0 $0xFFFFF086;
	s6 =	sadd.s32 @!p0 s3, s7;
	s7 =	simm.s32 @!p0 $0x108  }
0x21: {  	s3 =	sadd.s32 s3, s9;
	s6 =	sadd.s32 @!p0 $0x88, s6;
	s7 =	simm.s32 @p2 $0x1082  }
0x22: {  	[simem:s7], [sflag:s8] =	dma.local @!p0 [hbm:s6], $0xF7A  }
0x23: {  	s9 =	sor.u32 $0xD0000000, s2;
	s6 =	simm.s32 $0x108;
	_ =	swait.ge @!p0 [sflag:s8], $0x0  }
0x24: {  	s3 =	sadd.s32 $0x88, s3;
	s6 =	simm.s32 @!p1 $0x1082;
	[sflag:s4] =	ssyncset.s32 $0xFFFFF086  }
0x25: {  	[simem:s6], [sflag:s4] =	dma.local [hbm:s3], $0xF7A  }
0x26: {  	[smem:$0x3F9A] =	sst s1;
	(tag) =	ssettag s2;
	_ =	strace s9  }
0x27: {  	s1 =	sld [smem:$0x3FAA]  }
0x28: {  	s2 =	sld [smem:$0x3FAB]  }
0x29: {  	s4 =	sld [smem:$0x3FAD]  }
0x2a: {  	p0 =	seq.s32 s5, $0x0;
	s5 =	sld [smem:$0x3FAE]  }
0x2b: {  	s6 =	sld [smem:$0x3FAF]  }
0x2c: {  	s7 =	sld [smem:$0x3FB0]  }
0x2d: {  	s3 =	simm.s32 $0x108;
	s8 =	sld [smem:$0x3FB1]  }
0x2e: {  	s3 =	simm.s32 @!p0 $0x1082;
	s9 =	sld [smem:$0x3FB2]  }
0x2f: {  	lr =	sadd.s32 s0, s3;
	s0 =	sld [smem:$0x3FA9]  }
0x30: {  	s3 =	sld [smem:$0x3FAC]  }
0x31: {  	[smem:$0x3FB5] =	sst s10  }
0x32: {  	s10 =	sld [smem:$0x3FB3];
	_ =	sdelay $0x3  }
0x33: {  	p0 =	seq.s32 s10, $0x1;
	s10 =	sld [smem:$0x3FB5];
	_ =	sdelay $0x3  }
0x34: {  	[smem:$0x3FB5] =	sst s10  }
0x35: {  	s10 =	sld [smem:$0x3FB4];
	_ =	sdelay $0x3  }
0x36: {  	p1 =	seq.s32 s10, $0x1;
	s10 =	sld [smem:$0x3FB5];
	_ =	sdelay $0x3  }
0x37: {  	[smem:$0x3FB5] =	sst s10  }
0x38: {  	s10 =	sld [smem:$0x3FB6]  }
0x39: {  	_ = 	snop;
	(pc) =	sbr.ind lr, $3  }
0x3a: {  	_ = 	snop  }
0x3b: {  	_ = 	snop  }
0x3c: {  	p2 =	seq.s32 s10, $0x1;
	s10 =	sld [smem:$0x3FB5]  }
0x3d: {  	_ =	shalt  }
0x3e: {  	_ =	shalt  }
0x3f: {  	_ =	shalt  }
0x40: {  	_ =	shalt  }
0x41: {  	_ =	shalt  }
0x42: {  	_ =	shalt  }
0x43: {  	_ =	shalt  }
0x44: {  	_ =	shalt  }
0x45: {  	_ =	shalt  }
0x46: {  	_ =	shalt  }
0x47: {  	_ =	shalt  }
0x48: {  	_ =	shalt  }
0x49: {  	_ =	shalt  }
0x4a: {  	_ =	shalt  }
0x4b: {  	_ =	shalt  }
0x4c: {  	_ =	shalt  }
0x4d: {  	_ =	shalt  }
0x4e: {  	_ =	shalt  }
0x4f: {  	_ =	shalt  }
0x50: {  	_ =	shalt  }
0x51: {  	_ =	shalt  }
0x52: {  	_ =	shalt  }
0x53: {  	_ =	shalt  }
0x54: {  	_ =	shalt  }
0x55: {  	_ =	shalt  }
0x56: {  	_ =	shalt  }
0x57: {  	_ =	shalt  }
0x58: {  	_ =	shalt  }
0x59: {  	_ =	shalt  }
0x5a: {  	_ =	shalt  }
0x5b: {  	_ =	shalt  }
0x5c: {  	_ =	shalt  }
0x5d: {  	_ =	shalt  }
0x5e: {  	_ =	shalt  }
0x5f: {  	_ =	shalt  }
0x60: {  	_ =	shalt  }
0x61: {  	_ =	shalt  }
0x62: {  	_ =	shalt  }
0x63: {  	_ =	shalt  }
0x64: {  	_ =	shalt  }
0x65: {  	_ =	shalt  }
0x66: {  	_ =	shalt  }
0x67: {  	_ =	shalt  }
0x68: {  	_ =	shalt  }
0x69: {  	_ =	shalt  }
0x6a: {  	_ =	shalt  }
0x6b: {  	_ =	shalt  }
0x6c: {  	_ =	shalt  }
0x6d: {  	_ =	shalt  }
0x6e: {  	_ =	shalt  }
0x6f: {  	_ =	shalt  }
0x70: {  	_ =	shalt  }
0x71: {  	_ =	shalt  }
0x72: {  	_ =	shalt  }
0x73: {  	_ =	shalt  }
0x74: {  	_ =	shalt  }
0x75: {  	_ =	shalt  }
0x76: {  	_ =	shalt  }
0x77: {  	_ =	shalt  }
0x78: {  	_ =	shalt  }
0x79: {  	_ =	shalt  }
0x7a: {  	_ =	shalt  }
0x7b: {  	_ =	shalt  }
0x7c: {  	_ =	shalt  }
0x7d: {  	_ =	shalt  }
0x7e: {  	_ =	shalt  }
0x7f: {  	_ =	shalt  }
0x80: {  	_ =	shalt  }
0x81: {  	_ =	shalt  }
0x82: {  	_ =	shalt  }
0x83: {  	_ =	shalt  }
0x84: {  	_ =	shalt  }
0x85: {  	_ =	shalt  }
0x86: {  	_ =	shalt  }
0x87: {  	_ =	shalt  }
.Lfunc_end0:
.L_simem_size_0:
called_computation.2_lowered:
.L_overlay_start_0:
0x88: {  	s2 =	sld [smem:$0x3FD9]  }
0x89: {  	s3 =	sld [smem:$0x3FFE];
	_ =	sdelay $0x1  }
0x8a: {  	s1 =	srdreg.scid  }
0x8b: {  	s0 =	sand.u32 $0x1, s1  }
0x8c: {  	s17 =	sshll.u32 s0, $0xA;
	s2 =	sadd.s32 s3, s2  }
0x8d: {  	s2 =	sadd.s32 s2, s17  }
0x8e: {  	[smem:$0x3FC1] =	sst s2  }
0x8f: {  	_ = 	snop  }
0x90: {  	(tm) =	ssettm $0x1  }
0x91: {  	s18 =	sld [smem:$0x3FFB];
	_ =	sdelay $0x3  }
0x92: {  	_ =	strace s18  }
0x93: {  	s2 =	sld [smem:$0x3FFC];
	_ =	sdelay $0x3  }
0x94: {  	_ =	strace s2  }
0x95: {  	s2 =	sld [smem:$0x3FFD];
	_ =	sdelay $0x3  }
0x96: {  	_ =	strace s2  }
0x97: {  	_ =	strace $0x8FFFFFFF  }
0x98: {  	s19 =	sld [smem:$0x3FDB];
	_ =	sdelay $0x1  }
0x99: {  	s20 =	simm.s32 $_scs_section_size  }
0x9a: {  	s4 =	simm.s32 $_size__tile_overlayer_lowered;
	s5 =	simm.s32 $_tile_overlayer_lowered  }
0x9b: {  	s6 =	simm.s32 $0x1BFF;
	s21 =	sshll.u32 s5, $0x1;
	s3 =	sadd.s32 s20, s19  }
0x9c: {  	s22 =	simm.s32 $0x0;
	s4 =	sshll.u32 s4, $0x1;
	s5 =	sadd.s32 s21, s3  }
0x9d: {  	[timem:s22], [sflag:s6] =	dma.local [hbm:s5], s4  }
0x9e: {  	_ =	swait.ge [sflag:s6], s4  }
0x9f: {  	s4 =	ssub.s32 $0x0, s4;
	[sflag:s6] =	ssyncset.done $0x0  }
0xa0: {  	[sflag:s6] =	ssyncadd.s32 s4;
	_ =	sdelay $0x1  }
0xa1: {  	s23 =	simm.s32 $0x1B8B  }
0xa2: {  	_ =	swait.ge [sflag:s23], $0x1  }
0xa3: {  	[sflag:s23] =	ssyncset.done $0x0  }
0xa4: {  	[sflag:s23] =	ssyncadd.s32 $0xFFFFFFFF  }
0xa5: {  	s4 =	sld [smem:$0x0]  }
0xa6: {  	s5 =	sand.u32 $0xFFFFFFFE, s1  }
0xa7: {  	p0 =	sne.s32 s1, s5  }
0xa8: {  	s5 =	sshll.u32 @p0 s5, $0xE  }
0xa9: {  	s5 =	sadd.s32 @p0 $0x11B8D, s5;
	s6 =	sshll.u32 @p0 s4, $0x11  }
0xaa: {  	s5 =	sor.u32 @p0 s6, s5  }
0xab: {  	[sflag:s5] =	ssyncadd.remote.s32 @p0 $0x1;
	_ =	sdelay $0x1  }
0xac: {  	s5 =	simm.s32 @p0 $0x1B8D  }
0xad: {  	_ =	swait.eq @p0 [sflag:s5], $0x1  }
0xae: {  	[sflag:s5] =	ssyncadd.s32 @p0 $0xFFFFFFFF  }
0xaf: {  	s6 =	sshll.u32 @!p0 s1, $0xE  }
0xb0: {  	s6 =	sor.u32 @!p0 $0x4000, s6;
	s5 =	simm.s32 @!p0 $0x1B8D  }
0xb1: {  	s4 =	sshll.u32 @!p0 s4, $0x11;
	s6 =	sadd.s32 @!p0 $0x11B8D, s6;
	_ =	swait.eq @!p0 [sflag:s5], $0x1  }
0xb2: {  	s4 =	sor.u32 @!p0 s4, s6;
	[sflag:s5] =	ssyncadd.s32 @!p0 $0xFFFFFFFF  }
0xb3: {  	s25 =	simm.s32 $0x1B8E;
	s24 =	sld [smem:$0x3FFE];
	[sflag:s4] =	ssyncadd.remote.s32 @!p0 $0x1  }
0xb4: {  	s26 =	simm.s32 $execute0_lowered;
	[smem:$0x3FD2] =	sst s25  }
0xb5: {  	s5 =	sshll.u32 s26, $0x1;
	_ =	strace $0x8000004C;
	[dreg:$0x1] =	wrdreg $0xFFFFFFFF  }
0xb6: {  	s28 =	simm.s32 $_size_execute0_lowered;
	s3 =	sadd.s32 s3, s5;
	[dreg:$0x0] =	wrdreg $0x0  }
0xb7: {  	s5 =	sshll.u32 s28, $0x1;
	[dreg:$0x2] =	wrdreg s3  }
0xb8: {  	[dreg:$0x3] =	wrdreg s5  }
0xb9: {  	[dreg:$0x4] =	wrdreg $0xC0  }
0xba: {  	_ =	task [dreg:s22], $0x5FFFF  }
0xbb: {  	[dreg:$0x1] =	wrdreg $0xFFFFFFFF  }
0xbc: {  	[dreg:$0x0] =	wrdreg $0x60  }
0xbd: {  	[dreg:$0x2] =	wrdreg s24  }
0xbe: {  	[dreg:$0x3] =	wrdreg $0x88000  }
0xbf: {  	[dreg:$0x4] =	wrdreg $0xA  }
0xc0: {  	_ =	task.clear_ibuf [dreg:s22], $0x5FFFF;
	_ =	strace $0x9000004C  }
0xc1: {  	s29 =	simm.s32 $0xA;
	_ =	strace $0x8000004E  }
0xc2: {  	_ =	swait.ge [sflag:s29], $0x1  }
0xc3: {  	[sflag:s29] =	ssyncadd.s32 $0xFFFFFFFF  }
0xc4: {  	_ =	strace $0x9000004E  }
0xc5: {  	_ =	sfence  }
0xc6: {  	s30 =	sld [smem:$0x0];
	_ =	sdelay $0x2  }
0xc7: {  	s31 =	sshll.u32 s1, $0xD;
	s1 =	sshrl.u32 s1, $0x2  }
0xc8: {  	s4 =	sand.u32 $0x4000, s31;
	s1 =	sadd.s32 s1, s30  }
0xc9: {  	s0 =	sor.u32 s4, s0;
	s1 =	sshll.u32 s1, $0x11  }
0xca: {  	s0 =	sor.u32 s1, s0  }
0xcb: {  	s0 =	sadd.s32 $0x8F2B, s0  }
0xcc: {  	[sflag:s0] =	ssyncadd.remote.s32 $0x1  }
0xcd: {  	_ =	sfence.sel $0xFFFF  }
0xce: {  	[dreg:$0x0] =	wrdreg $0xFFFFFFFF;
	(pc) =	sbr.abs _section_cstart, $3  }
0xcf: {  	[dreg:$0x1] =	wrdreg $0xFFFFFFFF  }
0xd0: {  	_ =	task.clear_ibuf [dreg:s22], $0x2FFFF;
	_ =	strace $0x9FFFFFFF  }
0xd1: {  	(tm) =	ssettm $0x7FFFFFFF  }
tec
execute0_lowered:
.L_overlay_start_1:
0x0: {  	(tag) =	ssettag $0x1  }
0x1: {  	s0 =	rddreg [dreg:$0x0]  }
0x2: {  	s1 =	rddreg [dreg:$0x1];
	s2 =	simm.s32 $0x0;
	s3 =	srdreg.scid  }
0x3: {  	s10 =	stileid.u32;
	s21 =	simm.s32 $0x80;
	s11 =	simm.s32 $0x40  }
0x4: {  	s22 =	simm.s32 $0x100;
	s12 =	simm.s32 $0x800;
	s23 =	simm.s32 $0x180  }
0x5: {  	s13 =	simm.s32 $0x2800;
	s14 =	simm.s32 $0x4800;
	s15 =	simm.s32 $0x6800  }
0x6: {  	s16 =	simm.s32 $0x1;
	s25 =	simm.s32 $0x200;
	s26 =	simm.s32 $0x480  }
0x7: {  	s28 =	simm.s32 $0x580;
	s29 =	simm.s32 $0x8;
	s30 =	simm.s32 $0x380  }
0x8: {  	s31 =	simm.s32 $0x600;
	[smem:$0x7FF] =	sst s2;
	s8 =	sadd.s32 $0x3200, s0  }
0x9: {  	s7 =	smul.u32 $0x4F000, s10;
	_ =	strace $0x8000004D;
	[dreg:$0xa] =	wrdreg s8  }
0xa: {  	s3 =	sand.u32 $0x1, s3;
	s9 =	smul.u32 $0xA00, s10;
	[dreg:$0x5] =	wrdreg s21  }
0xb: {  	s4 =	sadd.s32 $0x5A00, s0;
	s5 =	smul.u32 $0xA000, s3;
	[dreg:$0x6] =	wrdreg s22  }
0xc: {  	s19 =	sshll.u32 s10, $0x6;
	s6 =	smul.u32 $0x27800, s3;
	[dreg:$0x7] =	wrdreg s23  }
0xd: {  	s3 =	ssub.s32 $0x2, s3;
	s24 =	sor.u32 $0x1C09, s19;
	[dreg:$0x8] =	wrdreg s25  }
0xe: {  	s8 =	smul.u32 $0x2780, s10;
	s10 =	simm.s32 $0x400;
	[dreg:$0x9] =	wrdreg s26  }
0xf: {  	s19 =	simm.s32 $0x6;
	s21 =	simm.s32 $0x3;
	s22 =	simm.s32 $0x500  }
0x10: {  	s23 =	simm.s32 $0x7;
	s25 =	simm.s32 $0x300;
	s26 =	simm.s32 $0x4  }
0x11: {  	s17 =	sshrl.u32 s3, $0x1;
	s18 =	sshrl.u32 s7, $0x2;
	[dreg:$0xb] =	wrdreg s24  }
0x12: {  	s5 =	sadd.s32 s5, s0;
	s0 =	sadd.s32 s6, s0;
	s3 =	ssub.s32 s3, s17  }
0x13: {  	s6 =	sadd.s32 s18, s1;
	s17 =	simm.s32 $0x5;
	s18 =	simm.s32 $0x2  }
0x14: {  	s5 =	sadd.s32 s9, s5;
	s0 =	sadd.s32 $0xDFA00, s0;
	s3 =	smax.u32 s3, $0x1  }
0x15: {  	s7 =	sshrl.u32 s6, $0x3;
	s9 =	simm.s32 $0x9;
	[dreg:$0xc] =	wrdreg s3  }
0x16: {  	s20 =	sadd.s32 $0xCBA00, s5;
	s5 =	sadd.s32 $0xB7A00, s5;
	[dreg:$0xd] =	wrdreg s7  }
0x17: {  	s0 =	sadd.s32 s8, s0;
	s3 =	simm.s32 $0x700;
	[dreg:$0x3] =	wrdreg s20  }
0x18: {  	s8 =	simm.s32 $0x0;
	[dreg:$0x4] =	wrdreg s5;
	s20 =	simm.s32 $0x280  }
0x19: {  	[dreg:$0xe] =	wrdreg s0;
	s0 =	simm.s32 $0x680;
	s5 =	simm.s32 $0x780  }
.LBB2_1:
0x1a: {  	[dreg:$0xf] =	wrdreg s8  }
0x1b: {  	s6 =	rddreg [dreg:$0xa]  }
0x1c: {  	[spmem:s7], [sflag:s24] =	dma.local [hbm:s6], $0x2780  }
0x1d: {  	_ =	swait.ge [sflag:s9], $0x2780  }
0x1e: {  	[sflag:s9] =	ssyncset.done $0x0  }
0x1f: {  	[sflag:s9] =	ssyncadd.s32 $0xFFFFD880  }
0x20: {  	[bflag:$0x0] =	sbarrier.arrive $0xFFFF  }
0x21: {  	s24 =	rddreg [dreg:$0x4]  }
0x22: {  	s6 =	sadd.s32 $0x0, s24  }
0x23: {  	[tilespmem:s2], [sflag:$0x9] =	stream.linear.gather [hbm4b:s6+s2], $0x400, $0x38;
	[tilespmem:$0x1C400] =	vst v63  }
0x24: {  	_ =	swait.ge [sflag:s9], $0x400  }
0x25: {  	s7 =	rddreg [dreg:$0x3];
	[sflag:s9] =	ssyncset.done $0x0  }
0x26: {  	[sflag:s9] =	ssyncadd.s32 $0xFFFFFC00;
	s6 =	sadd.s32 $0x0, s7  }
0x27: {  	[tilespmem:s10], [sflag:$0x9] =	stream.linear.gather [hbm4b:s6+s2], $0x400, $0x38;
	[tilespmem:$0x1C400] =	vst v63  }
0x28: {  	_ =	swait.ge [sflag:s9], $0x400  }
0x29: {  	[sflag:s9] =	ssyncset.done $0x0  }
0x2a: {  	[sflag:s9] =	ssyncadd.s32 $0xFFFFFC00  }
0x2b: {  	[tilespmem:s12], [sflag:$0x1] =	stream.indirect.gather [hbm4b:s4+s11], $0x80, s2, s11, $0xb8;
	[tilespmem:$0x1C400] =	vst v63  }
0x2c: {  	s8 =	rddreg [dreg:$0x5]  }
0x2d: {  	[tilespmem:s13], [sflag:$0x2] =	stream.indirect.gather [hbm4b:s4+s11], $0x80, s8, s11, $0xb8;
	[tilespmem:$0x1C400] =	vst v63  }
0x2e: {  	s24 =	rddreg [dreg:$0x6]  }
0x2f: {  	[tilespmem:s14], [sflag:$0x3] =	stream.indirect.gather [hbm4b:s4+s11], $0x80, s24, s11, $0xb8;
	[tilespmem:$0x1C400] =	vst v63  }
0x30: {  	s7 =	rddreg [dreg:$0x7]  }
0x31: {  	[tilespmem:s15], [sflag:$0x4] =	stream.indirect.gather [hbm4b:s4+s11], $0x80, s7, s11, $0xb8;
	[tilespmem:$0x1C400] =	vst v63  }
0x32: {  	_ =	swait.ge [sflag:s16], $0x2000  }
0x33: {  	[sflag:s16] =	ssyncset.done $0x0  }
0x34: {  	[sflag:s16] =	ssyncadd.s32 $0xFFFFE000  }
0x35: {  	[spmem:s1] =	stream.indirect.scatter.add.f32 [tilespmem:s12], [sflag:$0x5], $0x80, s10, s11, $0xb8;
	[tilespmem:$0x1C400] =	vst v63  }
0x36: {  	_ =	swait.ge [sflag:s17], $0x2000  }
0x37: {  	[sflag:s17] =	ssyncset.done $0x0  }
0x38: {  	s8 =	rddreg [dreg:$0x8];
	[sflag:s17] =	ssyncadd.s32 $0xFFFFE000  }
0x39: {  	[tilespmem:s12], [sflag:$0x1] =	stream.indirect.gather [hbm4b:s4+s11], $0x80, s8, s11, $0xb8;
	[tilespmem:$0x1C400] =	vst v63  }
0x3a: {  	_ =	swait.ge [sflag:s18], $0x2000  }
0x3b: {  	[sflag:s18] =	ssyncset.done $0x0  }
0x3c: {  	s24 =	rddreg [dreg:$0x9];
	[sflag:s18] =	ssyncadd.s32 $0xFFFFE000  }
0x3d: {  	[spmem:s1] =	stream.indirect.scatter.add.f32 [tilespmem:s13], [sflag:$0x6], $0x80, s24, s11, $0xb8;
	[tilespmem:$0x1C400] =	vst v63  }
0x3e: {  	_ =	swait.ge [sflag:s19], $0x2000  }
0x3f: {  	[sflag:s19] =	ssyncset.done $0x0  }
0x40: {  	[sflag:s19] =	ssyncadd.s32 $0xFFFFE000  }
0x41: {  	[tilespmem:s13], [sflag:$0x2] =	stream.indirect.gather [hbm4b:s4+s11], $0x80, s20, s11, $0xb8;
	[tilespmem:$0x1C400] =	vst v63  }
0x42: {  	_ =	swait.ge [sflag:s21], $0x2000  }
0x43: {  	[sflag:s21] =	ssyncset.done $0x0  }
0x44: {  	[sflag:s21] =	ssyncadd.s32 $0xFFFFE000  }
0x45: {  	[spmem:s1] =	stream.indirect.scatter.add.f32 [tilespmem:s14], [sflag:$0x7], $0x80, s22, s11, $0xb8;
	[tilespmem:$0x1C400] =	vst v63  }
0x46: {  	_ =	swait.ge [sflag:s23], $0x2000  }
0x47: {  	[sflag:s23] =	ssyncset.done $0x0  }
0x48: {  	[sflag:s23] =	ssyncadd.s32 $0xFFFFE000  }
0x49: {  	[tilespmem:s14], [sflag:$0x3] =	stream.indirect.gather [hbm4b:s4+s11], $0x80, s25, s11, $0xb8;
	[tilespmem:$0x1C400] =	vst v63  }
0x4a: {  	_ =	swait.ge [sflag:s26], $0x2000  }
0x4b: {  	[sflag:s26] =	ssyncset.done $0x0  }
0x4c: {  	[sflag:s26] =	ssyncadd.s32 $0xFFFFE000  }
0x4d: {  	[spmem:s1] =	stream.indirect.scatter.add.f32 [tilespmem:s15], [sflag:$0x8], $0x80, s28, s11, $0xb8;
	[tilespmem:$0x1C400] =	vst v63  }
0x4e: {  	_ =	swait.ge [sflag:s29], $0x2000  }
0x4f: {  	[sflag:s29] =	ssyncset.done $0x0  }
0x50: {  	[sflag:s29] =	ssyncadd.s32 $0xFFFFE000  }
0x51: {  	[tilespmem:s15], [sflag:$0x4] =	stream.indirect.gather [hbm4b:s4+s11], $0x80, s30, s11, $0xb8;
	[tilespmem:$0x1C400] =	vst v63  }
0x52: {  	_ =	swait.ge [sflag:s16], $0x2000  }
0x53: {  	[sflag:s16] =	ssyncset.done $0x0  }
0x54: {  	[sflag:s16] =	ssyncadd.s32 $0xFFFFE000  }
0x55: {  	[spmem:s1] =	stream.indirect.scatter.add.f32 [tilespmem:s12], [sflag:$0x5], $0x80, s31, s11, $0xb8;
	[tilespmem:$0x1C400] =	vst v63  }
0x56: {  	_ =	swait.ge [sflag:s18], $0x2000  }
0x57: {  	[sflag:s18] =	ssyncset.done $0x0  }
0x58: {  	[sflag:s18] =	ssyncadd.s32 $0xFFFFE000  }
0x59: {  	[spmem:s1] =	stream.indirect.scatter.add.f32 [tilespmem:s13], [sflag:$0x6], $0x80, s0, s11, $0xb8;
	[tilespmem:$0x1C400] =	vst v63  }
0x5a: {  	_ =	swait.ge [sflag:s21], $0x2000  }
0x5b: {  	[sflag:s21] =	ssyncset.done $0x0  }
0x5c: {  	[sflag:s21] =	ssyncadd.s32 $0xFFFFE000  }
0x5d: {  	[spmem:s1] =	stream.indirect.scatter.add.f32 [tilespmem:s14], [sflag:$0x7], $0x80, s3, s11, $0xb8;
	[tilespmem:$0x1C400] =	vst v63  }
0x5e: {  	_ =	swait.ge [sflag:s26], $0x2000  }
0x5f: {  	[sflag:s26] =	ssyncset.done $0x0  }
0x60: {  	[sflag:s26] =	ssyncadd.s32 $0xFFFFE000  }
0x61: {  	[spmem:s1] =	stream.indirect.scatter.add.f32 [tilespmem:s15], [sflag:$0x8], $0x80, s5, s11, $0xb8;
	[tilespmem:$0x1C400] =	vst v63  }
0x62: {  	_ =	swait.ge [sflag:s17], $0x2000  }
0x63: {  	[sflag:s17] =	ssyncset.done $0x0  }
0x64: {  	[sflag:s17] =	ssyncadd.s32 $0xFFFFE000  }
0x65: {  	_ =	swait.ge [sflag:s19], $0x2000  }
0x66: {  	[sflag:s19] =	ssyncset.done $0x0  }
0x67: {  	[sflag:s19] =	ssyncadd.s32 $0xFFFFE000  }
0x68: {  	_ =	swait.ge [sflag:s23], $0x2000  }
0x69: {  	[sflag:s23] =	ssyncset.done $0x0  }
0x6a: {  	[sflag:s23] =	ssyncadd.s32 $0xFFFFE000  }
0x6b: {  	s6 =	simm.s32 $0x100;
	_ =	swait.ge [sflag:s29], $0x2000  }
0x6c: {  	s24 =	simm.s32 $0x80;
	s8 =	rddreg [dreg:$0x4];
	[sflag:s29] =	ssyncset.done $0x0  }
.LBB2_2:
0x6d: {  	[sflag:s29] =	ssyncadd.s32 $0xFFFFE000;
	s8 =	sadd.s32 s24, s8  }
0x6e: {  	[tilespmem:s2], [sflag:$0x9] =	stream.linear.gather [hbm4b:s8+s2], $0x400, $0x38;
	[tilespmem:$0x1C400] =	vst v63  }
0x6f: {  	_ =	swait.ge [sflag:s9], $0x400  }
0x70: {  	s8 =	rddreg [dreg:$0x3];
	[sflag:s9] =	ssyncset.done $0x0  }
0x71: {  	[sflag:s9] =	ssyncadd.s32 $0xFFFFFC00;
	s8 =	sadd.s32 s24, s8  }
0x72: {  	[tilespmem:s10], [sflag:$0x9] =	stream.linear.gather [hbm4b:s8+s2], $0x400, $0x38;
	[tilespmem:$0x1C400] =	vst v63  }
0x73: {  	_ =	swait.ge [sflag:s9], $0x400  }
0x74: {  	[sflag:s9] =	ssyncset.done $0x0  }
0x75: {  	s7 =	smov.u32 s6;
	[sflag:s9] =	ssyncadd.s32 $0xFFFFFC00  }
0x76: {  	[tilespmem:s12], [sflag:$0x1] =	stream.indirect.gather [hbm4b:s4+s11], $0x80, s2, s11, $0xb8;
	[tilespmem:$0x1C400] =	vst v63  }
0x77: {  	s24 =	smov.u32 s7;
	s7 =	rddreg [dreg:$0x5]  }
0x78: {  	[tilespmem:s13], [sflag:$0x2] =	stream.indirect.gather [hbm4b:s4+s11], $0x80, s7, s11, $0xb8;
	[tilespmem:$0x1C400] =	vst v63  }
0x79: {  	s8 =	rddreg [dreg:$0x6]  }
0x7a: {  	[tilespmem:s14], [sflag:$0x3] =	stream.indirect.gather [hbm4b:s4+s11], $0x80, s8, s11, $0xb8;
	[tilespmem:$0x1C400] =	vst v63  }
0x7b: {  	s7 =	rddreg [dreg:$0x7]  }
0x7c: {  	[tilespmem:s15], [sflag:$0x4] =	stream.indirect.gather [hbm4b:s4+s11], $0x80, s7, s11, $0xb8;
	[tilespmem:$0x1C400] =	vst v63  }
0x7d: {  	_ =	swait.ge [sflag:s16], $0x2000  }
0x7e: {  	[sflag:s16] =	ssyncset.done $0x0  }
0x7f: {  	[sflag:s16] =	ssyncadd.s32 $0xFFFFE000  }
0x80: {  	[spmem:s1] =	stream.indirect.scatter.add.f32 [tilespmem:s12], [sflag:$0x5], $0x80, s10, s11, $0xb8;
	[tilespmem:$0x1C400] =	vst v63  }
0x81: {  	_ =	swait.ge [sflag:s17], $0x2000  }
0x82: {  	[sflag:s17] =	ssyncset.done $0x0  }
0x83: {  	s8 =	rddreg [dreg:$0x8];
	[sflag:s17] =	ssyncadd.s32 $0xFFFFE000  }
0x84: {  	[tilespmem:s12], [sflag:$0x1] =	stream.indirect.gather [hbm4b:s4+s11], $0x80, s8, s11, $0xb8;
	[tilespmem:$0x1C400] =	vst v63  }
0x85: {  	_ =	swait.ge [sflag:s18], $0x2000  }
0x86: {  	[sflag:s18] =	ssyncset.done $0x0  }
0x87: {  	s8 =	rddreg [dreg:$0x9];
	[sflag:s18] =	ssyncadd.s32 $0xFFFFE000  }
0x88: {  	[spmem:s1] =	stream.indirect.scatter.add.f32 [tilespmem:s13], [sflag:$0x6], $0x80, s8, s11, $0xb8;
	[tilespmem:$0x1C400] =	vst v63  }
0x89: {  	_ =	swait.ge [sflag:s19], $0x2000  }
0x8a: {  	[sflag:s19] =	ssyncset.done $0x0  }
0x8b: {  	[sflag:s19] =	ssyncadd.s32 $0xFFFFE000  }
0x8c: {  	[tilespmem:s13], [sflag:$0x2] =	stream.indirect.gather [hbm4b:s4+s11], $0x80, s20, s11, $0xb8;
	[tilespmem:$0x1C400] =	vst v63  }
0x8d: {  	_ =	swait.ge [sflag:s21], $0x2000  }
0x8e: {  	[sflag:s21] =	ssyncset.done $0x0  }
0x8f: {  	[sflag:s21] =	ssyncadd.s32 $0xFFFFE000  }
0x90: {  	[spmem:s1] =	stream.indirect.scatter.add.f32 [tilespmem:s14], [sflag:$0x7], $0x80, s22, s11, $0xb8;
	[tilespmem:$0x1C400] =	vst v63  }
0x91: {  	_ =	swait.ge [sflag:s23], $0x2000  }
0x92: {  	[sflag:s23] =	ssyncset.done $0x0  }
0x93: {  	[sflag:s23] =	ssyncadd.s32 $0xFFFFE000  }
0x94: {  	[tilespmem:s14], [sflag:$0x3] =	stream.indirect.gather [hbm4b:s4+s11], $0x80, s25, s11, $0xb8;
	[tilespmem:$0x1C400] =	vst v63  }
0x95: {  	_ =	swait.ge [sflag:s26], $0x2000  }
0x96: {  	[sflag:s26] =	ssyncset.done $0x0  }
0x97: {  	[sflag:s26] =	ssyncadd.s32 $0xFFFFE000  }
0x98: {  	[spmem:s1] =	stream.indirect.scatter.add.f32 [tilespmem:s15], [sflag:$0x8], $0x80, s28, s11, $0xb8;
	[tilespmem:$0x1C400] =	vst v63  }
0x99: {  	_ =	swait.ge [sflag:s29], $0x2000  }
0x9a: {  	[sflag:s29] =	ssyncset.done $0x0  }
0x9b: {  	[sflag:s29] =	ssyncadd.s32 $0xFFFFE000  }
0x9c: {  	[tilespmem:s15], [sflag:$0x4] =	stream.indirect.gather [hbm4b:s4+s11], $0x80, s30, s11, $0xb8;
	[tilespmem:$0x1C400] =	vst v63  }
0x9d: {  	_ =	swait.ge [sflag:s16], $0x2000  }
0x9e: {  	[sflag:s16] =	ssyncset.done $0x0  }
0x9f: {  	[sflag:s16] =	ssyncadd.s32 $0xFFFFE000  }
0xa0: {  	[spmem:s1] =	stream.indirect.scatter.add.f32 [tilespmem:s12], [sflag:$0x5], $0x80, s31, s11, $0xb8;
	[tilespmem:$0x1C400] =	vst v63  }
0xa1: {  	_ =	swait.ge [sflag:s18], $0x2000  }
0xa2: {  	[sflag:s18] =	ssyncset.done $0x0  }
0xa3: {  	[sflag:s18] =	ssyncadd.s32 $0xFFFFE000  }
0xa4: {  	[spmem:s1] =	stream.indirect.scatter.add.f32 [tilespmem:s13], [sflag:$0x6], $0x80, s0, s11, $0xb8;
	[tilespmem:$0x1C400] =	vst v63  }
0xa5: {  	_ =	swait.ge [sflag:s21], $0x2000  }
0xa6: {  	[sflag:s21] =	ssyncset.done $0x0  }
0xa7: {  	[sflag:s21] =	ssyncadd.s32 $0xFFFFE000  }
0xa8: {  	[spmem:s1] =	stream.indirect.scatter.add.f32 [tilespmem:s14], [sflag:$0x7], $0x80, s3, s11, $0xb8;
	[tilespmem:$0x1C400] =	vst v63  }
0xa9: {  	_ =	swait.ge [sflag:s26], $0x2000  }
0xaa: {  	[sflag:s26] =	ssyncset.done $0x0  }
0xab: {  	[sflag:s26] =	ssyncadd.s32 $0xFFFFE000  }
0xac: {  	[spmem:s1] =	stream.indirect.scatter.add.f32 [tilespmem:s15], [sflag:$0x8], $0x80, s5, s11, $0xb8;
	[tilespmem:$0x1C400] =	vst v63  }
0xad: {  	_ =	swait.ge [sflag:s17], $0x2000  }
0xae: {  	[sflag:s17] =	ssyncset.done $0x0  }
0xaf: {  	[sflag:s17] =	ssyncadd.s32 $0xFFFFE000  }
0xb0: {  	_ =	swait.ge [sflag:s19], $0x2000  }
0xb1: {  	[sflag:s19] =	ssyncset.done $0x0  }
0xb2: {  	p0 =	sne.s32 s6, $0x980;
	[sflag:s19] =	ssyncadd.s32 $0xFFFFE000  }
.Ltmp0:
0xb3: {  	_ =	swait.ge [sflag:s23], $0x2000;
	(pc) =	sbr.rel @p0 .LBB2_2-.Ltmp0, $4  }
0xb4: {  	[sflag:s23] =	ssyncset.done $0x0  }
0xb5: {  	[sflag:s23] =	ssyncadd.s32 $0xFFFFE000  }
0xb6: {  	_ =	swait.ge [sflag:s29], $0x2000  }
0xb7: {  	s6 =	sadd.s32 $0x80, s6;
	s8 =	rddreg [dreg:$0x4];
	[sflag:s29] =	ssyncset.done $0x0  }
0xb8: {  	[sflag:s29] =	ssyncadd.s32 $0xFFFFE000;
	s6 =	sadd.s32 s24, s8  }
0xb9: {  	[tilespmem:s2], [sflag:$0x9] =	stream.linear.gather [hbm4b:s6+s2], $0x400, $0x38;
	[tilespmem:$0x1C400] =	vst v63  }
0xba: {  	_ =	swait.ge [sflag:s9], $0x400  }
0xbb: {  	s8 =	rddreg [dreg:$0x3];
	[sflag:s9] =	ssyncset.done $0x0  }
0xbc: {  	[sflag:s9] =	ssyncadd.s32 $0xFFFFFC00;
	s6 =	sadd.s32 s24, s8  }
0xbd: {  	[tilespmem:s10], [sflag:$0x9] =	stream.linear.gather [hbm4b:s6+s2], $0x400, $0x38;
	[tilespmem:$0x1C400] =	vst v63  }
0xbe: {  	_ =	swait.ge [sflag:s9], $0x400  }
0xbf: {  	[sflag:s9] =	ssyncset.done $0x0  }
0xc0: {  	[sflag:s9] =	ssyncadd.s32 $0xFFFFFC00  }
0xc1: {  	[tilespmem:s12], [sflag:$0x1] =	stream.indirect.gather [hbm4b:s4+s11], $0x80, s2, s11, $0xb8;
	[tilespmem:$0x1C400] =	vst v63  }
0xc2: {  	s24 =	rddreg [dreg:$0x5]  }
0xc3: {  	[tilespmem:s13], [sflag:$0x2] =	stream.indirect.gather [hbm4b:s4+s11], $0x80, s24, s11, $0xb8;
	[tilespmem:$0x1C400] =	vst v63  }
0xc4: {  	s7 =	rddreg [dreg:$0x6]  }
0xc5: {  	[tilespmem:s14], [sflag:$0x3] =	stream.indirect.gather [hbm4b:s4+s11], $0x80, s7, s11, $0xb8;
	[tilespmem:$0x1C400] =	vst v63  }
0xc6: {  	s8 =	rddreg [dreg:$0x7]  }
0xc7: {  	[tilespmem:s15], [sflag:$0x4] =	stream.indirect.gather [hbm4b:s4+s11], $0x80, s8, s11, $0xb8;
	[tilespmem:$0x1C400] =	vst v63  }
0xc8: {  	_ =	swait.ge [sflag:s16], $0x2000  }
0xc9: {  	[sflag:s16] =	ssyncset.done $0x0  }
0xca: {  	[sflag:s16] =	ssyncadd.s32 $0xFFFFE000  }
0xcb: {  	[spmem:s1] =	stream.indirect.scatter.add.f32 [tilespmem:s12], [sflag:$0x5], $0x80, s10, s11, $0xb8;
	[tilespmem:$0x1C400] =	vst v63  }
0xcc: {  	_ =	swait.ge [sflag:s17], $0x2000  }
0xcd: {  	[sflag:s17] =	ssyncset.done $0x0  }
0xce: {  	s24 =	rddreg [dreg:$0x8];
	[sflag:s17] =	ssyncadd.s32 $0xFFFFE000  }
0xcf: {  	[tilespmem:s12], [sflag:$0x1] =	stream.indirect.gather [hbm4b:s4+s11], $0x80, s24, s11, $0xb8;
	[tilespmem:$0x1C400] =	vst v63  }
0xd0: {  	_ =	swait.ge [sflag:s18], $0x2000  }
0xd1: {  	[sflag:s18] =	ssyncset.done $0x0  }
0xd2: {  	s7 =	rddreg [dreg:$0x9];
	[sflag:s18] =	ssyncadd.s32 $0xFFFFE000  }
0xd3: {  	[spmem:s1] =	stream.indirect.scatter.add.f32 [tilespmem:s13], [sflag:$0x6], $0x80, s7, s11, $0xb8;
	[tilespmem:$0x1C400] =	vst v63  }
0xd4: {  	_ =	swait.ge [sflag:s19], $0x2000  }
0xd5: {  	[sflag:s19] =	ssyncset.done $0x0  }
0xd6: {  	[sflag:s19] =	ssyncadd.s32 $0xFFFFE000  }
0xd7: {  	[tilespmem:s13], [sflag:$0x2] =	stream.indirect.gather [hbm4b:s4+s11], $0x80, s20, s11, $0xb8;
	[tilespmem:$0x1C400] =	vst v63  }
0xd8: {  	_ =	swait.ge [sflag:s21], $0x2000  }
0xd9: {  	[sflag:s21] =	ssyncset.done $0x0  }
0xda: {  	[sflag:s21] =	ssyncadd.s32 $0xFFFFE000  }
0xdb: {  	[spmem:s1] =	stream.indirect.scatter.add.f32 [tilespmem:s14], [sflag:$0x7], $0x80, s22, s11, $0xb8;
	[tilespmem:$0x1C400] =	vst v63  }
0xdc: {  	_ =	swait.ge [sflag:s23], $0x2000  }
0xdd: {  	[sflag:s23] =	ssyncset.done $0x0  }
0xde: {  	[sflag:s23] =	ssyncadd.s32 $0xFFFFE000  }
0xdf: {  	[tilespmem:s14], [sflag:$0x3] =	stream.indirect.gather [hbm4b:s4+s11], $0x80, s25, s11, $0xb8;
	[tilespmem:$0x1C400] =	vst v63  }
0xe0: {  	_ =	swait.ge [sflag:s26], $0x2000  }
0xe1: {  	[sflag:s26] =	ssyncset.done $0x0  }
0xe2: {  	[sflag:s26] =	ssyncadd.s32 $0xFFFFE000  }
0xe3: {  	[spmem:s1] =	stream.indirect.scatter.add.f32 [tilespmem:s15], [sflag:$0x8], $0x80, s28, s11, $0xb8;
	[tilespmem:$0x1C400] =	vst v63  }
0xe4: {  	_ =	swait.ge [sflag:s29], $0x2000  }
0xe5: {  	[sflag:s29] =	ssyncset.done $0x0  }
0xe6: {  	[sflag:s29] =	ssyncadd.s32 $0xFFFFE000  }
0xe7: {  	[tilespmem:s15], [sflag:$0x4] =	stream.indirect.gather [hbm4b:s4+s11], $0x80, s30, s11, $0xb8;
	[tilespmem:$0x1C400] =	vst v63  }
0xe8: {  	_ =	swait.ge [sflag:s16], $0x2000  }
0xe9: {  	[sflag:s16] =	ssyncset.done $0x0  }
0xea: {  	[sflag:s16] =	ssyncadd.s32 $0xFFFFE000  }
0xeb: {  	[spmem:s1] =	stream.indirect.scatter.add.f32 [tilespmem:s12], [sflag:$0x5], $0x80, s31, s11, $0xb8;
	[tilespmem:$0x1C400] =	vst v63  }
0xec: {  	_ =	swait.ge [sflag:s18], $0x2000  }
0xed: {  	[sflag:s18] =	ssyncset.done $0x0  }
0xee: {  	[sflag:s18] =	ssyncadd.s32 $0xFFFFE000  }
0xef: {  	[spmem:s1] =	stream.indirect.scatter.add.f32 [tilespmem:s13], [sflag:$0x6], $0x80, s0, s11, $0xb8;
	[tilespmem:$0x1C400] =	vst v63  }
0xf0: {  	_ =	swait.ge [sflag:s21], $0x2000  }
0xf1: {  	[sflag:s21] =	ssyncset.done $0x0  }
0xf2: {  	[sflag:s21] =	ssyncadd.s32 $0xFFFFE000  }
0xf3: {  	[spmem:s1] =	stream.indirect.scatter.add.f32 [tilespmem:s14], [sflag:$0x7], $0x80, s3, s11, $0xb8;
	[tilespmem:$0x1C400] =	vst v63  }
0xf4: {  	_ =	swait.ge [sflag:s26], $0x2000  }
0xf5: {  	[sflag:s26] =	ssyncset.done $0x0  }
0xf6: {  	[sflag:s26] =	ssyncadd.s32 $0xFFFFE000  }
0xf7: {  	[spmem:s1] =	stream.indirect.scatter.add.f32 [tilespmem:s15], [sflag:$0x8], $0x80, s5, s11, $0xb8;
	[tilespmem:$0x1C400] =	vst v63  }
0xf8: {  	_ =	swait.ge [sflag:s17], $0x2000  }
0xf9: {  	[sflag:s17] =	ssyncset.done $0x0  }
0xfa: {  	[sflag:s17] =	ssyncadd.s32 $0xFFFFE000  }
0xfb: {  	_ =	swait.ge [sflag:s19], $0x2000  }
0xfc: {  	[sflag:s19] =	ssyncset.done $0x0  }
0xfd: {  	[sflag:s19] =	ssyncadd.s32 $0xFFFFE000  }
0xfe: {  	_ =	swait.ge [sflag:s23], $0x2000  }
0xff: {  	[sflag:s23] =	ssyncset.done $0x0  }
0x100: {  	[sflag:s23] =	ssyncadd.s32 $0xFFFFE000  }
0x101: {  	_ =	swait.ge [sflag:s29], $0x2000  }
0x102: {  	[sflag:s29] =	ssyncset.done $0x0  }
0x103: {  	[sflag:s29] =	ssyncadd.s32 $0xFFFFE000  }
0x104: {  	[bflag:$0x0] =	sbarrier.arrive $0xFFFF  }
0x105: {  	s24 =	rddreg [dreg:$0xb]  }
0x106: {  	s7 =	rddreg [dreg:$0xd]  }
0x107: {  	s8 =	rddreg [dreg:$0xe]  }
0x108: {  	[hbm:s8], [sflag:s24] =	dma.local [spmem:s7], $0x2780  }
0x109: {  	_ =	swait.ge [sflag:s9], $0x2780  }
0x10a: {  	s6 =	rddreg [dreg:$0xf]  }
0x10b: {  	s8 =	sadd.s32 $0x1, s6;
	s6 =	rddreg [dreg:$0xc]  }
0x10c: {  	p0 =	sne.s32 s8, s6  }
.Ltmp1:
0x10d: {  	_ = 	snop;
	(pc) =	sbr.rel @p0 .LBB2_1-.Ltmp1, $3  }
0x10e: {  	_ =	sdelay $0x1  }
0x10f: {  	[sflag:s9] =	ssyncset.done $0x0  }
0x110: {  	[sflag:s9] =	ssyncadd.s32 $0xFFFFD880  }
0x111: {  	_ =	sfence.sel $0x180000  }
0x112: {  	[bflag:$0x0] =	sbarrier.arrive $0xFFFF  }
0x113: {  	_ =	strace $0x9000004D  }
0x114: {  	s0 =	stileid.u32;
	[bflag:$0x2] =	sbarrier.arrive $0xFFFF  }
0x115: {  	p0 =	sne.s32 s0, $0x0;
	s0 =	rddreg [dreg:$0x2]  }
0x116: {  	s0 =	sadd.s32 @!p0 $0x100000, s0  }
0x117: {  	[sflag:s0] =	ssyncadd.tile.s32 @!p0 $0x1;
	_ =	shalt  }
.Lfunc_end2:
_tile_overlayer_lowered:
.L_overlay_start_2:
0x118: {  	(tag) =	ssettag $0x2  }
0x119: {  	s0 =	rddreg [dreg:$0x0];
	s2 =	stileid.u32  }
0x11a: {  	s1 =	rddreg [dreg:$0x1];
	p0 =	sne.s32 s2, $0x0  }
0x11b: {  	s3 =	rddreg [dreg:$0x2];
	[bflag:$0x3] =	sbarrier.arrive $0xFFFF;
	s2 =	simm.s32 @!p0 $0x1C09  }
0x11c: {  	[timem:s3], [sflag:s2] =	dma.local @!p0 [hbm:s0], s1  }
0x11d: {  	s0 =	simm.s32 @!p0 $0x9  }
0x11e: {  	_ =	swait.ge @!p0 [sflag:s0], s1  }
0x11f: {  	s1 =	ssub.s32 @!p0 $0x0, s1;
	[sflag:s0] =	ssyncset.done @!p0 $0x0  }
0x120: {  	[sflag:s0] =	ssyncadd.s32 @!p0 s1  }
0x121: {  	[bflag:$0x3] =	sbarrier.arrive $0xFFFF  }
0x122: {  	_ =	shalt  }

// kernel: kernel.18.cloned.1.call-start
scs
__scs_entry_jumppad:
0x0: {  	(pc) =	sbr.rel $0x88, $3  }
0x1: {  	(tag) =	ssettag $0x0;
	lr =	simm.s32 $0x1  }
0x2: {  	[smem:$0x3F9A] =	sst lr;
	_ =	strace $0xD0000000  }
0x3: {  	_ = 	snop  }
0x4: {  	_ = 	snop  }
0x5: {  	_ = 	snop  }
0x6: {  	_ = 	snop  }
0x7: {  	_ = 	snop  }
__scs_overlays_trampoline_lowered:
0x8: {  	[smem:$0x3FA9] =	sst s0  }
0x9: {  	[smem:$0x3FAA] =	sst s1  }
0xa: {  	[smem:$0x3FAB] =	sst s2  }
0xb: {  	[smem:$0x3FAC] =	sst s3  }
0xc: {  	[smem:$0x3FAD] =	sst s4  }
0xd: {  	[smem:$0x3FAE] =	sst s5  }
0xe: {  	[smem:$0x3FAF] =	sst s6  }
0xf: {  	[smem:$0x3FB0] =	sst s7  }
0x10: {  	[smem:$0x3FB1] =	sst s8  }
0x11: {  	[smem:$0x3FB2] =	sst s9;
	s0 =	simm.s32 @!p0 $0x0  }
0x12: {  	s1 =	sld [smem:$0x3F98];
	s0 =	simm.s32 @p0 $0x1  }
0x13: {  	[smem:$0x3FB3] =	sst s0;
	s0 =	simm.s32 @!p1 $0x0  }
0x14: {  	s2 =	sld [smem:$0x3F97];
	s0 =	simm.s32 @p1 $0x1  }
0x15: {  	[smem:$0x3FB4] =	sst s0;
	s0 =	simm.s32 @!p2 $0x0  }
0x16: {  	s3 =	sld [smem:$0x3FDB];
	s0 =	simm.s32 @p2 $0x1  }
0x17: {  	s4 =	simm.s32 $0x1BF5;
	[smem:$0x3FB6] =	sst s0  }
0x18: {  	s0 =	sld [smem:$0x3F99];
	_ =	swait.ge [sflag:s4], $0x0  }
0x19: {  	s7 =	sld [smem:$0x3F9A]  }
0x1a: {  	s8 =	sadd.s32 $0xFFFFE003, lr  }
0x1b: {  	s9 =	sadd.s32 $0xFFFFFEF7, lr;
	s5 =	simm.s32 $0xFFFFFFFF;
	p2 =	slt.u32 s8, $0xFFFFF086  }
0x1c: {  	p1 =	slt.u32 s9, $0xF7A;
	s5 =	simm.s32 @!p2 $0x0  }
0x1d: {  	s5 =	simm.s32 @p1 $0x1;
	p0 =	seq.s32 s7, s2  }
0x1e: {  	s7 =	smul.u32 @!p0 $0xF7A, s2;
	p2 =	seq.s32 @!p0 s5, $0x0  }
0x1f: {  	s9 =	smul.u32 $0xF7A, s1;
	s8 =	simm.s32 @!p0 $0x1BF5;
	p2 =	por !p2, p0  }
0x20: {  	[sflag:s8] =	ssyncset.s32 @!p0 $0xFFFFF086;
	s6 =	sadd.s32 @!p0 s3, s7;
	s7 =	simm.s32 @!p0 $0x108  }
0x21: {  	s3 =	sadd.s32 s3, s9;
	s6 =	sadd.s32 @!p0 $0x88, s6;
	s7 =	simm.s32 @p2 $0x1082  }
0x22: {  	[simem:s7], [sflag:s8] =	dma.local @!p0 [hbm:s6], $0xF7A  }
0x23: {  	s9 =	sor.u32 $0xD0000000, s2;
	s6 =	simm.s32 $0x108;
	_ =	swait.ge @!p0 [sflag:s8], $0x0  }
0x24: {  	s3 =	sadd.s32 $0x88, s3;
	s6 =	simm.s32 @!p1 $0x1082;
	[sflag:s4] =	ssyncset.s32 $0xFFFFF086  }
0x25: {  	[simem:s6], [sflag:s4] =	dma.local [hbm:s3], $0xF7A  }
0x26: {  	[smem:$0x3F9A] =	sst s1;
	(tag) =	ssettag s2;
	_ =	strace s9  }
0x27: {  	s1 =	sld [smem:$0x3FAA]  }
0x28: {  	s2 =	sld [smem:$0x3FAB]  }
0x29: {  	s4 =	sld [smem:$0x3FAD]  }
0x2a: {  	p0 =	seq.s32 s5, $0x0;
	s5 =	sld [smem:$0x3FAE]  }
0x2b: {  	s6 =	sld [smem:$0x3FAF]  }
0x2c: {  	s7 =	sld [smem:$0x3FB0]  }
0x2d: {  	s3 =	simm.s32 $0x108;
	s8 =	sld [smem:$0x3FB1]  }
0x2e: {  	s3 =	simm.s32 @!p0 $0x1082;
	s9 =	sld [smem:$0x3FB2]  }
0x2f: {  	lr =	sadd.s32 s0, s3;
	s0 =	sld [smem:$0x3FA9]  }
0x30: {  	s3 =	sld [smem:$0x3FAC]  }
0x31: {  	[smem:$0x3FB5] =	sst s10  }
0x32: {  	s10 =	sld [smem:$0x3FB3];
	_ =	sdelay $0x3  }
0x33: {  	p0 =	seq.s32 s10, $0x1;
	s10 =	sld [smem:$0x3FB5];
	_ =	sdelay $0x3  }
0x34: {  	[smem:$0x3FB5] =	sst s10  }
0x35: {  	s10 =	sld [smem:$0x3FB4];
	_ =	sdelay $0x3  }
0x36: {  	p1 =	seq.s32 s10, $0x1;
	s10 =	sld [smem:$0x3FB5];
	_ =	sdelay $0x3  }
0x37: {  	[smem:$0x3FB5] =	sst s10  }
0x38: {  	s10 =	sld [smem:$0x3FB6]  }
0x39: {  	_ = 	snop;
	(pc) =	sbr.ind lr, $3  }
0x3a: {  	_ = 	snop  }
0x3b: {  	_ = 	snop  }
0x3c: {  	p2 =	seq.s32 s10, $0x1;
	s10 =	sld [smem:$0x3FB5]  }
0x3d: {  	_ =	shalt  }
0x3e: {  	_ =	shalt  }
0x3f: {  	_ =	shalt  }
0x40: {  	_ =	shalt  }
0x41: {  	_ =	shalt  }
0x42: {  	_ =	shalt  }
0x43: {  	_ =	shalt  }
0x44: {  	_ =	shalt  }
0x45: {  	_ =	shalt  }
0x46: {  	_ =	shalt  }
0x47: {  	_ =	shalt  }
0x48: {  	_ =	shalt  }
0x49: {  	_ =	shalt  }
0x4a: {  	_ =	shalt  }
0x4b: {  	_ =	shalt  }
0x4c: {  	_ =	shalt  }
0x4d: {  	_ =	shalt  }
0x4e: {  	_ =	shalt  }
0x4f: {  	_ =	shalt  }
0x50: {  	_ =	shalt  }
0x51: {  	_ =	shalt  }
0x52: {  	_ =	shalt  }
0x53: {  	_ =	shalt  }
0x54: {  	_ =	shalt  }
0x55: {  	_ =	shalt  }
0x56: {  	_ =	shalt  }
0x57: {  	_ =	shalt  }
0x58: {  	_ =	shalt  }
0x59: {  	_ =	shalt  }
0x5a: {  	_ =	shalt  }
0x5b: {  	_ =	shalt  }
0x5c: {  	_ =	shalt  }
0x5d: {  	_ =	shalt  }
0x5e: {  	_ =	shalt  }
0x5f: {  	_ =	shalt  }
0x60: {  	_ =	shalt  }
0x61: {  	_ =	shalt  }
0x62: {  	_ =	shalt  }
0x63: {  	_ =	shalt  }
0x64: {  	_ =	shalt  }
0x65: {  	_ =	shalt  }
0x66: {  	_ =	shalt  }
0x67: {  	_ =	shalt  }
0x68: {  	_ =	shalt  }
0x69: {  	_ =	shalt  }
0x6a: {  	_ =	shalt  }
0x6b: {  	_ =	shalt  }
0x6c: {  	_ =	shalt  }
0x6d: {  	_ =	shalt  }
0x6e: {  	_ =	shalt  }
0x6f: {  	_ =	shalt  }
0x70: {  	_ =	shalt  }
0x71: {  	_ =	shalt  }
0x72: {  	_ =	shalt  }
0x73: {  	_ =	shalt  }
0x74: {  	_ =	shalt  }
0x75: {  	_ =	shalt  }
0x76: {  	_ =	shalt  }
0x77: {  	_ =	shalt  }
0x78: {  	_ =	shalt  }
0x79: {  	_ =	shalt  }
0x7a: {  	_ =	shalt  }
0x7b: {  	_ =	shalt  }
0x7c: {  	_ =	shalt  }
0x7d: {  	_ =	shalt  }
0x7e: {  	_ =	shalt  }
0x7f: {  	_ =	shalt  }
0x80: {  	_ =	shalt  }
0x81: {  	_ =	shalt  }
0x82: {  	_ =	shalt  }
0x83: {  	_ =	shalt  }
0x84: {  	_ =	shalt  }
0x85: {  	_ =	shalt  }
0x86: {  	_ =	shalt  }
0x87: {  	_ =	shalt  }
.Lfunc_end0:
.L_simem_size_0:
called_computation.3_lowered:
.L_overlay_start_0:
0x88: {  	s2 =	sld [smem:$0x3FD9]  }
0x89: {  	s3 =	sld [smem:$0x3FFE];
	_ =	sdelay $0x1  }
0x8a: {  	s1 =	srdreg.scid  }
0x8b: {  	s0 =	sand.u32 $0x1, s1  }
0x8c: {  	s17 =	sshll.u32 s0, $0xA;
	s2 =	sadd.s32 s3, s2  }
0x8d: {  	s2 =	sadd.s32 s2, s17  }
0x8e: {  	[smem:$0x3FC1] =	sst s2  }
0x8f: {  	_ = 	snop  }
0x90: {  	s2 =	sld [smem:$0x3FD0];
	(tm) =	ssettm $0x1  }
0x91: {  	s18 =	sld [smem:$0x3FFB];
	_ =	sdelay $0x3  }
0x92: {  	_ =	strace s18  }
0x93: {  	s3 =	sld [smem:$0x3FFC];
	_ =	sdelay $0x3  }
0x94: {  	_ =	strace s3  }
0x95: {  	s3 =	sld [smem:$0x3FFD];
	_ =	sdelay $0x3  }
0x96: {  	_ =	strace s3  }
0x97: {  	_ =	strace $0x8FFFFFFF  }
0x98: {  	s19 =	sld [smem:$0x3FDB];
	_ =	sdelay $0x1  }
0x99: {  	s4 =	simm.s32 $_scs_section_size  }
0x9a: {  	s5 =	simm.s32 $_size__tile_overlayer_lowered;
	s6 =	simm.s32 $_tile_overlayer_lowered  }
0x9b: {  	s22 =	simm.s32 $0x1BFF;
	s21 =	sshll.u32 s6, $0x1;
	s3 =	sadd.s32 s4, s19  }
0x9c: {  	s7 =	simm.s32 $0x0;
	s20 =	sshll.u32 s5, $0x1;
	s5 =	sadd.s32 s21, s3  }
0x9d: {  	[timem:s7], [sflag:s22] =	dma.local [hbm:s5], s20  }
0x9e: {  	_ =	swait.ge [sflag:s22], s20  }
0x9f: {  	s4 =	ssub.s32 $0x0, s20;
	[sflag:s22] =	ssyncset.done $0x0  }
0xa0: {  	[sflag:s22] =	ssyncadd.s32 s4;
	_ =	sdelay $0x1  }
0xa1: {  	s23 =	simm.s32 $0x1B8B  }
0xa2: {  	_ =	swait.ge [sflag:s23], $0x1  }
0xa3: {  	[sflag:s23] =	ssyncset.done $0x0  }
0xa4: {  	s25 =	simm.s32 $0x1B8E;
	s24 =	sld [smem:$0x3FFE];
	[sflag:s23] =	ssyncadd.s32 $0xFFFFFFFF  }
0xa5: {  	s26 =	simm.s32 $execute0_lowered;
	[smem:$0x3FD2] =	sst s25  }
0xa6: {  	s5 =	sshll.u32 s26, $0x1;
	_ =	strace $0x8000004F;
	[dreg:$0x1] =	wrdreg $0xFFFFFFFF  }
0xa7: {  	s28 =	simm.s32 $_size_execute0_lowered;
	s3 =	sadd.s32 s3, s5;
	[dreg:$0x0] =	wrdreg $0x0  }
0xa8: {  	s5 =	sshll.u32 s28, $0x1;
	[dreg:$0x2] =	wrdreg s3  }
0xa9: {  	[dreg:$0x3] =	wrdreg s5  }
0xaa: {  	[dreg:$0x4] =	wrdreg $0xC0  }
0xab: {  	_ =	task [dreg:s7], $0x5FFFF  }
0xac: {  	[dreg:$0x1] =	wrdreg $0xFFFFFFFF  }
0xad: {  	[dreg:$0x0] =	wrdreg $0x60  }
0xae: {  	[dreg:$0x2] =	wrdreg s24  }
0xaf: {  	[dreg:$0x3] =	wrdreg s2  }
0xb0: {  	[dreg:$0x4] =	wrdreg $0x88000  }
0xb1: {  	[dreg:$0x5] =	wrdreg $0x9  }
0xb2: {  	_ =	task.clear_ibuf [dreg:s7], $0x6FFFF;
	_ =	strace $0x9000004F  }
0xb3: {  	s29 =	simm.s32 $0x9;
	_ =	strace $0x80000051  }
0xb4: {  	_ =	swait.ge [sflag:s29], $0x1  }
0xb5: {  	[sflag:s29] =	ssyncadd.s32 $0xFFFFFFFF  }
0xb6: {  	_ =	strace $0x90000051  }
0xb7: {  	_ =	sfence  }
0xb8: {  	s30 =	sld [smem:$0x0];
	_ =	sdelay $0x2  }
0xb9: {  	s31 =	sshll.u32 s1, $0xD;
	s1 =	sshrl.u32 s1, $0x2  }
0xba: {  	s3 =	sand.u32 $0x4000, s31;
	s1 =	sadd.s32 s1, s30  }
0xbb: {  	s0 =	sor.u32 s3, s0;
	s1 =	sshll.u32 s1, $0x11  }
0xbc: {  	s0 =	sor.u32 s1, s0  }
0xbd: {  	s0 =	sadd.s32 $0x8F2B, s0  }
0xbe: {  	[sflag:s0] =	ssyncadd.remote.s32 $0x1  }
0xbf: {  	_ =	sfence.sel $0xFFFF  }
0xc0: {  	[dreg:$0x0] =	wrdreg $0xFFFFFFFF;
	(pc) =	sbr.abs _section_cstart, $3  }
0xc1: {  	[dreg:$0x1] =	wrdreg $0xFFFFFFFF  }
0xc2: {  	_ =	task.clear_ibuf [dreg:s7], $0x2FFFF;
	_ =	strace $0x9FFFFFFF  }
0xc3: {  	(tm) =	ssettm $0x7FFFFFFF  }
tec
execute0_lowered:
.L_overlay_start_1:
0x0: {  	(tag) =	ssettag $0x1  }
0x1: {  	s0 =	rddreg [dreg:$0x0]  }
0x2: {  	s3 =	rddreg [dreg:$0x1]  }
0x3: {  	s1 =	rddreg [dreg:$0x2]  }
0x4: {  	s4 =	srdreg.scid;
	s2 =	simm.s32 $0x0;
	s11 =	stileid.u32  }
0x5: {  	s21 =	simm.s32 $0x80;
	s22 =	simm.s32 $0x100;
	s12 =	simm.s32 $0x800  }
0x6: {  	s23 =	simm.s32 $0x180;
	s13 =	simm.s32 $0x2800;
	s14 =	simm.s32 $0x4800  }
0x7: {  	s15 =	simm.s32 $0x6800;
	s16 =	simm.s32 $0x1;
	s25 =	simm.s32 $0x200  }
0x8: {  	s26 =	simm.s32 $0x480;
	s28 =	simm.s32 $0x580;
	s29 =	simm.s32 $0x8  }
0x9: {  	s30 =	simm.s32 $0x380;
	[smem:$0x7FF] =	sst s2;
	s9 =	sadd.s32 $0x3200, s0  }
0xa: {  	s31 =	simm.s32 $0x600;
	_ =	strace $0x80000050;
	[dreg:$0xb] =	wrdreg s9  }
0xb: {  	s5 =	sand.u32 $0x1, s4;
	s17 =	smul.u32 $0x4F000, s11;
	[dreg:$0x6] =	wrdreg s21  }
0xc: {  	s4 =	sadd.s32 $0x5A00, s0;
	s10 =	smul.u32 $0xA00, s11;
	[dreg:$0x7] =	wrdreg s22  }
0xd: {  	s20 =	sshll.u32 s11, $0x6;
	s6 =	smul.u32 $0xA000, s5;
	[dreg:$0x8] =	wrdreg s23  }
0xe: {  	s8 =	smul.u32 $0x27800, s5;
	s5 =	ssub.s32 $0x2, s5;
	[dreg:$0x9] =	wrdreg s25  }
0xf: {  	s24 =	sor.u32 $0x1C09, s20;
	s9 =	simm.s32 $0x9;
	[dreg:$0xa] =	wrdreg s26  }
0x10: {  	s20 =	simm.s32 $0x280;
	s21 =	simm.s32 $0x3;
	s22 =	simm.s32 $0x500  }
0x11: {  	s23 =	simm.s32 $0x7;
	s25 =	simm.s32 $0x300;
	s26 =	simm.s32 $0x4  }
0x12: {  	s18 =	sshrl.u32 s5, $0x1;
	s19 =	sshrl.u32 s17, $0x2;
	s17 =	simm.s32 $0x5  }
0x13: {  	[dreg:$0xc] =	wrdreg s24;
	s7 =	sadd.s32 s6, s0;
	s0 =	sadd.s32 s8, s0  }
0x14: {  	s5 =	ssub.s32 s5, s18;
	s8 =	sadd.s32 s19, s1;
	s3 =	sadd.s32 s6, s3  }
0x15: {  	s6 =	smul.u32 $0x2780, s11;
	s11 =	simm.s32 $0x40;
	s18 =	simm.s32 $0x2  }
0x16: {  	s19 =	simm.s32 $0x6;
	s7 =	sadd.s32 s10, s7;
	s5 =	smax.u32 s5, $0x1  }
0x17: {  	s0 =	sadd.s32 $0x41200, s0;
	s3 =	sadd.s32 s10, s3;
	[dreg:$0xd] =	wrdreg s5  }
0x18: {  	s10 =	simm.s32 $0x400;
	s7 =	sadd.s32 $0x2D200, s7;
	[dreg:$0x5] =	wrdreg s3  }
0x19: {  	s0 =	sadd.s32 s6, s0;
	s3 =	simm.s32 $0x700;
	[dreg:$0x4] =	wrdreg s7  }
0x1a: {  	s5 =	simm.s32 $0x780;
	s7 =	sshrl.u32 s8, $0x3;
	[dreg:$0xf] =	wrdreg s0  }
0x1b: {  	s0 =	simm.s32 $0x680;
	s8 =	simm.s32 $0x0;
	[dreg:$0xe] =	wrdreg s7  }
.LBB2_1:
0x1c: {  	[dreg:$0x10] =	wrdreg s8  }
0x1d: {  	s6 =	rddreg [dreg:$0xb]  }
0x1e: {  	[spmem:s7], [sflag:s24] =	dma.local [hbm:s6], $0x2780  }
0x1f: {  	_ =	swait.ge [sflag:s9], $0x2780  }
0x20: {  	[sflag:s9] =	ssyncset.done $0x0  }
0x21: {  	[sflag:s9] =	ssyncadd.s32 $0xFFFFD880  }
0x22: {  	[bflag:$0x0] =	sbarrier.arrive $0xFFFF  }
0x23: {  	s24 =	rddreg [dreg:$0x5]  }
0x24: {  	s6 =	sadd.s32 $0x0, s24  }
0x25: {  	[tilespmem:s2], [sflag:$0x9] =	stream.linear.gather [hbm4b:s6+s2], $0x400, $0x38;
	[tilespmem:$0x1C400] =	vst v63  }
0x26: {  	_ =	swait.ge [sflag:s9], $0x400  }
0x27: {  	s7 =	rddreg [dreg:$0x4];
	[sflag:s9] =	ssyncset.done $0x0  }
0x28: {  	[sflag:s9] =	ssyncadd.s32 $0xFFFFFC00;
	s6 =	sadd.s32 $0x0, s7  }
0x29: {  	[tilespmem:s10], [sflag:$0x9] =	stream.linear.gather [hbm4b:s6+s2], $0x400, $0x38;
	[tilespmem:$0x1C400] =	vst v63  }
0x2a: {  	_ =	swait.ge [sflag:s9], $0x400  }
0x2b: {  	[sflag:s9] =	ssyncset.done $0x0  }
0x2c: {  	[sflag:s9] =	ssyncadd.s32 $0xFFFFFC00  }
0x2d: {  	[tilespmem:s12], [sflag:$0x1] =	stream.indirect.gather [hbm4b:s4+s11], $0x80, s2, s11, $0xb8;
	[tilespmem:$0x1C400] =	vst v63  }
0x2e: {  	s8 =	rddreg [dreg:$0x6]  }
0x2f: {  	[tilespmem:s13], [sflag:$0x2] =	stream.indirect.gather [hbm4b:s4+s11], $0x80, s8, s11, $0xb8;
	[tilespmem:$0x1C400] =	vst v63  }
0x30: {  	s24 =	rddreg [dreg:$0x7]  }
0x31: {  	[tilespmem:s14], [sflag:$0x3] =	stream.indirect.gather [hbm4b:s4+s11], $0x80, s24, s11, $0xb8;
	[tilespmem:$0x1C400] =	vst v63  }
0x32: {  	s7 =	rddreg [dreg:$0x8]  }
0x33: {  	[tilespmem:s15], [sflag:$0x4] =	stream.indirect.gather [hbm4b:s4+s11], $0x80, s7, s11, $0xb8;
	[tilespmem:$0x1C400] =	vst v63  }
0x34: {  	_ =	swait.ge [sflag:s16], $0x2000  }
0x35: {  	[sflag:s16] =	ssyncset.done $0x0  }
0x36: {  	[sflag:s16] =	ssyncadd.s32 $0xFFFFE000  }
0x37: {  	[spmem:s1] =	stream.indirect.scatter.add.f32 [tilespmem:s12], [sflag:$0x5], $0x80, s10, s11, $0xb8;
	[tilespmem:$0x1C400] =	vst v63  }
0x38: {  	_ =	swait.ge [sflag:s17], $0x2000  }
0x39: {  	[sflag:s17] =	ssyncset.done $0x0  }
0x3a: {  	s8 =	rddreg [dreg:$0x9];
	[sflag:s17] =	ssyncadd.s32 $0xFFFFE000  }
0x3b: {  	[tilespmem:s12], [sflag:$0x1] =	stream.indirect.gather [hbm4b:s4+s11], $0x80, s8, s11, $0xb8;
	[tilespmem:$0x1C400] =	vst v63  }
0x3c: {  	_ =	swait.ge [sflag:s18], $0x2000  }
0x3d: {  	[sflag:s18] =	ssyncset.done $0x0  }
0x3e: {  	s24 =	rddreg [dreg:$0xa];
	[sflag:s18] =	ssyncadd.s32 $0xFFFFE000  }
0x3f: {  	[spmem:s1] =	stream.indirect.scatter.add.f32 [tilespmem:s13], [sflag:$0x6], $0x80, s24, s11, $0xb8;
	[tilespmem:$0x1C400] =	vst v63  }
0x40: {  	_ =	swait.ge [sflag:s19], $0x2000  }
0x41: {  	[sflag:s19] =	ssyncset.done $0x0  }
0x42: {  	[sflag:s19] =	ssyncadd.s32 $0xFFFFE000  }
0x43: {  	[tilespmem:s13], [sflag:$0x2] =	stream.indirect.gather [hbm4b:s4+s11], $0x80, s20, s11, $0xb8;
	[tilespmem:$0x1C400] =	vst v63  }
0x44: {  	_ =	swait.ge [sflag:s21], $0x2000  }
0x45: {  	[sflag:s21] =	ssyncset.done $0x0  }
0x46: {  	[sflag:s21] =	ssyncadd.s32 $0xFFFFE000  }
0x47: {  	[spmem:s1] =	stream.indirect.scatter.add.f32 [tilespmem:s14], [sflag:$0x7], $0x80, s22, s11, $0xb8;
	[tilespmem:$0x1C400] =	vst v63  }
0x48: {  	_ =	swait.ge [sflag:s23], $0x2000  }
0x49: {  	[sflag:s23] =	ssyncset.done $0x0  }
0x4a: {  	[sflag:s23] =	ssyncadd.s32 $0xFFFFE000  }
0x4b: {  	[tilespmem:s14], [sflag:$0x3] =	stream.indirect.gather [hbm4b:s4+s11], $0x80, s25, s11, $0xb8;
	[tilespmem:$0x1C400] =	vst v63  }
0x4c: {  	_ =	swait.ge [sflag:s26], $0x2000  }
0x4d: {  	[sflag:s26] =	ssyncset.done $0x0  }
0x4e: {  	[sflag:s26] =	ssyncadd.s32 $0xFFFFE000  }
0x4f: {  	[spmem:s1] =	stream.indirect.scatter.add.f32 [tilespmem:s15], [sflag:$0x8], $0x80, s28, s11, $0xb8;
	[tilespmem:$0x1C400] =	vst v63  }
0x50: {  	_ =	swait.ge [sflag:s29], $0x2000  }
0x51: {  	[sflag:s29] =	ssyncset.done $0x0  }
0x52: {  	[sflag:s29] =	ssyncadd.s32 $0xFFFFE000  }
0x53: {  	[tilespmem:s15], [sflag:$0x4] =	stream.indirect.gather [hbm4b:s4+s11], $0x80, s30, s11, $0xb8;
	[tilespmem:$0x1C400] =	vst v63  }
0x54: {  	_ =	swait.ge [sflag:s16], $0x2000  }
0x55: {  	[sflag:s16] =	ssyncset.done $0x0  }
0x56: {  	[sflag:s16] =	ssyncadd.s32 $0xFFFFE000  }
0x57: {  	[spmem:s1] =	stream.indirect.scatter.add.f32 [tilespmem:s12], [sflag:$0x5], $0x80, s31, s11, $0xb8;
	[tilespmem:$0x1C400] =	vst v63  }
0x58: {  	_ =	swait.ge [sflag:s18], $0x2000  }
0x59: {  	[sflag:s18] =	ssyncset.done $0x0  }
0x5a: {  	[sflag:s18] =	ssyncadd.s32 $0xFFFFE000  }
0x5b: {  	[spmem:s1] =	stream.indirect.scatter.add.f32 [tilespmem:s13], [sflag:$0x6], $0x80, s0, s11, $0xb8;
	[tilespmem:$0x1C400] =	vst v63  }
0x5c: {  	_ =	swait.ge [sflag:s21], $0x2000  }
0x5d: {  	[sflag:s21] =	ssyncset.done $0x0  }
0x5e: {  	[sflag:s21] =	ssyncadd.s32 $0xFFFFE000  }
0x5f: {  	[spmem:s1] =	stream.indirect.scatter.add.f32 [tilespmem:s14], [sflag:$0x7], $0x80, s3, s11, $0xb8;
	[tilespmem:$0x1C400] =	vst v63  }
0x60: {  	_ =	swait.ge [sflag:s26], $0x2000  }
0x61: {  	[sflag:s26] =	ssyncset.done $0x0  }
0x62: {  	[sflag:s26] =	ssyncadd.s32 $0xFFFFE000  }
0x63: {  	[spmem:s1] =	stream.indirect.scatter.add.f32 [tilespmem:s15], [sflag:$0x8], $0x80, s5, s11, $0xb8;
	[tilespmem:$0x1C400] =	vst v63  }
0x64: {  	_ =	swait.ge [sflag:s17], $0x2000  }
0x65: {  	[sflag:s17] =	ssyncset.done $0x0  }
0x66: {  	[sflag:s17] =	ssyncadd.s32 $0xFFFFE000  }
0x67: {  	_ =	swait.ge [sflag:s19], $0x2000  }
0x68: {  	[sflag:s19] =	ssyncset.done $0x0  }
0x69: {  	[sflag:s19] =	ssyncadd.s32 $0xFFFFE000  }
0x6a: {  	_ =	swait.ge [sflag:s23], $0x2000  }
0x6b: {  	[sflag:s23] =	ssyncset.done $0x0  }
0x6c: {  	[sflag:s23] =	ssyncadd.s32 $0xFFFFE000  }
0x6d: {  	s6 =	simm.s32 $0x100;
	_ =	swait.ge [sflag:s29], $0x2000  }
0x6e: {  	s24 =	simm.s32 $0x80;
	s8 =	rddreg [dreg:$0x5];
	[sflag:s29] =	ssyncset.done $0x0  }
.LBB2_2:
0x6f: {  	[sflag:s29] =	ssyncadd.s32 $0xFFFFE000;
	s8 =	sadd.s32 s24, s8  }
0x70: {  	[tilespmem:s2], [sflag:$0x9] =	stream.linear.gather [hbm4b:s8+s2], $0x400, $0x38;
	[tilespmem:$0x1C400] =	vst v63  }
0x71: {  	_ =	swait.ge [sflag:s9], $0x400  }
0x72: {  	s8 =	rddreg [dreg:$0x4];
	[sflag:s9] =	ssyncset.done $0x0  }
0x73: {  	[sflag:s9] =	ssyncadd.s32 $0xFFFFFC00;
	s8 =	sadd.s32 s24, s8  }
0x74: {  	[tilespmem:s10], [sflag:$0x9] =	stream.linear.gather [hbm4b:s8+s2], $0x400, $0x38;
	[tilespmem:$0x1C400] =	vst v63  }
0x75: {  	_ =	swait.ge [sflag:s9], $0x400  }
0x76: {  	[sflag:s9] =	ssyncset.done $0x0  }
0x77: {  	s7 =	smov.u32 s6;
	[sflag:s9] =	ssyncadd.s32 $0xFFFFFC00  }
0x78: {  	[tilespmem:s12], [sflag:$0x1] =	stream.indirect.gather [hbm4b:s4+s11], $0x80, s2, s11, $0xb8;
	[tilespmem:$0x1C400] =	vst v63  }
0x79: {  	s24 =	smov.u32 s7;
	s7 =	rddreg [dreg:$0x6]  }
0x7a: {  	[tilespmem:s13], [sflag:$0x2] =	stream.indirect.gather [hbm4b:s4+s11], $0x80, s7, s11, $0xb8;
	[tilespmem:$0x1C400] =	vst v63  }
0x7b: {  	s8 =	rddreg [dreg:$0x7]  }
0x7c: {  	[tilespmem:s14], [sflag:$0x3] =	stream.indirect.gather [hbm4b:s4+s11], $0x80, s8, s11, $0xb8;
	[tilespmem:$0x1C400] =	vst v63  }
0x7d: {  	s7 =	rddreg [dreg:$0x8]  }
0x7e: {  	[tilespmem:s15], [sflag:$0x4] =	stream.indirect.gather [hbm4b:s4+s11], $0x80, s7, s11, $0xb8;
	[tilespmem:$0x1C400] =	vst v63  }
0x7f: {  	_ =	swait.ge [sflag:s16], $0x2000  }
0x80: {  	[sflag:s16] =	ssyncset.done $0x0  }
0x81: {  	[sflag:s16] =	ssyncadd.s32 $0xFFFFE000  }
0x82: {  	[spmem:s1] =	stream.indirect.scatter.add.f32 [tilespmem:s12], [sflag:$0x5], $0x80, s10, s11, $0xb8;
	[tilespmem:$0x1C400] =	vst v63  }
0x83: {  	_ =	swait.ge [sflag:s17], $0x2000  }
0x84: {  	[sflag:s17] =	ssyncset.done $0x0  }
0x85: {  	s8 =	rddreg [dreg:$0x9];
	[sflag:s17] =	ssyncadd.s32 $0xFFFFE000  }
0x86: {  	[tilespmem:s12], [sflag:$0x1] =	stream.indirect.gather [hbm4b:s4+s11], $0x80, s8, s11, $0xb8;
	[tilespmem:$0x1C400] =	vst v63  }
0x87: {  	_ =	swait.ge [sflag:s18], $0x2000  }
0x88: {  	[sflag:s18] =	ssyncset.done $0x0  }
0x89: {  	s8 =	rddreg [dreg:$0xa];
	[sflag:s18] =	ssyncadd.s32 $0xFFFFE000  }
0x8a: {  	[spmem:s1] =	stream.indirect.scatter.add.f32 [tilespmem:s13], [sflag:$0x6], $0x80, s8, s11, $0xb8;
	[tilespmem:$0x1C400] =	vst v63  }
0x8b: {  	_ =	swait.ge [sflag:s19], $0x2000  }
0x8c: {  	[sflag:s19] =	ssyncset.done $0x0  }
0x8d: {  	[sflag:s19] =	ssyncadd.s32 $0xFFFFE000  }
0x8e: {  	[tilespmem:s13], [sflag:$0x2] =	stream.indirect.gather [hbm4b:s4+s11], $0x80, s20, s11, $0xb8;
	[tilespmem:$0x1C400] =	vst v63  }
0x8f: {  	_ =	swait.ge [sflag:s21], $0x2000  }
0x90: {  	[sflag:s21] =	ssyncset.done $0x0  }
0x91: {  	[sflag:s21] =	ssyncadd.s32 $0xFFFFE000  }
0x92: {  	[spmem:s1] =	stream.indirect.scatter.add.f32 [tilespmem:s14], [sflag:$0x7], $0x80, s22, s11, $0xb8;
	[tilespmem:$0x1C400] =	vst v63  }
0x93: {  	_ =	swait.ge [sflag:s23], $0x2000  }
0x94: {  	[sflag:s23] =	ssyncset.done $0x0  }
0x95: {  	[sflag:s23] =	ssyncadd.s32 $0xFFFFE000  }
0x96: {  	[tilespmem:s14], [sflag:$0x3] =	stream.indirect.gather [hbm4b:s4+s11], $0x80, s25, s11, $0xb8;
	[tilespmem:$0x1C400] =	vst v63  }
0x97: {  	_ =	swait.ge [sflag:s26], $0x2000  }
0x98: {  	[sflag:s26] =	ssyncset.done $0x0  }
0x99: {  	[sflag:s26] =	ssyncadd.s32 $0xFFFFE000  }
0x9a: {  	[spmem:s1] =	stream.indirect.scatter.add.f32 [tilespmem:s15], [sflag:$0x8], $0x80, s28, s11, $0xb8;
	[tilespmem:$0x1C400] =	vst v63  }
0x9b: {  	_ =	swait.ge [sflag:s29], $0x2000  }
0x9c: {  	[sflag:s29] =	ssyncset.done $0x0  }
0x9d: {  	[sflag:s29] =	ssyncadd.s32 $0xFFFFE000  }
0x9e: {  	[tilespmem:s15], [sflag:$0x4] =	stream.indirect.gather [hbm4b:s4+s11], $0x80, s30, s11, $0xb8;
	[tilespmem:$0x1C400] =	vst v63  }
0x9f: {  	_ =	swait.ge [sflag:s16], $0x2000  }
0xa0: {  	[sflag:s16] =	ssyncset.done $0x0  }
0xa1: {  	[sflag:s16] =	ssyncadd.s32 $0xFFFFE000  }
0xa2: {  	[spmem:s1] =	stream.indirect.scatter.add.f32 [tilespmem:s12], [sflag:$0x5], $0x80, s31, s11, $0xb8;
	[tilespmem:$0x1C400] =	vst v63  }
0xa3: {  	_ =	swait.ge [sflag:s18], $0x2000  }
0xa4: {  	[sflag:s18] =	ssyncset.done $0x0  }
0xa5: {  	[sflag:s18] =	ssyncadd.s32 $0xFFFFE000  }
0xa6: {  	[spmem:s1] =	stream.indirect.scatter.add.f32 [tilespmem:s13], [sflag:$0x6], $0x80, s0, s11, $0xb8;
	[tilespmem:$0x1C400] =	vst v63  }
0xa7: {  	_ =	swait.ge [sflag:s21], $0x2000  }
0xa8: {  	[sflag:s21] =	ssyncset.done $0x0  }
0xa9: {  	[sflag:s21] =	ssyncadd.s32 $0xFFFFE000  }
0xaa: {  	[spmem:s1] =	stream.indirect.scatter.add.f32 [tilespmem:s14], [sflag:$0x7], $0x80, s3, s11, $0xb8;
	[tilespmem:$0x1C400] =	vst v63  }
0xab: {  	_ =	swait.ge [sflag:s26], $0x2000  }
0xac: {  	[sflag:s26] =	ssyncset.done $0x0  }
0xad: {  	[sflag:s26] =	ssyncadd.s32 $0xFFFFE000  }
0xae: {  	[spmem:s1] =	stream.indirect.scatter.add.f32 [tilespmem:s15], [sflag:$0x8], $0x80, s5, s11, $0xb8;
	[tilespmem:$0x1C400] =	vst v63  }
0xaf: {  	_ =	swait.ge [sflag:s17], $0x2000  }
0xb0: {  	[sflag:s17] =	ssyncset.done $0x0  }
0xb1: {  	[sflag:s17] =	ssyncadd.s32 $0xFFFFE000  }
0xb2: {  	_ =	swait.ge [sflag:s19], $0x2000  }
0xb3: {  	[sflag:s19] =	ssyncset.done $0x0  }
0xb4: {  	p0 =	sne.s32 s6, $0x980;
	[sflag:s19] =	ssyncadd.s32 $0xFFFFE000  }
.Ltmp0:
0xb5: {  	_ =	swait.ge [sflag:s23], $0x2000;
	(pc) =	sbr.rel @p0 .LBB2_2-.Ltmp0, $4  }
0xb6: {  	[sflag:s23] =	ssyncset.done $0x0  }
0xb7: {  	[sflag:s23] =	ssyncadd.s32 $0xFFFFE000  }
0xb8: {  	_ =	swait.ge [sflag:s29], $0x2000  }
0xb9: {  	s6 =	sadd.s32 $0x80, s6;
	s8 =	rddreg [dreg:$0x5];
	[sflag:s29] =	ssyncset.done $0x0  }
0xba: {  	[sflag:s29] =	ssyncadd.s32 $0xFFFFE000;
	s6 =	sadd.s32 s24, s8  }
0xbb: {  	[tilespmem:s2], [sflag:$0x9] =	stream.linear.gather [hbm4b:s6+s2], $0x400, $0x38;
	[tilespmem:$0x1C400] =	vst v63  }
0xbc: {  	_ =	swait.ge [sflag:s9], $0x400  }
0xbd: {  	s8 =	rddreg [dreg:$0x4];
	[sflag:s9] =	ssyncset.done $0x0  }
0xbe: {  	[sflag:s9] =	ssyncadd.s32 $0xFFFFFC00;
	s6 =	sadd.s32 s24, s8  }
0xbf: {  	[tilespmem:s10], [sflag:$0x9] =	stream.linear.gather [hbm4b:s6+s2], $0x400, $0x38;
	[tilespmem:$0x1C400] =	vst v63  }
0xc0: {  	_ =	swait.ge [sflag:s9], $0x400  }
0xc1: {  	[sflag:s9] =	ssyncset.done $0x0  }
0xc2: {  	[sflag:s9] =	ssyncadd.s32 $0xFFFFFC00  }
0xc3: {  	[tilespmem:s12], [sflag:$0x1] =	stream.indirect.gather [hbm4b:s4+s11], $0x80, s2, s11, $0xb8;
	[tilespmem:$0x1C400] =	vst v63  }
0xc4: {  	s24 =	rddreg [dreg:$0x6]  }
0xc5: {  	[tilespmem:s13], [sflag:$0x2] =	stream.indirect.gather [hbm4b:s4+s11], $0x80, s24, s11, $0xb8;
	[tilespmem:$0x1C400] =	vst v63  }
0xc6: {  	s7 =	rddreg [dreg:$0x7]  }
0xc7: {  	[tilespmem:s14], [sflag:$0x3] =	stream.indirect.gather [hbm4b:s4+s11], $0x80, s7, s11, $0xb8;
	[tilespmem:$0x1C400] =	vst v63  }
0xc8: {  	s8 =	rddreg [dreg:$0x8]  }
0xc9: {  	[tilespmem:s15], [sflag:$0x4] =	stream.indirect.gather [hbm4b:s4+s11], $0x80, s8, s11, $0xb8;
	[tilespmem:$0x1C400] =	vst v63  }
0xca: {  	_ =	swait.ge [sflag:s16], $0x2000  }
0xcb: {  	[sflag:s16] =	ssyncset.done $0x0  }
0xcc: {  	[sflag:s16] =	ssyncadd.s32 $0xFFFFE000  }
0xcd: {  	[spmem:s1] =	stream.indirect.scatter.add.f32 [tilespmem:s12], [sflag:$0x5], $0x80, s10, s11, $0xb8;
	[tilespmem:$0x1C400] =	vst v63  }
0xce: {  	_ =	swait.ge [sflag:s17], $0x2000  }
0xcf: {  	[sflag:s17] =	ssyncset.done $0x0  }
0xd0: {  	s24 =	rddreg [dreg:$0x9];
	[sflag:s17] =	ssyncadd.s32 $0xFFFFE000  }
0xd1: {  	[tilespmem:s12], [sflag:$0x1] =	stream.indirect.gather [hbm4b:s4+s11], $0x80, s24, s11, $0xb8;
	[tilespmem:$0x1C400] =	vst v63  }
0xd2: {  	_ =	swait.ge [sflag:s18], $0x2000  }
0xd3: {  	[sflag:s18] =	ssyncset.done $0x0  }
0xd4: {  	s7 =	rddreg [dreg:$0xa];
	[sflag:s18] =	ssyncadd.s32 $0xFFFFE000  }
0xd5: {  	[spmem:s1] =	stream.indirect.scatter.add.f32 [tilespmem:s13], [sflag:$0x6], $0x80, s7, s11, $0xb8;
	[tilespmem:$0x1C400] =	vst v63  }
0xd6: {  	_ =	swait.ge [sflag:s19], $0x2000  }
0xd7: {  	[sflag:s19] =	ssyncset.done $0x0  }
0xd8: {  	[sflag:s19] =	ssyncadd.s32 $0xFFFFE000  }
0xd9: {  	[tilespmem:s13], [sflag:$0x2] =	stream.indirect.gather [hbm4b:s4+s11], $0x80, s20, s11, $0xb8;
	[tilespmem:$0x1C400] =	vst v63  }
0xda: {  	_ =	swait.ge [sflag:s21], $0x2000  }
0xdb: {  	[sflag:s21] =	ssyncset.done $0x0  }
0xdc: {  	[sflag:s21] =	ssyncadd.s32 $0xFFFFE000  }
0xdd: {  	[spmem:s1] =	stream.indirect.scatter.add.f32 [tilespmem:s14], [sflag:$0x7], $0x80, s22, s11, $0xb8;
	[tilespmem:$0x1C400] =	vst v63  }
0xde: {  	_ =	swait.ge [sflag:s23], $0x2000  }
0xdf: {  	[sflag:s23] =	ssyncset.done $0x0  }
0xe0: {  	[sflag:s23] =	ssyncadd.s32 $0xFFFFE000  }
0xe1: {  	[tilespmem:s14], [sflag:$0x3] =	stream.indirect.gather [hbm4b:s4+s11], $0x80, s25, s11, $0xb8;
	[tilespmem:$0x1C400] =	vst v63  }
0xe2: {  	_ =	swait.ge [sflag:s26], $0x2000  }
0xe3: {  	[sflag:s26] =	ssyncset.done $0x0  }
0xe4: {  	[sflag:s26] =	ssyncadd.s32 $0xFFFFE000  }
0xe5: {  	[spmem:s1] =	stream.indirect.scatter.add.f32 [tilespmem:s15], [sflag:$0x8], $0x80, s28, s11, $0xb8;
	[tilespmem:$0x1C400] =	vst v63  }
0xe6: {  	_ =	swait.ge [sflag:s29], $0x2000  }
0xe7: {  	[sflag:s29] =	ssyncset.done $0x0  }
0xe8: {  	[sflag:s29] =	ssyncadd.s32 $0xFFFFE000  }
0xe9: {  	[tilespmem:s15], [sflag:$0x4] =	stream.indirect.gather [hbm4b:s4+s11], $0x80, s30, s11, $0xb8;
	[tilespmem:$0x1C400] =	vst v63  }
0xea: {  	_ =	swait.ge [sflag:s16], $0x2000  }
0xeb: {  	[sflag:s16] =	ssyncset.done $0x0  }
0xec: {  	[sflag:s16] =	ssyncadd.s32 $0xFFFFE000  }
0xed: {  	[spmem:s1] =	stream.indirect.scatter.add.f32 [tilespmem:s12], [sflag:$0x5], $0x80, s31, s11, $0xb8;
	[tilespmem:$0x1C400] =	vst v63  }
0xee: {  	_ =	swait.ge [sflag:s18], $0x2000  }
0xef: {  	[sflag:s18] =	ssyncset.done $0x0  }
0xf0: {  	[sflag:s18] =	ssyncadd.s32 $0xFFFFE000  }
0xf1: {  	[spmem:s1] =	stream.indirect.scatter.add.f32 [tilespmem:s13], [sflag:$0x6], $0x80, s0, s11, $0xb8;
	[tilespmem:$0x1C400] =	vst v63  }
0xf2: {  	_ =	swait.ge [sflag:s21], $0x2000  }
0xf3: {  	[sflag:s21] =	ssyncset.done $0x0  }
0xf4: {  	[sflag:s21] =	ssyncadd.s32 $0xFFFFE000  }
0xf5: {  	[spmem:s1] =	stream.indirect.scatter.add.f32 [tilespmem:s14], [sflag:$0x7], $0x80, s3, s11, $0xb8;
	[tilespmem:$0x1C400] =	vst v63  }
0xf6: {  	_ =	swait.ge [sflag:s26], $0x2000  }
0xf7: {  	[sflag:s26] =	ssyncset.done $0x0  }
0xf8: {  	[sflag:s26] =	ssyncadd.s32 $0xFFFFE000  }
0xf9: {  	[spmem:s1] =	stream.indirect.scatter.add.f32 [tilespmem:s15], [sflag:$0x8], $0x80, s5, s11, $0xb8;
	[tilespmem:$0x1C400] =	vst v63  }
0xfa: {  	_ =	swait.ge [sflag:s17], $0x2000  }
0xfb: {  	[sflag:s17] =	ssyncset.done $0x0  }
0xfc: {  	[sflag:s17] =	ssyncadd.s32 $0xFFFFE000  }
0xfd: {  	_ =	swait.ge [sflag:s19], $0x2000  }
0xfe: {  	[sflag:s19] =	ssyncset.done $0x0  }
0xff: {  	[sflag:s19] =	ssyncadd.s32 $0xFFFFE000  }
0x100: {  	_ =	swait.ge [sflag:s23], $0x2000  }
0x101: {  	[sflag:s23] =	ssyncset.done $0x0  }
0x102: {  	[sflag:s23] =	ssyncadd.s32 $0xFFFFE000  }
0x103: {  	_ =	swait.ge [sflag:s29], $0x2000  }
0x104: {  	[sflag:s29] =	ssyncset.done $0x0  }
0x105: {  	[sflag:s29] =	ssyncadd.s32 $0xFFFFE000  }
0x106: {  	[bflag:$0x0] =	sbarrier.arrive $0xFFFF  }
0x107: {  	s24 =	rddreg [dreg:$0xc]  }
0x108: {  	s7 =	rddreg [dreg:$0xe]  }
0x109: {  	s8 =	rddreg [dreg:$0xf]  }
0x10a: {  	[hbm:s8], [sflag:s24] =	dma.local [spmem:s7], $0x2780  }
0x10b: {  	_ =	swait.ge [sflag:s9], $0x2780  }
0x10c: {  	s6 =	rddreg [dreg:$0x10]  }
0x10d: {  	s8 =	sadd.s32 $0x1, s6;
	s6 =	rddreg [dreg:$0xd]  }
0x10e: {  	p0 =	sne.s32 s8, s6  }
.Ltmp1:
0x10f: {  	_ = 	snop;
	(pc) =	sbr.rel @p0 .LBB2_1-.Ltmp1, $3  }
0x110: {  	_ =	sdelay $0x1  }
0x111: {  	[sflag:s9] =	ssyncset.done $0x0  }
0x112: {  	[sflag:s9] =	ssyncadd.s32 $0xFFFFD880  }
0x113: {  	_ =	sfence.sel $0x180000  }
0x114: {  	[bflag:$0x0] =	sbarrier.arrive $0xFFFF  }
0x115: {  	_ =	strace $0x90000050  }
0x116: {  	s0 =	stileid.u32;
	[bflag:$0x2] =	sbarrier.arrive $0xFFFF  }
0x117: {  	p0 =	sne.s32 s0, $0x0;
	s0 =	rddreg [dreg:$0x3]  }
0x118: {  	s0 =	sadd.s32 @!p0 $0x100000, s0  }
0x119: {  	[sflag:s0] =	ssyncadd.tile.s32 @!p0 $0x1;
	_ =	shalt  }
.Lfunc_end2:
_tile_overlayer_lowered:
.L_overlay_start_2:
0x11a: {  	(tag) =	ssettag $0x2  }
0x11b: {  	s0 =	rddreg [dreg:$0x0];
	s2 =	stileid.u32  }
0x11c: {  	s1 =	rddreg [dreg:$0x1];
	p0 =	sne.s32 s2, $0x0  }
0x11d: {  	s3 =	rddreg [dreg:$0x2];
	[bflag:$0x3] =	sbarrier.arrive $0xFFFF;
	s2 =	simm.s32 @!p0 $0x1C09  }
0x11e: {  	[timem:s3], [sflag:s2] =	dma.local @!p0 [hbm:s0], s1  }
0x11f: {  	s0 =	simm.s32 @!p0 $0x9  }
0x120: {  	_ =	swait.ge @!p0 [sflag:s0], s1  }
0x121: {  	s1 =	ssub.s32 @!p0 $0x0, s1;
	[sflag:s0] =	ssyncset.done @!p0 $0x0  }
0x122: {  	[sflag:s0] =	ssyncadd.s32 @!p0 s1  }
0x123: {  	[bflag:$0x3] =	sbarrier.arrive $0xFFFF  }
0x124: {  	_ =	shalt  }

// kernel: kernel.9.cloned.1.call-start
scs
__scs_entry_jumppad:
0x0: {  	(pc) =	sbr.rel $0x88, $3  }
0x1: {  	(tag) =	ssettag $0x0;
	lr =	simm.s32 $0x1  }
0x2: {  	[smem:$0x3F9A] =	sst lr;
	_ =	strace $0xD0000000  }
0x3: {  	_ = 	snop  }
0x4: {  	_ = 	snop  }
0x5: {  	_ = 	snop  }
0x6: {  	_ = 	snop  }
0x7: {  	_ = 	snop  }
__scs_overlays_trampoline_lowered:
0x8: {  	[smem:$0x3FA9] =	sst s0  }
0x9: {  	[smem:$0x3FAA] =	sst s1  }
0xa: {  	[smem:$0x3FAB] =	sst s2  }
0xb: {  	[smem:$0x3FAC] =	sst s3  }
0xc: {  	[smem:$0x3FAD] =	sst s4  }
0xd: {  	[smem:$0x3FAE] =	sst s5  }
0xe: {  	[smem:$0x3FAF] =	sst s6  }
0xf: {  	[smem:$0x3FB0] =	sst s7  }
0x10: {  	[smem:$0x3FB1] =	sst s8  }
0x11: {  	[smem:$0x3FB2] =	sst s9;
	s0 =	simm.s32 @!p0 $0x0  }
0x12: {  	s1 =	sld [smem:$0x3F98];
	s0 =	simm.s32 @p0 $0x1  }
0x13: {  	[smem:$0x3FB3] =	sst s0;
	s0 =	simm.s32 @!p1 $0x0  }
0x14: {  	s2 =	sld [smem:$0x3F97];
	s0 =	simm.s32 @p1 $0x1  }
0x15: {  	[smem:$0x3FB4] =	sst s0;
	s0 =	simm.s32 @!p2 $0x0  }
0x16: {  	s3 =	sld [smem:$0x3FDB];
	s0 =	simm.s32 @p2 $0x1  }
0x17: {  	s4 =	simm.s32 $0x1BF5;
	[smem:$0x3FB6] =	sst s0  }
0x18: {  	s0 =	sld [smem:$0x3F99];
	_ =	swait.ge [sflag:s4], $0x0  }
0x19: {  	s7 =	sld [smem:$0x3F9A]  }
0x1a: {  	s8 =	sadd.s32 $0xFFFFE003, lr  }
0x1b: {  	s9 =	sadd.s32 $0xFFFFFEF7, lr;
	s5 =	simm.s32 $0xFFFFFFFF;
	p2 =	slt.u32 s8, $0xFFFFF086  }
0x1c: {  	p1 =	slt.u32 s9, $0xF7A;
	s5 =	simm.s32 @!p2 $0x0  }
0x1d: {  	s5 =	simm.s32 @p1 $0x1;
	p0 =	seq.s32 s7, s2  }
0x1e: {  	s7 =	smul.u32 @!p0 $0xF7A, s2;
	p2 =	seq.s32 @!p0 s5, $0x0  }
0x1f: {  	s9 =	smul.u32 $0xF7A, s1;
	s8 =	simm.s32 @!p0 $0x1BF5;
	p2 =	por !p2, p0  }
0x20: {  	[sflag:s8] =	ssyncset.s32 @!p0 $0xFFFFF086;
	s6 =	sadd.s32 @!p0 s3, s7;
	s7 =	simm.s32 @!p0 $0x108  }
0x21: {  	s3 =	sadd.s32 s3, s9;
	s6 =	sadd.s32 @!p0 $0x88, s6;
	s7 =	simm.s32 @p2 $0x1082  }
0x22: {  	[simem:s7], [sflag:s8] =	dma.local @!p0 [hbm:s6], $0xF7A  }
0x23: {  	s9 =	sor.u32 $0xD0000000, s2;
	s6 =	simm.s32 $0x108;
	_ =	swait.ge @!p0 [sflag:s8], $0x0  }
0x24: {  	s3 =	sadd.s32 $0x88, s3;
	s6 =	simm.s32 @!p1 $0x1082;
	[sflag:s4] =	ssyncset.s32 $0xFFFFF086  }
0x25: {  	[simem:s6], [sflag:s4] =	dma.local [hbm:s3], $0xF7A  }
0x26: {  	[smem:$0x3F9A] =	sst s1;
	(tag) =	ssettag s2;
	_ =	strace s9  }
0x27: {  	s1 =	sld [smem:$0x3FAA]  }
0x28: {  	s2 =	sld [smem:$0x3FAB]  }
0x29: {  	s4 =	sld [smem:$0x3FAD]  }
0x2a: {  	p0 =	seq.s32 s5, $0x0;
	s5 =	sld [smem:$0x3FAE]  }
0x2b: {  	s6 =	sld [smem:$0x3FAF]  }
0x2c: {  	s7 =	sld [smem:$0x3FB0]  }
0x2d: {  	s3 =	simm.s32 $0x108;
	s8 =	sld [smem:$0x3FB1]  }
0x2e: {  	s3 =	simm.s32 @!p0 $0x1082;
	s9 =	sld [smem:$0x3FB2]  }
0x2f: {  	lr =	sadd.s32 s0, s3;
	s0 =	sld [smem:$0x3FA9]  }
0x30: {  	s3 =	sld [smem:$0x3FAC]  }
0x31: {  	[smem:$0x3FB5] =	sst s10  }
0x32: {  	s10 =	sld [smem:$0x3FB3];
	_ =	sdelay $0x3  }
0x33: {  	p0 =	seq.s32 s10, $0x1;
	s10 =	sld [smem:$0x3FB5];
	_ =	sdelay $0x3  }
0x34: {  	[smem:$0x3FB5] =	sst s10  }
0x35: {  	s10 =	sld [smem:$0x3FB4];
	_ =	sdelay $0x3  }
0x36: {  	p1 =	seq.s32 s10, $0x1;
	s10 =	sld [smem:$0x3FB5];
	_ =	sdelay $0x3  }
0x37: {  	[smem:$0x3FB5] =	sst s10  }
0x38: {  	s10 =	sld [smem:$0x3FB6]  }
0x39: {  	_ = 	snop;
	(pc) =	sbr.ind lr, $3  }
0x3a: {  	_ = 	snop  }
0x3b: {  	_ = 	snop  }
0x3c: {  	p2 =	seq.s32 s10, $0x1;
	s10 =	sld [smem:$0x3FB5]  }
0x3d: {  	_ =	shalt  }
0x3e: {  	_ =	shalt  }
0x3f: {  	_ =	shalt  }
0x40: {  	_ =	shalt  }
0x41: {  	_ =	shalt  }
0x42: {  	_ =	shalt  }
0x43: {  	_ =	shalt  }
0x44: {  	_ =	shalt  }
0x45: {  	_ =	shalt  }
0x46: {  	_ =	shalt  }
0x47: {  	_ =	shalt  }
0x48: {  	_ =	shalt  }
0x49: {  	_ =	shalt  }
0x4a: {  	_ =	shalt  }
0x4b: {  	_ =	shalt  }
0x4c: {  	_ =	shalt  }
0x4d: {  	_ =	shalt  }
0x4e: {  	_ =	shalt  }
0x4f: {  	_ =	shalt  }
0x50: {  	_ =	shalt  }
0x51: {  	_ =	shalt  }
0x52: {  	_ =	shalt  }
0x53: {  	_ =	shalt  }
0x54: {  	_ =	shalt  }
0x55: {  	_ =	shalt  }
0x56: {  	_ =	shalt  }
0x57: {  	_ =	shalt  }
0x58: {  	_ =	shalt  }
0x59: {  	_ =	shalt  }
0x5a: {  	_ =	shalt  }
0x5b: {  	_ =	shalt  }
0x5c: {  	_ =	shalt  }
0x5d: {  	_ =	shalt  }
0x5e: {  	_ =	shalt  }
0x5f: {  	_ =	shalt  }
0x60: {  	_ =	shalt  }
0x61: {  	_ =	shalt  }
0x62: {  	_ =	shalt  }
0x63: {  	_ =	shalt  }
0x64: {  	_ =	shalt  }
0x65: {  	_ =	shalt  }
0x66: {  	_ =	shalt  }
0x67: {  	_ =	shalt  }
0x68: {  	_ =	shalt  }
0x69: {  	_ =	shalt  }
0x6a: {  	_ =	shalt  }
0x6b: {  	_ =	shalt  }
0x6c: {  	_ =	shalt  }
0x6d: {  	_ =	shalt  }
0x6e: {  	_ =	shalt  }
0x6f: {  	_ =	shalt  }
0x70: {  	_ =	shalt  }
0x71: {  	_ =	shalt  }
0x72: {  	_ =	shalt  }
0x73: {  	_ =	shalt  }
0x74: {  	_ =	shalt  }
0x75: {  	_ =	shalt  }
0x76: {  	_ =	shalt  }
0x77: {  	_ =	shalt  }
0x78: {  	_ =	shalt  }
0x79: {  	_ =	shalt  }
0x7a: {  	_ =	shalt  }
0x7b: {  	_ =	shalt  }
0x7c: {  	_ =	shalt  }
0x7d: {  	_ =	shalt  }
0x7e: {  	_ =	shalt  }
0x7f: {  	_ =	shalt  }
0x80: {  	_ =	shalt  }
0x81: {  	_ =	shalt  }
0x82: {  	_ =	shalt  }
0x83: {  	_ =	shalt  }
0x84: {  	_ =	shalt  }
0x85: {  	_ =	shalt  }
0x86: {  	_ =	shalt  }
0x87: {  	_ =	shalt  }
.Lfunc_end0:
.L_simem_size_0:
called_computation_lowered:
.L_overlay_start_0:
0x88: {  	s2 =	sld [smem:$0x3FD9]  }
0x89: {  	s3 =	sld [smem:$0x3FFE];
	_ =	sdelay $0x1  }
0x8a: {  	s1 =	srdreg.scid  }
0x8b: {  	s0 =	sand.u32 $0x1, s1  }
0x8c: {  	s17 =	sshll.u32 s0, $0xA;
	s2 =	sadd.s32 s3, s2  }
0x8d: {  	s2 =	sadd.s32 s2, s17  }
0x8e: {  	[smem:$0x3FC1] =	sst s2  }
0x8f: {  	_ = 	snop  }
0x90: {  	s2 =	sld [smem:$0x3FD0];
	(tm) =	ssettm $0x1  }
0x91: {  	s18 =	sld [smem:$0x3FFB];
	_ =	sdelay $0x3  }
0x92: {  	_ =	strace s18  }
0x93: {  	s3 =	sld [smem:$0x3FFC];
	_ =	sdelay $0x3  }
0x94: {  	_ =	strace s3  }
0x95: {  	s3 =	sld [smem:$0x3FFD];
	_ =	sdelay $0x3  }
0x96: {  	_ =	strace s3  }
0x97: {  	_ =	strace $0x8FFFFFFF  }
0x98: {  	s19 =	sld [smem:$0x3FDB];
	_ =	sdelay $0x1  }
0x99: {  	s4 =	simm.s32 $_scs_section_size  }
0x9a: {  	s5 =	simm.s32 $_size__tile_overlayer_lowered;
	s6 =	simm.s32 $_tile_overlayer_lowered  }
0x9b: {  	s22 =	simm.s32 $0x1BFF;
	s21 =	sshll.u32 s6, $0x1;
	s3 =	sadd.s32 s4, s19  }
0x9c: {  	s7 =	simm.s32 $0x0;
	s20 =	sshll.u32 s5, $0x1;
	s5 =	sadd.s32 s21, s3  }
0x9d: {  	[timem:s7], [sflag:s22] =	dma.local [hbm:s5], s20  }
0x9e: {  	_ =	swait.ge [sflag:s22], s20  }
0x9f: {  	s4 =	ssub.s32 $0x0, s20;
	[sflag:s22] =	ssyncset.done $0x0  }
0xa0: {  	[sflag:s22] =	ssyncadd.s32 s4;
	_ =	sdelay $0x1  }
0xa1: {  	s23 =	simm.s32 $0x1B8B  }
0xa2: {  	_ =	swait.ge [sflag:s23], $0x1  }
0xa3: {  	[sflag:s23] =	ssyncset.done $0x0  }
0xa4: {  	s25 =	simm.s32 $0x1B8E;
	s24 =	sld [smem:$0x3FFE];
	[sflag:s23] =	ssyncadd.s32 $0xFFFFFFFF  }
0xa5: {  	s26 =	simm.s32 $execute0_lowered;
	[smem:$0x3FD2] =	sst s25  }
0xa6: {  	s5 =	sshll.u32 s26, $0x1;
	_ =	strace $0x80000046;
	[dreg:$0x1] =	wrdreg $0xFFFFFFFF  }
0xa7: {  	s28 =	simm.s32 $_size_execute0_lowered;
	s3 =	sadd.s32 s3, s5;
	[dreg:$0x0] =	wrdreg $0x0  }
0xa8: {  	s5 =	sshll.u32 s28, $0x1;
	[dreg:$0x2] =	wrdreg s3  }
0xa9: {  	[dreg:$0x3] =	wrdreg s5  }
0xaa: {  	[dreg:$0x4] =	wrdreg $0xC0  }
0xab: {  	_ =	task [dreg:s7], $0x5FFFF  }
0xac: {  	[dreg:$0x1] =	wrdreg $0xFFFFFFFF  }
0xad: {  	[dreg:$0x0] =	wrdreg $0x60  }
0xae: {  	[dreg:$0x2] =	wrdreg s2  }
0xaf: {  	[dreg:$0x3] =	wrdreg s24  }
0xb0: {  	[dreg:$0x4] =	wrdreg $0x88000  }
0xb1: {  	[dreg:$0x5] =	wrdreg $0xA  }
0xb2: {  	_ =	task.clear_ibuf [dreg:s7], $0x6FFFF;
	_ =	strace $0x90000046  }
0xb3: {  	s29 =	simm.s32 $0xA;
	_ =	strace $0x80000048  }
0xb4: {  	_ =	swait.ge [sflag:s29], $0x1  }
0xb5: {  	[sflag:s29] =	ssyncadd.s32 $0xFFFFFFFF  }
0xb6: {  	_ =	strace $0x90000048  }
0xb7: {  	_ =	sfence  }
0xb8: {  	s30 =	sld [smem:$0x0];
	_ =	sdelay $0x2  }
0xb9: {  	s31 =	sshll.u32 s1, $0xD;
	s1 =	sshrl.u32 s1, $0x2  }
0xba: {  	s3 =	sand.u32 $0x4000, s31;
	s1 =	sadd.s32 s1, s30  }
0xbb: {  	s0 =	sor.u32 s3, s0;
	s1 =	sshll.u32 s1, $0x11  }
0xbc: {  	s0 =	sor.u32 s1, s0  }
0xbd: {  	s0 =	sadd.s32 $0x8F2B, s0  }
0xbe: {  	[sflag:s0] =	ssyncadd.remote.s32 $0x1  }
0xbf: {  	_ =	sfence.sel $0xFFFF  }
0xc0: {  	[dreg:$0x0] =	wrdreg $0xFFFFFFFF;
	(pc) =	sbr.abs _section_cstart, $3  }
0xc1: {  	[dreg:$0x1] =	wrdreg $0xFFFFFFFF  }
0xc2: {  	_ =	task.clear_ibuf [dreg:s7], $0x2FFFF;
	_ =	strace $0x9FFFFFFF  }
0xc3: {  	(tm) =	ssettm $0x7FFFFFFF  }
tec
execute0_lowered:
.L_overlay_start_1:
0x0: {  	(tag) =	ssettag $0x1  }
0x1: {  	s0 =	rddreg [dreg:$0x0]  }
0x2: {  	s3 =	rddreg [dreg:$0x1]  }
0x3: {  	s1 =	rddreg [dreg:$0x2]  }
0x4: {  	s2 =	simm.s32 $0x0;
	s4 =	srdreg.scid;
	s5 =	stileid.u32  }
0x5: {  	s13 =	simm.s32 $0x400;
	s14 =	simm.s32 $0x80;
	s15 =	simm.s32 $0x4800  }
0x6: {  	s16 =	simm.s32 $0x480;
	s17 =	simm.s32 $0x100;
	s18 =	simm.s32 $0x500  }
0x7: {  	s19 =	simm.s32 $0x180;
	s20 =	simm.s32 $0x580;
	s21 =	simm.s32 $0x200  }
0x8: {  	s22 =	simm.s32 $0x600;
	s28 =	simm.s32 $0x700;
	s29 =	simm.s32 $0x380  }
0x9: {  	s30 =	simm.s32 $0x780;
	s31 =	simm.s32 $0x0;
	[smem:$0x7FF] =	sst s2  }
0xa: {  	s4 =	sand.u32 $0x1, s4;
	s7 =	sadd.s32 $0x2200, s3;
	s23 =	smul.u32 $0x4F000, s5  }
0xb: {  	s8 =	sadd.s32 $0x3200, s3;
	s10 =	smul.u32 $0x500, s5;
	s12 =	sadd.s32 $0xA000, s0  }
0xc: {  	s26 =	sshll.u32 s5, $0x6;
	_ =	strace $0x80000047;
	[dreg:$0x4] =	wrdreg s7  }
0xd: {  	s6 =	smul.u32 $0x27800, s4;
	[dreg:$0x5] =	wrdreg s8;
	s24 =	ssub.s32 $0x2, s4  }
0xe: {  	s4 =	smul.u32 $0x5000, s4;
	s8 =	simm.s32 $0x800;
	s9 =	sshrl.u32 s24, $0x1  }
0xf: {  	s7 =	sshrl.u32 s23, $0x2;
	s23 =	simm.s32 $0x280;
	s3 =	sadd.s32 s6, s3  }
0x10: {  	s25 =	ssub.s32 s24, s9;
	s11 =	sadd.s32 s7, s1;
	s4 =	sadd.s32 s10, s4  }
0x11: {  	s24 =	smul.u32 $0x2780, s5;
	s9 =	simm.s32 $0x1;
	s10 =	sor.u32 $0x1C01, s26  }
0x12: {  	s26 =	simm.s32 $0x300;
	s3 =	sadd.s32 $0x5A00, s3;
	s6 =	smax.u32 s25, $0x1  }
0x13: {  	s7 =	sadd.s32 s4, s0;
	s11 =	sshrl.u32 s11, $0x3;
	s12 =	sadd.s32 s12, s4  }
0x14: {  	s25 =	simm.s32 $0x680;
	[dreg:$0x6] =	wrdreg s6;
	s24 =	sadd.s32 s24, s3  }
.LBB2_1:
0x15: {  	s0 =	rddreg [dreg:$0x4]  }
0x16: {  	[tilespmem:s8], [sflag:$0x1] =	stream.linear.gather [hbm4b:s0+s2], $0x8000, $0x38;
	[tilespmem:$0x1C400] =	vst v63  }
0x17: {  	_ =	swait.ge [sflag:s9], $0x8000  }
0x18: {  	[sflag:s9] =	ssyncset.done $0x0  }
0x19: {  	s4 =	rddreg [dreg:$0x5];
	[sflag:s9] =	ssyncadd.s32 $0xFFFF8000  }
0x1a: {  	[spmem:s11], [sflag:s10] =	dma.local [hbm:s4], $0x2780  }
0x1b: {  	_ =	swait.ge [sflag:s9], $0x2780  }
0x1c: {  	[sflag:s9] =	ssyncset.done $0x0  }
0x1d: {  	[sflag:s9] =	ssyncadd.s32 $0xFFFFD880  }
0x1e: {  	s5 =	sadd.s32 $0x0, s7;
	[bflag:$0x0] =	sbarrier.arrive $0xFFFF  }
0x1f: {  	[tilespmem:s2], [sflag:$0x1] =	stream.linear.gather [hbm4b:s5+s2], $0x400, $0x38;
	[tilespmem:$0x1C400] =	vst v63  }
0x20: {  	_ =	swait.ge [sflag:s9], $0x400  }
0x21: {  	[sflag:s9] =	ssyncset.done $0x0  }
0x22: {  	s6 =	sadd.s32 $0x0, s12;
	[sflag:s9] =	ssyncadd.s32 $0xFFFFFC00  }
0x23: {  	[tilespmem:s13], [sflag:$0x1] =	stream.linear.gather [hbm4b:s6+s2], $0x400, $0x38;
	[tilespmem:$0x1C400] =	vst v63  }
0x24: {  	_ =	swait.ge [sflag:s9], $0x400  }
0x25: {  	[sflag:s9] =	ssyncset.done $0x0  }
0x26: {  	[sflag:s9] =	ssyncadd.s32 $0xFFFFFC00  }
0x27: {  	[spmem:s1] =	stream.indirect.scatter.add.f32 [tilespmem:s8], [sflag:$0x1], $0x80, s2, s14, $0xb8;
	[tilespmem:$0x1C400] =	vst v63  }
0x28: {  	_ =	swait.ge [sflag:s9], $0x4000  }
0x29: {  	[sflag:s9] =	ssyncset.done $0x0  }
0x2a: {  	[sflag:s9] =	ssyncadd.s32 $0xFFFFC000  }
0x2b: {  	[spmem:s1] =	stream.indirect.scatter.add.f32 [tilespmem:s15], [sflag:$0x1], $0x80, s13, s14, $0xb8;
	[tilespmem:$0x1C400] =	vst v63  }
0x2c: {  	_ =	swait.ge [sflag:s9], $0x4000  }
0x2d: {  	[sflag:s9] =	ssyncset.done $0x0  }
0x2e: {  	[sflag:s9] =	ssyncadd.s32 $0xFFFFC000  }
0x2f: {  	[spmem:s1] =	stream.indirect.scatter.add.f32 [tilespmem:s8], [sflag:$0x1], $0x80, s14, s14, $0xb8;
	[tilespmem:$0x1C400] =	vst v63  }
0x30: {  	_ =	swait.ge [sflag:s9], $0x4000  }
0x31: {  	[sflag:s9] =	ssyncset.done $0x0  }
0x32: {  	[sflag:s9] =	ssyncadd.s32 $0xFFFFC000  }
0x33: {  	[spmem:s1] =	stream.indirect.scatter.add.f32 [tilespmem:s15], [sflag:$0x1], $0x80, s16, s14, $0xb8;
	[tilespmem:$0x1C400] =	vst v63  }
0x34: {  	_ =	swait.ge [sflag:s9], $0x4000  }
0x35: {  	[sflag:s9] =	ssyncset.done $0x0  }
0x36: {  	[sflag:s9] =	ssyncadd.s32 $0xFFFFC000  }
0x37: {  	[spmem:s1] =	stream.indirect.scatter.add.f32 [tilespmem:s8], [sflag:$0x1], $0x80, s17, s14, $0xb8;
	[tilespmem:$0x1C400] =	vst v63  }
0x38: {  	_ =	swait.ge [sflag:s9], $0x4000  }
0x39: {  	[sflag:s9] =	ssyncset.done $0x0  }
0x3a: {  	[sflag:s9] =	ssyncadd.s32 $0xFFFFC000  }
0x3b: {  	[spmem:s1] =	stream.indirect.scatter.add.f32 [tilespmem:s15], [sflag:$0x1], $0x80, s18, s14, $0xb8;
	[tilespmem:$0x1C400] =	vst v63  }
0x3c: {  	_ =	swait.ge [sflag:s9], $0x4000  }
0x3d: {  	[sflag:s9] =	ssyncset.done $0x0  }
0x3e: {  	[sflag:s9] =	ssyncadd.s32 $0xFFFFC000  }
0x3f: {  	[spmem:s1] =	stream.indirect.scatter.add.f32 [tilespmem:s8], [sflag:$0x1], $0x80, s19, s14, $0xb8;
	[tilespmem:$0x1C400] =	vst v63  }
0x40: {  	_ =	swait.ge [sflag:s9], $0x4000  }
0x41: {  	[sflag:s9] =	ssyncset.done $0x0  }
0x42: {  	[sflag:s9] =	ssyncadd.s32 $0xFFFFC000  }
0x43: {  	[spmem:s1] =	stream.indirect.scatter.add.f32 [tilespmem:s15], [sflag:$0x1], $0x80, s20, s14, $0xb8;
	[tilespmem:$0x1C400] =	vst v63  }
0x44: {  	_ =	swait.ge [sflag:s9], $0x4000  }
0x45: {  	[sflag:s9] =	ssyncset.done $0x0  }
0x46: {  	[sflag:s9] =	ssyncadd.s32 $0xFFFFC000  }
0x47: {  	[spmem:s1] =	stream.indirect.scatter.add.f32 [tilespmem:s8], [sflag:$0x1], $0x80, s21, s14, $0xb8;
	[tilespmem:$0x1C400] =	vst v63  }
0x48: {  	_ =	swait.ge [sflag:s9], $0x4000  }
0x49: {  	[sflag:s9] =	ssyncset.done $0x0  }
0x4a: {  	[sflag:s9] =	ssyncadd.s32 $0xFFFFC000  }
0x4b: {  	[spmem:s1] =	stream.indirect.scatter.add.f32 [tilespmem:s15], [sflag:$0x1], $0x80, s22, s14, $0xb8;
	[tilespmem:$0x1C400] =	vst v63  }
0x4c: {  	_ =	swait.ge [sflag:s9], $0x4000  }
0x4d: {  	[sflag:s9] =	ssyncset.done $0x0  }
0x4e: {  	[sflag:s9] =	ssyncadd.s32 $0xFFFFC000  }
0x4f: {  	[spmem:s1] =	stream.indirect.scatter.add.f32 [tilespmem:s8], [sflag:$0x1], $0x80, s23, s14, $0xb8;
	[tilespmem:$0x1C400] =	vst v63  }
0x50: {  	_ =	swait.ge [sflag:s9], $0x4000  }
0x51: {  	[sflag:s9] =	ssyncset.done $0x0  }
0x52: {  	[sflag:s9] =	ssyncadd.s32 $0xFFFFC000  }
0x53: {  	[spmem:s1] =	stream.indirect.scatter.add.f32 [tilespmem:s15], [sflag:$0x1], $0x80, s25, s14, $0xb8;
	[tilespmem:$0x1C400] =	vst v63  }
0x54: {  	_ =	swait.ge [sflag:s9], $0x4000  }
0x55: {  	[sflag:s9] =	ssyncset.done $0x0  }
0x56: {  	[sflag:s9] =	ssyncadd.s32 $0xFFFFC000  }
0x57: {  	[spmem:s1] =	stream.indirect.scatter.add.f32 [tilespmem:s8], [sflag:$0x1], $0x80, s26, s14, $0xb8;
	[tilespmem:$0x1C400] =	vst v63  }
0x58: {  	_ =	swait.ge [sflag:s9], $0x4000  }
0x59: {  	[sflag:s9] =	ssyncset.done $0x0  }
0x5a: {  	[sflag:s9] =	ssyncadd.s32 $0xFFFFC000  }
0x5b: {  	[spmem:s1] =	stream.indirect.scatter.add.f32 [tilespmem:s15], [sflag:$0x1], $0x80, s28, s14, $0xb8;
	[tilespmem:$0x1C400] =	vst v63  }
0x5c: {  	_ =	swait.ge [sflag:s9], $0x4000  }
0x5d: {  	[sflag:s9] =	ssyncset.done $0x0  }
0x5e: {  	[sflag:s9] =	ssyncadd.s32 $0xFFFFC000  }
0x5f: {  	[spmem:s1] =	stream.indirect.scatter.add.f32 [tilespmem:s8], [sflag:$0x1], $0x80, s29, s14, $0xb8;
	[tilespmem:$0x1C400] =	vst v63  }
0x60: {  	_ =	swait.ge [sflag:s9], $0x4000  }
0x61: {  	[sflag:s9] =	ssyncset.done $0x0  }
0x62: {  	[sflag:s9] =	ssyncadd.s32 $0xFFFFC000  }
0x63: {  	[spmem:s1] =	stream.indirect.scatter.add.f32 [tilespmem:s15], [sflag:$0x1], $0x80, s30, s14, $0xb8;
	[tilespmem:$0x1C400] =	vst v63  }
0x64: {  	_ =	swait.ge [sflag:s9], $0x4000  }
0x65: {  	s3 =	simm.s32 $0x100;
	s0 =	simm.s32 $0x80;
	[sflag:s9] =	ssyncset.done $0x0  }
.LBB2_2:
0x66: {  	s5 =	sadd.s32 s0, s7  }
0x67: {  	[sflag:s9] =	ssyncadd.s32 $0xFFFFC000;
	s6 =	smov.u32 s3;
	s4 =	sadd.s32 $0x80, s3  }
0x68: {  	[tilespmem:s2], [sflag:$0x1] =	stream.linear.gather [hbm4b:s5+s2], $0x400, $0x38;
	[tilespmem:$0x1C400] =	vst v63  }
0x69: {  	p0 =	sne.s32 s3, $0x480;
	_ =	swait.ge [sflag:s9], $0x400  }
0x6a: {  	[sflag:s9] =	ssyncset.done $0x0  }
0x6b: {  	s3 =	sadd.s32 s0, s12;
	s0 =	smov.u32 s6;
	[sflag:s9] =	ssyncadd.s32 $0xFFFFFC00  }
0x6c: {  	[tilespmem:s13], [sflag:$0x1] =	stream.linear.gather [hbm4b:s3+s2], $0x400, $0x38;
	[tilespmem:$0x1C400] =	vst v63  }
0x6d: {  	_ =	swait.ge [sflag:s9], $0x400  }
0x6e: {  	[sflag:s9] =	ssyncset.done $0x0  }
0x6f: {  	[sflag:s9] =	ssyncadd.s32 $0xFFFFFC00  }
0x70: {  	[spmem:s1] =	stream.indirect.scatter.add.f32 [tilespmem:s8], [sflag:$0x1], $0x80, s2, s14, $0xb8;
	[tilespmem:$0x1C400] =	vst v63  }
0x71: {  	_ =	swait.ge [sflag:s9], $0x4000  }
0x72: {  	[sflag:s9] =	ssyncset.done $0x0  }
0x73: {  	[sflag:s9] =	ssyncadd.s32 $0xFFFFC000  }
0x74: {  	[spmem:s1] =	stream.indirect.scatter.add.f32 [tilespmem:s15], [sflag:$0x1], $0x80, s13, s14, $0xb8;
	[tilespmem:$0x1C400] =	vst v63  }
0x75: {  	_ =	swait.ge [sflag:s9], $0x4000  }
0x76: {  	[sflag:s9] =	ssyncset.done $0x0  }
0x77: {  	[sflag:s9] =	ssyncadd.s32 $0xFFFFC000  }
0x78: {  	[spmem:s1] =	stream.indirect.scatter.add.f32 [tilespmem:s8], [sflag:$0x1], $0x80, s14, s14, $0xb8;
	[tilespmem:$0x1C400] =	vst v63  }
0x79: {  	_ =	swait.ge [sflag:s9], $0x4000  }
0x7a: {  	[sflag:s9] =	ssyncset.done $0x0  }
0x7b: {  	[sflag:s9] =	ssyncadd.s32 $0xFFFFC000  }
0x7c: {  	[spmem:s1] =	stream.indirect.scatter.add.f32 [tilespmem:s15], [sflag:$0x1], $0x80, s16, s14, $0xb8;
	[tilespmem:$0x1C400] =	vst v63  }
0x7d: {  	_ =	swait.ge [sflag:s9], $0x4000  }
0x7e: {  	[sflag:s9] =	ssyncset.done $0x0  }
0x7f: {  	[sflag:s9] =	ssyncadd.s32 $0xFFFFC000  }
0x80: {  	[spmem:s1] =	stream.indirect.scatter.add.f32 [tilespmem:s8], [sflag:$0x1], $0x80, s17, s14, $0xb8;
	[tilespmem:$0x1C400] =	vst v63  }
0x81: {  	_ =	swait.ge [sflag:s9], $0x4000  }
0x82: {  	[sflag:s9] =	ssyncset.done $0x0  }
0x83: {  	[sflag:s9] =	ssyncadd.s32 $0xFFFFC000  }
0x84: {  	[spmem:s1] =	stream.indirect.scatter.add.f32 [tilespmem:s15], [sflag:$0x1], $0x80, s18, s14, $0xb8;
	[tilespmem:$0x1C400] =	vst v63  }
0x85: {  	_ =	swait.ge [sflag:s9], $0x4000  }
0x86: {  	[sflag:s9] =	ssyncset.done $0x0  }
0x87: {  	[sflag:s9] =	ssyncadd.s32 $0xFFFFC000  }
0x88: {  	[spmem:s1] =	stream.indirect.scatter.add.f32 [tilespmem:s8], [sflag:$0x1], $0x80, s19, s14, $0xb8;
	[tilespmem:$0x1C400] =	vst v63  }
0x89: {  	_ =	swait.ge [sflag:s9], $0x4000  }
0x8a: {  	[sflag:s9] =	ssyncset.done $0x0  }
0x8b: {  	[sflag:s9] =	ssyncadd.s32 $0xFFFFC000  }
0x8c: {  	[spmem:s1] =	stream.indirect.scatter.add.f32 [tilespmem:s15], [sflag:$0x1], $0x80, s20, s14, $0xb8;
	[tilespmem:$0x1C400] =	vst v63  }
0x8d: {  	_ =	swait.ge [sflag:s9], $0x4000  }
0x8e: {  	[sflag:s9] =	ssyncset.done $0x0  }
0x8f: {  	[sflag:s9] =	ssyncadd.s32 $0xFFFFC000  }
0x90: {  	[spmem:s1] =	stream.indirect.scatter.add.f32 [tilespmem:s8], [sflag:$0x1], $0x80, s21, s14, $0xb8;
	[tilespmem:$0x1C400] =	vst v63  }
0x91: {  	_ =	swait.ge [sflag:s9], $0x4000  }
0x92: {  	[sflag:s9] =	ssyncset.done $0x0  }
0x93: {  	[sflag:s9] =	ssyncadd.s32 $0xFFFFC000  }
0x94: {  	[spmem:s1] =	stream.indirect.scatter.add.f32 [tilespmem:s15], [sflag:$0x1], $0x80, s22, s14, $0xb8;
	[tilespmem:$0x1C400] =	vst v63  }
0x95: {  	_ =	swait.ge [sflag:s9], $0x4000  }
0x96: {  	[sflag:s9] =	ssyncset.done $0x0  }
0x97: {  	[sflag:s9] =	ssyncadd.s32 $0xFFFFC000  }
0x98: {  	[spmem:s1] =	stream.indirect.scatter.add.f32 [tilespmem:s8], [sflag:$0x1], $0x80, s23, s14, $0xb8;
	[tilespmem:$0x1C400] =	vst v63  }
0x99: {  	_ =	swait.ge [sflag:s9], $0x4000  }
0x9a: {  	[sflag:s9] =	ssyncset.done $0x0  }
0x9b: {  	[sflag:s9] =	ssyncadd.s32 $0xFFFFC000  }
0x9c: {  	[spmem:s1] =	stream.indirect.scatter.add.f32 [tilespmem:s15], [sflag:$0x1], $0x80, s25, s14, $0xb8;
	[tilespmem:$0x1C400] =	vst v63  }
0x9d: {  	_ =	swait.ge [sflag:s9], $0x4000  }
0x9e: {  	[sflag:s9] =	ssyncset.done $0x0  }
0x9f: {  	[sflag:s9] =	ssyncadd.s32 $0xFFFFC000  }
0xa0: {  	[spmem:s1] =	stream.indirect.scatter.add.f32 [tilespmem:s8], [sflag:$0x1], $0x80, s26, s14, $0xb8;
	[tilespmem:$0x1C400] =	vst v63  }
0xa1: {  	_ =	swait.ge [sflag:s9], $0x4000  }
0xa2: {  	[sflag:s9] =	ssyncset.done $0x0  }
0xa3: {  	[sflag:s9] =	ssyncadd.s32 $0xFFFFC000  }
0xa4: {  	[spmem:s1] =	stream.indirect.scatter.add.f32 [tilespmem:s15], [sflag:$0x1], $0x80, s28, s14, $0xb8;
	[tilespmem:$0x1C400] =	vst v63  }
0xa5: {  	_ =	swait.ge [sflag:s9], $0x4000  }
0xa6: {  	[sflag:s9] =	ssyncset.done $0x0  }
0xa7: {  	[sflag:s9] =	ssyncadd.s32 $0xFFFFC000  }
0xa8: {  	[spmem:s1] =	stream.indirect.scatter.add.f32 [tilespmem:s8], [sflag:$0x1], $0x80, s29, s14, $0xb8;
	[tilespmem:$0x1C400] =	vst v63  }
0xa9: {  	_ =	swait.ge [sflag:s9], $0x4000  }
.Ltmp0:
0xaa: {  	[sflag:s9] =	ssyncset.done $0x0;
	(pc) =	sbr.rel @p0 .LBB2_2-.Ltmp0, $4  }
0xab: {  	[sflag:s9] =	ssyncadd.s32 $0xFFFFC000  }
0xac: {  	[spmem:s1] =	stream.indirect.scatter.add.f32 [tilespmem:s15], [sflag:$0x1], $0x80, s30, s14, $0xb8;
	[tilespmem:$0x1C400] =	vst v63  }
0xad: {  	_ =	swait.ge [sflag:s9], $0x4000  }
0xae: {  	s3 =	smov.u32 s4;
	[sflag:s9] =	ssyncset.done $0x0  }
0xaf: {  	s3 =	sadd.s32 s0, s7;
	[sflag:s9] =	ssyncadd.s32 $0xFFFFC000  }
0xb0: {  	[tilespmem:s2], [sflag:$0x1] =	stream.linear.gather [hbm4b:s3+s2], $0x400, $0x38;
	[tilespmem:$0x1C400] =	vst v63  }
0xb1: {  	_ =	swait.ge [sflag:s9], $0x400  }
0xb2: {  	[sflag:s9] =	ssyncset.done $0x0  }
0xb3: {  	s5 =	sadd.s32 s0, s12;
	[sflag:s9] =	ssyncadd.s32 $0xFFFFFC00  }
0xb4: {  	[tilespmem:s13], [sflag:$0x1] =	stream.linear.gather [hbm4b:s5+s2], $0x400, $0x38;
	[tilespmem:$0x1C400] =	vst v63  }
0xb5: {  	_ =	swait.ge [sflag:s9], $0x400  }
0xb6: {  	[sflag:s9] =	ssyncset.done $0x0  }
0xb7: {  	[sflag:s9] =	ssyncadd.s32 $0xFFFFFC00  }
0xb8: {  	[spmem:s1] =	stream.indirect.scatter.add.f32 [tilespmem:s8], [sflag:$0x1], $0x80, s2, s14, $0xb8;
	[tilespmem:$0x1C400] =	vst v63  }
0xb9: {  	_ =	swait.ge [sflag:s9], $0x4000  }
0xba: {  	[sflag:s9] =	ssyncset.done $0x0  }
0xbb: {  	[sflag:s9] =	ssyncadd.s32 $0xFFFFC000  }
0xbc: {  	[spmem:s1] =	stream.indirect.scatter.add.f32 [tilespmem:s15], [sflag:$0x1], $0x80, s13, s14, $0xb8;
	[tilespmem:$0x1C400] =	vst v63  }
0xbd: {  	_ =	swait.ge [sflag:s9], $0x4000  }
0xbe: {  	[sflag:s9] =	ssyncset.done $0x0  }
0xbf: {  	[sflag:s9] =	ssyncadd.s32 $0xFFFFC000  }
0xc0: {  	[spmem:s1] =	stream.indirect.scatter.add.f32 [tilespmem:s8], [sflag:$0x1], $0x80, s14, s14, $0xb8;
	[tilespmem:$0x1C400] =	vst v63  }
0xc1: {  	_ =	swait.ge [sflag:s9], $0x4000  }
0xc2: {  	[sflag:s9] =	ssyncset.done $0x0  }
0xc3: {  	[sflag:s9] =	ssyncadd.s32 $0xFFFFC000  }
0xc4: {  	[spmem:s1] =	stream.indirect.scatter.add.f32 [tilespmem:s15], [sflag:$0x1], $0x80, s16, s14, $0xb8;
	[tilespmem:$0x1C400] =	vst v63  }
0xc5: {  	_ =	swait.ge [sflag:s9], $0x4000  }
0xc6: {  	[sflag:s9] =	ssyncset.done $0x0  }
0xc7: {  	[sflag:s9] =	ssyncadd.s32 $0xFFFFC000  }
0xc8: {  	[spmem:s1] =	stream.indirect.scatter.add.f32 [tilespmem:s8], [sflag:$0x1], $0x80, s17, s14, $0xb8;
	[tilespmem:$0x1C400] =	vst v63  }
0xc9: {  	_ =	swait.ge [sflag:s9], $0x4000  }
0xca: {  	[sflag:s9] =	ssyncset.done $0x0  }
0xcb: {  	[sflag:s9] =	ssyncadd.s32 $0xFFFFC000  }
0xcc: {  	[spmem:s1] =	stream.indirect.scatter.add.f32 [tilespmem:s15], [sflag:$0x1], $0x80, s18, s14, $0xb8;
	[tilespmem:$0x1C400] =	vst v63  }
0xcd: {  	_ =	swait.ge [sflag:s9], $0x4000  }
0xce: {  	[sflag:s9] =	ssyncset.done $0x0  }
0xcf: {  	[sflag:s9] =	ssyncadd.s32 $0xFFFFC000  }
0xd0: {  	[spmem:s1] =	stream.indirect.scatter.add.f32 [tilespmem:s8], [sflag:$0x1], $0x80, s19, s14, $0xb8;
	[tilespmem:$0x1C400] =	vst v63  }
0xd1: {  	_ =	swait.ge [sflag:s9], $0x4000  }
0xd2: {  	[sflag:s9] =	ssyncset.done $0x0  }
0xd3: {  	[sflag:s9] =	ssyncadd.s32 $0xFFFFC000  }
0xd4: {  	[spmem:s1] =	stream.indirect.scatter.add.f32 [tilespmem:s15], [sflag:$0x1], $0x80, s20, s14, $0xb8;
	[tilespmem:$0x1C400] =	vst v63  }
0xd5: {  	_ =	swait.ge [sflag:s9], $0x4000  }
0xd6: {  	[sflag:s9] =	ssyncset.done $0x0  }
0xd7: {  	[sflag:s9] =	ssyncadd.s32 $0xFFFFC000  }
0xd8: {  	[spmem:s1] =	stream.indirect.scatter.add.f32 [tilespmem:s8], [sflag:$0x1], $0x80, s21, s14, $0xb8;
	[tilespmem:$0x1C400] =	vst v63  }
0xd9: {  	_ =	swait.ge [sflag:s9], $0x4000  }
0xda: {  	[sflag:s9] =	ssyncset.done $0x0  }
0xdb: {  	[sflag:s9] =	ssyncadd.s32 $0xFFFFC000  }
0xdc: {  	[spmem:s1] =	stream.indirect.scatter.add.f32 [tilespmem:s15], [sflag:$0x1], $0x80, s22, s14, $0xb8;
	[tilespmem:$0x1C400] =	vst v63  }
0xdd: {  	_ =	swait.ge [sflag:s9], $0x4000  }
0xde: {  	[sflag:s9] =	ssyncset.done $0x0  }
0xdf: {  	[sflag:s9] =	ssyncadd.s32 $0xFFFFC000  }
0xe0: {  	[spmem:s1] =	stream.indirect.scatter.add.f32 [tilespmem:s8], [sflag:$0x1], $0x80, s23, s14, $0xb8;
	[tilespmem:$0x1C400] =	vst v63  }
0xe1: {  	_ =	swait.ge [sflag:s9], $0x4000  }
0xe2: {  	[sflag:s9] =	ssyncset.done $0x0  }
0xe3: {  	[sflag:s9] =	ssyncadd.s32 $0xFFFFC000  }
0xe4: {  	[spmem:s1] =	stream.indirect.scatter.add.f32 [tilespmem:s15], [sflag:$0x1], $0x80, s25, s14, $0xb8;
	[tilespmem:$0x1C400] =	vst v63  }
0xe5: {  	_ =	swait.ge [sflag:s9], $0x4000  }
0xe6: {  	[sflag:s9] =	ssyncset.done $0x0  }
0xe7: {  	[sflag:s9] =	ssyncadd.s32 $0xFFFFC000  }
0xe8: {  	[spmem:s1] =	stream.indirect.scatter.add.f32 [tilespmem:s8], [sflag:$0x1], $0x80, s26, s14, $0xb8;
	[tilespmem:$0x1C400] =	vst v63  }
0xe9: {  	_ =	swait.ge [sflag:s9], $0x4000  }
0xea: {  	[sflag:s9] =	ssyncset.done $0x0  }
0xeb: {  	[sflag:s9] =	ssyncadd.s32 $0xFFFFC000  }
0xec: {  	[spmem:s1] =	stream.indirect.scatter.add.f32 [tilespmem:s15], [sflag:$0x1], $0x80, s28, s14, $0xb8;
	[tilespmem:$0x1C400] =	vst v63  }
0xed: {  	_ =	swait.ge [sflag:s9], $0x4000  }
0xee: {  	[sflag:s9] =	ssyncset.done $0x0  }
0xef: {  	[sflag:s9] =	ssyncadd.s32 $0xFFFFC000  }
0xf0: {  	[spmem:s1] =	stream.indirect.scatter.add.f32 [tilespmem:s8], [sflag:$0x1], $0x80, s29, s14, $0xb8;
	[tilespmem:$0x1C400] =	vst v63  }
0xf1: {  	_ =	swait.ge [sflag:s9], $0x4000  }
0xf2: {  	[sflag:s9] =	ssyncset.done $0x0  }
0xf3: {  	[sflag:s9] =	ssyncadd.s32 $0xFFFFC000  }
0xf4: {  	[spmem:s1] =	stream.indirect.scatter.add.f32 [tilespmem:s15], [sflag:$0x1], $0x80, s30, s14, $0xb8;
	[tilespmem:$0x1C400] =	vst v63  }
0xf5: {  	_ =	swait.ge [sflag:s9], $0x4000  }
0xf6: {  	[sflag:s9] =	ssyncset.done $0x0  }
0xf7: {  	[sflag:s9] =	ssyncadd.s32 $0xFFFFC000  }
0xf8: {  	[bflag:$0x0] =	sbarrier.arrive $0xFFFF  }
0xf9: {  	[hbm:s24], [sflag:s10] =	dma.local [spmem:s11], $0x2780  }
0xfa: {  	_ =	swait.ge [sflag:s9], $0x2780  }
0xfb: {  	s31 =	sadd.s32 $0x1, s31;
	s6 =	rddreg [dreg:$0x6]  }
0xfc: {  	p0 =	sne.s32 s31, s6  }
.Ltmp1:
0xfd: {  	_ = 	snop;
	(pc) =	sbr.rel @p0 .LBB2_1-.Ltmp1, $3  }
0xfe: {  	_ =	sdelay $0x1  }
0xff: {  	[sflag:s9] =	ssyncset.done $0x0  }
0x100: {  	[sflag:s9] =	ssyncadd.s32 $0xFFFFD880  }
0x101: {  	_ =	sfence.sel $0x180000  }
0x102: {  	[bflag:$0x0] =	sbarrier.arrive $0xFFFF  }
0x103: {  	_ =	strace $0x90000047  }
0x104: {  	s0 =	stileid.u32;
	[bflag:$0x2] =	sbarrier.arrive $0xFFFF  }
0x105: {  	p0 =	sne.s32 s0, $0x0;
	s0 =	rddreg [dreg:$0x3]  }
0x106: {  	s0 =	sadd.s32 @!p0 $0x100000, s0  }
0x107: {  	[sflag:s0] =	ssyncadd.tile.s32 @!p0 $0x1;
	_ =	shalt  }
.Lfunc_end2:
_tile_overlayer_lowered:
.L_overlay_start_2:
0x108: {  	(tag) =	ssettag $0x2  }
0x109: {  	s0 =	rddreg [dreg:$0x0];
	s2 =	stileid.u32  }
0x10a: {  	s1 =	rddreg [dreg:$0x1];
	p0 =	sne.s32 s2, $0x0  }
0x10b: {  	s3 =	rddreg [dreg:$0x2];
	[bflag:$0x3] =	sbarrier.arrive $0xFFFF;
	s2 =	simm.s32 @!p0 $0x1C01  }
0x10c: {  	[timem:s3], [sflag:s2] =	dma.local @!p0 [hbm:s0], s1  }
0x10d: {  	s0 =	simm.s32 @!p0 $0x1  }
0x10e: {  	_ =	swait.ge @!p0 [sflag:s0], s1  }
0x10f: {  	s1 =	ssub.s32 @!p0 $0x0, s1;
	[sflag:s0] =	ssyncset.done @!p0 $0x0  }
0x110: {  	[sflag:s0] =	ssyncadd.s32 @!p0 s1  }
0x111: {  	[bflag:$0x3] =	sbarrier.arrive $0xFFFF  }
0x112: {  	_ =	shalt  }

</sc_bundles>
